<compile_context>
chip_gen: v7x
topology: tpu7x:2x2x1
jax: 0.10.2.dev20260603
libtpu: 0.0.44.dev20260713+nightly
codegen_flags: <defaults>
</compile_context>

<pallas_src>
import functools

import jax
import jax.numpy as jnp
from jax import lax
from jax.experimental import pallas as pl
from jax.experimental.pallas import tpu as pltpu
from jax.experimental.pallas import tpu_sc as plsc

_F32 = jnp.float32


def _onehot(batch_col, nseg):
    seg = lax.broadcasted_iota(jnp.int32, (1, nseg), 1)
    return (batch_col == seg).astype(_F32)



def _bn_norm(v, g, b):
    m = jnp.mean(v, axis=0, keepdims=True)
    var = jnp.mean(jnp.square(v - m), axis=0, keepdims=True)
    return (v - m) * lax.rsqrt(var + 1e-5) * g + b


def _bn_xu_body(x_ref, u_ref, xg_ref, xb_ref, ug_ref, ub_ref, xo_ref,
                uo_ref):
    xo_ref[...] = _bn_norm(x_ref[...], xg_ref[...], xb_ref[...])
    uo_ref[...] = _bn_norm(u_ref[...], ug_ref[...], ub_ref[...])


def _bn_xu_call(x, u, xg, xb, ug, ub):
    return pl.pallas_call(
        _bn_xu_body,
        out_shape=(
            jax.ShapeDtypeStruct(x.shape, _F32),
            jax.ShapeDtypeStruct(u.shape, _F32),
        ),
    )(x, u, xg, xb, ug, ub)


def _estats_body(e_ref, sum_ref, sq_ref):
    i = pl.program_id(0)

    @pl.when(i == 0)
    def _():
        sum_ref[...] = jnp.zeros_like(sum_ref)
        sq_ref[...] = jnp.zeros_like(sq_ref)

    v = e_ref[...]
    sum_ref[...] += jnp.sum(v, axis=0, keepdims=True)
    sq_ref[...] += jnp.sum(jnp.square(v), axis=0, keepdims=True)


def _enorm_body(e_ref, sum_ref, sq_ref, g_ref, b_ref, out_ref, *, ne):
    m = sum_ref[...] / ne
    var = sq_ref[...] / ne - jnp.square(m)
    out_ref[...] = ((e_ref[...] - m) * lax.rsqrt(var + 1e-5) * g_ref[...]
                    + b_ref[...])


def _bn_e_call(e_pad0, ne, eg, eb):
    ep, de = e_pad0.shape
    tile = 10000
    stats = pl.pallas_call(
        _estats_body,
        grid=(ne // tile,),
        in_specs=[pl.BlockSpec((tile, de), lambda i: (i, 0))],
        out_specs=(
            pl.BlockSpec((1, de), lambda i: (0, 0)),
            pl.BlockSpec((1, de), lambda i: (0, 0)),
        ),
        out_shape=(
            jax.ShapeDtypeStruct((1, de), _F32),
            jax.ShapeDtypeStruct((1, de), _F32),
        ),
    )(e_pad0)
    tile2 = 10240
    return pl.pallas_call(
        functools.partial(_enorm_body, ne=float(ne)),
        grid=(ep // tile2,),
        in_specs=[
            pl.BlockSpec((tile2, de), lambda i: (i, 0)),
            pl.BlockSpec((1, de), lambda i: (0, 0)),
            pl.BlockSpec((1, de), lambda i: (0, 0)),
            pl.BlockSpec((1, de), lambda i: (0, 0)),
            pl.BlockSpec((1, de), lambda i: (0, 0)),
        ],
        out_specs=pl.BlockSpec((tile2, de), lambda i: (i, 0)),
        out_shape=jax.ShapeDtypeStruct((ep, de), _F32),
    )(e_pad0, stats[0], stats[1], eg, eb)



def _tables_body(x_ref, bcol_ref, u_ref, ws_ref, wd_ref, wu_ref, b1_ref,
                 gs_ref, gd_ref):
    x = x_ref[...]
    uterm = jnp.dot(u_ref[...], wu_ref[...],
                    preferred_element_type=_F32) + b1_ref[...]
    oh = _onehot(bcol_ref[...], uterm.shape[0])
    gs_ref[...] = (jnp.dot(x, ws_ref[...], preferred_element_type=_F32)
                   + jnp.dot(oh, uterm, preferred_element_type=_F32))
    gd_ref[...] = jnp.dot(x, wd_ref[...], preferred_element_type=_F32)


def _tables_call(x, bcol, u, ws, wd, wu, b1):
    n, dn = x.shape
    eh = ws.shape[1]
    bsz = u.shape[0]
    tile = 1000
    grid = n // tile
    return pl.pallas_call(
        _tables_body,
        grid=(grid,),
        in_specs=[
            pl.BlockSpec((tile, dn), lambda i: (i, 0)),
            pl.BlockSpec((tile, 1), lambda i: (i, 0)),
            pl.BlockSpec((bsz, u.shape[1]), lambda i: (0, 0)),
            pl.BlockSpec((dn, eh), lambda i: (0, 0)),
            pl.BlockSpec((dn, eh), lambda i: (0, 0)),
            pl.BlockSpec((u.shape[1], eh), lambda i: (0, 0)),
            pl.BlockSpec((1, eh), lambda i: (0, 0)),
        ],
        out_specs=(
            pl.BlockSpec((tile, eh), lambda i: (i, 0)),
            pl.BlockSpec((tile, eh), lambda i: (i, 0)),
        ),
        out_shape=(
            jax.ShapeDtypeStruct((n, eh), _F32),
            jax.ShapeDtypeStruct((n, eh), _F32),
        ),
    )(x, bcol, u, ws, wd, wu, b1)



def _sc_gather_call(gsrc, gdst, src_pad, dst_pad):
    n, eh = gsrc.shape
    ep = src_pad.shape[0]
    info = plsc.get_sparse_core_info()
    nw = info.num_cores * info.num_subcores
    chunk = 128
    per_w = ep // nw
    n_chunks = per_w // chunk
    mesh = plsc.VectorSubcoreMesh(core_axis_name="c", subcore_axis_name="s")

    @functools.partial(
        pl.kernel,
        out_type=(
            jax.ShapeDtypeStruct((ep, eh), _F32),
            jax.ShapeDtypeStruct((ep, eh), _F32),
        ),
        mesh=mesh,
        scratch_types=[
            pltpu.VMEM((chunk,), jnp.int32),
            pltpu.VMEM((chunk,), jnp.int32),
            pltpu.VMEM((chunk, eh), _F32),
            pltpu.VMEM((chunk, eh), _F32),
            pltpu.SemaphoreType.DMA,
            pltpu.SemaphoreType.DMA,
        ],
    )
    def k(gs_h, gd_h, src_h, dst_h, o1_h, o2_h, si_v, di_v, r1_v, r2_v,
          sem1, sem2):
        wid = lax.axis_index("s") * info.num_cores + lax.axis_index("c")
        base = wid * per_w

        def body(c, carry):
            off = base + c * chunk
            pltpu.sync_copy(src_h.at[pl.ds(off, chunk)], si_v)
            pltpu.sync_copy(dst_h.at[pl.ds(off, chunk)], di_v)
            cp1 = pltpu.async_copy(gs_h.at[si_v], r1_v, sem1)
            cp2 = pltpu.async_copy(gd_h.at[di_v], r2_v, sem2)
            cp1.wait()
            cp2.wait()
            pltpu.sync_copy(r1_v, o1_h.at[pl.ds(off, chunk)])
            pltpu.sync_copy(r2_v, o2_h.at[pl.ds(off, chunk)])
            return carry

        lax.fori_loop(0, n_chunks, body, 0)

    return k(gsrc, gdst, src_pad, dst_pad)



def _edge_body(s1_ref, s2_ref, e_ref, we_ref, w2_ref, b2_ref, out_ref):
    h = s1_ref[...] + s2_ref[...] + jnp.dot(
        e_ref[...], we_ref[...], preferred_element_type=_F32)
    h = jnp.maximum(h, 0.0)
    out_ref[...] = jnp.dot(h, w2_ref[...],
                           preferred_element_type=_F32) + b2_ref[...]


def _edge_call(s1, s2, e, we, w2, b2):
    ep, eh = s1.shape
    de = e.shape[1]
    tile = 2048
    grid = ep // tile
    return pl.pallas_call(
        _edge_body,
        grid=(grid,),
        in_specs=[
            pl.BlockSpec((tile, eh), lambda i: (i, 0)),
            pl.BlockSpec((tile, eh), lambda i: (i, 0)),
            pl.BlockSpec((tile, de), lambda i: (i, 0)),
            pl.BlockSpec((de, eh), lambda i: (0, 0)),
            pl.BlockSpec((eh, de), lambda i: (0, 0)),
            pl.BlockSpec((1, de), lambda i: (0, 0)),
        ],
        out_specs=pl.BlockSpec((tile, de), lambda i: (i, 0)),
        out_shape=jax.ShapeDtypeStruct((ep, de), _F32),
    )(s1, s2, e, we, w2, b2)



def _lane_bcast(v, lane, j):
    return jnp.sum(jnp.where(lane == j, v, 0))


def _sc_scatter_call(rows, dst_pad, n_rows_padded):
    ep = dst_pad.shape[0]
    de = 16
    info = plsc.get_sparse_core_info()
    nc, ns = info.num_cores, info.num_subcores
    half = n_rows_padded // nc
    hr = half + 8
    chunk = 128
    per_tile = ep // ns
    n_chunks = per_tile // chunk
    flat_len = hr * de
    ones_mode = rows is None
    mesh = plsc.VectorSubcoreMesh(core_axis_name="c", subcore_axis_name="s")

    operands = (dst_pad,) if ones_mode else (rows, dst_pad)

    @functools.partial(
        pl.kernel,
        out_type=jax.ShapeDtypeStruct((ns * nc * flat_len,), _F32),
        mesh=mesh,
        scratch_types=[
            pltpu.VMEM((chunk,), jnp.int32),
            pltpu.VMEM((chunk, de), _F32),
            pltpu.VMEM((flat_len,), _F32),
        ],
        compiler_params=pltpu.CompilerParams(needs_layout_passes=False),
    )
    def k(*refs):
        if ones_mode:
            dst_h, out_h, di_v, rows_v, table = refs
            rows_h = None
        else:
            rows_h, dst_h, out_h, di_v, rows_v, table = refs
        cid = lax.axis_index("c")
        sid = lax.axis_index("s")
        base_e = sid * per_tile
        row_lo = cid * half
        lane = lax.broadcasted_iota(jnp.int32, (16,), 0)

        def zrow(i, carry):
            table[pl.ds(i * 16, 16)] = jnp.zeros((16,), _F32)
            return carry
        lax.fori_loop(0, flat_len // 16, zrow, 0)

        cval = (lane == 0).astype(_F32)

        def body(c, carry):
            off = base_e + c * chunk
            pltpu.sync_copy(dst_h.at[pl.ds(off, chunk)], di_v)
            if not ones_mode:
                pltpu.sync_copy(rows_h.at[pl.ds(off, chunk)], rows_v)

            def group(g, carry2):
                r16 = di_v[pl.ds(g * 16, 16)] - row_lo
                ok = (r16 >= 0) & (r16 < half)
                r16c = jnp.where(ok, r16, half)
                for j in range(16):
                    rb = _lane_bcast(r16c, lane, j)
                    fidx = rb * de + lane
                    if ones_mode:
                        val = cval
                    else:
                        val = rows_v[g * 16 + j, :]
                    plsc.addupdate_scatter(table, [fidx], val)
                return carry2

            lax.fori_loop(0, chunk // 16, group, 0)
            return carry

        lax.fori_loop(0, n_chunks, body, 0)
        wid = sid * nc + cid
        pltpu.sync_copy(table, out_h.at[pl.ds(wid * flat_len, flat_len)])

    return k(*operands).reshape(ns, nc, hr, de)



def _reduce_body(p_ref, o_ref):
    o_ref[...] = jnp.sum(p_ref[...], axis=0)


def _reduce_call(parts, n_rows_padded):
    ns, nc, hr, de = parts.shape
    half = n_rows_padded // nc
    tile = 1024
    out = pl.pallas_call(
        _reduce_body,
        grid=(nc, half // tile),
        in_specs=[pl.BlockSpec((ns, 1, tile, de), lambda h, i: (0, h, i, 0))],
        out_specs=pl.BlockSpec((1, tile, de), lambda h, i: (h, i, 0)),
        out_shape=jax.ShapeDtypeStruct((nc, half, de), _F32),
    )(parts)
    return out.reshape(n_rows_padded, de)



def _node_body(x_ref, p_ref, cnt_ref, bcol_ref, u_ref, w1x_ref, w1e_ref,
               w1u_ref, b1_ref, w2_ref, b2_ref, xo_ref, xs_ref):
    i = pl.program_id(0)
    inv = 1.0 / jnp.maximum(cnt_ref[:, 0:1], 1.0)
    eagg = p_ref[...] * inv
    uterm = jnp.dot(u_ref[...], w1u_ref[...], preferred_element_type=_F32)
    oh = _onehot(bcol_ref[...], uterm.shape[0])
    h = (jnp.dot(x_ref[...], w1x_ref[...], preferred_element_type=_F32)
         + jnp.dot(eagg, w1e_ref[...], preferred_element_type=_F32)
         + jnp.dot(oh, uterm, preferred_element_type=_F32)
         + b1_ref[...])
    h = jnp.maximum(h, 0.0)
    xn = jnp.dot(h, w2_ref[...], preferred_element_type=_F32) + b2_ref[...]
    xo_ref[...] = xn

    @pl.when(i == 0)
    def _():
        xs_ref[...] = jnp.zeros_like(xs_ref)

    xs_ref[...] += lax.dot_general(oh, xn, (((0,), (0,)), ((), ())),
                                   preferred_element_type=_F32)


def _node_call(x, p, cnt, bcol, u, w1x, w1e, w1u, b1, w2, b2):
    n, dn = x.shape
    nh = w1x.shape[1]
    de = w1e.shape[0]
    bsz = u.shape[0]
    tile = 1000
    grid = n // tile
    return pl.pallas_call(
        _node_body,
        grid=(grid,),
        in_specs=[
            pl.BlockSpec((tile, dn), lambda i: (i, 0)),
            pl.BlockSpec((tile, de), lambda i: (i, 0)),
            pl.BlockSpec((tile, de), lambda i: (i, 0)),
            pl.BlockSpec((tile, 1), lambda i: (i, 0)),
            pl.BlockSpec((bsz, u.shape[1]), lambda i: (0, 0)),
            pl.BlockSpec((dn, nh), lambda i: (0, 0)),
            pl.BlockSpec((de, nh), lambda i: (0, 0)),
            pl.BlockSpec((u.shape[1], nh), lambda i: (0, 0)),
            pl.BlockSpec((1, nh), lambda i: (0, 0)),
            pl.BlockSpec((nh, dn), lambda i: (0, 0)),
            pl.BlockSpec((1, dn), lambda i: (0, 0)),
        ],
        out_specs=(
            pl.BlockSpec((tile, dn), lambda i: (i, 0)),
            pl.BlockSpec((bsz, dn), lambda i: (0, 0)),
        ),
        out_shape=(
            jax.ShapeDtypeStruct((n, dn), _F32),
            jax.ShapeDtypeStruct((bsz, dn), _F32),
        ),
    )(x, p, cnt, bcol, u, w1x, w1e, w1u, b1, w2, b2)



def _glob_body(xs_ref, bcol_ref, u_ref, w1_ref, b1_ref, w2_ref, b2_ref,
               uo_ref):
    bsz = u_ref.shape[0]
    oh = _onehot(bcol_ref[...], bsz)
    bcnt = jnp.sum(oh, axis=0, keepdims=True)
    xm = xs_ref[...] / jnp.maximum(bcnt, 1.0).T
    gh = jnp.concatenate([xm, u_ref[...]], axis=1)
    h = jnp.maximum(
        jnp.dot(gh, w1_ref[...], preferred_element_type=_F32) + b1_ref[...],
        0.0)
    uo_ref[...] = jnp.dot(h, w2_ref[...],
                          preferred_element_type=_F32) + b2_ref[...]


def _glob_call(xs, bcol, u, w1, b1, w2, b2):
    bsz, du = u.shape
    return pl.pallas_call(
        _glob_body,
        out_shape=jax.ShapeDtypeStruct((bsz, du), _F32),
    )(xs, bcol, u, w1, b1, w2, b2)



def kernel(node_feats, edge_index, edge_feats, glob_feats, batch,
           node_gamma, node_beta, edge_gamma, edge_beta, glob_gamma,
           glob_beta, eW1, eb1, eW2, eb2, nW1, nb1, nW2, nb2, gW1, gb1,
           gW2, gb2):
    n, dn = node_feats.shape
    e_cnt, de = edge_feats.shape
    bsz, du = glob_feats.shape
    num_layers = eW1.shape[0]
    eh = eW1.shape[2]

    nw = 32
    chunk_rows = nw * 128
    ep = ((e_cnt + chunk_rows - 1) // chunk_rows) * chunk_rows
    npad = ((n + 1 + 255) // 256) * 256

    src = edge_index[0]
    dst = edge_index[1]
    pad_e = ep - e_cnt
    src_pad = jnp.concatenate([src, jnp.zeros((pad_e,), jnp.int32)])
    dst_pad_g = jnp.concatenate([dst, jnp.zeros((pad_e,), jnp.int32)])
    dst_pad_s = jnp.concatenate([dst, jnp.full((pad_e,), n, jnp.int32)])
    bcol = batch.reshape(n, 1)

    x, u = _bn_xu_call(
        node_feats, glob_feats,
        node_gamma.reshape(1, dn), node_beta.reshape(1, dn),
        glob_gamma.reshape(1, du), glob_beta.reshape(1, du))
    e_pad0 = jnp.pad(edge_feats, ((0, pad_e), (0, 0)))
    e = _bn_e_call(e_pad0, e_cnt, edge_gamma.reshape(1, de),
                   edge_beta.reshape(1, de))

    cnt = _reduce_call(_sc_scatter_call(None, dst_pad_s, npad), npad)

    for l in range(num_layers):
        ws = eW1[l, :dn]
        wd = eW1[l, dn:2 * dn]
        we = eW1[l, 2 * dn:2 * dn + de]
        wu = eW1[l, 2 * dn + de:]
        gsrc, gdst = _tables_call(x, bcol, u, ws, wd, wu,
                                  eb1[l].reshape(1, eh))
        s1, s2 = _sc_gather_call(gsrc, gdst, src_pad, dst_pad_g)
        e = _edge_call(s1, s2, e, we, eW2[l], eb2[l].reshape(1, de))
        p = _reduce_call(_sc_scatter_call(e, dst_pad_s, npad), npad)
        x, xs = _node_call(
            x, p, cnt, bcol, u,
            nW1[l, :dn], nW1[l, dn:dn + de], nW1[l, dn + de:],
            nb1[l].reshape(1, -1), nW2[l], nb2[l].reshape(1, dn))
        u = _glob_call(xs, bcol, u, gW1[l], gb1[l].reshape(1, -1),
                       gW2[l], gb2[l].reshape(1, du))

    return (x, e[:e_cnt], u)

# --- scband reference (transcript-rebuilt; emitter-appended) ---
"""Pipeline reference for scband-meta-layer-gnn-55611236548661 (READ-ONLY COPY).

The authoritative reference and input builder live on the scoring server;
editing this copy changes nothing except your own understanding.
"""

import jax, jax.numpy as jnp
import numpy as np

N = 10000
E = 160000
B = 16
DN = 256
DE = 16
DU = 32
L = 3
EIN = 2 * DN + DE + DU  # 560
EH = 128
NIN = DN + DE + DU      # 304
NH = 256
GIN = DN + DU           # 288
GH = 64


def _bn(x, g, b):
    m = jnp.mean(x, axis=0)
    v = jnp.var(x, axis=0)
    return (x - m) / jnp.sqrt(v + 1e-5) * g + b


def _mlp(h, W1, b1, W2, b2):
    return jax.nn.relu(h @ W1 + b1) @ W2 + b2


def setup_inputs(seed: int = 0) -> dict:
    key = jax.random.key(seed)
    ks = jax.random.split(key, 20)
    inp = {}
    inp["node_feats"] = jax.random.normal(ks[0], (N, DN), dtype=jnp.float32)
    inp["edge_index"] = jax.random.randint(ks[1], (2, E), 0, N, dtype=jnp.int32)
    inp["edge_feats"] = jax.random.normal(ks[2], (E, DE), dtype=jnp.float32)
    inp["glob_feats"] = jax.random.normal(ks[3], (B, DU), dtype=jnp.float32)
    inp["batch"] = jnp.sort(jax.random.randint(ks[4], (N,), 0, B, dtype=jnp.int32))
    # input normalization (batch_norm) affine params
    inp["node_gamma"] = jnp.ones((DN,), dtype=jnp.float32)
    inp["node_beta"] = jnp.zeros((DN,), dtype=jnp.float32)
    inp["edge_gamma"] = jnp.ones((DE,), dtype=jnp.float32)
    inp["edge_beta"] = jnp.zeros((DE,), dtype=jnp.float32)
    inp["glob_gamma"] = jnp.ones((DU,), dtype=jnp.float32)
    inp["glob_beta"] = jnp.zeros((DU,), dtype=jnp.float32)
    # per-layer MLP weights, stacked over num_mp layers
    inp["eW1"] = jax.random.normal(ks[5], (L, EIN, EH), dtype=jnp.float32) / np.sqrt(EIN)
    inp["eb1"] = jnp.zeros((L, EH), dtype=jnp.float32)
    inp["eW2"] = jax.random.normal(ks[6], (L, EH, DE), dtype=jnp.float32) / np.sqrt(EH)
    inp["eb2"] = jnp.zeros((L, DE), dtype=jnp.float32)
    inp["nW1"] = jax.random.normal(ks[7], (L, NIN, NH), dtype=jnp.float32) / np.sqrt(NIN)
    inp["nb1"] = jnp.zeros((L, NH), dtype=jnp.float32)
    inp["nW2"] = jax.random.normal(ks[8], (L, NH, DN), dtype=jnp.float32) / np.sqrt(NH)
    inp["nb2"] = jnp.zeros((L, DN), dtype=jnp.float32)
    inp["gW1"] = jax.random.normal(ks[9], (L, GIN, GH), dtype=jnp.float32) / np.sqrt(GIN)
    inp["gb1"] = jnp.zeros((L, GH), dtype=jnp.float32)
    inp["gW2"] = jax.random.normal(ks[10], (L, GH, DU), dtype=jnp.float32) / np.sqrt(GH)
    inp["gb2"] = jnp.zeros((L, DU), dtype=jnp.float32)
    return inp


def reference(node_feats, edge_index, edge_feats, glob_feats, batch,
              node_gamma, node_beta, edge_gamma, edge_beta, glob_gamma, glob_beta,
              eW1, eb1, eW2, eb2, nW1, nb1, nW2, nb2, gW1, gb1, gW2, gb2):
    src = edge_index[0]
    dst = edge_index[1]
    x = _bn(node_feats, node_gamma, node_beta)
    e = _bn(edge_feats, edge_gamma, edge_beta)
    u = _bn(glob_feats, glob_gamma, glob_beta)
    n = x.shape[0]
    ne = e.shape[0]
    bsz = u.shape[0]
    for l in range(L):
        # edge model: phi_e(x_src, x_dst, e, u[batch[src]])
        eh = jnp.concatenate([x[src], x[dst], e, u[batch[src]]], axis=1)
        e = _mlp(eh, eW1[l], eb1[l], eW2[l], eb2[l])
        # node model: scatter-mean of incoming edge features per dst node
        esum = jax.ops.segment_sum(e, dst, num_segments=n)
        ecnt = jax.ops.segment_sum(jnp.ones((ne,), dtype=e.dtype), dst, num_segments=n)
        eagg = esum / jnp.maximum(ecnt, 1.0)[:, None]
        nh = jnp.concatenate([x, eagg, u[batch]], axis=1)
        x = _mlp(nh, nW1[l], nb1[l], nW2[l], nb2[l])
        # global model: mean pool of nodes per graph
        xsum = jax.ops.segment_sum(x, batch, num_segments=bsz)
        xcnt = jax.ops.segment_sum(jnp.ones((n,), dtype=x.dtype), batch, num_segments=bsz)
        xm = xsum / jnp.maximum(xcnt, 1.0)[:, None]
        gh = jnp.concatenate([xm, u], axis=1)
        u = _mlp(gh, gW1[l], gb1[l], gW2[l], gb2[l])
    return (x, e, u)

if __name__ == "__main__":
    import jax
    _d = setup_inputs()
    print(jax.jit(kernel)(*tuple(_d.values())))

</pallas_src>

<mosaic_0001>
#map = affine_map<(d0, d1) -> (0, 0)>
#map1 = affine_map<(d0, d1) -> (0)>
module attributes {stable_mosaic.version = 14 : i64} {
  func.func @k(%arg0: i32, %arg1: i32, %arg2: memref<10000x128xf32, #tpu.memory_space<hbm>>, %arg3: memref<10000x128xf32, #tpu.memory_space<hbm>>, %arg4: memref<163840xi32, #tpu.memory_space<hbm>>, %arg5: memref<163840xi32, #tpu.memory_space<hbm>>, %arg6: memref<163840x128xf32, #tpu.memory_space<hbm>>, %arg7: memref<163840x128xf32, #tpu.memory_space<hbm>>, %arg8: memref<128xi32, #tpu.memory_space<vmem>>, %arg9: memref<128xi32, #tpu.memory_space<vmem>>, %arg10: memref<128x128xf32, #tpu.memory_space<vmem>>, %arg11: memref<128x128xf32, #tpu.memory_space<vmem>>, %arg12: memref<!tpu.dma_semaphore, #tpu.memory_space<semaphore_mem>>, %arg13: memref<!tpu.dma_semaphore, #tpu.memory_space<semaphore_mem>>) attributes {dimension_semantics = [#tpu.dimension_semantics<core_parallel>, #tpu.dimension_semantics<subcore_parallel>], iteration_bounds = array<i64: 2, 16>, scalar_prefetch = 0 : i64, scratch_operands = 6 : i64, tpu.core_type = #tpu.core_type<sc_vector_subcore>, window_params = [{transform_indices = #map}, {transform_indices = #map}, {transform_indices = #map1}, {transform_indices = #map1}, {transform_indices = #map}, {transform_indices = #map}]} {
    %mul3A = arith.constant 2 : i32
    %mul3A_0 = arith.muli %arg1, %mul3A : i32
    %add3A = arith.addi %mul3A_0, %arg0 : i32
    %mul3A_1 = arith.constant 5120 : i32
    %mul3A_2 = arith.muli %add3A, %mul3A_1 : i32
    %scan3A = arith.constant 0 : i32
    %scan3A_3 = arith.constant 0 : i32
    %scan3A_4 = arith.constant 40 : i32
    %scan3A_5 = arith.addi %scan3A_3, %scan3A_4 : i32
    %scan3A_6 = arith.constant 1 : i32
    scf.for %scan3A_8 = %scan3A_3 to %scan3A_5 step %scan3A_6  : i32 {
      %mul3A_9 = arith.constant 128 : i32
      %mul3A_10 = arith.muli %scan3A_8, %mul3A_9 : i32
      %add3A_11 = arith.addi %mul3A_2, %mul3A_10 : i32
      "tpu.region"() ({
        %run_scoped3A = tpu.sem_alloc : memref<!tpu.dma_semaphore, #tpu.memory_space<semaphore_mem>>
        %dma_start3A_22 = tpu.memref_slice %arg4[%add3A_11] : memref<163840xi32, #tpu.memory_space<hbm>> -> memref<128xi32, #tpu.memory_space<hbm>>
        %dma_start3A_23 = tpu.memref_slice %arg4[%add3A_11] : memref<163840xi32, #tpu.memory_space<hbm>> -> memref<128xi32, #tpu.memory_space<hbm>>
        tpu.enqueue_dma source(%dma_start3A_23 : memref<128xi32, #tpu.memory_space<hbm>>) target(%arg8 : memref<128xi32, #tpu.memory_space<vmem>>) target_semaphore(%run_scoped3A : memref<!tpu.dma_semaphore, #tpu.memory_space<semaphore_mem>>)
        %dma_wait3A_24 = tpu.memref_slice %arg4[%add3A_11] : memref<163840xi32, #tpu.memory_space<hbm>> -> memref<128xi32, #tpu.memory_space<hbm>>
        %dma_wait3A_25 = tpu.memref_slice %arg4[%add3A_11] : memref<163840xi32, #tpu.memory_space<hbm>> -> memref<128xi32, #tpu.memory_space<hbm>>
        tpu.wait_dma2 semaphore(%run_scoped3A : memref<!tpu.dma_semaphore, #tpu.memory_space<semaphore_mem>>) src(%dma_wait3A_25 : memref<128xi32, #tpu.memory_space<hbm>>) dst(%arg8 : memref<128xi32, #tpu.memory_space<vmem>>)
        tpu.yield
      }) : () -> ()
      "tpu.region"() ({
        %run_scoped3A = tpu.sem_alloc : memref<!tpu.dma_semaphore, #tpu.memory_space<semaphore_mem>>
        %dma_start3A_22 = tpu.memref_slice %arg5[%add3A_11] : memref<163840xi32, #tpu.memory_space<hbm>> -> memref<128xi32, #tpu.memory_space<hbm>>
        %dma_start3A_23 = tpu.memref_slice %arg5[%add3A_11] : memref<163840xi32, #tpu.memory_space<hbm>> -> memref<128xi32, #tpu.memory_space<hbm>>
        tpu.enqueue_dma source(%dma_start3A_23 : memref<128xi32, #tpu.memory_space<hbm>>) target(%arg9 : memref<128xi32, #tpu.memory_space<vmem>>) target_semaphore(%run_scoped3A : memref<!tpu.dma_semaphore, #tpu.memory_space<semaphore_mem>>)
        %dma_wait3A_24 = tpu.memref_slice %arg5[%add3A_11] : memref<163840xi32, #tpu.memory_space<hbm>> -> memref<128xi32, #tpu.memory_space<hbm>>
        %dma_wait3A_25 = tpu.memref_slice %arg5[%add3A_11] : memref<163840xi32, #tpu.memory_space<hbm>> -> memref<128xi32, #tpu.memory_space<hbm>>
        tpu.wait_dma2 semaphore(%run_scoped3A : memref<!tpu.dma_semaphore, #tpu.memory_space<semaphore_mem>>) src(%dma_wait3A_25 : memref<128xi32, #tpu.memory_space<hbm>>) dst(%arg9 : memref<128xi32, #tpu.memory_space<vmem>>)
        tpu.yield
      }) : () -> ()
      %dma_start3A = arith.constant 0 : i32
      %dma_start3A_12 = arith.constant 0 : i32
      %dma_start3A_13 = tpu.memref_slice %arg2[%dma_start3A, %dma_start3A_12] : memref<10000x128xf32, #tpu.memory_space<hbm>> -> memref<10000x128xf32, #tpu.memory_space<hbm>>
      tpu.enqueue_indirect_dma source(%dma_start3A_13 : memref<10000x128xf32, #tpu.memory_space<hbm>>) target(%arg10 : memref<128x128xf32, #tpu.memory_space<vmem>>) offsets(%arg8 : memref<128xi32, #tpu.memory_space<vmem>>) semaphore(%arg12 : memref<!tpu.dma_semaphore, #tpu.memory_space<semaphore_mem>>)
      %dma_start3A_14 = arith.constant 0 : i32
      %dma_start3A_15 = arith.constant 0 : i32
      %dma_start3A_16 = tpu.memref_slice %arg3[%dma_start3A_14, %dma_start3A_15] : memref<10000x128xf32, #tpu.memory_space<hbm>> -> memref<10000x128xf32, #tpu.memory_space<hbm>>
      tpu.enqueue_indirect_dma source(%dma_start3A_16 : memref<10000x128xf32, #tpu.memory_space<hbm>>) target(%arg11 : memref<128x128xf32, #tpu.memory_space<vmem>>) offsets(%arg9 : memref<128xi32, #tpu.memory_space<vmem>>) semaphore(%arg13 : memref<!tpu.dma_semaphore, #tpu.memory_space<semaphore_mem>>)
      %dma_wait3A = arith.constant 0 : i32
      %dma_wait3A_17 = arith.constant 0 : i32
      %dma_wait3A_18 = tpu.memref_slice %arg2[%dma_wait3A, %dma_wait3A_17] : memref<10000x128xf32, #tpu.memory_space<hbm>> -> memref<10000x128xf32, #tpu.memory_space<hbm>>
      tpu.wait_indirect_dma semaphore(%arg12 : memref<!tpu.dma_semaphore, #tpu.memory_space<semaphore_mem>>) src(%dma_wait3A_18 : memref<10000x128xf32, #tpu.memory_space<hbm>>) dst(%arg10 : memref<128x128xf32, #tpu.memory_space<vmem>>)
      %dma_wait3A_19 = arith.constant 0 : i32
      %dma_wait3A_20 = arith.constant 0 : i32
      %dma_wait3A_21 = tpu.memref_slice %arg3[%dma_wait3A_19, %dma_wait3A_20] : memref<10000x128xf32, #tpu.memory_space<hbm>> -> memref<10000x128xf32, #tpu.memory_space<hbm>>
      tpu.wait_indirect_dma semaphore(%arg13 : memref<!tpu.dma_semaphore, #tpu.memory_space<semaphore_mem>>) src(%dma_wait3A_21 : memref<10000x128xf32, #tpu.memory_space<hbm>>) dst(%arg11 : memref<128x128xf32, #tpu.memory_space<vmem>>)
      "tpu.region"() ({
        %run_scoped3A = tpu.sem_alloc : memref<!tpu.dma_semaphore, #tpu.memory_space<semaphore_mem>>
        %dma_start3A_22 = arith.constant 0 : i32
        %dma_start3A_23 = tpu.memref_slice %arg6[%add3A_11, %dma_start3A_22] : memref<163840x128xf32, #tpu.memory_space<hbm>> -> memref<128x128xf32, #tpu.memory_space<hbm>>
        %dma_start3A_24 = arith.constant 0 : i32
        %dma_start3A_25 = tpu.memref_slice %arg6[%add3A_11, %dma_start3A_24] : memref<163840x128xf32, #tpu.memory_space<hbm>> -> memref<128x128xf32, #tpu.memory_space<hbm>>
        tpu.enqueue_dma source(%arg10 : memref<128x128xf32, #tpu.memory_space<vmem>>) target(%dma_start3A_25 : memref<128x128xf32, #tpu.memory_space<hbm>>) target_semaphore(%run_scoped3A : memref<!tpu.dma_semaphore, #tpu.memory_space<semaphore_mem>>)
        %dma_wait3A_26 = arith.constant 0 : i32
        %dma_wait3A_27 = tpu.memref_slice %arg6[%add3A_11, %dma_wait3A_26] : memref<163840x128xf32, #tpu.memory_space<hbm>> -> memref<128x128xf32, #tpu.memory_space<hbm>>
        %dma_wait3A_28 = arith.constant 0 : i32
        %dma_wait3A_29 = tpu.memref_slice %arg6[%add3A_11, %dma_wait3A_28] : memref<163840x128xf32, #tpu.memory_space<hbm>> -> memref<128x128xf32, #tpu.memory_space<hbm>>
        tpu.wait_dma2 semaphore(%run_scoped3A : memref<!tpu.dma_semaphore, #tpu.memory_space<semaphore_mem>>) src(%arg10 : memref<128x128xf32, #tpu.memory_space<vmem>>) dst(%dma_wait3A_29 : memref<128x128xf32, #tpu.memory_space<hbm>>)
        tpu.yield
      }) : () -> ()
      "tpu.region"() ({
        %run_scoped3A = tpu.sem_alloc : memref<!tpu.dma_semaphore, #tpu.memory_space<semaphore_mem>>
        %dma_start3A_22 = arith.constant 0 : i32
        %dma_start3A_23 = tpu.memref_slice %arg7[%add3A_11, %dma_start3A_22] : memref<163840x128xf32, #tpu.memory_space<hbm>> -> memref<128x128xf32, #tpu.memory_space<hbm>>
        %dma_start3A_24 = arith.constant 0 : i32
        %dma_start3A_25 = tpu.memref_slice %arg7[%add3A_11, %dma_start3A_24] : memref<163840x128xf32, #tpu.memory_space<hbm>> -> memref<128x128xf32, #tpu.memory_space<hbm>>
        tpu.enqueue_dma source(%arg11 : memref<128x128xf32, #tpu.memory_space<vmem>>) target(%dma_start3A_25 : memref<128x128xf32, #tpu.memory_space<hbm>>) target_semaphore(%run_scoped3A : memref<!tpu.dma_semaphore, #tpu.memory_space<semaphore_mem>>)
        %dma_wait3A_26 = arith.constant 0 : i32
        %dma_wait3A_27 = tpu.memref_slice %arg7[%add3A_11, %dma_wait3A_26] : memref<163840x128xf32, #tpu.memory_space<hbm>> -> memref<128x128xf32, #tpu.memory_space<hbm>>
        %dma_wait3A_28 = arith.constant 0 : i32
        %dma_wait3A_29 = tpu.memref_slice %arg7[%add3A_11, %dma_wait3A_28] : memref<163840x128xf32, #tpu.memory_space<hbm>> -> memref<128x128xf32, #tpu.memory_space<hbm>>
        tpu.wait_dma2 semaphore(%run_scoped3A : memref<!tpu.dma_semaphore, #tpu.memory_space<semaphore_mem>>) src(%arg11 : memref<128x128xf32, #tpu.memory_space<vmem>>) dst(%dma_wait3A_29 : memref<128x128xf32, #tpu.memory_space<hbm>>)
        tpu.yield
      }) : () -> ()
    }
    %scan3A_7 = arith.constant 40 : i32
    return
  }
}

#map = affine_map<(d0, d1) -> (0, 0)>
#map1 = affine_map<(d0, d1) -> (0)>
module attributes {stable_mosaic.version = 14 : i64} {
  func.func @k(%arg0: i32, %arg1: i32, %arg2: memref<10000x128xf32, #tpu.memory_space<hbm>>, %arg3: memref<10000x128xf32, #tpu.memory_space<hbm>>, %arg4: memref<163840xi32, #tpu.memory_space<hbm>>, %arg5: memref<163840xi32, #tpu.memory_space<hbm>>, %arg6: memref<163840x128xf32, #tpu.memory_space<hbm>>, %arg7: memref<163840x128xf32, #tpu.memory_space<hbm>>, %arg8: memref<128xi32, #tpu.memory_space<vmem>>, %arg9: memref<128xi32, #tpu.memory_space<vmem>>, %arg10: memref<128x128xf32, #tpu.memory_space<vmem>>, %arg11: memref<128x128xf32, #tpu.memory_space<vmem>>, %arg12: memref<!tpu.dma_semaphore, #tpu.memory_space<semaphore_mem>>, %arg13: memref<!tpu.dma_semaphore, #tpu.memory_space<semaphore_mem>>) attributes {dimension_semantics = [#tpu.dimension_semantics<core_parallel>, #tpu.dimension_semantics<subcore_parallel>], iteration_bounds = array<i64: 2, 16>, scalar_prefetch = 0 : i64, scratch_operands = 6 : i64, tpu.core_type = #tpu.core_type<sc_vector_subcore>, window_params = [{transform_indices = #map}, {transform_indices = #map}, {transform_indices = #map1}, {transform_indices = #map1}, {transform_indices = #map}, {transform_indices = #map}]} {
    %mul3A = arith.constant 2 : i32
    %mul3A_0 = arith.muli %arg1, %mul3A : i32
    %add3A = arith.addi %mul3A_0, %arg0 : i32
    %mul3A_1 = arith.constant 5120 : i32
    %mul3A_2 = arith.muli %add3A, %mul3A_1 : i32
    %scan3A = arith.constant 0 : i32
    %scan3A_3 = arith.constant 0 : i32
    %scan3A_4 = arith.constant 40 : i32
    %scan3A_5 = arith.addi %scan3A_3, %scan3A_4 : i32
    %scan3A_6 = arith.constant 1 : i32
    scf.for %scan3A_8 = %scan3A_3 to %scan3A_5 step %scan3A_6  : i32 {
      %mul3A_9 = arith.constant 128 : i32
      %mul3A_10 = arith.muli %scan3A_8, %mul3A_9 : i32
      %add3A_11 = arith.addi %mul3A_2, %mul3A_10 : i32
      "tpu.region"() ({
        %run_scoped3A = tpu.sem_alloc : memref<!tpu.dma_semaphore, #tpu.memory_space<semaphore_mem>>
        %dma_start3A_22 = tpu.memref_slice %arg4[%add3A_11] : memref<163840xi32, #tpu.memory_space<hbm>> -> memref<128xi32, #tpu.memory_space<hbm>>
        %dma_start3A_23 = tpu.memref_slice %arg4[%add3A_11] : memref<163840xi32, #tpu.memory_space<hbm>> -> memref<128xi32, #tpu.memory_space<hbm>>
        tpu.enqueue_dma source(%dma_start3A_23 : memref<128xi32, #tpu.memory_space<hbm>>) target(%arg8 : memref<128xi32, #tpu.memory_space<vmem>>) target_semaphore(%run_scoped3A : memref<!tpu.dma_semaphore, #tpu.memory_space<semaphore_mem>>)
        %dma_wait3A_24 = tpu.memref_slice %arg4[%add3A_11] : memref<163840xi32, #tpu.memory_space<hbm>> -> memref<128xi32, #tpu.memory_space<hbm>>
        %dma_wait3A_25 = tpu.memref_slice %arg4[%add3A_11] : memref<163840xi32, #tpu.memory_space<hbm>> -> memref<128xi32, #tpu.memory_space<hbm>>
        tpu.wait_dma2 semaphore(%run_scoped3A : memref<!tpu.dma_semaphore, #tpu.memory_space<semaphore_mem>>) src(%dma_wait3A_25 : memref<128xi32, #tpu.memory_space<hbm>>) dst(%arg8 : memref<128xi32, #tpu.memory_space<vmem>>)
        tpu.yield
      }) : () -> ()
      "tpu.region"() ({
        %run_scoped3A = tpu.sem_alloc : memref<!tpu.dma_semaphore, #tpu.memory_space<semaphore_mem>>
        %dma_start3A_22 = tpu.memref_slice %arg5[%add3A_11] : memref<163840xi32, #tpu.memory_space<hbm>> -> memref<128xi32, #tpu.memory_space<hbm>>
        %dma_start3A_23 = tpu.memref_slice %arg5[%add3A_11] : memref<163840xi32, #tpu.memory_space<hbm>> -> memref<128xi32, #tpu.memory_space<hbm>>
        tpu.enqueue_dma source(%dma_start3A_23 : memref<128xi32, #tpu.memory_space<hbm>>) target(%arg9 : memref<128xi32, #tpu.memory_space<vmem>>) target_semaphore(%run_scoped3A : memref<!tpu.dma_semaphore, #tpu.memory_space<semaphore_mem>>)
        %dma_wait3A_24 = tpu.memref_slice %arg5[%add3A_11] : memref<163840xi32, #tpu.memory_space<hbm>> -> memref<128xi32, #tpu.memory_space<hbm>>
        %dma_wait3A_25 = tpu.memref_slice %arg5[%add3A_11] : memref<163840xi32, #tpu.memory_space<hbm>> -> memref<128xi32, #tpu.memory_space<hbm>>
        tpu.wait_dma2 semaphore(%run_scoped3A : memref<!tpu.dma_semaphore, #tpu.memory_space<semaphore_mem>>) src(%dma_wait3A_25 : memref<128xi32, #tpu.memory_space<hbm>>) dst(%arg9 : memref<128xi32, #tpu.memory_space<vmem>>)
        tpu.yield
      }) : () -> ()
      %dma_start3A = arith.constant 0 : i32
      %dma_start3A_12 = arith.constant 0 : i32
      %dma_start3A_13 = tpu.memref_slice %arg2[%dma_start3A, %dma_start3A_12] : memref<10000x128xf32, #tpu.memory_space<hbm>> -> memref<10000x128xf32, #tpu.memory_space<hbm>>
      tpu.enqueue_indirect_dma source(%dma_start3A_13 : memref<10000x128xf32, #tpu.memory_space<hbm>>) target(%arg10 : memref<128x128xf32, #tpu.memory_space<vmem>>) offsets(%arg8 : memref<128xi32, #tpu.memory_space<vmem>>) semaphore(%arg12 : memref<!tpu.dma_semaphore, #tpu.memory_space<semaphore_mem>>)
      %dma_start3A_14 = arith.constant 0 : i32
      %dma_start3A_15 = arith.constant 0 : i32
      %dma_start3A_16 = tpu.memref_slice %arg3[%dma_start3A_14, %dma_start3A_15] : memref<10000x128xf32, #tpu.memory_space<hbm>> -> memref<10000x128xf32, #tpu.memory_space<hbm>>
      tpu.enqueue_indirect_dma source(%dma_start3A_16 : memref<10000x128xf32, #tpu.memory_space<hbm>>) target(%arg11 : memref<128x128xf32, #tpu.memory_space<vmem>>) offsets(%arg9 : memref<128xi32, #tpu.memory_space<vmem>>) semaphore(%arg13 : memref<!tpu.dma_semaphore, #tpu.memory_space<semaphore_mem>>)
      %dma_wait3A = arith.constant 0 : i32
      %dma_wait3A_17 = arith.constant 0 : i32
      %dma_wait3A_18 = tpu.memref_slice %arg2[%dma_wait3A, %dma_wait3A_17] : memref<10000x128xf32, #tpu.memory_space<hbm>> -> memref<10000x128xf32, #tpu.memory_space<hbm>>
      tpu.wait_indirect_dma semaphore(%arg12 : memref<!tpu.dma_semaphore, #tpu.memory_space<semaphore_mem>>) src(%dma_wait3A_18 : memref<10000x128xf32, #tpu.memory_space<hbm>>) dst(%arg10 : memref<128x128xf32, #tpu.memory_space<vmem>>)
      %dma_wait3A_19 = arith.constant 0 : i32
      %dma_wait3A_20 = arith.constant 0 : i32
      %dma_wait3A_21 = tpu.memref_slice %arg3[%dma_wait3A_19, %dma_wait3A_20] : memref<10000x128xf32, #tpu.memory_space<hbm>> -> memref<10000x128xf32, #tpu.memory_space<hbm>>
      tpu.wait_indirect_dma semaphore(%arg13 : memref<!tpu.dma_semaphore, #tpu.memory_space<semaphore_mem>>) src(%dma_wait3A_21 : memref<10000x128xf32, #tpu.memory_space<hbm>>) dst(%arg11 : memref<128x128xf32, #tpu.memory_space<vmem>>)
      "tpu.region"() ({
        %run_scoped3A = tpu.sem_alloc : memref<!tpu.dma_semaphore, #tpu.memory_space<semaphore_mem>>
        %dma_start3A_22 = arith.constant 0 : i32
        %dma_start3A_23 = tpu.memref_slice %arg6[%add3A_11, %dma_start3A_22] : memref<163840x128xf32, #tpu.memory_space<hbm>> -> memref<128x128xf32, #tpu.memory_space<hbm>>
        %dma_start3A_24 = arith.constant 0 : i32
        %dma_start3A_25 = tpu.memref_slice %arg6[%add3A_11, %dma_start3A_24] : memref<163840x128xf32, #tpu.memory_space<hbm>> -> memref<128x128xf32, #tpu.memory_space<hbm>>
        tpu.enqueue_dma source(%arg10 : memref<128x128xf32, #tpu.memory_space<vmem>>) target(%dma_start3A_25 : memref<128x128xf32, #tpu.memory_space<hbm>>) target_semaphore(%run_scoped3A : memref<!tpu.dma_semaphore, #tpu.memory_space<semaphore_mem>>)
        %dma_wait3A_26 = arith.constant 0 : i32
        %dma_wait3A_27 = tpu.memref_slice %arg6[%add3A_11, %dma_wait3A_26] : memref<163840x128xf32, #tpu.memory_space<hbm>> -> memref<128x128xf32, #tpu.memory_space<hbm>>
        %dma_wait3A_28 = arith.constant 0 : i32
        %dma_wait3A_29 = tpu.memref_slice %arg6[%add3A_11, %dma_wait3A_28] : memref<163840x128xf32, #tpu.memory_space<hbm>> -> memref<128x128xf32, #tpu.memory_space<hbm>>
        tpu.wait_dma2 semaphore(%run_scoped3A : memref<!tpu.dma_semaphore, #tpu.memory_space<semaphore_mem>>) src(%arg10 : memref<128x128xf32, #tpu.memory_space<vmem>>) dst(%dma_wait3A_29 : memref<128x128xf32, #tpu.memory_space<hbm>>)
        tpu.yield
      }) : () -> ()
      "tpu.region"() ({
        %run_scoped3A = tpu.sem_alloc : memref<!tpu.dma_semaphore, #tpu.memory_space<semaphore_mem>>
        %dma_start3A_22 = arith.constant 0 : i32
        %dma_start3A_23 = tpu.memref_slice %arg7[%add3A_11, %dma_start3A_22] : memref<163840x128xf32, #tpu.memory_space<hbm>> -> memref<128x128xf32, #tpu.memory_space<hbm>>
        %dma_start3A_24 = arith.constant 0 : i32
        %dma_start3A_25 = tpu.memref_slice %arg7[%add3A_11, %dma_start3A_24] : memref<163840x128xf32, #tpu.memory_space<hbm>> -> memref<128x128xf32, #tpu.memory_space<hbm>>
        tpu.enqueue_dma source(%arg11 : memref<128x128xf32, #tpu.memory_space<vmem>>) target(%dma_start3A_25 : memref<128x128xf32, #tpu.memory_space<hbm>>) target_semaphore(%run_scoped3A : memref<!tpu.dma_semaphore, #tpu.memory_space<semaphore_mem>>)
        %dma_wait3A_26 = arith.constant 0 : i32
        %dma_wait3A_27 = tpu.memref_slice %arg7[%add3A_11, %dma_wait3A_26] : memref<163840x128xf32, #tpu.memory_space<hbm>> -> memref<128x128xf32, #tpu.memory_space<hbm>>
        %dma_wait3A_28 = arith.constant 0 : i32
        %dma_wait3A_29 = tpu.memref_slice %arg7[%add3A_11, %dma_wait3A_28] : memref<163840x128xf32, #tpu.memory_space<hbm>> -> memref<128x128xf32, #tpu.memory_space<hbm>>
        tpu.wait_dma2 semaphore(%run_scoped3A : memref<!tpu.dma_semaphore, #tpu.memory_space<semaphore_mem>>) src(%arg11 : memref<128x128xf32, #tpu.memory_space<vmem>>) dst(%dma_wait3A_29 : memref<128x128xf32, #tpu.memory_space<hbm>>)
        tpu.yield
      }) : () -> ()
    }
    %scan3A_7 = arith.constant 40 : i32
    return
  }
}

#map = affine_map<(d0, d1) -> (0, 0)>
#map1 = affine_map<(d0, d1) -> (0)>
module attributes {stable_mosaic.version = 14 : i64} {
  func.func @k(%arg0: i32, %arg1: i32, %arg2: memref<163840x16xf32, #tpu.memory_space<hbm>>, %arg3: memref<163840xi32, #tpu.memory_space<hbm>>, %arg4: memref<2625536xf32, #tpu.memory_space<hbm>>, %arg5: memref<128xi32, #tpu.memory_space<vmem>>, %arg6: memref<128x16xf32, #tpu.memory_space<vmem>>, %arg7: memref<82048xf32, #tpu.memory_space<vmem>>) attributes {dimension_semantics = [#tpu.dimension_semantics<core_parallel>, #tpu.dimension_semantics<subcore_parallel>], iteration_bounds = array<i64: 2, 16>, scalar_prefetch = 0 : i64, scratch_operands = 3 : i64, tpu.core_type = #tpu.core_type<sc_vector_subcore>, window_params = [{transform_indices = #map}, {transform_indices = #map1}, {transform_indices = #map1}]} {
    %mul3A = arith.constant 10240 : i32
    %mul3A_0 = arith.muli %arg1, %mul3A : i32
    %mul3A_1 = arith.constant 5120 : i32
    %mul3A_2 = arith.muli %arg0, %mul3A_1 : i32
    %iota3A = tpu.iota {dimensions = array<i32: 0>} : vector<16xi32>
    %scan3A = arith.constant 0 : i32
    %scan3A_3 = arith.constant 0 : i32
    %scan3A_4 = arith.constant 5128 : i32
    %scan3A_5 = arith.addi %scan3A_3, %scan3A_4 : i32
    %scan3A_6 = arith.constant 1 : i32
    scf.for %scan3A_21 = %scan3A_3 to %scan3A_5 step %scan3A_6  : i32 {
      %broadcast_in_dim3A = arith.constant 0.000000e+00 : f32
      %broadcast_in_dim3A_22 = vector.broadcast %broadcast_in_dim3A : f32 to vector<16xf32>
      %mul3A_23 = arith.constant 16 : i32
      %mul3A_24 = arith.muli %scan3A_21, %mul3A_23 : i32
      %swap3A = arith.index_cast %mul3A_24 : i32 to index
      %swap3A_25 = tpu.vector_load %arg7[%swap3A] {strides = array<i32>} : memref<82048xf32, #tpu.memory_space<vmem>>, vector<16xf32>,
      tpu.vector_store %arg7[%swap3A], %broadcast_in_dim3A_22 {strides = array<i32>} : memref<82048xf32, #tpu.memory_space<vmem>>, vector<16xf32>,
    }
    %scan3A_7 = arith.constant 5128 : i32
    %eq3A = arith.constant 0 : i32
    %eq3A_8 = vector.broadcast %eq3A : i32 to vector<16xi32>
    %eq3A_9 = arith.cmpi eq, %iota3A, %eq3A_8 : vector<16xi32>
    %convert_element_type3A = arith.extui %eq3A_9 : vector<16xi1> to vector<16xi32>
    %convert_element_type3A_10 = arith.sitofp %convert_element_type3A : vector<16xi32> to vector<16xf32>
    %scan3A_11 = arith.constant 0 : i32
    %scan3A_12 = arith.constant 0 : i32
    %scan3A_13 = arith.constant 80 : i32
    %scan3A_14 = arith.addi %scan3A_12, %scan3A_13 : i32
    %scan3A_15 = arith.constant 1 : i32
    scf.for %scan3A_21 = %scan3A_12 to %scan3A_14 step %scan3A_15  : i32 {
      %mul3A_22 = arith.constant 128 : i32
      %mul3A_23 = arith.muli %scan3A_21, %mul3A_22 : i32
      %add3A_24 = arith.addi %mul3A_0, %mul3A_23 : i32
      "tpu.region"() ({
        %run_scoped3A = tpu.sem_alloc : memref<!tpu.dma_semaphore, #tpu.memory_space<semaphore_mem>>
        %dma_start3A = tpu.memref_slice %arg3[%add3A_24] : memref<163840xi32, #tpu.memory_space<hbm>> -> memref<128xi32, #tpu.memory_space<hbm>>
        %dma_start3A_31 = tpu.memref_slice %arg3[%add3A_24] : memref<163840xi32, #tpu.memory_space<hbm>> -> memref<128xi32, #tpu.memory_space<hbm>>
        tpu.enqueue_dma source(%dma_start3A_31 : memref<128xi32, #tpu.memory_space<hbm>>) target(%arg5 : memref<128xi32, #tpu.memory_space<vmem>>) target_semaphore(%run_scoped3A : memref<!tpu.dma_semaphore, #tpu.memory_space<semaphore_mem>>)
        %dma_wait3A = tpu.memref_slice %arg3[%add3A_24] : memref<163840xi32, #tpu.memory_space<hbm>> -> memref<128xi32, #tpu.memory_space<hbm>>
        %dma_wait3A_32 = tpu.memref_slice %arg3[%add3A_24] : memref<163840xi32, #tpu.memory_space<hbm>> -> memref<128xi32, #tpu.memory_space<hbm>>
        tpu.wait_dma2 semaphore(%run_scoped3A : memref<!tpu.dma_semaphore, #tpu.memory_space<semaphore_mem>>) src(%dma_wait3A_32 : memref<128xi32, #tpu.memory_space<hbm>>) dst(%arg5 : memref<128xi32, #tpu.memory_space<vmem>>)
        tpu.yield
      }) : () -> ()
      "tpu.region"() ({
        %run_scoped3A = tpu.sem_alloc : memref<!tpu.dma_semaphore, #tpu.memory_space<semaphore_mem>>
        %dma_start3A = arith.constant 0 : i32
        %dma_start3A_31 = tpu.memref_slice %arg2[%add3A_24, %dma_start3A] : memref<163840x16xf32, #tpu.memory_space<hbm>> -> memref<128x16xf32, #tpu.memory_space<hbm>>
        %dma_start3A_32 = arith.constant 0 : i32
        %dma_start3A_33 = tpu.memref_slice %arg2[%add3A_24, %dma_start3A_32] : memref<163840x16xf32, #tpu.memory_space<hbm>> -> memref<128x16xf32, #tpu.memory_space<hbm>>
        tpu.enqueue_dma source(%dma_start3A_33 : memref<128x16xf32, #tpu.memory_space<hbm>>) target(%arg6 : memref<128x16xf32, #tpu.memory_space<vmem>>) target_semaphore(%run_scoped3A : memref<!tpu.dma_semaphore, #tpu.memory_space<semaphore_mem>>)
        %dma_wait3A = arith.constant 0 : i32
        %dma_wait3A_34 = tpu.memref_slice %arg2[%add3A_24, %dma_wait3A] : memref<163840x16xf32, #tpu.memory_space<hbm>> -> memref<128x16xf32, #tpu.memory_space<hbm>>
        %dma_wait3A_35 = arith.constant 0 : i32
        %dma_wait3A_36 = tpu.memref_slice %arg2[%add3A_24, %dma_wait3A_35] : memref<163840x16xf32, #tpu.memory_space<hbm>> -> memref<128x16xf32, #tpu.memory_space<hbm>>
        tpu.wait_dma2 semaphore(%run_scoped3A : memref<!tpu.dma_semaphore, #tpu.memory_space<semaphore_mem>>) src(%dma_wait3A_36 : memref<128x16xf32, #tpu.memory_space<hbm>>) dst(%arg6 : memref<128x16xf32, #tpu.memory_space<vmem>>)
        tpu.yield
      }) : () -> ()
      %scan3A_25 = arith.constant 0 : i32
      %scan3A_26 = arith.constant 0 : i32
      %scan3A_27 = arith.constant 8 : i32
      %scan3A_28 = arith.addi %scan3A_26, %scan3A_27 : i32
      %scan3A_29 = arith.constant 1 : i32
      scf.for %scan3A_31 = %scan3A_26 to %scan3A_28 step %scan3A_29  : i32 {
        %mul3A_32 = arith.constant 16 : i32
        %mul3A_33 = arith.muli %scan3A_31, %mul3A_32 : i32
        %get3A = arith.index_cast %mul3A_33 : i32 to index
        %get3A_34 = tpu.vector_load %arg5[%get3A] {strides = array<i32>} : memref<128xi32, #tpu.memory_space<vmem>>, vector<16xi32>,
        %sub3A = vector.broadcast %mul3A_2 : i32 to vector<16xi32>
        %sub3A_35 = arith.subi %get3A_34, %sub3A : vector<16xi32>
        %ge3A = arith.constant 0 : i32
        %ge3A_36 = vector.broadcast %ge3A : i32 to vector<16xi32>
        %ge3A_37 = arith.cmpi sge, %sub3A_35, %ge3A_36 : vector<16xi32>
        %lt3A = arith.constant 5120 : i32
        %lt3A_38 = vector.broadcast %lt3A : i32 to vector<16xi32>
        %lt3A_39 = arith.cmpi slt, %sub3A_35, %lt3A_38 : vector<16xi32>
        %and3A = arith.andi %ge3A_37, %lt3A_39 : vector<16xi1>
        %jit3A = arith.constant 5120 : i32
        %broadcast_in_dim3A = vector.broadcast %jit3A : i32 to vector<16xi32>
        %select_n3A = arith.select %and3A, %sub3A_35, %broadcast_in_dim3A : vector<16xi1>, vector<16xi32>
        %eq3A_40 = arith.constant 0 : i32
        %eq3A_41 = vector.broadcast %eq3A_40 : i32 to vector<16xi32>
        %eq3A_42 = arith.cmpi eq, %iota3A, %eq3A_41 : vector<16xi32>
        %jit3A_43 = arith.constant 0 : i32
        %broadcast_in_dim3A_44 = vector.broadcast %jit3A_43 : i32 to vector<16xi32>
        %select_n3A_45 = arith.select %eq3A_42, %select_n3A, %broadcast_in_dim3A_44 : vector<16xi1>, vector<16xi32>
        %reduce_sum3A = arith.constant true
        %reduce_sum3A_46 = vector.broadcast %reduce_sum3A : i1 to vector<16xi1>
        %reduce_sum3A_47 = tpu.scan <sum>, %select_n3A_45 masked %reduce_sum3A_46 : vector<16xi32>, vector<16xi1> -> vector<16xi32>
        %reduce_sum3A_48 = vector.extract %reduce_sum3A_47[15] : i32 from vector<16xi32>
        %mul3A_49 = arith.constant 16 : i32
        %mul3A_50 = arith.muli %reduce_sum3A_48, %mul3A_49 : i32
        %add3A_51 = vector.broadcast %mul3A_50 : i32 to vector<16xi32>
        %add3A_52 = arith.addi %add3A_51, %iota3A : vector<16xi32>
        %mul3A_53 = arith.constant 16 : i32
        %mul3A_54 = arith.muli %scan3A_31, %mul3A_53 : i32
        %add3A_55 = arith.constant 0 : i32
        %add3A_56 = arith.addi %mul3A_54, %add3A_55 : i32
        %get3A_57 = arith.index_cast %add3A_56 : i32 to index
        %get3A_58 = arith.constant 0 : index
        %get3A_59 = tpu.vector_load %arg6[%get3A_57, %get3A_58] {strides = array<i32>} : memref<128x16xf32, #tpu.memory_space<vmem>>, vector<16xf32>,
        tpu.vector_store_idx %arg7[%add3A_52], %get3A_59 {add = true} : memref<82048xf32, #tpu.memory_space<vmem>>[vector<16xi32>], vector<16xf32>,
        %eq3A_60 = arith.constant 1 : i32
        %eq3A_61 = vector.broadcast %eq3A_60 : i32 to vector<16xi32>
        %eq3A_62 = arith.cmpi eq, %iota3A, %eq3A_61 : vector<16xi32>
        %jit3A_63 = arith.constant 0 : i32
        %broadcast_in_dim3A_64 = vector.broadcast %jit3A_63 : i32 to vector<16xi32>
        %select_n3A_65 = arith.select %eq3A_62, %select_n3A, %broadcast_in_dim3A_64 : vector<16xi1>, vector<16xi32>
        %reduce_sum3A_66 = arith.constant true
        %reduce_sum3A_67 = vector.broadcast %reduce_sum3A_66 : i1 to vector<16xi1>
        %reduce_sum3A_68 = tpu.scan <sum>, %select_n3A_65 masked %reduce_sum3A_67 : vector<16xi32>, vector<16xi1> -> vector<16xi32>
        %reduce_sum3A_69 = vector.extract %reduce_sum3A_68[15] : i32 from vector<16xi32>
        %mul3A_70 = arith.constant 16 : i32
        %mul3A_71 = arith.muli %reduce_sum3A_69, %mul3A_70 : i32
        %add3A_72 = vector.broadcast %mul3A_71 : i32 to vector<16xi32>
        %add3A_73 = arith.addi %add3A_72, %iota3A : vector<16xi32>
        %mul3A_74 = arith.constant 16 : i32
        %mul3A_75 = arith.muli %scan3A_31, %mul3A_74 : i32
        %add3A_76 = arith.constant 1 : i32
        %add3A_77 = arith.addi %mul3A_75, %add3A_76 : i32
        %get3A_78 = arith.index_cast %add3A_77 : i32 to index
        %get3A_79 = arith.constant 0 : index
        %get3A_80 = tpu.vector_load %arg6[%get3A_78, %get3A_79] {strides = array<i32>} : memref<128x16xf32, #tpu.memory_space<vmem>>, vector<16xf32>,
        tpu.vector_store_idx %arg7[%add3A_73], %get3A_80 {add = true} : memref<82048xf32, #tpu.memory_space<vmem>>[vector<16xi32>], vector<16xf32>,
        %eq3A_81 = arith.constant 2 : i32
        %eq3A_82 = vector.broadcast %eq3A_81 : i32 to vector<16xi32>
        %eq3A_83 = arith.cmpi eq, %iota3A, %eq3A_82 : vector<16xi32>
        %jit3A_84 = arith.constant 0 : i32
        %broadcast_in_dim3A_85 = vector.broadcast %jit3A_84 : i32 to vector<16xi32>
        %select_n3A_86 = arith.select %eq3A_83, %select_n3A, %broadcast_in_dim3A_85 : vector<16xi1>, vector<16xi32>
        %reduce_sum3A_87 = arith.constant true
        %reduce_sum3A_88 = vector.broadcast %reduce_sum3A_87 : i1 to vector<16xi1>
        %reduce_sum3A_89 = tpu.scan <sum>, %select_n3A_86 masked %reduce_sum3A_88 : vector<16xi32>, vector<16xi1> -> vector<16xi32>
        %reduce_sum3A_90 = vector.extract %reduce_sum3A_89[15] : i32 from vector<16xi32>
        %mul3A_91 = arith.constant 16 : i32
        %mul3A_92 = arith.muli %reduce_sum3A_90, %mul3A_91 : i32
        %add3A_93 = vector.broadcast %mul3A_92 : i32 to vector<16xi32>
        %add3A_94 = arith.addi %add3A_93, %iota3A : vector<16xi32>
        %mul3A_95 = arith.constant 16 : i32
        %mul3A_96 = arith.muli %scan3A_31, %mul3A_95 : i32
        %add3A_97 = arith.constant 2 : i32
        %add3A_98 = arith.addi %mul3A_96, %add3A_97 : i32
        %get3A_99 = arith.index_cast %add3A_98 : i32 to index
        %get3A_100 = arith.constant 0 : index
        %get3A_101 = tpu.vector_load %arg6[%get3A_99, %get3A_100] {strides = array<i32>} : memref<128x16xf32, #tpu.memory_space<vmem>>, vector<16xf32>,
        tpu.vector_store_idx %arg7[%add3A_94], %get3A_101 {add = true} : memref<82048xf32, #tpu.memory_space<vmem>>[vector<16xi32>], vector<16xf32>,
        %eq3A_102 = arith.constant 3 : i32
        %eq3A_103 = vector.broadcast %eq3A_102 : i32 to vector<16xi32>
        %eq3A_104 = arith.cmpi eq, %iota3A, %eq3A_103 : vector<16xi32>
        %jit3A_105 = arith.constant 0 : i32
        %broadcast_in_dim3A_106 = vector.broadcast %jit3A_105 : i32 to vector<16xi32>
        %select_n3A_107 = arith.select %eq3A_104, %select_n3A, %broadcast_in_dim3A_106 : vector<16xi1>, vector<16xi32>
        %reduce_sum3A_108 = arith.constant true
        %reduce_sum3A_109 = vector.broadcast %reduce_sum3A_108 : i1 to vector<16xi1>
        %reduce_sum3A_110 = tpu.scan <sum>, %select_n3A_107 masked %reduce_sum3A_109 : vector<16xi32>, vector<16xi1> -> vector<16xi32>
        %reduce_sum3A_111 = vector.extract %reduce_sum3A_110[15] : i32 from vector<16xi32>
        %mul3A_112 = arith.constant 16 : i32
        %mul3A_113 = arith.muli %reduce_sum3A_111, %mul3A_112 : i32
        %add3A_114 = vector.broadcast %mul3A_113 : i32 to vector<16xi32>
        %add3A_115 = arith.addi %add3A_114, %iota3A : vector<16xi32>
        %mul3A_116 = arith.constant 16 : i32
        %mul3A_117 = arith.muli %scan3A_31, %mul3A_116 : i32
        %add3A_118 = arith.constant 3 : i32
        %add3A_119 = arith.addi %mul3A_117, %add3A_118 : i32
        %get3A_120 = arith.index_cast %add3A_119 : i32 to index
        %get3A_121 = arith.constant 0 : index
        %get3A_122 = tpu.vector_load %arg6[%get3A_120, %get3A_121] {strides = array<i32>} : memref<128x16xf32, #tpu.memory_space<vmem>>, vector<16xf32>,
        tpu.vector_store_idx %arg7[%add3A_115], %get3A_122 {add = true} : memref<82048xf32, #tpu.memory_space<vmem>>[vector<16xi32>], vector<16xf32>,
        %eq3A_123 = arith.constant 4 : i32
        %eq3A_124 = vector.broadcast %eq3A_123 : i32 to vector<16xi32>
        %eq3A_125 = arith.cmpi eq, %iota3A, %eq3A_124 : vector<16xi32>
        %jit3A_126 = arith.constant 0 : i32
        %broadcast_in_dim3A_127 = vector.broadcast %jit3A_126 : i32 to vector<16xi32>
        %select_n3A_128 = arith.select %eq3A_125, %select_n3A, %broadcast_in_dim3A_127 : vector<16xi1>, vector<16xi32>
        %reduce_sum3A_129 = arith.constant true
        %reduce_sum3A_130 = vector.broadcast %reduce_sum3A_129 : i1 to vector<16xi1>
        %reduce_sum3A_131 = tpu.scan <sum>, %select_n3A_128 masked %reduce_sum3A_130 : vector<16xi32>, vector<16xi1> -> vector<16xi32>
        %reduce_sum3A_132 = vector.extract %reduce_sum3A_131[15] : i32 from vector<16xi32>
        %mul3A_133 = arith.constant 16 : i32
        %mul3A_134 = arith.muli %reduce_sum3A_132, %mul3A_133 : i32
        %add3A_135 = vector.broadcast %mul3A_134 : i32 to vector<16xi32>
        %add3A_136 = arith.addi %add3A_135, %iota3A : vector<16xi32>
        %mul3A_137 = arith.constant 16 : i32
        %mul3A_138 = arith.muli %scan3A_31, %mul3A_137 : i32
        %add3A_139 = arith.constant 4 : i32
        %add3A_140 = arith.addi %mul3A_138, %add3A_139 : i32
        %get3A_141 = arith.index_cast %add3A_140 : i32 to index
        %get3A_142 = arith.constant 0 : index
        %get3A_143 = tpu.vector_load %arg6[%get3A_141, %get3A_142] {strides = array<i32>} : memref<128x16xf32, #tpu.memory_space<vmem>>, vector<16xf32>,
        tpu.vector_store_idx %arg7[%add3A_136], %get3A_143 {add = true} : memref<82048xf32, #tpu.memory_space<vmem>>[vector<16xi32>], vector<16xf32>,
        %eq3A_144 = arith.constant 5 : i32
        %eq3A_145 = vector.broadcast %eq3A_144 : i32 to vector<16xi32>
        %eq3A_146 = arith.cmpi eq, %iota3A, %eq3A_145 : vector<16xi32>
        %jit3A_147 = arith.constant 0 : i32
        %broadcast_in_dim3A_148 = vector.broadcast %jit3A_147 : i32 to vector<16xi32>
        %select_n3A_149 = arith.select %eq3A_146, %select_n3A, %broadcast_in_dim3A_148 : vector<16xi1>, vector<16xi32>
        %reduce_sum3A_150 = arith.constant true
        %reduce_sum3A_151 = vector.broadcast %reduce_sum3A_150 : i1 to vector<16xi1>
        %reduce_sum3A_152 = tpu.scan <sum>, %select_n3A_149 masked %reduce_sum3A_151 : vector<16xi32>, vector<16xi1> -> vector<16xi32>
        %reduce_sum3A_153 = vector.extract %reduce_sum3A_152[15] : i32 from vector<16xi32>
        %mul3A_154 = arith.constant 16 : i32
        %mul3A_155 = arith.muli %reduce_sum3A_153, %mul3A_154 : i32
        %add3A_156 = vector.broadcast %mul3A_155 : i32 to vector<16xi32>
        %add3A_157 = arith.addi %add3A_156, %iota3A : vector<16xi32>
        %mul3A_158 = arith.constant 16 : i32
        %mul3A_159 = arith.muli %scan3A_31, %mul3A_158 : i32
        %add3A_160 = arith.constant 5 : i32
        %add3A_161 = arith.addi %mul3A_159, %add3A_160 : i32
        %get3A_162 = arith.index_cast %add3A_161 : i32 to index
        %get3A_163 = arith.constant 0 : index
        %get3A_164 = tpu.vector_load %arg6[%get3A_162, %get3A_163] {strides = array<i32>} : memref<128x16xf32, #tpu.memory_space<vmem>>, vector<16xf32>,
        tpu.vector_store_idx %arg7[%add3A_157], %get3A_164 {add = true} : memref<82048xf32, #tpu.memory_space<vmem>>[vector<16xi32>], vector<16xf32>,
        %eq3A_165 = arith.constant 6 : i32
        %eq3A_166 = vector.broadcast %eq3A_165 : i32 to vector<16xi32>
        %eq3A_167 = arith.cmpi eq, %iota3A, %eq3A_166 : vector<16xi32>
        %jit3A_168 = arith.constant 0 : i32
        %broadcast_in_dim3A_169 = vector.broadcast %jit3A_168 : i32 to vector<16xi32>
        %select_n3A_170 = arith.select %eq3A_167, %select_n3A, %broadcast_in_dim3A_169 : vector<16xi1>, vector<16xi32>
        %reduce_sum3A_171 = arith.constant true
        %reduce_sum3A_172 = vector.broadcast %reduce_sum3A_171 : i1 to vector<16xi1>
        %reduce_sum3A_173 = tpu.scan <sum>, %select_n3A_170 masked %reduce_sum3A_172 : vector<16xi32>, vector<16xi1> -> vector<16xi32>
        %reduce_sum3A_174 = vector.extract %reduce_sum3A_173[15] : i32 from vector<16xi32>
        %mul3A_175 = arith.constant 16 : i32
        %mul3A_176 = arith.muli %reduce_sum3A_174, %mul3A_175 : i32
        %add3A_177 = vector.broadcast %mul3A_176 : i32 to vector<16xi32>
        %add3A_178 = arith.addi %add3A_177, %iota3A : vector<16xi32>
        %mul3A_179 = arith.constant 16 : i32
        %mul3A_180 = arith.muli %scan3A_31, %mul3A_179 : i32
        %add3A_181 = arith.constant 6 : i32
        %add3A_182 = arith.addi %mul3A_180, %add3A_181 : i32
        %get3A_183 = arith.index_cast %add3A_182 : i32 to index
        %get3A_184 = arith.constant 0 : index
        %get3A_185 = tpu.vector_load %arg6[%get3A_183, %get3A_184] {strides = array<i32>} : memref<128x16xf32, #tpu.memory_space<vmem>>, vector<16xf32>,
        tpu.vector_store_idx %arg7[%add3A_178], %get3A_185 {add = true} : memref<82048xf32, #tpu.memory_space<vmem>>[vector<16xi32>], vector<16xf32>,
        %eq3A_186 = arith.constant 7 : i32
        %eq3A_187 = vector.broadcast %eq3A_186 : i32 to vector<16xi32>
        %eq3A_188 = arith.cmpi eq, %iota3A, %eq3A_187 : vector<16xi32>
        %jit3A_189 = arith.constant 0 : i32
        %broadcast_in_dim3A_190 = vector.broadcast %jit3A_189 : i32 to vector<16xi32>
        %select_n3A_191 = arith.select %eq3A_188, %select_n3A, %broadcast_in_dim3A_190 : vector<16xi1>, vector<16xi32>
        %reduce_sum3A_192 = arith.constant true
        %reduce_sum3A_193 = vector.broadcast %reduce_sum3A_192 : i1 to vector<16xi1>
        %reduce_sum3A_194 = tpu.scan <sum>, %select_n3A_191 masked %reduce_sum3A_193 : vector<16xi32>, vector<16xi1> -> vector<16xi32>
        %reduce_sum3A_195 = vector.extract %reduce_sum3A_194[15] : i32 from vector<16xi32>
        %mul3A_196 = arith.constant 16 : i32
        %mul3A_197 = arith.muli %reduce_sum3A_195, %mul3A_196 : i32
        %add3A_198 = vector.broadcast %mul3A_197 : i32 to vector<16xi32>
        %add3A_199 = arith.addi %add3A_198, %iota3A : vector<16xi32>
        %mul3A_200 = arith.constant 16 : i32
        %mul3A_201 = arith.muli %scan3A_31, %mul3A_200 : i32
        %add3A_202 = arith.constant 7 : i32
        %add3A_203 = arith.addi %mul3A_201, %add3A_202 : i32
        %get3A_204 = arith.index_cast %add3A_203 : i32 to index
        %get3A_205 = arith.constant 0 : index
        %get3A_206 = tpu.vector_load %arg6[%get3A_204, %get3A_205] {strides = array<i32>} : memref<128x16xf32, #tpu.memory_space<vmem>>, vector<16xf32>,
        tpu.vector_store_idx %arg7[%add3A_199], %get3A_206 {add = true} : memref<82048xf32, #tpu.memory_space<vmem>>[vector<16xi32>], vector<16xf32>,
        %eq3A_207 = arith.constant 8 : i32
        %eq3A_208 = vector.broadcast %eq3A_207 : i32 to vector<16xi32>
        %eq3A_209 = arith.cmpi eq, %iota3A, %eq3A_208 : vector<16xi32>
        %jit3A_210 = arith.constant 0 : i32
        %broadcast_in_dim3A_211 = vector.broadcast %jit3A_210 : i32 to vector<16xi32>
        %select_n3A_212 = arith.select %eq3A_209, %select_n3A, %broadcast_in_dim3A_211 : vector<16xi1>, vector<16xi32>
        %reduce_sum3A_213 = arith.constant true
        %reduce_sum3A_214 = vector.broadcast %reduce_sum3A_213 : i1 to vector<16xi1>
        %reduce_sum3A_215 = tpu.scan <sum>, %select_n3A_212 masked %reduce_sum3A_214 : vector<16xi32>, vector<16xi1> -> vector<16xi32>
        %reduce_sum3A_216 = vector.extract %reduce_sum3A_215[15] : i32 from vector<16xi32>
        %mul3A_217 = arith.constant 16 : i32
        %mul3A_218 = arith.muli %reduce_sum3A_216, %mul3A_217 : i32
        %add3A_219 = vector.broadcast %mul3A_218 : i32 to vector<16xi32>
        %add3A_220 = arith.addi %add3A_219, %iota3A : vector<16xi32>
        %mul3A_221 = arith.constant 16 : i32
        %mul3A_222 = arith.muli %scan3A_31, %mul3A_221 : i32
        %add3A_223 = arith.constant 8 : i32
        %add3A_224 = arith.addi %mul3A_222, %add3A_223 : i32
        %get3A_225 = arith.index_cast %add3A_224 : i32 to index
        %get3A_226 = arith.constant 0 : index
        %get3A_227 = tpu.vector_load %arg6[%get3A_225, %get3A_226] {strides = array<i32>} : memref<128x16xf32, #tpu.memory_space<vmem>>, vector<16xf32>,
        tpu.vector_store_idx %arg7[%add3A_220], %get3A_227 {add = true} : memref<82048xf32, #tpu.memory_space<vmem>>[vector<16xi32>], vector<16xf32>,
        %eq3A_228 = arith.constant 9 : i32
        %eq3A_229 = vector.broadcast %eq3A_228 : i32 to vector<16xi32>
        %eq3A_230 = arith.cmpi eq, %iota3A, %eq3A_229 : vector<16xi32>
        %jit3A_231 = arith.constant 0 : i32
        %broadcast_in_dim3A_232 = vector.broadcast %jit3A_231 : i32 to vector<16xi32>
        %select_n3A_233 = arith.select %eq3A_230, %select_n3A, %broadcast_in_dim3A_232 : vector<16xi1>, vector<16xi32>
        %reduce_sum3A_234 = arith.constant true
        %reduce_sum3A_235 = vector.broadcast %reduce_sum3A_234 : i1 to vector<16xi1>
        %reduce_sum3A_236 = tpu.scan <sum>, %select_n3A_233 masked %reduce_sum3A_235 : vector<16xi32>, vector<16xi1> -> vector<16xi32>
        %reduce_sum3A_237 = vector.extract %reduce_sum3A_236[15] : i32 from vector<16xi32>
        %mul3A_238 = arith.constant 16 : i32
        %mul3A_239 = arith.muli %reduce_sum3A_237, %mul3A_238 : i32
        %add3A_240 = vector.broadcast %mul3A_239 : i32 to vector<16xi32>
        %add3A_241 = arith.addi %add3A_240, %iota3A : vector<16xi32>
        %mul3A_242 = arith.constant 16 : i32
        %mul3A_243 = arith.muli %scan3A_31, %mul3A_242 : i32
        %add3A_244 = arith.constant 9 : i32
        %add3A_245 = arith.addi %mul3A_243, %add3A_244 : i32
        %get3A_246 = arith.index_cast %add3A_245 : i32 to index
        %get3A_247 = arith.constant 0 : index
        %get3A_248 = tpu.vector_load %arg6[%get3A_246, %get3A_247] {strides = array<i32>} : memref<128x16xf32, #tpu.memory_space<vmem>>, vector<16xf32>,
        tpu.vector_store_idx %arg7[%add3A_241], %get3A_248 {add = true} : memref<82048xf32, #tpu.memory_space<vmem>>[vector<16xi32>], vector<16xf32>,
        %eq3A_249 = arith.constant 10 : i32
        %eq3A_250 = vector.broadcast %eq3A_249 : i32 to vector<16xi32>
        %eq3A_251 = arith.cmpi eq, %iota3A, %eq3A_250 : vector<16xi32>
        %jit3A_252 = arith.constant 0 : i32
        %broadcast_in_dim3A_253 = vector.broadcast %jit3A_252 : i32 to vector<16xi32>
        %select_n3A_254 = arith.select %eq3A_251, %select_n3A, %broadcast_in_dim3A_253 : vector<16xi1>, vector<16xi32>
        %reduce_sum3A_255 = arith.constant true
        %reduce_sum3A_256 = vector.broadcast %reduce_sum3A_255 : i1 to vector<16xi1>
        %reduce_sum3A_257 = tpu.scan <sum>, %select_n3A_254 masked %reduce_sum3A_256 : vector<16xi32>, vector<16xi1> -> vector<16xi32>
        %reduce_sum3A_258 = vector.extract %reduce_sum3A_257[15] : i32 from vector<16xi32>
        %mul3A_259 = arith.constant 16 : i32
        %mul3A_260 = arith.muli %reduce_sum3A_258, %mul3A_259 : i32
        %add3A_261 = vector.broadcast %mul3A_260 : i32 to vector<16xi32>
        %add3A_262 = arith.addi %add3A_261, %iota3A : vector<16xi32>
        %mul3A_263 = arith.constant 16 : i32
        %mul3A_264 = arith.muli %scan3A_31, %mul3A_263 : i32
        %add3A_265 = arith.constant 10 : i32
        %add3A_266 = arith.addi %mul3A_264, %add3A_265 : i32
        %get3A_267 = arith.index_cast %add3A_266 : i32 to index
        %get3A_268 = arith.constant 0 : index
        %get3A_269 = tpu.vector_load %arg6[%get3A_267, %get3A_268] {strides = array<i32>} : memref<128x16xf32, #tpu.memory_space<vmem>>, vector<16xf32>,
        tpu.vector_store_idx %arg7[%add3A_262], %get3A_269 {add = true} : memref<82048xf32, #tpu.memory_space<vmem>>[vector<16xi32>], vector<16xf32>,
        %eq3A_270 = arith.constant 11 : i32
        %eq3A_271 = vector.broadcast %eq3A_270 : i32 to vector<16xi32>
        %eq3A_272 = arith.cmpi eq, %iota3A, %eq3A_271 : vector<16xi32>
        %jit3A_273 = arith.constant 0 : i32
        %broadcast_in_dim3A_274 = vector.broadcast %jit3A_273 : i32 to vector<16xi32>
        %select_n3A_275 = arith.select %eq3A_272, %select_n3A, %broadcast_in_dim3A_274 : vector<16xi1>, vector<16xi32>
        %reduce_sum3A_276 = arith.constant true
        %reduce_sum3A_277 = vector.broadcast %reduce_sum3A_276 : i1 to vector<16xi1>
        %reduce_sum3A_278 = tpu.scan <sum>, %select_n3A_275 masked %reduce_sum3A_277 : vector<16xi32>, vector<16xi1> -> vector<16xi32>
        %reduce_sum3A_279 = vector.extract %reduce_sum3A_278[15] : i32 from vector<16xi32>
        %mul3A_280 = arith.constant 16 : i32
        %mul3A_281 = arith.muli %reduce_sum3A_279, %mul3A_280 : i32
        %add3A_282 = vector.broadcast %mul3A_281 : i32 to vector<16xi32>
        %add3A_283 = arith.addi %add3A_282, %iota3A : vector<16xi32>
        %mul3A_284 = arith.constant 16 : i32
        %mul3A_285 = arith.muli %scan3A_31, %mul3A_284 : i32
        %add3A_286 = arith.constant 11 : i32
        %add3A_287 = arith.addi %mul3A_285, %add3A_286 : i32
        %get3A_288 = arith.index_cast %add3A_287 : i32 to index
        %get3A_289 = arith.constant 0 : index
        %get3A_290 = tpu.vector_load %arg6[%get3A_288, %get3A_289] {strides = array<i32>} : memref<128x16xf32, #tpu.memory_space<vmem>>, vector<16xf32>,
        tpu.vector_store_idx %arg7[%add3A_283], %get3A_290 {add = true} : memref<82048xf32, #tpu.memory_space<vmem>>[vector<16xi32>], vector<16xf32>,
        %eq3A_291 = arith.constant 12 : i32
        %eq3A_292 = vector.broadcast %eq3A_291 : i32 to vector<16xi32>
        %eq3A_293 = arith.cmpi eq, %iota3A, %eq3A_292 : vector<16xi32>
        %jit3A_294 = arith.constant 0 : i32
        %broadcast_in_dim3A_295 = vector.broadcast %jit3A_294 : i32 to vector<16xi32>
        %select_n3A_296 = arith.select %eq3A_293, %select_n3A, %broadcast_in_dim3A_295 : vector<16xi1>, vector<16xi32>
        %reduce_sum3A_297 = arith.constant true
        %reduce_sum3A_298 = vector.broadcast %reduce_sum3A_297 : i1 to vector<16xi1>
        %reduce_sum3A_299 = tpu.scan <sum>, %select_n3A_296 masked %reduce_sum3A_298 : vector<16xi32>, vector<16xi1> -> vector<16xi32>
        %reduce_sum3A_300 = vector.extract %reduce_sum3A_299[15] : i32 from vector<16xi32>
        %mul3A_301 = arith.constant 16 : i32
        %mul3A_302 = arith.muli %reduce_sum3A_300, %mul3A_301 : i32
        %add3A_303 = vector.broadcast %mul3A_302 : i32 to vector<16xi32>
        %add3A_304 = arith.addi %add3A_303, %iota3A : vector<16xi32>
        %mul3A_305 = arith.constant 16 : i32
        %mul3A_306 = arith.muli %scan3A_31, %mul3A_305 : i32
        %add3A_307 = arith.constant 12 : i32
        %add3A_308 = arith.addi %mul3A_306, %add3A_307 : i32
        %get3A_309 = arith.index_cast %add3A_308 : i32 to index
        %get3A_310 = arith.constant 0 : index
        %get3A_311 = tpu.vector_load %arg6[%get3A_309, %get3A_310] {strides = array<i32>} : memref<128x16xf32, #tpu.memory_space<vmem>>, vector<16xf32>,
        tpu.vector_store_idx %arg7[%add3A_304], %get3A_311 {add = true} : memref<82048xf32, #tpu.memory_space<vmem>>[vector<16xi32>], vector<16xf32>,
        %eq3A_312 = arith.constant 13 : i32
        %eq3A_313 = vector.broadcast %eq3A_312 : i32 to vector<16xi32>
        %eq3A_314 = arith.cmpi eq, %iota3A, %eq3A_313 : vector<16xi32>
        %jit3A_315 = arith.constant 0 : i32
        %broadcast_in_dim3A_316 = vector.broadcast %jit3A_315 : i32 to vector<16xi32>
        %select_n3A_317 = arith.select %eq3A_314, %select_n3A, %broadcast_in_dim3A_316 : vector<16xi1>, vector<16xi32>
        %reduce_sum3A_318 = arith.constant true
        %reduce_sum3A_319 = vector.broadcast %reduce_sum3A_318 : i1 to vector<16xi1>
        %reduce_sum3A_320 = tpu.scan <sum>, %select_n3A_317 masked %reduce_sum3A_319 : vector<16xi32>, vector<16xi1> -> vector<16xi32>
        %reduce_sum3A_321 = vector.extract %reduce_sum3A_320[15] : i32 from vector<16xi32>
        %mul3A_322 = arith.constant 16 : i32
        %mul3A_323 = arith.muli %reduce_sum3A_321, %mul3A_322 : i32
        %add3A_324 = vector.broadcast %mul3A_323 : i32 to vector<16xi32>
        %add3A_325 = arith.addi %add3A_324, %iota3A : vector<16xi32>
        %mul3A_326 = arith.constant 16 : i32
        %mul3A_327 = arith.muli %scan3A_31, %mul3A_326 : i32
        %add3A_328 = arith.constant 13 : i32
        %add3A_329 = arith.addi %mul3A_327, %add3A_328 : i32
        %get3A_330 = arith.index_cast %add3A_329 : i32 to index
        %get3A_331 = arith.constant 0 : index
        %get3A_332 = tpu.vector_load %arg6[%get3A_330, %get3A_331] {strides = array<i32>} : memref<128x16xf32, #tpu.memory_space<vmem>>, vector<16xf32>,
        tpu.vector_store_idx %arg7[%add3A_325], %get3A_332 {add = true} : memref<82048xf32, #tpu.memory_space<vmem>>[vector<16xi32>], vector<16xf32>,
        %eq3A_333 = arith.constant 14 : i32
        %eq3A_334 = vector.broadcast %eq3A_333 : i32 to vector<16xi32>
        %eq3A_335 = arith.cmpi eq, %iota3A, %eq3A_334 : vector<16xi32>
        %jit3A_336 = arith.constant 0 : i32
        %broadcast_in_dim3A_337 = vector.broadcast %jit3A_336 : i32 to vector<16xi32>
        %select_n3A_338 = arith.select %eq3A_335, %select_n3A, %broadcast_in_dim3A_337 : vector<16xi1>, vector<16xi32>
        %reduce_sum3A_339 = arith.constant true
        %reduce_sum3A_340 = vector.broadcast %reduce_sum3A_339 : i1 to vector<16xi1>
        %reduce_sum3A_341 = tpu.scan <sum>, %select_n3A_338 masked %reduce_sum3A_340 : vector<16xi32>, vector<16xi1> -> vector<16xi32>
        %reduce_sum3A_342 = vector.extract %reduce_sum3A_341[15] : i32 from vector<16xi32>
        %mul3A_343 = arith.constant 16 : i32
        %mul3A_344 = arith.muli %reduce_sum3A_342, %mul3A_343 : i32
        %add3A_345 = vector.broadcast %mul3A_344 : i32 to vector<16xi32>
        %add3A_346 = arith.addi %add3A_345, %iota3A : vector<16xi32>
        %mul3A_347 = arith.constant 16 : i32
        %mul3A_348 = arith.muli %scan3A_31, %mul3A_347 : i32
        %add3A_349 = arith.constant 14 : i32
        %add3A_350 = arith.addi %mul3A_348, %add3A_349 : i32
        %get3A_351 = arith.index_cast %add3A_350 : i32 to index
        %get3A_352 = arith.constant 0 : index
        %get3A_353 = tpu.vector_load %arg6[%get3A_351, %get3A_352] {strides = array<i32>} : memref<128x16xf32, #tpu.memory_space<vmem>>, vector<16xf32>,
        tpu.vector_store_idx %arg7[%add3A_346], %get3A_353 {add = true} : memref<82048xf32, #tpu.memory_space<vmem>>[vector<16xi32>], vector<16xf32>,
        %eq3A_354 = arith.constant 15 : i32
        %eq3A_355 = vector.broadcast %eq3A_354 : i32 to vector<16xi32>
        %eq3A_356 = arith.cmpi eq, %iota3A, %eq3A_355 : vector<16xi32>
        %jit3A_357 = arith.constant 0 : i32
        %broadcast_in_dim3A_358 = vector.broadcast %jit3A_357 : i32 to vector<16xi32>
        %select_n3A_359 = arith.select %eq3A_356, %select_n3A, %broadcast_in_dim3A_358 : vector<16xi1>, vector<16xi32>
        %reduce_sum3A_360 = arith.constant true
        %reduce_sum3A_361 = vector.broadcast %reduce_sum3A_360 : i1 to vector<16xi1>
        %reduce_sum3A_362 = tpu.scan <sum>, %select_n3A_359 masked %reduce_sum3A_361 : vector<16xi32>, vector<16xi1> -> vector<16xi32>
        %reduce_sum3A_363 = vector.extract %reduce_sum3A_362[15] : i32 from vector<16xi32>
        %mul3A_364 = arith.constant 16 : i32
        %mul3A_365 = arith.muli %reduce_sum3A_363, %mul3A_364 : i32
        %add3A_366 = vector.broadcast %mul3A_365 : i32 to vector<16xi32>
        %add3A_367 = arith.addi %add3A_366, %iota3A : vector<16xi32>
        %mul3A_368 = arith.constant 16 : i32
        %mul3A_369 = arith.muli %scan3A_31, %mul3A_368 : i32
        %add3A_370 = arith.constant 15 : i32
        %add3A_371 = arith.addi %mul3A_369, %add3A_370 : i32
        %get3A_372 = arith.index_cast %add3A_371 : i32 to index
        %get3A_373 = arith.constant 0 : index
        %get3A_374 = tpu.vector_load %arg6[%get3A_372, %get3A_373] {strides = array<i32>} : memref<128x16xf32, #tpu.memory_space<vmem>>, vector<16xf32>,
        tpu.vector_store_idx %arg7[%add3A_367], %get3A_374 {add = true} : memref<82048xf32, #tpu.memory_space<vmem>>[vector<16xi32>], vector<16xf32>,
      }
      %scan3A_30 = arith.constant 8 : i32
    }
    %scan3A_16 = arith.constant 80 : i32
    %mul3A_17 = arith.constant 2 : i32
    %mul3A_18 = arith.muli %arg1, %mul3A_17 : i32
    %add3A = arith.addi %mul3A_18, %arg0 : i32
    %mul3A_19 = arith.constant 82048 : i32
    %mul3A_20 = arith.muli %add3A, %mul3A_19 : i32
    "tpu.region"() ({
      %run_scoped3A = tpu.sem_alloc : memref<!tpu.dma_semaphore, #tpu.memory_space<semaphore_mem>>
      %dma_start3A = tpu.memref_slice %arg4[%mul3A_20] : memref<2625536xf32, #tpu.memory_space<hbm>> -> memref<82048xf32, #tpu.memory_space<hbm>>
      %dma_start3A_21 = tpu.memref_slice %arg4[%mul3A_20] : memref<2625536xf32, #tpu.memory_space<hbm>> -> memref<82048xf32, #tpu.memory_space<hbm>>
      tpu.enqueue_dma source(%arg7 : memref<82048xf32, #tpu.memory_space<vmem>>) target(%dma_start3A_21 : memref<82048xf32, #tpu.memory_space<hbm>>) target_semaphore(%run_scoped3A : memref<!tpu.dma_semaphore, #tpu.memory_space<semaphore_mem>>)
      %dma_wait3A = tpu.memref_slice %arg4[%mul3A_20] : memref<2625536xf32, #tpu.memory_space<hbm>> -> memref<82048xf32, #tpu.memory_space<hbm>>
      %dma_wait3A_22 = tpu.memref_slice %arg4[%mul3A_20] : memref<2625536xf32, #tpu.memory_space<hbm>> -> memref<82048xf32, #tpu.memory_space<hbm>>
      tpu.wait_dma2 semaphore(%run_scoped3A : memref<!tpu.dma_semaphore, #tpu.memory_space<semaphore_mem>>) src(%arg7 : memref<82048xf32, #tpu.memory_space<vmem>>) dst(%dma_wait3A_22 : memref<82048xf32, #tpu.memory_space<hbm>>)
      tpu.yield
    }) : () -> ()
    return
  }
}

#map = affine_map<(d0, d1) -> (0)>
module attributes {stable_mosaic.version = 14 : i64} {
  func.func @k(%arg0: i32, %arg1: i32, %arg2: memref<163840xi32, #tpu.memory_space<hbm>>, %arg3: memref<2625536xf32, #tpu.memory_space<hbm>>, %arg4: memref<128xi32, #tpu.memory_space<vmem>>, %arg5: memref<128x16xf32, #tpu.memory_space<vmem>>, %arg6: memref<82048xf32, #tpu.memory_space<vmem>>) attributes {dimension_semantics = [#tpu.dimension_semantics<core_parallel>, #tpu.dimension_semantics<subcore_parallel>], iteration_bounds = array<i64: 2, 16>, scalar_prefetch = 0 : i64, scratch_operands = 3 : i64, tpu.core_type = #tpu.core_type<sc_vector_subcore>, window_params = [{transform_indices = #map}, {transform_indices = #map}]} {
    %mul3A = arith.constant 10240 : i32
    %mul3A_0 = arith.muli %arg1, %mul3A : i32
    %mul3A_1 = arith.constant 5120 : i32
    %mul3A_2 = arith.muli %arg0, %mul3A_1 : i32
    %iota3A = tpu.iota {dimensions = array<i32: 0>} : vector<16xi32>
    %scan3A = arith.constant 0 : i32
    %scan3A_3 = arith.constant 0 : i32
    %scan3A_4 = arith.constant 5128 : i32
    %scan3A_5 = arith.addi %scan3A_3, %scan3A_4 : i32
    %scan3A_6 = arith.constant 1 : i32
    scf.for %scan3A_21 = %scan3A_3 to %scan3A_5 step %scan3A_6  : i32 {
      %broadcast_in_dim3A = arith.constant 0.000000e+00 : f32
      %broadcast_in_dim3A_22 = vector.broadcast %broadcast_in_dim3A : f32 to vector<16xf32>
      %mul3A_23 = arith.constant 16 : i32
      %mul3A_24 = arith.muli %scan3A_21, %mul3A_23 : i32
      %swap3A = arith.index_cast %mul3A_24 : i32 to index
      %swap3A_25 = tpu.vector_load %arg6[%swap3A] {strides = array<i32>} : memref<82048xf32, #tpu.memory_space<vmem>>, vector<16xf32>,
      tpu.vector_store %arg6[%swap3A], %broadcast_in_dim3A_22 {strides = array<i32>} : memref<82048xf32, #tpu.memory_space<vmem>>, vector<16xf32>,
    }
    %scan3A_7 = arith.constant 5128 : i32
    %eq3A = arith.constant 0 : i32
    %eq3A_8 = vector.broadcast %eq3A : i32 to vector<16xi32>
    %eq3A_9 = arith.cmpi eq, %iota3A, %eq3A_8 : vector<16xi32>
    %convert_element_type3A = arith.extui %eq3A_9 : vector<16xi1> to vector<16xi32>
    %convert_element_type3A_10 = arith.sitofp %convert_element_type3A : vector<16xi32> to vector<16xf32>
    %scan3A_11 = arith.constant 0 : i32
    %scan3A_12 = arith.constant 0 : i32
    %scan3A_13 = arith.constant 80 : i32
    %scan3A_14 = arith.addi %scan3A_12, %scan3A_13 : i32
    %scan3A_15 = arith.constant 1 : i32
    scf.for %scan3A_21 = %scan3A_12 to %scan3A_14 step %scan3A_15  : i32 {
      %mul3A_22 = arith.constant 128 : i32
      %mul3A_23 = arith.muli %scan3A_21, %mul3A_22 : i32
      %add3A_24 = arith.addi %mul3A_0, %mul3A_23 : i32
      "tpu.region"() ({
        %run_scoped3A = tpu.sem_alloc : memref<!tpu.dma_semaphore, #tpu.memory_space<semaphore_mem>>
        %dma_start3A = tpu.memref_slice %arg2[%add3A_24] : memref<163840xi32, #tpu.memory_space<hbm>> -> memref<128xi32, #tpu.memory_space<hbm>>
        %dma_start3A_31 = tpu.memref_slice %arg2[%add3A_24] : memref<163840xi32, #tpu.memory_space<hbm>> -> memref<128xi32, #tpu.memory_space<hbm>>
        tpu.enqueue_dma source(%dma_start3A_31 : memref<128xi32, #tpu.memory_space<hbm>>) target(%arg4 : memref<128xi32, #tpu.memory_space<vmem>>) target_semaphore(%run_scoped3A : memref<!tpu.dma_semaphore, #tpu.memory_space<semaphore_mem>>)
        %dma_wait3A = tpu.memref_slice %arg2[%add3A_24] : memref<163840xi32, #tpu.memory_space<hbm>> -> memref<128xi32, #tpu.memory_space<hbm>>
        %dma_wait3A_32 = tpu.memref_slice %arg2[%add3A_24] : memref<163840xi32, #tpu.memory_space<hbm>> -> memref<128xi32, #tpu.memory_space<hbm>>
        tpu.wait_dma2 semaphore(%run_scoped3A : memref<!tpu.dma_semaphore, #tpu.memory_space<semaphore_mem>>) src(%dma_wait3A_32 : memref<128xi32, #tpu.memory_space<hbm>>) dst(%arg4 : memref<128xi32, #tpu.memory_space<vmem>>)
        tpu.yield
      }) : () -> ()
      %scan3A_25 = arith.constant 0 : i32
      %scan3A_26 = arith.constant 0 : i32
      %scan3A_27 = arith.constant 8 : i32
      %scan3A_28 = arith.addi %scan3A_26, %scan3A_27 : i32
      %scan3A_29 = arith.constant 1 : i32
      scf.for %scan3A_31 = %scan3A_26 to %scan3A_28 step %scan3A_29  : i32 {
        %mul3A_32 = arith.constant 16 : i32
        %mul3A_33 = arith.muli %scan3A_31, %mul3A_32 : i32
        %get3A = arith.index_cast %mul3A_33 : i32 to index
        %get3A_34 = tpu.vector_load %arg4[%get3A] {strides = array<i32>} : memref<128xi32, #tpu.memory_space<vmem>>, vector<16xi32>,
        %sub3A = vector.broadcast %mul3A_2 : i32 to vector<16xi32>
        %sub3A_35 = arith.subi %get3A_34, %sub3A : vector<16xi32>
        %ge3A = arith.constant 0 : i32
        %ge3A_36 = vector.broadcast %ge3A : i32 to vector<16xi32>
        %ge3A_37 = arith.cmpi sge, %sub3A_35, %ge3A_36 : vector<16xi32>
        %lt3A = arith.constant 5120 : i32
        %lt3A_38 = vector.broadcast %lt3A : i32 to vector<16xi32>
        %lt3A_39 = arith.cmpi slt, %sub3A_35, %lt3A_38 : vector<16xi32>
        %and3A = arith.andi %ge3A_37, %lt3A_39 : vector<16xi1>
        %jit3A = arith.constant 5120 : i32
        %broadcast_in_dim3A = vector.broadcast %jit3A : i32 to vector<16xi32>
        %select_n3A = arith.select %and3A, %sub3A_35, %broadcast_in_dim3A : vector<16xi1>, vector<16xi32>
        %eq3A_40 = arith.constant 0 : i32
        %eq3A_41 = vector.broadcast %eq3A_40 : i32 to vector<16xi32>
        %eq3A_42 = arith.cmpi eq, %iota3A, %eq3A_41 : vector<16xi32>
        %jit3A_43 = arith.constant 0 : i32
        %broadcast_in_dim3A_44 = vector.broadcast %jit3A_43 : i32 to vector<16xi32>
        %select_n3A_45 = arith.select %eq3A_42, %select_n3A, %broadcast_in_dim3A_44 : vector<16xi1>, vector<16xi32>
        %reduce_sum3A = arith.constant true
        %reduce_sum3A_46 = vector.broadcast %reduce_sum3A : i1 to vector<16xi1>
        %reduce_sum3A_47 = tpu.scan <sum>, %select_n3A_45 masked %reduce_sum3A_46 : vector<16xi32>, vector<16xi1> -> vector<16xi32>
        %reduce_sum3A_48 = vector.extract %reduce_sum3A_47[15] : i32 from vector<16xi32>
        %mul3A_49 = arith.constant 16 : i32
        %mul3A_50 = arith.muli %reduce_sum3A_48, %mul3A_49 : i32
        %add3A_51 = vector.broadcast %mul3A_50 : i32 to vector<16xi32>
        %add3A_52 = arith.addi %add3A_51, %iota3A : vector<16xi32>
        tpu.vector_store_idx %arg6[%add3A_52], %convert_element_type3A_10 {add = true} : memref<82048xf32, #tpu.memory_space<vmem>>[vector<16xi32>], vector<16xf32>,
        %eq3A_53 = arith.constant 1 : i32
        %eq3A_54 = vector.broadcast %eq3A_53 : i32 to vector<16xi32>
        %eq3A_55 = arith.cmpi eq, %iota3A, %eq3A_54 : vector<16xi32>
        %jit3A_56 = arith.constant 0 : i32
        %broadcast_in_dim3A_57 = vector.broadcast %jit3A_56 : i32 to vector<16xi32>
        %select_n3A_58 = arith.select %eq3A_55, %select_n3A, %broadcast_in_dim3A_57 : vector<16xi1>, vector<16xi32>
        %reduce_sum3A_59 = arith.constant true
        %reduce_sum3A_60 = vector.broadcast %reduce_sum3A_59 : i1 to vector<16xi1>
        %reduce_sum3A_61 = tpu.scan <sum>, %select_n3A_58 masked %reduce_sum3A_60 : vector<16xi32>, vector<16xi1> -> vector<16xi32>
        %reduce_sum3A_62 = vector.extract %reduce_sum3A_61[15] : i32 from vector<16xi32>
        %mul3A_63 = arith.constant 16 : i32
        %mul3A_64 = arith.muli %reduce_sum3A_62, %mul3A_63 : i32
        %add3A_65 = vector.broadcast %mul3A_64 : i32 to vector<16xi32>
        %add3A_66 = arith.addi %add3A_65, %iota3A : vector<16xi32>
        tpu.vector_store_idx %arg6[%add3A_66], %convert_element_type3A_10 {add = true} : memref<82048xf32, #tpu.memory_space<vmem>>[vector<16xi32>], vector<16xf32>,
        %eq3A_67 = arith.constant 2 : i32
        %eq3A_68 = vector.broadcast %eq3A_67 : i32 to vector<16xi32>
        %eq3A_69 = arith.cmpi eq, %iota3A, %eq3A_68 : vector<16xi32>
        %jit3A_70 = arith.constant 0 : i32
        %broadcast_in_dim3A_71 = vector.broadcast %jit3A_70 : i32 to vector<16xi32>
        %select_n3A_72 = arith.select %eq3A_69, %select_n3A, %broadcast_in_dim3A_71 : vector<16xi1>, vector<16xi32>
        %reduce_sum3A_73 = arith.constant true
        %reduce_sum3A_74 = vector.broadcast %reduce_sum3A_73 : i1 to vector<16xi1>
        %reduce_sum3A_75 = tpu.scan <sum>, %select_n3A_72 masked %reduce_sum3A_74 : vector<16xi32>, vector<16xi1> -> vector<16xi32>
        %reduce_sum3A_76 = vector.extract %reduce_sum3A_75[15] : i32 from vector<16xi32>
        %mul3A_77 = arith.constant 16 : i32
        %mul3A_78 = arith.muli %reduce_sum3A_76, %mul3A_77 : i32
        %add3A_79 = vector.broadcast %mul3A_78 : i32 to vector<16xi32>
        %add3A_80 = arith.addi %add3A_79, %iota3A : vector<16xi32>
        tpu.vector_store_idx %arg6[%add3A_80], %convert_element_type3A_10 {add = true} : memref<82048xf32, #tpu.memory_space<vmem>>[vector<16xi32>], vector<16xf32>,
        %eq3A_81 = arith.constant 3 : i32
        %eq3A_82 = vector.broadcast %eq3A_81 : i32 to vector<16xi32>
        %eq3A_83 = arith.cmpi eq, %iota3A, %eq3A_82 : vector<16xi32>
        %jit3A_84 = arith.constant 0 : i32
        %broadcast_in_dim3A_85 = vector.broadcast %jit3A_84 : i32 to vector<16xi32>
        %select_n3A_86 = arith.select %eq3A_83, %select_n3A, %broadcast_in_dim3A_85 : vector<16xi1>, vector<16xi32>
        %reduce_sum3A_87 = arith.constant true
        %reduce_sum3A_88 = vector.broadcast %reduce_sum3A_87 : i1 to vector<16xi1>
        %reduce_sum3A_89 = tpu.scan <sum>, %select_n3A_86 masked %reduce_sum3A_88 : vector<16xi32>, vector<16xi1> -> vector<16xi32>
        %reduce_sum3A_90 = vector.extract %reduce_sum3A_89[15] : i32 from vector<16xi32>
        %mul3A_91 = arith.constant 16 : i32
        %mul3A_92 = arith.muli %reduce_sum3A_90, %mul3A_91 : i32
        %add3A_93 = vector.broadcast %mul3A_92 : i32 to vector<16xi32>
        %add3A_94 = arith.addi %add3A_93, %iota3A : vector<16xi32>
        tpu.vector_store_idx %arg6[%add3A_94], %convert_element_type3A_10 {add = true} : memref<82048xf32, #tpu.memory_space<vmem>>[vector<16xi32>], vector<16xf32>,
        %eq3A_95 = arith.constant 4 : i32
        %eq3A_96 = vector.broadcast %eq3A_95 : i32 to vector<16xi32>
        %eq3A_97 = arith.cmpi eq, %iota3A, %eq3A_96 : vector<16xi32>
        %jit3A_98 = arith.constant 0 : i32
        %broadcast_in_dim3A_99 = vector.broadcast %jit3A_98 : i32 to vector<16xi32>
        %select_n3A_100 = arith.select %eq3A_97, %select_n3A, %broadcast_in_dim3A_99 : vector<16xi1>, vector<16xi32>
        %reduce_sum3A_101 = arith.constant true
        %reduce_sum3A_102 = vector.broadcast %reduce_sum3A_101 : i1 to vector<16xi1>
        %reduce_sum3A_103 = tpu.scan <sum>, %select_n3A_100 masked %reduce_sum3A_102 : vector<16xi32>, vector<16xi1> -> vector<16xi32>
        %reduce_sum3A_104 = vector.extract %reduce_sum3A_103[15] : i32 from vector<16xi32>
        %mul3A_105 = arith.constant 16 : i32
        %mul3A_106 = arith.muli %reduce_sum3A_104, %mul3A_105 : i32
        %add3A_107 = vector.broadcast %mul3A_106 : i32 to vector<16xi32>
        %add3A_108 = arith.addi %add3A_107, %iota3A : vector<16xi32>
        tpu.vector_store_idx %arg6[%add3A_108], %convert_element_type3A_10 {add = true} : memref<82048xf32, #tpu.memory_space<vmem>>[vector<16xi32>], vector<16xf32>,
        %eq3A_109 = arith.constant 5 : i32
        %eq3A_110 = vector.broadcast %eq3A_109 : i32 to vector<16xi32>
        %eq3A_111 = arith.cmpi eq, %iota3A, %eq3A_110 : vector<16xi32>
        %jit3A_112 = arith.constant 0 : i32
        %broadcast_in_dim3A_113 = vector.broadcast %jit3A_112 : i32 to vector<16xi32>
        %select_n3A_114 = arith.select %eq3A_111, %select_n3A, %broadcast_in_dim3A_113 : vector<16xi1>, vector<16xi32>
        %reduce_sum3A_115 = arith.constant true
        %reduce_sum3A_116 = vector.broadcast %reduce_sum3A_115 : i1 to vector<16xi1>
        %reduce_sum3A_117 = tpu.scan <sum>, %select_n3A_114 masked %reduce_sum3A_116 : vector<16xi32>, vector<16xi1> -> vector<16xi32>
        %reduce_sum3A_118 = vector.extract %reduce_sum3A_117[15] : i32 from vector<16xi32>
        %mul3A_119 = arith.constant 16 : i32
        %mul3A_120 = arith.muli %reduce_sum3A_118, %mul3A_119 : i32
        %add3A_121 = vector.broadcast %mul3A_120 : i32 to vector<16xi32>
        %add3A_122 = arith.addi %add3A_121, %iota3A : vector<16xi32>
        tpu.vector_store_idx %arg6[%add3A_122], %convert_element_type3A_10 {add = true} : memref<82048xf32, #tpu.memory_space<vmem>>[vector<16xi32>], vector<16xf32>,
        %eq3A_123 = arith.constant 6 : i32
        %eq3A_124 = vector.broadcast %eq3A_123 : i32 to vector<16xi32>
        %eq3A_125 = arith.cmpi eq, %iota3A, %eq3A_124 : vector<16xi32>
        %jit3A_126 = arith.constant 0 : i32
        %broadcast_in_dim3A_127 = vector.broadcast %jit3A_126 : i32 to vector<16xi32>
        %select_n3A_128 = arith.select %eq3A_125, %select_n3A, %broadcast_in_dim3A_127 : vector<16xi1>, vector<16xi32>
        %reduce_sum3A_129 = arith.constant true
        %reduce_sum3A_130 = vector.broadcast %reduce_sum3A_129 : i1 to vector<16xi1>
        %reduce_sum3A_131 = tpu.scan <sum>, %select_n3A_128 masked %reduce_sum3A_130 : vector<16xi32>, vector<16xi1> -> vector<16xi32>
        %reduce_sum3A_132 = vector.extract %reduce_sum3A_131[15] : i32 from vector<16xi32>
        %mul3A_133 = arith.constant 16 : i32
        %mul3A_134 = arith.muli %reduce_sum3A_132, %mul3A_133 : i32
        %add3A_135 = vector.broadcast %mul3A_134 : i32 to vector<16xi32>
        %add3A_136 = arith.addi %add3A_135, %iota3A : vector<16xi32>
        tpu.vector_store_idx %arg6[%add3A_136], %convert_element_type3A_10 {add = true} : memref<82048xf32, #tpu.memory_space<vmem>>[vector<16xi32>], vector<16xf32>,
        %eq3A_137 = arith.constant 7 : i32
        %eq3A_138 = vector.broadcast %eq3A_137 : i32 to vector<16xi32>
        %eq3A_139 = arith.cmpi eq, %iota3A, %eq3A_138 : vector<16xi32>
        %jit3A_140 = arith.constant 0 : i32
        %broadcast_in_dim3A_141 = vector.broadcast %jit3A_140 : i32 to vector<16xi32>
        %select_n3A_142 = arith.select %eq3A_139, %select_n3A, %broadcast_in_dim3A_141 : vector<16xi1>, vector<16xi32>
        %reduce_sum3A_143 = arith.constant true
        %reduce_sum3A_144 = vector.broadcast %reduce_sum3A_143 : i1 to vector<16xi1>
        %reduce_sum3A_145 = tpu.scan <sum>, %select_n3A_142 masked %reduce_sum3A_144 : vector<16xi32>, vector<16xi1> -> vector<16xi32>
        %reduce_sum3A_146 = vector.extract %reduce_sum3A_145[15] : i32 from vector<16xi32>
        %mul3A_147 = arith.constant 16 : i32
        %mul3A_148 = arith.muli %reduce_sum3A_146, %mul3A_147 : i32
        %add3A_149 = vector.broadcast %mul3A_148 : i32 to vector<16xi32>
        %add3A_150 = arith.addi %add3A_149, %iota3A : vector<16xi32>
        tpu.vector_store_idx %arg6[%add3A_150], %convert_element_type3A_10 {add = true} : memref<82048xf32, #tpu.memory_space<vmem>>[vector<16xi32>], vector<16xf32>,
        %eq3A_151 = arith.constant 8 : i32
        %eq3A_152 = vector.broadcast %eq3A_151 : i32 to vector<16xi32>
        %eq3A_153 = arith.cmpi eq, %iota3A, %eq3A_152 : vector<16xi32>
        %jit3A_154 = arith.constant 0 : i32
        %broadcast_in_dim3A_155 = vector.broadcast %jit3A_154 : i32 to vector<16xi32>
        %select_n3A_156 = arith.select %eq3A_153, %select_n3A, %broadcast_in_dim3A_155 : vector<16xi1>, vector<16xi32>
        %reduce_sum3A_157 = arith.constant true
        %reduce_sum3A_158 = vector.broadcast %reduce_sum3A_157 : i1 to vector<16xi1>
        %reduce_sum3A_159 = tpu.scan <sum>, %select_n3A_156 masked %reduce_sum3A_158 : vector<16xi32>, vector<16xi1> -> vector<16xi32>
        %reduce_sum3A_160 = vector.extract %reduce_sum3A_159[15] : i32 from vector<16xi32>
        %mul3A_161 = arith.constant 16 : i32
        %mul3A_162 = arith.muli %reduce_sum3A_160, %mul3A_161 : i32
        %add3A_163 = vector.broadcast %mul3A_162 : i32 to vector<16xi32>
        %add3A_164 = arith.addi %add3A_163, %iota3A : vector<16xi32>
        tpu.vector_store_idx %arg6[%add3A_164], %convert_element_type3A_10 {add = true} : memref<82048xf32, #tpu.memory_space<vmem>>[vector<16xi32>], vector<16xf32>,
        %eq3A_165 = arith.constant 9 : i32
        %eq3A_166 = vector.broadcast %eq3A_165 : i32 to vector<16xi32>
        %eq3A_167 = arith.cmpi eq, %iota3A, %eq3A_166 : vector<16xi32>
        %jit3A_168 = arith.constant 0 : i32
        %broadcast_in_dim3A_169 = vector.broadcast %jit3A_168 : i32 to vector<16xi32>
        %select_n3A_170 = arith.select %eq3A_167, %select_n3A, %broadcast_in_dim3A_169 : vector<16xi1>, vector<16xi32>
        %reduce_sum3A_171 = arith.constant true
        %reduce_sum3A_172 = vector.broadcast %reduce_sum3A_171 : i1 to vector<16xi1>
        %reduce_sum3A_173 = tpu.scan <sum>, %select_n3A_170 masked %reduce_sum3A_172 : vector<16xi32>, vector<16xi1> -> vector<16xi32>
        %reduce_sum3A_174 = vector.extract %reduce_sum3A_173[15] : i32 from vector<16xi32>
        %mul3A_175 = arith.constant 16 : i32
        %mul3A_176 = arith.muli %reduce_sum3A_174, %mul3A_175 : i32
        %add3A_177 = vector.broadcast %mul3A_176 : i32 to vector<16xi32>
        %add3A_178 = arith.addi %add3A_177, %iota3A : vector<16xi32>
        tpu.vector_store_idx %arg6[%add3A_178], %convert_element_type3A_10 {add = true} : memref<82048xf32, #tpu.memory_space<vmem>>[vector<16xi32>], vector<16xf32>,
        %eq3A_179 = arith.constant 10 : i32
        %eq3A_180 = vector.broadcast %eq3A_179 : i32 to vector<16xi32>
        %eq3A_181 = arith.cmpi eq, %iota3A, %eq3A_180 : vector<16xi32>
        %jit3A_182 = arith.constant 0 : i32
        %broadcast_in_dim3A_183 = vector.broadcast %jit3A_182 : i32 to vector<16xi32>
        %select_n3A_184 = arith.select %eq3A_181, %select_n3A, %broadcast_in_dim3A_183 : vector<16xi1>, vector<16xi32>
        %reduce_sum3A_185 = arith.constant true
        %reduce_sum3A_186 = vector.broadcast %reduce_sum3A_185 : i1 to vector<16xi1>
        %reduce_sum3A_187 = tpu.scan <sum>, %select_n3A_184 masked %reduce_sum3A_186 : vector<16xi32>, vector<16xi1> -> vector<16xi32>
        %reduce_sum3A_188 = vector.extract %reduce_sum3A_187[15] : i32 from vector<16xi32>
        %mul3A_189 = arith.constant 16 : i32
        %mul3A_190 = arith.muli %reduce_sum3A_188, %mul3A_189 : i32
        %add3A_191 = vector.broadcast %mul3A_190 : i32 to vector<16xi32>
        %add3A_192 = arith.addi %add3A_191, %iota3A : vector<16xi32>
        tpu.vector_store_idx %arg6[%add3A_192], %convert_element_type3A_10 {add = true} : memref<82048xf32, #tpu.memory_space<vmem>>[vector<16xi32>], vector<16xf32>,
        %eq3A_193 = arith.constant 11 : i32
        %eq3A_194 = vector.broadcast %eq3A_193 : i32 to vector<16xi32>
        %eq3A_195 = arith.cmpi eq, %iota3A, %eq3A_194 : vector<16xi32>
        %jit3A_196 = arith.constant 0 : i32
        %broadcast_in_dim3A_197 = vector.broadcast %jit3A_196 : i32 to vector<16xi32>
        %select_n3A_198 = arith.select %eq3A_195, %select_n3A, %broadcast_in_dim3A_197 : vector<16xi1>, vector<16xi32>
        %reduce_sum3A_199 = arith.constant true
        %reduce_sum3A_200 = vector.broadcast %reduce_sum3A_199 : i1 to vector<16xi1>
        %reduce_sum3A_201 = tpu.scan <sum>, %select_n3A_198 masked %reduce_sum3A_200 : vector<16xi32>, vector<16xi1> -> vector<16xi32>
        %reduce_sum3A_202 = vector.extract %reduce_sum3A_201[15] : i32 from vector<16xi32>
        %mul3A_203 = arith.constant 16 : i32
        %mul3A_204 = arith.muli %reduce_sum3A_202, %mul3A_203 : i32
        %add3A_205 = vector.broadcast %mul3A_204 : i32 to vector<16xi32>
        %add3A_206 = arith.addi %add3A_205, %iota3A : vector<16xi32>
        tpu.vector_store_idx %arg6[%add3A_206], %convert_element_type3A_10 {add = true} : memref<82048xf32, #tpu.memory_space<vmem>>[vector<16xi32>], vector<16xf32>,
        %eq3A_207 = arith.constant 12 : i32
        %eq3A_208 = vector.broadcast %eq3A_207 : i32 to vector<16xi32>
        %eq3A_209 = arith.cmpi eq, %iota3A, %eq3A_208 : vector<16xi32>
        %jit3A_210 = arith.constant 0 : i32
        %broadcast_in_dim3A_211 = vector.broadcast %jit3A_210 : i32 to vector<16xi32>
        %select_n3A_212 = arith.select %eq3A_209, %select_n3A, %broadcast_in_dim3A_211 : vector<16xi1>, vector<16xi32>
        %reduce_sum3A_213 = arith.constant true
        %reduce_sum3A_214 = vector.broadcast %reduce_sum3A_213 : i1 to vector<16xi1>
        %reduce_sum3A_215 = tpu.scan <sum>, %select_n3A_212 masked %reduce_sum3A_214 : vector<16xi32>, vector<16xi1> -> vector<16xi32>
        %reduce_sum3A_216 = vector.extract %reduce_sum3A_215[15] : i32 from vector<16xi32>
        %mul3A_217 = arith.constant 16 : i32
        %mul3A_218 = arith.muli %reduce_sum3A_216, %mul3A_217 : i32
        %add3A_219 = vector.broadcast %mul3A_218 : i32 to vector<16xi32>
        %add3A_220 = arith.addi %add3A_219, %iota3A : vector<16xi32>
        tpu.vector_store_idx %arg6[%add3A_220], %convert_element_type3A_10 {add = true} : memref<82048xf32, #tpu.memory_space<vmem>>[vector<16xi32>], vector<16xf32>,
        %eq3A_221 = arith.constant 13 : i32
        %eq3A_222 = vector.broadcast %eq3A_221 : i32 to vector<16xi32>
        %eq3A_223 = arith.cmpi eq, %iota3A, %eq3A_222 : vector<16xi32>
        %jit3A_224 = arith.constant 0 : i32
        %broadcast_in_dim3A_225 = vector.broadcast %jit3A_224 : i32 to vector<16xi32>
        %select_n3A_226 = arith.select %eq3A_223, %select_n3A, %broadcast_in_dim3A_225 : vector<16xi1>, vector<16xi32>
        %reduce_sum3A_227 = arith.constant true
        %reduce_sum3A_228 = vector.broadcast %reduce_sum3A_227 : i1 to vector<16xi1>
        %reduce_sum3A_229 = tpu.scan <sum>, %select_n3A_226 masked %reduce_sum3A_228 : vector<16xi32>, vector<16xi1> -> vector<16xi32>
        %reduce_sum3A_230 = vector.extract %reduce_sum3A_229[15] : i32 from vector<16xi32>
        %mul3A_231 = arith.constant 16 : i32
        %mul3A_232 = arith.muli %reduce_sum3A_230, %mul3A_231 : i32
        %add3A_233 = vector.broadcast %mul3A_232 : i32 to vector<16xi32>
        %add3A_234 = arith.addi %add3A_233, %iota3A : vector<16xi32>
        tpu.vector_store_idx %arg6[%add3A_234], %convert_element_type3A_10 {add = true} : memref<82048xf32, #tpu.memory_space<vmem>>[vector<16xi32>], vector<16xf32>,
        %eq3A_235 = arith.constant 14 : i32
        %eq3A_236 = vector.broadcast %eq3A_235 : i32 to vector<16xi32>
        %eq3A_237 = arith.cmpi eq, %iota3A, %eq3A_236 : vector<16xi32>
        %jit3A_238 = arith.constant 0 : i32
        %broadcast_in_dim3A_239 = vector.broadcast %jit3A_238 : i32 to vector<16xi32>
        %select_n3A_240 = arith.select %eq3A_237, %select_n3A, %broadcast_in_dim3A_239 : vector<16xi1>, vector<16xi32>
        %reduce_sum3A_241 = arith.constant true
        %reduce_sum3A_242 = vector.broadcast %reduce_sum3A_241 : i1 to vector<16xi1>
        %reduce_sum3A_243 = tpu.scan <sum>, %select_n3A_240 masked %reduce_sum3A_242 : vector<16xi32>, vector<16xi1> -> vector<16xi32>
        %reduce_sum3A_244 = vector.extract %reduce_sum3A_243[15] : i32 from vector<16xi32>
        %mul3A_245 = arith.constant 16 : i32
        %mul3A_246 = arith.muli %reduce_sum3A_244, %mul3A_245 : i32
        %add3A_247 = vector.broadcast %mul3A_246 : i32 to vector<16xi32>
        %add3A_248 = arith.addi %add3A_247, %iota3A : vector<16xi32>
        tpu.vector_store_idx %arg6[%add3A_248], %convert_element_type3A_10 {add = true} : memref<82048xf32, #tpu.memory_space<vmem>>[vector<16xi32>], vector<16xf32>,
        %eq3A_249 = arith.constant 15 : i32
        %eq3A_250 = vector.broadcast %eq3A_249 : i32 to vector<16xi32>
        %eq3A_251 = arith.cmpi eq, %iota3A, %eq3A_250 : vector<16xi32>
        %jit3A_252 = arith.constant 0 : i32
        %broadcast_in_dim3A_253 = vector.broadcast %jit3A_252 : i32 to vector<16xi32>
        %select_n3A_254 = arith.select %eq3A_251, %select_n3A, %broadcast_in_dim3A_253 : vector<16xi1>, vector<16xi32>
        %reduce_sum3A_255 = arith.constant true
        %reduce_sum3A_256 = vector.broadcast %reduce_sum3A_255 : i1 to vector<16xi1>
        %reduce_sum3A_257 = tpu.scan <sum>, %select_n3A_254 masked %reduce_sum3A_256 : vector<16xi32>, vector<16xi1> -> vector<16xi32>
        %reduce_sum3A_258 = vector.extract %reduce_sum3A_257[15] : i32 from vector<16xi32>
        %mul3A_259 = arith.constant 16 : i32
        %mul3A_260 = arith.muli %reduce_sum3A_258, %mul3A_259 : i32
        %add3A_261 = vector.broadcast %mul3A_260 : i32 to vector<16xi32>
        %add3A_262 = arith.addi %add3A_261, %iota3A : vector<16xi32>
        tpu.vector_store_idx %arg6[%add3A_262], %convert_element_type3A_10 {add = true} : memref<82048xf32, #tpu.memory_space<vmem>>[vector<16xi32>], vector<16xf32>,
      }
      %scan3A_30 = arith.constant 8 : i32
    }
    %scan3A_16 = arith.constant 80 : i32
    %mul3A_17 = arith.constant 2 : i32
    %mul3A_18 = arith.muli %arg1, %mul3A_17 : i32
    %add3A = arith.addi %mul3A_18, %arg0 : i32
    %mul3A_19 = arith.constant 82048 : i32
    %mul3A_20 = arith.muli %add3A, %mul3A_19 : i32
    "tpu.region"() ({
      %run_scoped3A = tpu.sem_alloc : memref<!tpu.dma_semaphore, #tpu.memory_space<semaphore_mem>>
      %dma_start3A = tpu.memref_slice %arg3[%mul3A_20] : memref<2625536xf32, #tpu.memory_space<hbm>> -> memref<82048xf32, #tpu.memory_space<hbm>>
      %dma_start3A_21 = tpu.memref_slice %arg3[%mul3A_20] : memref<2625536xf32, #tpu.memory_space<hbm>> -> memref<82048xf32, #tpu.memory_space<hbm>>
      tpu.enqueue_dma source(%arg6 : memref<82048xf32, #tpu.memory_space<vmem>>) target(%dma_start3A_21 : memref<82048xf32, #tpu.memory_space<hbm>>) target_semaphore(%run_scoped3A : memref<!tpu.dma_semaphore, #tpu.memory_space<semaphore_mem>>)
      %dma_wait3A = tpu.memref_slice %arg3[%mul3A_20] : memref<2625536xf32, #tpu.memory_space<hbm>> -> memref<82048xf32, #tpu.memory_space<hbm>>
      %dma_wait3A_22 = tpu.memref_slice %arg3[%mul3A_20] : memref<2625536xf32, #tpu.memory_space<hbm>> -> memref<82048xf32, #tpu.memory_space<hbm>>
      tpu.wait_dma2 semaphore(%run_scoped3A : memref<!tpu.dma_semaphore, #tpu.memory_space<semaphore_mem>>) src(%arg6 : memref<82048xf32, #tpu.memory_space<vmem>>) dst(%dma_wait3A_22 : memref<82048xf32, #tpu.memory_space<hbm>>)
      tpu.yield
    }) : () -> ()
    return
  }
}

#map = affine_map<(d0, d1) -> (0, 0)>
#map1 = affine_map<(d0, d1) -> (0)>
module attributes {stable_mosaic.version = 14 : i64} {
  func.func @k(%arg0: i32, %arg1: i32, %arg2: memref<163840x16xf32, #tpu.memory_space<hbm>>, %arg3: memref<163840xi32, #tpu.memory_space<hbm>>, %arg4: memref<2625536xf32, #tpu.memory_space<hbm>>, %arg5: memref<128xi32, #tpu.memory_space<vmem>>, %arg6: memref<128x16xf32, #tpu.memory_space<vmem>>, %arg7: memref<82048xf32, #tpu.memory_space<vmem>>) attributes {dimension_semantics = [#tpu.dimension_semantics<core_parallel>, #tpu.dimension_semantics<subcore_parallel>], iteration_bounds = array<i64: 2, 16>, scalar_prefetch = 0 : i64, scratch_operands = 3 : i64, tpu.core_type = #tpu.core_type<sc_vector_subcore>, window_params = [{transform_indices = #map}, {transform_indices = #map1}, {transform_indices = #map1}]} {
    %mul3A = arith.constant 10240 : i32
    %mul3A_0 = arith.muli %arg1, %mul3A : i32
    %mul3A_1 = arith.constant 5120 : i32
    %mul3A_2 = arith.muli %arg0, %mul3A_1 : i32
    %iota3A = tpu.iota {dimensions = array<i32: 0>} : vector<16xi32>
    %scan3A = arith.constant 0 : i32
    %scan3A_3 = arith.constant 0 : i32
    %scan3A_4 = arith.constant 5128 : i32
    %scan3A_5 = arith.addi %scan3A_3, %scan3A_4 : i32
    %scan3A_6 = arith.constant 1 : i32
    scf.for %scan3A_21 = %scan3A_3 to %scan3A_5 step %scan3A_6  : i32 {
      %broadcast_in_dim3A = arith.constant 0.000000e+00 : f32
      %broadcast_in_dim3A_22 = vector.broadcast %broadcast_in_dim3A : f32 to vector<16xf32>
      %mul3A_23 = arith.constant 16 : i32
      %mul3A_24 = arith.muli %scan3A_21, %mul3A_23 : i32
      %swap3A = arith.index_cast %mul3A_24 : i32 to index
      %swap3A_25 = tpu.vector_load %arg7[%swap3A] {strides = array<i32>} : memref<82048xf32, #tpu.memory_space<vmem>>, vector<16xf32>,
      tpu.vector_store %arg7[%swap3A], %broadcast_in_dim3A_22 {strides = array<i32>} : memref<82048xf32, #tpu.memory_space<vmem>>, vector<16xf32>,
    }
    %scan3A_7 = arith.constant 5128 : i32
    %eq3A = arith.constant 0 : i32
    %eq3A_8 = vector.broadcast %eq3A : i32 to vector<16xi32>
    %eq3A_9 = arith.cmpi eq, %iota3A, %eq3A_8 : vector<16xi32>
    %convert_element_type3A = arith.extui %eq3A_9 : vector<16xi1> to vector<16xi32>
    %convert_element_type3A_10 = arith.sitofp %convert_element_type3A : vector<16xi32> to vector<16xf32>
    %scan3A_11 = arith.constant 0 : i32
    %scan3A_12 = arith.constant 0 : i32
    %scan3A_13 = arith.constant 80 : i32
    %scan3A_14 = arith.addi %scan3A_12, %scan3A_13 : i32
    %scan3A_15 = arith.constant 1 : i32
    scf.for %scan3A_21 = %scan3A_12 to %scan3A_14 step %scan3A_15  : i32 {
      %mul3A_22 = arith.constant 128 : i32
      %mul3A_23 = arith.muli %scan3A_21, %mul3A_22 : i32
      %add3A_24 = arith.addi %mul3A_0, %mul3A_23 : i32
      "tpu.region"() ({
        %run_scoped3A = tpu.sem_alloc : memref<!tpu.dma_semaphore, #tpu.memory_space<semaphore_mem>>
        %dma_start3A = tpu.memref_slice %arg3[%add3A_24] : memref<163840xi32, #tpu.memory_space<hbm>> -> memref<128xi32, #tpu.memory_space<hbm>>
        %dma_start3A_31 = tpu.memref_slice %arg3[%add3A_24] : memref<163840xi32, #tpu.memory_space<hbm>> -> memref<128xi32, #tpu.memory_space<hbm>>
        tpu.enqueue_dma source(%dma_start3A_31 : memref<128xi32, #tpu.memory_space<hbm>>) target(%arg5 : memref<128xi32, #tpu.memory_space<vmem>>) target_semaphore(%run_scoped3A : memref<!tpu.dma_semaphore, #tpu.memory_space<semaphore_mem>>)
        %dma_wait3A = tpu.memref_slice %arg3[%add3A_24] : memref<163840xi32, #tpu.memory_space<hbm>> -> memref<128xi32, #tpu.memory_space<hbm>>
        %dma_wait3A_32 = tpu.memref_slice %arg3[%add3A_24] : memref<163840xi32, #tpu.memory_space<hbm>> -> memref<128xi32, #tpu.memory_space<hbm>>
        tpu.wait_dma2 semaphore(%run_scoped3A : memref<!tpu.dma_semaphore, #tpu.memory_space<semaphore_mem>>) src(%dma_wait3A_32 : memref<128xi32, #tpu.memory_space<hbm>>) dst(%arg5 : memref<128xi32, #tpu.memory_space<vmem>>)
        tpu.yield
      }) : () -> ()
      "tpu.region"() ({
        %run_scoped3A = tpu.sem_alloc : memref<!tpu.dma_semaphore, #tpu.memory_space<semaphore_mem>>
        %dma_start3A = arith.constant 0 : i32
        %dma_start3A_31 = tpu.memref_slice %arg2[%add3A_24, %dma_start3A] : memref<163840x16xf32, #tpu.memory_space<hbm>> -> memref<128x16xf32, #tpu.memory_space<hbm>>
        %dma_start3A_32 = arith.constant 0 : i32
        %dma_start3A_33 = tpu.memref_slice %arg2[%add3A_24, %dma_start3A_32] : memref<163840x16xf32, #tpu.memory_space<hbm>> -> memref<128x16xf32, #tpu.memory_space<hbm>>
        tpu.enqueue_dma source(%dma_start3A_33 : memref<128x16xf32, #tpu.memory_space<hbm>>) target(%arg6 : memref<128x16xf32, #tpu.memory_space<vmem>>) target_semaphore(%run_scoped3A : memref<!tpu.dma_semaphore, #tpu.memory_space<semaphore_mem>>)
        %dma_wait3A = arith.constant 0 : i32
        %dma_wait3A_34 = tpu.memref_slice %arg2[%add3A_24, %dma_wait3A] : memref<163840x16xf32, #tpu.memory_space<hbm>> -> memref<128x16xf32, #tpu.memory_space<hbm>>
        %dma_wait3A_35 = arith.constant 0 : i32
        %dma_wait3A_36 = tpu.memref_slice %arg2[%add3A_24, %dma_wait3A_35] : memref<163840x16xf32, #tpu.memory_space<hbm>> -> memref<128x16xf32, #tpu.memory_space<hbm>>
        tpu.wait_dma2 semaphore(%run_scoped3A : memref<!tpu.dma_semaphore, #tpu.memory_space<semaphore_mem>>) src(%dma_wait3A_36 : memref<128x16xf32, #tpu.memory_space<hbm>>) dst(%arg6 : memref<128x16xf32, #tpu.memory_space<vmem>>)
        tpu.yield
      }) : () -> ()
      %scan3A_25 = arith.constant 0 : i32
      %scan3A_26 = arith.constant 0 : i32
      %scan3A_27 = arith.constant 8 : i32
      %scan3A_28 = arith.addi %scan3A_26, %scan3A_27 : i32
      %scan3A_29 = arith.constant 1 : i32
      scf.for %scan3A_31 = %scan3A_26 to %scan3A_28 step %scan3A_29  : i32 {
        %mul3A_32 = arith.constant 16 : i32
        %mul3A_33 = arith.muli %scan3A_31, %mul3A_32 : i32
        %get3A = arith.index_cast %mul3A_33 : i32 to index
        %get3A_34 = tpu.vector_load %arg5[%get3A] {strides = array<i32>} : memref<128xi32, #tpu.memory_space<vmem>>, vector<16xi32>,
        %sub3A = vector.broadcast %mul3A_2 : i32 to vector<16xi32>
        %sub3A_35 = arith.subi %get3A_34, %sub3A : vector<16xi32>
        %ge3A = arith.constant 0 : i32
        %ge3A_36 = vector.broadcast %ge3A : i32 to vector<16xi32>
        %ge3A_37 = arith.cmpi sge, %sub3A_35, %ge3A_36 : vector<16xi32>
        %lt3A = arith.constant 5120 : i32
        %lt3A_38 = vector.broadcast %lt3A : i32 to vector<16xi32>
        %lt3A_39 = arith.cmpi slt, %sub3A_35, %lt3A_38 : vector<16xi32>
        %and3A = arith.andi %ge3A_37, %lt3A_39 : vector<16xi1>
        %jit3A = arith.constant 5120 : i32
        %broadcast_in_dim3A = vector.broadcast %jit3A : i32 to vector<16xi32>
        %select_n3A = arith.select %and3A, %sub3A_35, %broadcast_in_dim3A : vector<16xi1>, vector<16xi32>
        %eq3A_40 = arith.constant 0 : i32
        %eq3A_41 = vector.broadcast %eq3A_40 : i32 to vector<16xi32>
        %eq3A_42 = arith.cmpi eq, %iota3A, %eq3A_41 : vector<16xi32>
        %jit3A_43 = arith.constant 0 : i32
        %broadcast_in_dim3A_44 = vector.broadcast %jit3A_43 : i32 to vector<16xi32>
        %select_n3A_45 = arith.select %eq3A_42, %select_n3A, %broadcast_in_dim3A_44 : vector<16xi1>, vector<16xi32>
        %reduce_sum3A = arith.constant true
        %reduce_sum3A_46 = vector.broadcast %reduce_sum3A : i1 to vector<16xi1>
        %reduce_sum3A_47 = tpu.scan <sum>, %select_n3A_45 masked %reduce_sum3A_46 : vector<16xi32>, vector<16xi1> -> vector<16xi32>
        %reduce_sum3A_48 = vector.extract %reduce_sum3A_47[15] : i32 from vector<16xi32>
        %mul3A_49 = arith.constant 16 : i32
        %mul3A_50 = arith.muli %reduce_sum3A_48, %mul3A_49 : i32
        %add3A_51 = vector.broadcast %mul3A_50 : i32 to vector<16xi32>
        %add3A_52 = arith.addi %add3A_51, %iota3A : vector<16xi32>
        %mul3A_53 = arith.constant 16 : i32
        %mul3A_54 = arith.muli %scan3A_31, %mul3A_53 : i32
        %add3A_55 = arith.constant 0 : i32
        %add3A_56 = arith.addi %mul3A_54, %add3A_55 : i32
        %get3A_57 = arith.index_cast %add3A_56 : i32 to index
        %get3A_58 = arith.constant 0 : index
        %get3A_59 = tpu.vector_load %arg6[%get3A_57, %get3A_58] {strides = array<i32>} : memref<128x16xf32, #tpu.memory_space<vmem>>, vector<16xf32>,
        tpu.vector_store_idx %arg7[%add3A_52], %get3A_59 {add = true} : memref<82048xf32, #tpu.memory_space<vmem>>[vector<16xi32>], vector<16xf32>,
        %eq3A_60 = arith.constant 1 : i32
        %eq3A_61 = vector.broadcast %eq3A_60 : i32 to vector<16xi32>
        %eq3A_62 = arith.cmpi eq, %iota3A, %eq3A_61 : vector<16xi32>
        %jit3A_63 = arith.constant 0 : i32
        %broadcast_in_dim3A_64 = vector.broadcast %jit3A_63 : i32 to vector<16xi32>
        %select_n3A_65 = arith.select %eq3A_62, %select_n3A, %broadcast_in_dim3A_64 : vector<16xi1>, vector<16xi32>
        %reduce_sum3A_66 = arith.constant true
        %reduce_sum3A_67 = vector.broadcast %reduce_sum3A_66 : i1 to vector<16xi1>
        %reduce_sum3A_68 = tpu.scan <sum>, %select_n3A_65 masked %reduce_sum3A_67 : vector<16xi32>, vector<16xi1> -> vector<16xi32>
        %reduce_sum3A_69 = vector.extract %reduce_sum3A_68[15] : i32 from vector<16xi32>
        %mul3A_70 = arith.constant 16 : i32
        %mul3A_71 = arith.muli %reduce_sum3A_69, %mul3A_70 : i32
        %add3A_72 = vector.broadcast %mul3A_71 : i32 to vector<16xi32>
        %add3A_73 = arith.addi %add3A_72, %iota3A : vector<16xi32>
        %mul3A_74 = arith.constant 16 : i32
        %mul3A_75 = arith.muli %scan3A_31, %mul3A_74 : i32
        %add3A_76 = arith.constant 1 : i32
        %add3A_77 = arith.addi %mul3A_75, %add3A_76 : i32
        %get3A_78 = arith.index_cast %add3A_77 : i32 to index
        %get3A_79 = arith.constant 0 : index
        %get3A_80 = tpu.vector_load %arg6[%get3A_78, %get3A_79] {strides = array<i32>} : memref<128x16xf32, #tpu.memory_space<vmem>>, vector<16xf32>,
        tpu.vector_store_idx %arg7[%add3A_73], %get3A_80 {add = true} : memref<82048xf32, #tpu.memory_space<vmem>>[vector<16xi32>], vector<16xf32>,
        %eq3A_81 = arith.constant 2 : i32
        %eq3A_82 = vector.broadcast %eq3A_81 : i32 to vector<16xi32>
        %eq3A_83 = arith.cmpi eq, %iota3A, %eq3A_82 : vector<16xi32>
        %jit3A_84 = arith.constant 0 : i32
        %broadcast_in_dim3A_85 = vector.broadcast %jit3A_84 : i32 to vector<16xi32>
        %select_n3A_86 = arith.select %eq3A_83, %select_n3A, %broadcast_in_dim3A_85 : vector<16xi1>, vector<16xi32>
        %reduce_sum3A_87 = arith.constant true
        %reduce_sum3A_88 = vector.broadcast %reduce_sum3A_87 : i1 to vector<16xi1>
        %reduce_sum3A_89 = tpu.scan <sum>, %select_n3A_86 masked %reduce_sum3A_88 : vector<16xi32>, vector<16xi1> -> vector<16xi32>
        %reduce_sum3A_90 = vector.extract %reduce_sum3A_89[15] : i32 from vector<16xi32>
        %mul3A_91 = arith.constant 16 : i32
        %mul3A_92 = arith.muli %reduce_sum3A_90, %mul3A_91 : i32
        %add3A_93 = vector.broadcast %mul3A_92 : i32 to vector<16xi32>
        %add3A_94 = arith.addi %add3A_93, %iota3A : vector<16xi32>
        %mul3A_95 = arith.constant 16 : i32
        %mul3A_96 = arith.muli %scan3A_31, %mul3A_95 : i32
        %add3A_97 = arith.constant 2 : i32
        %add3A_98 = arith.addi %mul3A_96, %add3A_97 : i32
        %get3A_99 = arith.index_cast %add3A_98 : i32 to index
        %get3A_100 = arith.constant 0 : index
        %get3A_101 = tpu.vector_load %arg6[%get3A_99, %get3A_100] {strides = array<i32>} : memref<128x16xf32, #tpu.memory_space<vmem>>, vector<16xf32>,
        tpu.vector_store_idx %arg7[%add3A_94], %get3A_101 {add = true} : memref<82048xf32, #tpu.memory_space<vmem>>[vector<16xi32>], vector<16xf32>,
        %eq3A_102 = arith.constant 3 : i32
        %eq3A_103 = vector.broadcast %eq3A_102 : i32 to vector<16xi32>
        %eq3A_104 = arith.cmpi eq, %iota3A, %eq3A_103 : vector<16xi32>
        %jit3A_105 = arith.constant 0 : i32
        %broadcast_in_dim3A_106 = vector.broadcast %jit3A_105 : i32 to vector<16xi32>
        %select_n3A_107 = arith.select %eq3A_104, %select_n3A, %broadcast_in_dim3A_106 : vector<16xi1>, vector<16xi32>
        %reduce_sum3A_108 = arith.constant true
        %reduce_sum3A_109 = vector.broadcast %reduce_sum3A_108 : i1 to vector<16xi1>
        %reduce_sum3A_110 = tpu.scan <sum>, %select_n3A_107 masked %reduce_sum3A_109 : vector<16xi32>, vector<16xi1> -> vector<16xi32>
        %reduce_sum3A_111 = vector.extract %reduce_sum3A_110[15] : i32 from vector<16xi32>
        %mul3A_112 = arith.constant 16 : i32
        %mul3A_113 = arith.muli %reduce_sum3A_111, %mul3A_112 : i32
        %add3A_114 = vector.broadcast %mul3A_113 : i32 to vector<16xi32>
        %add3A_115 = arith.addi %add3A_114, %iota3A : vector<16xi32>
        %mul3A_116 = arith.constant 16 : i32
        %mul3A_117 = arith.muli %scan3A_31, %mul3A_116 : i32
        %add3A_118 = arith.constant 3 : i32
        %add3A_119 = arith.addi %mul3A_117, %add3A_118 : i32
        %get3A_120 = arith.index_cast %add3A_119 : i32 to index
        %get3A_121 = arith.constant 0 : index
        %get3A_122 = tpu.vector_load %arg6[%get3A_120, %get3A_121] {strides = array<i32>} : memref<128x16xf32, #tpu.memory_space<vmem>>, vector<16xf32>,
        tpu.vector_store_idx %arg7[%add3A_115], %get3A_122 {add = true} : memref<82048xf32, #tpu.memory_space<vmem>>[vector<16xi32>], vector<16xf32>,
        %eq3A_123 = arith.constant 4 : i32
        %eq3A_124 = vector.broadcast %eq3A_123 : i32 to vector<16xi32>
        %eq3A_125 = arith.cmpi eq, %iota3A, %eq3A_124 : vector<16xi32>
        %jit3A_126 = arith.constant 0 : i32
        %broadcast_in_dim3A_127 = vector.broadcast %jit3A_126 : i32 to vector<16xi32>
        %select_n3A_128 = arith.select %eq3A_125, %select_n3A, %broadcast_in_dim3A_127 : vector<16xi1>, vector<16xi32>
        %reduce_sum3A_129 = arith.constant true
        %reduce_sum3A_130 = vector.broadcast %reduce_sum3A_129 : i1 to vector<16xi1>
        %reduce_sum3A_131 = tpu.scan <sum>, %select_n3A_128 masked %reduce_sum3A_130 : vector<16xi32>, vector<16xi1> -> vector<16xi32>
        %reduce_sum3A_132 = vector.extract %reduce_sum3A_131[15] : i32 from vector<16xi32>
        %mul3A_133 = arith.constant 16 : i32
        %mul3A_134 = arith.muli %reduce_sum3A_132, %mul3A_133 : i32
        %add3A_135 = vector.broadcast %mul3A_134 : i32 to vector<16xi32>
        %add3A_136 = arith.addi %add3A_135, %iota3A : vector<16xi32>
        %mul3A_137 = arith.constant 16 : i32
        %mul3A_138 = arith.muli %scan3A_31, %mul3A_137 : i32
        %add3A_139 = arith.constant 4 : i32
        %add3A_140 = arith.addi %mul3A_138, %add3A_139 : i32
        %get3A_141 = arith.index_cast %add3A_140 : i32 to index
        %get3A_142 = arith.constant 0 : index
        %get3A_143 = tpu.vector_load %arg6[%get3A_141, %get3A_142] {strides = array<i32>} : memref<128x16xf32, #tpu.memory_space<vmem>>, vector<16xf32>,
        tpu.vector_store_idx %arg7[%add3A_136], %get3A_143 {add = true} : memref<82048xf32, #tpu.memory_space<vmem>>[vector<16xi32>], vector<16xf32>,
        %eq3A_144 = arith.constant 5 : i32
        %eq3A_145 = vector.broadcast %eq3A_144 : i32 to vector<16xi32>
        %eq3A_146 = arith.cmpi eq, %iota3A, %eq3A_145 : vector<16xi32>
        %jit3A_147 = arith.constant 0 : i32
        %broadcast_in_dim3A_148 = vector.broadcast %jit3A_147 : i32 to vector<16xi32>
        %select_n3A_149 = arith.select %eq3A_146, %select_n3A, %broadcast_in_dim3A_148 : vector<16xi1>, vector<16xi32>
        %reduce_sum3A_150 = arith.constant true
        %reduce_sum3A_151 = vector.broadcast %reduce_sum3A_150 : i1 to vector<16xi1>
        %reduce_sum3A_152 = tpu.scan <sum>, %select_n3A_149 masked %reduce_sum3A_151 : vector<16xi32>, vector<16xi1> -> vector<16xi32>
        %reduce_sum3A_153 = vector.extract %reduce_sum3A_152[15] : i32 from vector<16xi32>
        %mul3A_154 = arith.constant 16 : i32
        %mul3A_155 = arith.muli %reduce_sum3A_153, %mul3A_154 : i32
        %add3A_156 = vector.broadcast %mul3A_155 : i32 to vector<16xi32>
        %add3A_157 = arith.addi %add3A_156, %iota3A : vector<16xi32>
        %mul3A_158 = arith.constant 16 : i32
        %mul3A_159 = arith.muli %scan3A_31, %mul3A_158 : i32
        %add3A_160 = arith.constant 5 : i32
        %add3A_161 = arith.addi %mul3A_159, %add3A_160 : i32
        %get3A_162 = arith.index_cast %add3A_161 : i32 to index
        %get3A_163 = arith.constant 0 : index
        %get3A_164 = tpu.vector_load %arg6[%get3A_162, %get3A_163] {strides = array<i32>} : memref<128x16xf32, #tpu.memory_space<vmem>>, vector<16xf32>,
        tpu.vector_store_idx %arg7[%add3A_157], %get3A_164 {add = true} : memref<82048xf32, #tpu.memory_space<vmem>>[vector<16xi32>], vector<16xf32>,
        %eq3A_165 = arith.constant 6 : i32
        %eq3A_166 = vector.broadcast %eq3A_165 : i32 to vector<16xi32>
        %eq3A_167 = arith.cmpi eq, %iota3A, %eq3A_166 : vector<16xi32>
        %jit3A_168 = arith.constant 0 : i32
        %broadcast_in_dim3A_169 = vector.broadcast %jit3A_168 : i32 to vector<16xi32>
        %select_n3A_170 = arith.select %eq3A_167, %select_n3A, %broadcast_in_dim3A_169 : vector<16xi1>, vector<16xi32>
        %reduce_sum3A_171 = arith.constant true
        %reduce_sum3A_172 = vector.broadcast %reduce_sum3A_171 : i1 to vector<16xi1>
        %reduce_sum3A_173 = tpu.scan <sum>, %select_n3A_170 masked %reduce_sum3A_172 : vector<16xi32>, vector<16xi1> -> vector<16xi32>
        %reduce_sum3A_174 = vector.extract %reduce_sum3A_173[15] : i32 from vector<16xi32>
        %mul3A_175 = arith.constant 16 : i32
        %mul3A_176 = arith.muli %reduce_sum3A_174, %mul3A_175 : i32
        %add3A_177 = vector.broadcast %mul3A_176 : i32 to vector<16xi32>
        %add3A_178 = arith.addi %add3A_177, %iota3A : vector<16xi32>
        %mul3A_179 = arith.constant 16 : i32
        %mul3A_180 = arith.muli %scan3A_31, %mul3A_179 : i32
        %add3A_181 = arith.constant 6 : i32
        %add3A_182 = arith.addi %mul3A_180, %add3A_181 : i32
        %get3A_183 = arith.index_cast %add3A_182 : i32 to index
        %get3A_184 = arith.constant 0 : index
        %get3A_185 = tpu.vector_load %arg6[%get3A_183, %get3A_184] {strides = array<i32>} : memref<128x16xf32, #tpu.memory_space<vmem>>, vector<16xf32>,
        tpu.vector_store_idx %arg7[%add3A_178], %get3A_185 {add = true} : memref<82048xf32, #tpu.memory_space<vmem>>[vector<16xi32>], vector<16xf32>,
        %eq3A_186 = arith.constant 7 : i32
        %eq3A_187 = vector.broadcast %eq3A_186 : i32 to vector<16xi32>
        %eq3A_188 = arith.cmpi eq, %iota3A, %eq3A_187 : vector<16xi32>
        %jit3A_189 = arith.constant 0 : i32
        %broadcast_in_dim3A_190 = vector.broadcast %jit3A_189 : i32 to vector<16xi32>
        %select_n3A_191 = arith.select %eq3A_188, %select_n3A, %broadcast_in_dim3A_190 : vector<16xi1>, vector<16xi32>
        %reduce_sum3A_192 = arith.constant true
        %reduce_sum3A_193 = vector.broadcast %reduce_sum3A_192 : i1 to vector<16xi1>
        %reduce_sum3A_194 = tpu.scan <sum>, %select_n3A_191 masked %reduce_sum3A_193 : vector<16xi32>, vector<16xi1> -> vector<16xi32>
        %reduce_sum3A_195 = vector.extract %reduce_sum3A_194[15] : i32 from vector<16xi32>
        %mul3A_196 = arith.constant 16 : i32
        %mul3A_197 = arith.muli %reduce_sum3A_195, %mul3A_196 : i32
        %add3A_198 = vector.broadcast %mul3A_197 : i32 to vector<16xi32>
        %add3A_199 = arith.addi %add3A_198, %iota3A : vector<16xi32>
        %mul3A_200 = arith.constant 16 : i32
        %mul3A_201 = arith.muli %scan3A_31, %mul3A_200 : i32
        %add3A_202 = arith.constant 7 : i32
        %add3A_203 = arith.addi %mul3A_201, %add3A_202 : i32
        %get3A_204 = arith.index_cast %add3A_203 : i32 to index
        %get3A_205 = arith.constant 0 : index
        %get3A_206 = tpu.vector_load %arg6[%get3A_204, %get3A_205] {strides = array<i32>} : memref<128x16xf32, #tpu.memory_space<vmem>>, vector<16xf32>,
        tpu.vector_store_idx %arg7[%add3A_199], %get3A_206 {add = true} : memref<82048xf32, #tpu.memory_space<vmem>>[vector<16xi32>], vector<16xf32>,
        %eq3A_207 = arith.constant 8 : i32
        %eq3A_208 = vector.broadcast %eq3A_207 : i32 to vector<16xi32>
        %eq3A_209 = arith.cmpi eq, %iota3A, %eq3A_208 : vector<16xi32>
        %jit3A_210 = arith.constant 0 : i32
        %broadcast_in_dim3A_211 = vector.broadcast %jit3A_210 : i32 to vector<16xi32>
        %select_n3A_212 = arith.select %eq3A_209, %select_n3A, %broadcast_in_dim3A_211 : vector<16xi1>, vector<16xi32>
        %reduce_sum3A_213 = arith.constant true
        %reduce_sum3A_214 = vector.broadcast %reduce_sum3A_213 : i1 to vector<16xi1>
        %reduce_sum3A_215 = tpu.scan <sum>, %select_n3A_212 masked %reduce_sum3A_214 : vector<16xi32>, vector<16xi1> -> vector<16xi32>
        %reduce_sum3A_216 = vector.extract %reduce_sum3A_215[15] : i32 from vector<16xi32>
        %mul3A_217 = arith.constant 16 : i32
        %mul3A_218 = arith.muli %reduce_sum3A_216, %mul3A_217 : i32
        %add3A_219 = vector.broadcast %mul3A_218 : i32 to vector<16xi32>
        %add3A_220 = arith.addi %add3A_219, %iota3A : vector<16xi32>
        %mul3A_221 = arith.constant 16 : i32
        %mul3A_222 = arith.muli %scan3A_31, %mul3A_221 : i32
        %add3A_223 = arith.constant 8 : i32
        %add3A_224 = arith.addi %mul3A_222, %add3A_223 : i32
        %get3A_225 = arith.index_cast %add3A_224 : i32 to index
        %get3A_226 = arith.constant 0 : index
        %get3A_227 = tpu.vector_load %arg6[%get3A_225, %get3A_226] {strides = array<i32>} : memref<128x16xf32, #tpu.memory_space<vmem>>, vector<16xf32>,
        tpu.vector_store_idx %arg7[%add3A_220], %get3A_227 {add = true} : memref<82048xf32, #tpu.memory_space<vmem>>[vector<16xi32>], vector<16xf32>,
        %eq3A_228 = arith.constant 9 : i32
        %eq3A_229 = vector.broadcast %eq3A_228 : i32 to vector<16xi32>
        %eq3A_230 = arith.cmpi eq, %iota3A, %eq3A_229 : vector<16xi32>
        %jit3A_231 = arith.constant 0 : i32
        %broadcast_in_dim3A_232 = vector.broadcast %jit3A_231 : i32 to vector<16xi32>
        %select_n3A_233 = arith.select %eq3A_230, %select_n3A, %broadcast_in_dim3A_232 : vector<16xi1>, vector<16xi32>
        %reduce_sum3A_234 = arith.constant true
        %reduce_sum3A_235 = vector.broadcast %reduce_sum3A_234 : i1 to vector<16xi1>
        %reduce_sum3A_236 = tpu.scan <sum>, %select_n3A_233 masked %reduce_sum3A_235 : vector<16xi32>, vector<16xi1> -> vector<16xi32>
        %reduce_sum3A_237 = vector.extract %reduce_sum3A_236[15] : i32 from vector<16xi32>
        %mul3A_238 = arith.constant 16 : i32
        %mul3A_239 = arith.muli %reduce_sum3A_237, %mul3A_238 : i32
        %add3A_240 = vector.broadcast %mul3A_239 : i32 to vector<16xi32>
        %add3A_241 = arith.addi %add3A_240, %iota3A : vector<16xi32>
        %mul3A_242 = arith.constant 16 : i32
        %mul3A_243 = arith.muli %scan3A_31, %mul3A_242 : i32
        %add3A_244 = arith.constant 9 : i32
        %add3A_245 = arith.addi %mul3A_243, %add3A_244 : i32
        %get3A_246 = arith.index_cast %add3A_245 : i32 to index
        %get3A_247 = arith.constant 0 : index
        %get3A_248 = tpu.vector_load %arg6[%get3A_246, %get3A_247] {strides = array<i32>} : memref<128x16xf32, #tpu.memory_space<vmem>>, vector<16xf32>,
        tpu.vector_store_idx %arg7[%add3A_241], %get3A_248 {add = true} : memref<82048xf32, #tpu.memory_space<vmem>>[vector<16xi32>], vector<16xf32>,
        %eq3A_249 = arith.constant 10 : i32
        %eq3A_250 = vector.broadcast %eq3A_249 : i32 to vector<16xi32>
        %eq3A_251 = arith.cmpi eq, %iota3A, %eq3A_250 : vector<16xi32>
        %jit3A_252 = arith.constant 0 : i32
        %broadcast_in_dim3A_253 = vector.broadcast %jit3A_252 : i32 to vector<16xi32>
        %select_n3A_254 = arith.select %eq3A_251, %select_n3A, %broadcast_in_dim3A_253 : vector<16xi1>, vector<16xi32>
        %reduce_sum3A_255 = arith.constant true
        %reduce_sum3A_256 = vector.broadcast %reduce_sum3A_255 : i1 to vector<16xi1>
        %reduce_sum3A_257 = tpu.scan <sum>, %select_n3A_254 masked %reduce_sum3A_256 : vector<16xi32>, vector<16xi1> -> vector<16xi32>
        %reduce_sum3A_258 = vector.extract %reduce_sum3A_257[15] : i32 from vector<16xi32>
        %mul3A_259 = arith.constant 16 : i32
        %mul3A_260 = arith.muli %reduce_sum3A_258, %mul3A_259 : i32
        %add3A_261 = vector.broadcast %mul3A_260 : i32 to vector<16xi32>
        %add3A_262 = arith.addi %add3A_261, %iota3A : vector<16xi32>
        %mul3A_263 = arith.constant 16 : i32
        %mul3A_264 = arith.muli %scan3A_31, %mul3A_263 : i32
        %add3A_265 = arith.constant 10 : i32
        %add3A_266 = arith.addi %mul3A_264, %add3A_265 : i32
        %get3A_267 = arith.index_cast %add3A_266 : i32 to index
        %get3A_268 = arith.constant 0 : index
        %get3A_269 = tpu.vector_load %arg6[%get3A_267, %get3A_268] {strides = array<i32>} : memref<128x16xf32, #tpu.memory_space<vmem>>, vector<16xf32>,
        tpu.vector_store_idx %arg7[%add3A_262], %get3A_269 {add = true} : memref<82048xf32, #tpu.memory_space<vmem>>[vector<16xi32>], vector<16xf32>,
        %eq3A_270 = arith.constant 11 : i32
        %eq3A_271 = vector.broadcast %eq3A_270 : i32 to vector<16xi32>
        %eq3A_272 = arith.cmpi eq, %iota3A, %eq3A_271 : vector<16xi32>
        %jit3A_273 = arith.constant 0 : i32
        %broadcast_in_dim3A_274 = vector.broadcast %jit3A_273 : i32 to vector<16xi32>
        %select_n3A_275 = arith.select %eq3A_272, %select_n3A, %broadcast_in_dim3A_274 : vector<16xi1>, vector<16xi32>
        %reduce_sum3A_276 = arith.constant true
        %reduce_sum3A_277 = vector.broadcast %reduce_sum3A_276 : i1 to vector<16xi1>
        %reduce_sum3A_278 = tpu.scan <sum>, %select_n3A_275 masked %reduce_sum3A_277 : vector<16xi32>, vector<16xi1> -> vector<16xi32>
        %reduce_sum3A_279 = vector.extract %reduce_sum3A_278[15] : i32 from vector<16xi32>
        %mul3A_280 = arith.constant 16 : i32
        %mul3A_281 = arith.muli %reduce_sum3A_279, %mul3A_280 : i32
        %add3A_282 = vector.broadcast %mul3A_281 : i32 to vector<16xi32>
        %add3A_283 = arith.addi %add3A_282, %iota3A : vector<16xi32>
        %mul3A_284 = arith.constant 16 : i32
        %mul3A_285 = arith.muli %scan3A_31, %mul3A_284 : i32
        %add3A_286 = arith.constant 11 : i32
        %add3A_287 = arith.addi %mul3A_285, %add3A_286 : i32
        %get3A_288 = arith.index_cast %add3A_287 : i32 to index
        %get3A_289 = arith.constant 0 : index
        %get3A_290 = tpu.vector_load %arg6[%get3A_288, %get3A_289] {strides = array<i32>} : memref<128x16xf32, #tpu.memory_space<vmem>>, vector<16xf32>,
        tpu.vector_store_idx %arg7[%add3A_283], %get3A_290 {add = true} : memref<82048xf32, #tpu.memory_space<vmem>>[vector<16xi32>], vector<16xf32>,
        %eq3A_291 = arith.constant 12 : i32
        %eq3A_292 = vector.broadcast %eq3A_291 : i32 to vector<16xi32>
        %eq3A_293 = arith.cmpi eq, %iota3A, %eq3A_292 : vector<16xi32>
        %jit3A_294 = arith.constant 0 : i32
        %broadcast_in_dim3A_295 = vector.broadcast %jit3A_294 : i32 to vector<16xi32>
        %select_n3A_296 = arith.select %eq3A_293, %select_n3A, %broadcast_in_dim3A_295 : vector<16xi1>, vector<16xi32>
        %reduce_sum3A_297 = arith.constant true
        %reduce_sum3A_298 = vector.broadcast %reduce_sum3A_297 : i1 to vector<16xi1>
        %reduce_sum3A_299 = tpu.scan <sum>, %select_n3A_296 masked %reduce_sum3A_298 : vector<16xi32>, vector<16xi1> -> vector<16xi32>
        %reduce_sum3A_300 = vector.extract %reduce_sum3A_299[15] : i32 from vector<16xi32>
        %mul3A_301 = arith.constant 16 : i32
        %mul3A_302 = arith.muli %reduce_sum3A_300, %mul3A_301 : i32
        %add3A_303 = vector.broadcast %mul3A_302 : i32 to vector<16xi32>
        %add3A_304 = arith.addi %add3A_303, %iota3A : vector<16xi32>
        %mul3A_305 = arith.constant 16 : i32
        %mul3A_306 = arith.muli %scan3A_31, %mul3A_305 : i32
        %add3A_307 = arith.constant 12 : i32
        %add3A_308 = arith.addi %mul3A_306, %add3A_307 : i32
        %get3A_309 = arith.index_cast %add3A_308 : i32 to index
        %get3A_310 = arith.constant 0 : index
        %get3A_311 = tpu.vector_load %arg6[%get3A_309, %get3A_310] {strides = array<i32>} : memref<128x16xf32, #tpu.memory_space<vmem>>, vector<16xf32>,
        tpu.vector_store_idx %arg7[%add3A_304], %get3A_311 {add = true} : memref<82048xf32, #tpu.memory_space<vmem>>[vector<16xi32>], vector<16xf32>,
        %eq3A_312 = arith.constant 13 : i32
        %eq3A_313 = vector.broadcast %eq3A_312 : i32 to vector<16xi32>
        %eq3A_314 = arith.cmpi eq, %iota3A, %eq3A_313 : vector<16xi32>
        %jit3A_315 = arith.constant 0 : i32
        %broadcast_in_dim3A_316 = vector.broadcast %jit3A_315 : i32 to vector<16xi32>
        %select_n3A_317 = arith.select %eq3A_314, %select_n3A, %broadcast_in_dim3A_316 : vector<16xi1>, vector<16xi32>
        %reduce_sum3A_318 = arith.constant true
        %reduce_sum3A_319 = vector.broadcast %reduce_sum3A_318 : i1 to vector<16xi1>
        %reduce_sum3A_320 = tpu.scan <sum>, %select_n3A_317 masked %reduce_sum3A_319 : vector<16xi32>, vector<16xi1> -> vector<16xi32>
        %reduce_sum3A_321 = vector.extract %reduce_sum3A_320[15] : i32 from vector<16xi32>
        %mul3A_322 = arith.constant 16 : i32
        %mul3A_323 = arith.muli %reduce_sum3A_321, %mul3A_322 : i32
        %add3A_324 = vector.broadcast %mul3A_323 : i32 to vector<16xi32>
        %add3A_325 = arith.addi %add3A_324, %iota3A : vector<16xi32>
        %mul3A_326 = arith.constant 16 : i32
        %mul3A_327 = arith.muli %scan3A_31, %mul3A_326 : i32
        %add3A_328 = arith.constant 13 : i32
        %add3A_329 = arith.addi %mul3A_327, %add3A_328 : i32
        %get3A_330 = arith.index_cast %add3A_329 : i32 to index
        %get3A_331 = arith.constant 0 : index
        %get3A_332 = tpu.vector_load %arg6[%get3A_330, %get3A_331] {strides = array<i32>} : memref<128x16xf32, #tpu.memory_space<vmem>>, vector<16xf32>,
        tpu.vector_store_idx %arg7[%add3A_325], %get3A_332 {add = true} : memref<82048xf32, #tpu.memory_space<vmem>>[vector<16xi32>], vector<16xf32>,
        %eq3A_333 = arith.constant 14 : i32
        %eq3A_334 = vector.broadcast %eq3A_333 : i32 to vector<16xi32>
        %eq3A_335 = arith.cmpi eq, %iota3A, %eq3A_334 : vector<16xi32>
        %jit3A_336 = arith.constant 0 : i32
        %broadcast_in_dim3A_337 = vector.broadcast %jit3A_336 : i32 to vector<16xi32>
        %select_n3A_338 = arith.select %eq3A_335, %select_n3A, %broadcast_in_dim3A_337 : vector<16xi1>, vector<16xi32>
        %reduce_sum3A_339 = arith.constant true
        %reduce_sum3A_340 = vector.broadcast %reduce_sum3A_339 : i1 to vector<16xi1>
        %reduce_sum3A_341 = tpu.scan <sum>, %select_n3A_338 masked %reduce_sum3A_340 : vector<16xi32>, vector<16xi1> -> vector<16xi32>
        %reduce_sum3A_342 = vector.extract %reduce_sum3A_341[15] : i32 from vector<16xi32>
        %mul3A_343 = arith.constant 16 : i32
        %mul3A_344 = arith.muli %reduce_sum3A_342, %mul3A_343 : i32
        %add3A_345 = vector.broadcast %mul3A_344 : i32 to vector<16xi32>
        %add3A_346 = arith.addi %add3A_345, %iota3A : vector<16xi32>
        %mul3A_347 = arith.constant 16 : i32
        %mul3A_348 = arith.muli %scan3A_31, %mul3A_347 : i32
        %add3A_349 = arith.constant 14 : i32
        %add3A_350 = arith.addi %mul3A_348, %add3A_349 : i32
        %get3A_351 = arith.index_cast %add3A_350 : i32 to index
        %get3A_352 = arith.constant 0 : index
        %get3A_353 = tpu.vector_load %arg6[%get3A_351, %get3A_352] {strides = array<i32>} : memref<128x16xf32, #tpu.memory_space<vmem>>, vector<16xf32>,
        tpu.vector_store_idx %arg7[%add3A_346], %get3A_353 {add = true} : memref<82048xf32, #tpu.memory_space<vmem>>[vector<16xi32>], vector<16xf32>,
        %eq3A_354 = arith.constant 15 : i32
        %eq3A_355 = vector.broadcast %eq3A_354 : i32 to vector<16xi32>
        %eq3A_356 = arith.cmpi eq, %iota3A, %eq3A_355 : vector<16xi32>
        %jit3A_357 = arith.constant 0 : i32
        %broadcast_in_dim3A_358 = vector.broadcast %jit3A_357 : i32 to vector<16xi32>
        %select_n3A_359 = arith.select %eq3A_356, %select_n3A, %broadcast_in_dim3A_358 : vector<16xi1>, vector<16xi32>
        %reduce_sum3A_360 = arith.constant true
        %reduce_sum3A_361 = vector.broadcast %reduce_sum3A_360 : i1 to vector<16xi1>
        %reduce_sum3A_362 = tpu.scan <sum>, %select_n3A_359 masked %reduce_sum3A_361 : vector<16xi32>, vector<16xi1> -> vector<16xi32>
        %reduce_sum3A_363 = vector.extract %reduce_sum3A_362[15] : i32 from vector<16xi32>
        %mul3A_364 = arith.constant 16 : i32
        %mul3A_365 = arith.muli %reduce_sum3A_363, %mul3A_364 : i32
        %add3A_366 = vector.broadcast %mul3A_365 : i32 to vector<16xi32>
        %add3A_367 = arith.addi %add3A_366, %iota3A : vector<16xi32>
        %mul3A_368 = arith.constant 16 : i32
        %mul3A_369 = arith.muli %scan3A_31, %mul3A_368 : i32
        %add3A_370 = arith.constant 15 : i32
        %add3A_371 = arith.addi %mul3A_369, %add3A_370 : i32
        %get3A_372 = arith.index_cast %add3A_371 : i32 to index
        %get3A_373 = arith.constant 0 : index
        %get3A_374 = tpu.vector_load %arg6[%get3A_372, %get3A_373] {strides = array<i32>} : memref<128x16xf32, #tpu.memory_space<vmem>>, vector<16xf32>,
        tpu.vector_store_idx %arg7[%add3A_367], %get3A_374 {add = true} : memref<82048xf32, #tpu.memory_space<vmem>>[vector<16xi32>], vector<16xf32>,
      }
      %scan3A_30 = arith.constant 8 : i32
    }
    %scan3A_16 = arith.constant 80 : i32
    %mul3A_17 = arith.constant 2 : i32
    %mul3A_18 = arith.muli %arg1, %mul3A_17 : i32
    %add3A = arith.addi %mul3A_18, %arg0 : i32
    %mul3A_19 = arith.constant 82048 : i32
    %mul3A_20 = arith.muli %add3A, %mul3A_19 : i32
    "tpu.region"() ({
      %run_scoped3A = tpu.sem_alloc : memref<!tpu.dma_semaphore, #tpu.memory_space<semaphore_mem>>
      %dma_start3A = tpu.memref_slice %arg4[%mul3A_20] : memref<2625536xf32, #tpu.memory_space<hbm>> -> memref<82048xf32, #tpu.memory_space<hbm>>
      %dma_start3A_21 = tpu.memref_slice %arg4[%mul3A_20] : memref<2625536xf32, #tpu.memory_space<hbm>> -> memref<82048xf32, #tpu.memory_space<hbm>>
      tpu.enqueue_dma source(%arg7 : memref<82048xf32, #tpu.memory_space<vmem>>) target(%dma_start3A_21 : memref<82048xf32, #tpu.memory_space<hbm>>) target_semaphore(%run_scoped3A : memref<!tpu.dma_semaphore, #tpu.memory_space<semaphore_mem>>)
      %dma_wait3A = tpu.memref_slice %arg4[%mul3A_20] : memref<2625536xf32, #tpu.memory_space<hbm>> -> memref<82048xf32, #tpu.memory_space<hbm>>
      %dma_wait3A_22 = tpu.memref_slice %arg4[%mul3A_20] : memref<2625536xf32, #tpu.memory_space<hbm>> -> memref<82048xf32, #tpu.memory_space<hbm>>
      tpu.wait_dma2 semaphore(%run_scoped3A : memref<!tpu.dma_semaphore, #tpu.memory_space<semaphore_mem>>) src(%arg7 : memref<82048xf32, #tpu.memory_space<vmem>>) dst(%dma_wait3A_22 : memref<82048xf32, #tpu.memory_space<hbm>>)
      tpu.yield
    }) : () -> ()
    return
  }
}

#map = affine_map<(d0, d1) -> (0, 0)>
#map1 = affine_map<(d0, d1) -> (0)>
module attributes {stable_mosaic.version = 14 : i64} {
  func.func @k(%arg0: i32, %arg1: i32, %arg2: memref<10000x128xf32, #tpu.memory_space<hbm>>, %arg3: memref<10000x128xf32, #tpu.memory_space<hbm>>, %arg4: memref<163840xi32, #tpu.memory_space<hbm>>, %arg5: memref<163840xi32, #tpu.memory_space<hbm>>, %arg6: memref<163840x128xf32, #tpu.memory_space<hbm>>, %arg7: memref<163840x128xf32, #tpu.memory_space<hbm>>, %arg8: memref<128xi32, #tpu.memory_space<vmem>>, %arg9: memref<128xi32, #tpu.memory_space<vmem>>, %arg10: memref<128x128xf32, #tpu.memory_space<vmem>>, %arg11: memref<128x128xf32, #tpu.memory_space<vmem>>, %arg12: memref<!tpu.dma_semaphore, #tpu.memory_space<semaphore_mem>>, %arg13: memref<!tpu.dma_semaphore, #tpu.memory_space<semaphore_mem>>) attributes {dimension_semantics = [#tpu.dimension_semantics<core_parallel>, #tpu.dimension_semantics<subcore_parallel>], iteration_bounds = array<i64: 2, 16>, scalar_prefetch = 0 : i64, scratch_operands = 6 : i64, tpu.core_type = #tpu.core_type<sc_vector_subcore>, window_params = [{transform_indices = #map}, {transform_indices = #map}, {transform_indices = #map1}, {transform_indices = #map1}, {transform_indices = #map}, {transform_indices = #map}]} {
    %mul3A = arith.constant 2 : i32
    %mul3A_0 = arith.muli %arg1, %mul3A : i32
    %add3A = arith.addi %mul3A_0, %arg0 : i32
    %mul3A_1 = arith.constant 5120 : i32
    %mul3A_2 = arith.muli %add3A, %mul3A_1 : i32
    %scan3A = arith.constant 0 : i32
    %scan3A_3 = arith.constant 0 : i32
    %scan3A_4 = arith.constant 40 : i32
    %scan3A_5 = arith.addi %scan3A_3, %scan3A_4 : i32
    %scan3A_6 = arith.constant 1 : i32
    scf.for %scan3A_8 = %scan3A_3 to %scan3A_5 step %scan3A_6  : i32 {
      %mul3A_9 = arith.constant 128 : i32
      %mul3A_10 = arith.muli %scan3A_8, %mul3A_9 : i32
      %add3A_11 = arith.addi %mul3A_2, %mul3A_10 : i32
      "tpu.region"() ({
        %run_scoped3A = tpu.sem_alloc : memref<!tpu.dma_semaphore, #tpu.memory_space<semaphore_mem>>
        %dma_start3A_22 = tpu.memref_slice %arg4[%add3A_11] : memref<163840xi32, #tpu.memory_space<hbm>> -> memref<128xi32, #tpu.memory_space<hbm>>
        %dma_start3A_23 = tpu.memref_slice %arg4[%add3A_11] : memref<163840xi32, #tpu.memory_space<hbm>> -> memref<128xi32, #tpu.memory_space<hbm>>
        tpu.enqueue_dma source(%dma_start3A_23 : memref<128xi32, #tpu.memory_space<hbm>>) target(%arg8 : memref<128xi32, #tpu.memory_space<vmem>>) target_semaphore(%run_scoped3A : memref<!tpu.dma_semaphore, #tpu.memory_space<semaphore_mem>>)
        %dma_wait3A_24 = tpu.memref_slice %arg4[%add3A_11] : memref<163840xi32, #tpu.memory_space<hbm>> -> memref<128xi32, #tpu.memory_space<hbm>>
        %dma_wait3A_25 = tpu.memref_slice %arg4[%add3A_11] : memref<163840xi32, #tpu.memory_space<hbm>> -> memref<128xi32, #tpu.memory_space<hbm>>
        tpu.wait_dma2 semaphore(%run_scoped3A : memref<!tpu.dma_semaphore, #tpu.memory_space<semaphore_mem>>) src(%dma_wait3A_25 : memref<128xi32, #tpu.memory_space<hbm>>) dst(%arg8 : memref<128xi32, #tpu.memory_space<vmem>>)
        tpu.yield
      }) : () -> ()
      "tpu.region"() ({
        %run_scoped3A = tpu.sem_alloc : memref<!tpu.dma_semaphore, #tpu.memory_space<semaphore_mem>>
        %dma_start3A_22 = tpu.memref_slice %arg5[%add3A_11] : memref<163840xi32, #tpu.memory_space<hbm>> -> memref<128xi32, #tpu.memory_space<hbm>>
        %dma_start3A_23 = tpu.memref_slice %arg5[%add3A_11] : memref<163840xi32, #tpu.memory_space<hbm>> -> memref<128xi32, #tpu.memory_space<hbm>>
        tpu.enqueue_dma source(%dma_start3A_23 : memref<128xi32, #tpu.memory_space<hbm>>) target(%arg9 : memref<128xi32, #tpu.memory_space<vmem>>) target_semaphore(%run_scoped3A : memref<!tpu.dma_semaphore, #tpu.memory_space<semaphore_mem>>)
        %dma_wait3A_24 = tpu.memref_slice %arg5[%add3A_11] : memref<163840xi32, #tpu.memory_space<hbm>> -> memref<128xi32, #tpu.memory_space<hbm>>
        %dma_wait3A_25 = tpu.memref_slice %arg5[%add3A_11] : memref<163840xi32, #tpu.memory_space<hbm>> -> memref<128xi32, #tpu.memory_space<hbm>>
        tpu.wait_dma2 semaphore(%run_scoped3A : memref<!tpu.dma_semaphore, #tpu.memory_space<semaphore_mem>>) src(%dma_wait3A_25 : memref<128xi32, #tpu.memory_space<hbm>>) dst(%arg9 : memref<128xi32, #tpu.memory_space<vmem>>)
        tpu.yield
      }) : () -> ()
      %dma_start3A = arith.constant 0 : i32
      %dma_start3A_12 = arith.constant 0 : i32
      %dma_start3A_13 = tpu.memref_slice %arg2[%dma_start3A, %dma_start3A_12] : memref<10000x128xf32, #tpu.memory_space<hbm>> -> memref<10000x128xf32, #tpu.memory_space<hbm>>
      tpu.enqueue_indirect_dma source(%dma_start3A_13 : memref<10000x128xf32, #tpu.memory_space<hbm>>) target(%arg10 : memref<128x128xf32, #tpu.memory_space<vmem>>) offsets(%arg8 : memref<128xi32, #tpu.memory_space<vmem>>) semaphore(%arg12 : memref<!tpu.dma_semaphore, #tpu.memory_space<semaphore_mem>>)
      %dma_start3A_14 = arith.constant 0 : i32
      %dma_start3A_15 = arith.constant 0 : i32
      %dma_start3A_16 = tpu.memref_slice %arg3[%dma_start3A_14, %dma_start3A_15] : memref<10000x128xf32, #tpu.memory_space<hbm>> -> memref<10000x128xf32, #tpu.memory_space<hbm>>
      tpu.enqueue_indirect_dma source(%dma_start3A_16 : memref<10000x128xf32, #tpu.memory_space<hbm>>) target(%arg11 : memref<128x128xf32, #tpu.memory_space<vmem>>) offsets(%arg9 : memref<128xi32, #tpu.memory_space<vmem>>) semaphore(%arg13 : memref<!tpu.dma_semaphore, #tpu.memory_space<semaphore_mem>>)
      %dma_wait3A = arith.constant 0 : i32
      %dma_wait3A_17 = arith.constant 0 : i32
      %dma_wait3A_18 = tpu.memref_slice %arg2[%dma_wait3A, %dma_wait3A_17] : memref<10000x128xf32, #tpu.memory_space<hbm>> -> memref<10000x128xf32, #tpu.memory_space<hbm>>
      tpu.wait_indirect_dma semaphore(%arg12 : memref<!tpu.dma_semaphore, #tpu.memory_space<semaphore_mem>>) src(%dma_wait3A_18 : memref<10000x128xf32, #tpu.memory_space<hbm>>) dst(%arg10 : memref<128x128xf32, #tpu.memory_space<vmem>>)
      %dma_wait3A_19 = arith.constant 0 : i32
      %dma_wait3A_20 = arith.constant 0 : i32
      %dma_wait3A_21 = tpu.memref_slice %arg3[%dma_wait3A_19, %dma_wait3A_20] : memref<10000x128xf32, #tpu.memory_space<hbm>> -> memref<10000x128xf32, #tpu.memory_space<hbm>>
      tpu.wait_indirect_dma semaphore(%arg13 : memref<!tpu.dma_semaphore, #tpu.memory_space<semaphore_mem>>) src(%dma_wait3A_21 : memref<10000x128xf32, #tpu.memory_space<hbm>>) dst(%arg11 : memref<128x128xf32, #tpu.memory_space<vmem>>)
      "tpu.region"() ({
        %run_scoped3A = tpu.sem_alloc : memref<!tpu.dma_semaphore, #tpu.memory_space<semaphore_mem>>
        %dma_start3A_22 = arith.constant 0 : i32
        %dma_start3A_23 = tpu.memref_slice %arg6[%add3A_11, %dma_start3A_22] : memref<163840x128xf32, #tpu.memory_space<hbm>> -> memref<128x128xf32, #tpu.memory_space<hbm>>
        %dma_start3A_24 = arith.constant 0 : i32
        %dma_start3A_25 = tpu.memref_slice %arg6[%add3A_11, %dma_start3A_24] : memref<163840x128xf32, #tpu.memory_space<hbm>> -> memref<128x128xf32, #tpu.memory_space<hbm>>
        tpu.enqueue_dma source(%arg10 : memref<128x128xf32, #tpu.memory_space<vmem>>) target(%dma_start3A_25 : memref<128x128xf32, #tpu.memory_space<hbm>>) target_semaphore(%run_scoped3A : memref<!tpu.dma_semaphore, #tpu.memory_space<semaphore_mem>>)
        %dma_wait3A_26 = arith.constant 0 : i32
        %dma_wait3A_27 = tpu.memref_slice %arg6[%add3A_11, %dma_wait3A_26] : memref<163840x128xf32, #tpu.memory_space<hbm>> -> memref<128x128xf32, #tpu.memory_space<hbm>>
        %dma_wait3A_28 = arith.constant 0 : i32
        %dma_wait3A_29 = tpu.memref_slice %arg6[%add3A_11, %dma_wait3A_28] : memref<163840x128xf32, #tpu.memory_space<hbm>> -> memref<128x128xf32, #tpu.memory_space<hbm>>
        tpu.wait_dma2 semaphore(%run_scoped3A : memref<!tpu.dma_semaphore, #tpu.memory_space<semaphore_mem>>) src(%arg10 : memref<128x128xf32, #tpu.memory_space<vmem>>) dst(%dma_wait3A_29 : memref<128x128xf32, #tpu.memory_space<hbm>>)
        tpu.yield
      }) : () -> ()
      "tpu.region"() ({
        %run_scoped3A = tpu.sem_alloc : memref<!tpu.dma_semaphore, #tpu.memory_space<semaphore_mem>>
        %dma_start3A_22 = arith.constant 0 : i32
        %dma_start3A_23 = tpu.memref_slice %arg7[%add3A_11, %dma_start3A_22] : memref<163840x128xf32, #tpu.memory_space<hbm>> -> memref<128x128xf32, #tpu.memory_space<hbm>>
        %dma_start3A_24 = arith.constant 0 : i32
        %dma_start3A_25 = tpu.memref_slice %arg7[%add3A_11, %dma_start3A_24] : memref<163840x128xf32, #tpu.memory_space<hbm>> -> memref<128x128xf32, #tpu.memory_space<hbm>>
        tpu.enqueue_dma source(%arg11 : memref<128x128xf32, #tpu.memory_space<vmem>>) target(%dma_start3A_25 : memref<128x128xf32, #tpu.memory_space<hbm>>) target_semaphore(%run_scoped3A : memref<!tpu.dma_semaphore, #tpu.memory_space<semaphore_mem>>)
        %dma_wait3A_26 = arith.constant 0 : i32
        %dma_wait3A_27 = tpu.memref_slice %arg7[%add3A_11, %dma_wait3A_26] : memref<163840x128xf32, #tpu.memory_space<hbm>> -> memref<128x128xf32, #tpu.memory_space<hbm>>
        %dma_wait3A_28 = arith.constant 0 : i32
        %dma_wait3A_29 = tpu.memref_slice %arg7[%add3A_11, %dma_wait3A_28] : memref<163840x128xf32, #tpu.memory_space<hbm>> -> memref<128x128xf32, #tpu.memory_space<hbm>>
        tpu.wait_dma2 semaphore(%run_scoped3A : memref<!tpu.dma_semaphore, #tpu.memory_space<semaphore_mem>>) src(%arg11 : memref<128x128xf32, #tpu.memory_space<vmem>>) dst(%dma_wait3A_29 : memref<128x128xf32, #tpu.memory_space<hbm>>)
        tpu.yield
      }) : () -> ()
    }
    %scan3A_7 = arith.constant 40 : i32
    return
  }
}

#map = affine_map<(d0, d1) -> (0, 0)>
#map1 = affine_map<(d0, d1) -> (0)>
module attributes {stable_mosaic.version = 14 : i64} {
  func.func @k(%arg0: i32, %arg1: i32, %arg2: memref<163840x16xf32, #tpu.memory_space<hbm>>, %arg3: memref<163840xi32, #tpu.memory_space<hbm>>, %arg4: memref<2625536xf32, #tpu.memory_space<hbm>>, %arg5: memref<128xi32, #tpu.memory_space<vmem>>, %arg6: memref<128x16xf32, #tpu.memory_space<vmem>>, %arg7: memref<82048xf32, #tpu.memory_space<vmem>>) attributes {dimension_semantics = [#tpu.dimension_semantics<core_parallel>, #tpu.dimension_semantics<subcore_parallel>], iteration_bounds = array<i64: 2, 16>, scalar_prefetch = 0 : i64, scratch_operands = 3 : i64, tpu.core_type = #tpu.core_type<sc_vector_subcore>, window_params = [{transform_indices = #map}, {transform_indices = #map1}, {transform_indices = #map1}]} {
    %mul3A = arith.constant 10240 : i32
    %mul3A_0 = arith.muli %arg1, %mul3A : i32
    %mul3A_1 = arith.constant 5120 : i32
    %mul3A_2 = arith.muli %arg0, %mul3A_1 : i32
    %iota3A = tpu.iota {dimensions = array<i32: 0>} : vector<16xi32>
    %scan3A = arith.constant 0 : i32
    %scan3A_3 = arith.constant 0 : i32
    %scan3A_4 = arith.constant 5128 : i32
    %scan3A_5 = arith.addi %scan3A_3, %scan3A_4 : i32
    %scan3A_6 = arith.constant 1 : i32
    scf.for %scan3A_21 = %scan3A_3 to %scan3A_5 step %scan3A_6  : i32 {
      %broadcast_in_dim3A = arith.constant 0.000000e+00 : f32
      %broadcast_in_dim3A_22 = vector.broadcast %broadcast_in_dim3A : f32 to vector<16xf32>
      %mul3A_23 = arith.constant 16 : i32
      %mul3A_24 = arith.muli %scan3A_21, %mul3A_23 : i32
      %swap3A = arith.index_cast %mul3A_24 : i32 to index
      %swap3A_25 = tpu.vector_load %arg7[%swap3A] {strides = array<i32>} : memref<82048xf32, #tpu.memory_space<vmem>>, vector<16xf32>,
      tpu.vector_store %arg7[%swap3A], %broadcast_in_dim3A_22 {strides = array<i32>} : memref<82048xf32, #tpu.memory_space<vmem>>, vector<16xf32>,
    }
    %scan3A_7 = arith.constant 5128 : i32
    %eq3A = arith.constant 0 : i32
    %eq3A_8 = vector.broadcast %eq3A : i32 to vector<16xi32>
    %eq3A_9 = arith.cmpi eq, %iota3A, %eq3A_8 : vector<16xi32>
    %convert_element_type3A = arith.extui %eq3A_9 : vector<16xi1> to vector<16xi32>
    %convert_element_type3A_10 = arith.sitofp %convert_element_type3A : vector<16xi32> to vector<16xf32>
    %scan3A_11 = arith.constant 0 : i32
    %scan3A_12 = arith.constant 0 : i32
    %scan3A_13 = arith.constant 80 : i32
    %scan3A_14 = arith.addi %scan3A_12, %scan3A_13 : i32
    %scan3A_15 = arith.constant 1 : i32
    scf.for %scan3A_21 = %scan3A_12 to %scan3A_14 step %scan3A_15  : i32 {
      %mul3A_22 = arith.constant 128 : i32
      %mul3A_23 = arith.muli %scan3A_21, %mul3A_22 : i32
      %add3A_24 = arith.addi %mul3A_0, %mul3A_23 : i32
      "tpu.region"() ({
        %run_scoped3A = tpu.sem_alloc : memref<!tpu.dma_semaphore, #tpu.memory_space<semaphore_mem>>
        %dma_start3A = tpu.memref_slice %arg3[%add3A_24] : memref<163840xi32, #tpu.memory_space<hbm>> -> memref<128xi32, #tpu.memory_space<hbm>>
        %dma_start3A_31 = tpu.memref_slice %arg3[%add3A_24] : memref<163840xi32, #tpu.memory_space<hbm>> -> memref<128xi32, #tpu.memory_space<hbm>>
        tpu.enqueue_dma source(%dma_start3A_31 : memref<128xi32, #tpu.memory_space<hbm>>) target(%arg5 : memref<128xi32, #tpu.memory_space<vmem>>) target_semaphore(%run_scoped3A : memref<!tpu.dma_semaphore, #tpu.memory_space<semaphore_mem>>)
        %dma_wait3A = tpu.memref_slice %arg3[%add3A_24] : memref<163840xi32, #tpu.memory_space<hbm>> -> memref<128xi32, #tpu.memory_space<hbm>>
        %dma_wait3A_32 = tpu.memref_slice %arg3[%add3A_24] : memref<163840xi32, #tpu.memory_space<hbm>> -> memref<128xi32, #tpu.memory_space<hbm>>
        tpu.wait_dma2 semaphore(%run_scoped3A : memref<!tpu.dma_semaphore, #tpu.memory_space<semaphore_mem>>) src(%dma_wait3A_32 : memref<128xi32, #tpu.memory_space<hbm>>) dst(%arg5 : memref<128xi32, #tpu.memory_space<vmem>>)
        tpu.yield
      }) : () -> ()
      "tpu.region"() ({
        %run_scoped3A = tpu.sem_alloc : memref<!tpu.dma_semaphore, #tpu.memory_space<semaphore_mem>>
        %dma_start3A = arith.constant 0 : i32
        %dma_start3A_31 = tpu.memref_slice %arg2[%add3A_24, %dma_start3A] : memref<163840x16xf32, #tpu.memory_space<hbm>> -> memref<128x16xf32, #tpu.memory_space<hbm>>
        %dma_start3A_32 = arith.constant 0 : i32
        %dma_start3A_33 = tpu.memref_slice %arg2[%add3A_24, %dma_start3A_32] : memref<163840x16xf32, #tpu.memory_space<hbm>> -> memref<128x16xf32, #tpu.memory_space<hbm>>
        tpu.enqueue_dma source(%dma_start3A_33 : memref<128x16xf32, #tpu.memory_space<hbm>>) target(%arg6 : memref<128x16xf32, #tpu.memory_space<vmem>>) target_semaphore(%run_scoped3A : memref<!tpu.dma_semaphore, #tpu.memory_space<semaphore_mem>>)
        %dma_wait3A = arith.constant 0 : i32
        %dma_wait3A_34 = tpu.memref_slice %arg2[%add3A_24, %dma_wait3A] : memref<163840x16xf32, #tpu.memory_space<hbm>> -> memref<128x16xf32, #tpu.memory_space<hbm>>
        %dma_wait3A_35 = arith.constant 0 : i32
        %dma_wait3A_36 = tpu.memref_slice %arg2[%add3A_24, %dma_wait3A_35] : memref<163840x16xf32, #tpu.memory_space<hbm>> -> memref<128x16xf32, #tpu.memory_space<hbm>>
        tpu.wait_dma2 semaphore(%run_scoped3A : memref<!tpu.dma_semaphore, #tpu.memory_space<semaphore_mem>>) src(%dma_wait3A_36 : memref<128x16xf32, #tpu.memory_space<hbm>>) dst(%arg6 : memref<128x16xf32, #tpu.memory_space<vmem>>)
        tpu.yield
      }) : () -> ()
      %scan3A_25 = arith.constant 0 : i32
      %scan3A_26 = arith.constant 0 : i32
      %scan3A_27 = arith.constant 8 : i32
      %scan3A_28 = arith.addi %scan3A_26, %scan3A_27 : i32
      %scan3A_29 = arith.constant 1 : i32
      scf.for %scan3A_31 = %scan3A_26 to %scan3A_28 step %scan3A_29  : i32 {
        %mul3A_32 = arith.constant 16 : i32
        %mul3A_33 = arith.muli %scan3A_31, %mul3A_32 : i32
        %get3A = arith.index_cast %mul3A_33 : i32 to index
        %get3A_34 = tpu.vector_load %arg5[%get3A] {strides = array<i32>} : memref<128xi32, #tpu.memory_space<vmem>>, vector<16xi32>,
        %sub3A = vector.broadcast %mul3A_2 : i32 to vector<16xi32>
        %sub3A_35 = arith.subi %get3A_34, %sub3A : vector<16xi32>
        %ge3A = arith.constant 0 : i32
        %ge3A_36 = vector.broadcast %ge3A : i32 to vector<16xi32>
        %ge3A_37 = arith.cmpi sge, %sub3A_35, %ge3A_36 : vector<16xi32>
        %lt3A = arith.constant 5120 : i32
        %lt3A_38 = vector.broadcast %lt3A : i32 to vector<16xi32>
        %lt3A_39 = arith.cmpi slt, %sub3A_35, %lt3A_38 : vector<16xi32>
        %and3A = arith.andi %ge3A_37, %lt3A_39 : vector<16xi1>
        %jit3A = arith.constant 5120 : i32
        %broadcast_in_dim3A = vector.broadcast %jit3A : i32 to vector<16xi32>
        %select_n3A = arith.select %and3A, %sub3A_35, %broadcast_in_dim3A : vector<16xi1>, vector<16xi32>
        %eq3A_40 = arith.constant 0 : i32
        %eq3A_41 = vector.broadcast %eq3A_40 : i32 to vector<16xi32>
        %eq3A_42 = arith.cmpi eq, %iota3A, %eq3A_41 : vector<16xi32>
        %jit3A_43 = arith.constant 0 : i32
        %broadcast_in_dim3A_44 = vector.broadcast %jit3A_43 : i32 to vector<16xi32>
        %select_n3A_45 = arith.select %eq3A_42, %select_n3A, %broadcast_in_dim3A_44 : vector<16xi1>, vector<16xi32>
        %reduce_sum3A = arith.constant true
        %reduce_sum3A_46 = vector.broadcast %reduce_sum3A : i1 to vector<16xi1>
        %reduce_sum3A_47 = tpu.scan <sum>, %select_n3A_45 masked %reduce_sum3A_46 : vector<16xi32>, vector<16xi1> -> vector<16xi32>
        %reduce_sum3A_48 = vector.extract %reduce_sum3A_47[15] : i32 from vector<16xi32>
        %mul3A_49 = arith.constant 16 : i32
        %mul3A_50 = arith.muli %reduce_sum3A_48, %mul3A_49 : i32
        %add3A_51 = vector.broadcast %mul3A_50 : i32 to vector<16xi32>
        %add3A_52 = arith.addi %add3A_51, %iota3A : vector<16xi32>
        %mul3A_53 = arith.constant 16 : i32
        %mul3A_54 = arith.muli %scan3A_31, %mul3A_53 : i32
        %add3A_55 = arith.constant 0 : i32
        %add3A_56 = arith.addi %mul3A_54, %add3A_55 : i32
        %get3A_57 = arith.index_cast %add3A_56 : i32 to index
        %get3A_58 = arith.constant 0 : index
        %get3A_59 = tpu.vector_load %arg6[%get3A_57, %get3A_58] {strides = array<i32>} : memref<128x16xf32, #tpu.memory_space<vmem>>, vector<16xf32>,
        tpu.vector_store_idx %arg7[%add3A_52], %get3A_59 {add = true} : memref<82048xf32, #tpu.memory_space<vmem>>[vector<16xi32>], vector<16xf32>,
        %eq3A_60 = arith.constant 1 : i32
        %eq3A_61 = vector.broadcast %eq3A_60 : i32 to vector<16xi32>
        %eq3A_62 = arith.cmpi eq, %iota3A, %eq3A_61 : vector<16xi32>
        %jit3A_63 = arith.constant 0 : i32
        %broadcast_in_dim3A_64 = vector.broadcast %jit3A_63 : i32 to vector<16xi32>
        %select_n3A_65 = arith.select %eq3A_62, %select_n3A, %broadcast_in_dim3A_64 : vector<16xi1>, vector<16xi32>
        %reduce_sum3A_66 = arith.constant true
        %reduce_sum3A_67 = vector.broadcast %reduce_sum3A_66 : i1 to vector<16xi1>
        %reduce_sum3A_68 = tpu.scan <sum>, %select_n3A_65 masked %reduce_sum3A_67 : vector<16xi32>, vector<16xi1> -> vector<16xi32>
        %reduce_sum3A_69 = vector.extract %reduce_sum3A_68[15] : i32 from vector<16xi32>
        %mul3A_70 = arith.constant 16 : i32
        %mul3A_71 = arith.muli %reduce_sum3A_69, %mul3A_70 : i32
        %add3A_72 = vector.broadcast %mul3A_71 : i32 to vector<16xi32>
        %add3A_73 = arith.addi %add3A_72, %iota3A : vector<16xi32>
        %mul3A_74 = arith.constant 16 : i32
        %mul3A_75 = arith.muli %scan3A_31, %mul3A_74 : i32
        %add3A_76 = arith.constant 1 : i32
        %add3A_77 = arith.addi %mul3A_75, %add3A_76 : i32
        %get3A_78 = arith.index_cast %add3A_77 : i32 to index
        %get3A_79 = arith.constant 0 : index
        %get3A_80 = tpu.vector_load %arg6[%get3A_78, %get3A_79] {strides = array<i32>} : memref<128x16xf32, #tpu.memory_space<vmem>>, vector<16xf32>,
        tpu.vector_store_idx %arg7[%add3A_73], %get3A_80 {add = true} : memref<82048xf32, #tpu.memory_space<vmem>>[vector<16xi32>], vector<16xf32>,
        %eq3A_81 = arith.constant 2 : i32
        %eq3A_82 = vector.broadcast %eq3A_81 : i32 to vector<16xi32>
        %eq3A_83 = arith.cmpi eq, %iota3A, %eq3A_82 : vector<16xi32>
        %jit3A_84 = arith.constant 0 : i32
        %broadcast_in_dim3A_85 = vector.broadcast %jit3A_84 : i32 to vector<16xi32>
        %select_n3A_86 = arith.select %eq3A_83, %select_n3A, %broadcast_in_dim3A_85 : vector<16xi1>, vector<16xi32>
        %reduce_sum3A_87 = arith.constant true
        %reduce_sum3A_88 = vector.broadcast %reduce_sum3A_87 : i1 to vector<16xi1>
        %reduce_sum3A_89 = tpu.scan <sum>, %select_n3A_86 masked %reduce_sum3A_88 : vector<16xi32>, vector<16xi1> -> vector<16xi32>
        %reduce_sum3A_90 = vector.extract %reduce_sum3A_89[15] : i32 from vector<16xi32>
        %mul3A_91 = arith.constant 16 : i32
        %mul3A_92 = arith.muli %reduce_sum3A_90, %mul3A_91 : i32
        %add3A_93 = vector.broadcast %mul3A_92 : i32 to vector<16xi32>
        %add3A_94 = arith.addi %add3A_93, %iota3A : vector<16xi32>
        %mul3A_95 = arith.constant 16 : i32
        %mul3A_96 = arith.muli %scan3A_31, %mul3A_95 : i32
        %add3A_97 = arith.constant 2 : i32
        %add3A_98 = arith.addi %mul3A_96, %add3A_97 : i32
        %get3A_99 = arith.index_cast %add3A_98 : i32 to index
        %get3A_100 = arith.constant 0 : index
        %get3A_101 = tpu.vector_load %arg6[%get3A_99, %get3A_100] {strides = array<i32>} : memref<128x16xf32, #tpu.memory_space<vmem>>, vector<16xf32>,
        tpu.vector_store_idx %arg7[%add3A_94], %get3A_101 {add = true} : memref<82048xf32, #tpu.memory_space<vmem>>[vector<16xi32>], vector<16xf32>,
        %eq3A_102 = arith.constant 3 : i32
        %eq3A_103 = vector.broadcast %eq3A_102 : i32 to vector<16xi32>
        %eq3A_104 = arith.cmpi eq, %iota3A, %eq3A_103 : vector<16xi32>
        %jit3A_105 = arith.constant 0 : i32
        %broadcast_in_dim3A_106 = vector.broadcast %jit3A_105 : i32 to vector<16xi32>
        %select_n3A_107 = arith.select %eq3A_104, %select_n3A, %broadcast_in_dim3A_106 : vector<16xi1>, vector<16xi32>
        %reduce_sum3A_108 = arith.constant true
        %reduce_sum3A_109 = vector.broadcast %reduce_sum3A_108 : i1 to vector<16xi1>
        %reduce_sum3A_110 = tpu.scan <sum>, %select_n3A_107 masked %reduce_sum3A_109 : vector<16xi32>, vector<16xi1> -> vector<16xi32>
        %reduce_sum3A_111 = vector.extract %reduce_sum3A_110[15] : i32 from vector<16xi32>
        %mul3A_112 = arith.constant 16 : i32
        %mul3A_113 = arith.muli %reduce_sum3A_111, %mul3A_112 : i32
        %add3A_114 = vector.broadcast %mul3A_113 : i32 to vector<16xi32>
        %add3A_115 = arith.addi %add3A_114, %iota3A : vector<16xi32>
        %mul3A_116 = arith.constant 16 : i32
        %mul3A_117 = arith.muli %scan3A_31, %mul3A_116 : i32
        %add3A_118 = arith.constant 3 : i32
        %add3A_119 = arith.addi %mul3A_117, %add3A_118 : i32
        %get3A_120 = arith.index_cast %add3A_119 : i32 to index
        %get3A_121 = arith.constant 0 : index
        %get3A_122 = tpu.vector_load %arg6[%get3A_120, %get3A_121] {strides = array<i32>} : memref<128x16xf32, #tpu.memory_space<vmem>>, vector<16xf32>,
        tpu.vector_store_idx %arg7[%add3A_115], %get3A_122 {add = true} : memref<82048xf32, #tpu.memory_space<vmem>>[vector<16xi32>], vector<16xf32>,
        %eq3A_123 = arith.constant 4 : i32
        %eq3A_124 = vector.broadcast %eq3A_123 : i32 to vector<16xi32>
        %eq3A_125 = arith.cmpi eq, %iota3A, %eq3A_124 : vector<16xi32>
        %jit3A_126 = arith.constant 0 : i32
        %broadcast_in_dim3A_127 = vector.broadcast %jit3A_126 : i32 to vector<16xi32>
        %select_n3A_128 = arith.select %eq3A_125, %select_n3A, %broadcast_in_dim3A_127 : vector<16xi1>, vector<16xi32>
        %reduce_sum3A_129 = arith.constant true
        %reduce_sum3A_130 = vector.broadcast %reduce_sum3A_129 : i1 to vector<16xi1>
        %reduce_sum3A_131 = tpu.scan <sum>, %select_n3A_128 masked %reduce_sum3A_130 : vector<16xi32>, vector<16xi1> -> vector<16xi32>
        %reduce_sum3A_132 = vector.extract %reduce_sum3A_131[15] : i32 from vector<16xi32>
        %mul3A_133 = arith.constant 16 : i32
        %mul3A_134 = arith.muli %reduce_sum3A_132, %mul3A_133 : i32
        %add3A_135 = vector.broadcast %mul3A_134 : i32 to vector<16xi32>
        %add3A_136 = arith.addi %add3A_135, %iota3A : vector<16xi32>
        %mul3A_137 = arith.constant 16 : i32
        %mul3A_138 = arith.muli %scan3A_31, %mul3A_137 : i32
        %add3A_139 = arith.constant 4 : i32
        %add3A_140 = arith.addi %mul3A_138, %add3A_139 : i32
        %get3A_141 = arith.index_cast %add3A_140 : i32 to index
        %get3A_142 = arith.constant 0 : index
        %get3A_143 = tpu.vector_load %arg6[%get3A_141, %get3A_142] {strides = array<i32>} : memref<128x16xf32, #tpu.memory_space<vmem>>, vector<16xf32>,
        tpu.vector_store_idx %arg7[%add3A_136], %get3A_143 {add = true} : memref<82048xf32, #tpu.memory_space<vmem>>[vector<16xi32>], vector<16xf32>,
        %eq3A_144 = arith.constant 5 : i32
        %eq3A_145 = vector.broadcast %eq3A_144 : i32 to vector<16xi32>
        %eq3A_146 = arith.cmpi eq, %iota3A, %eq3A_145 : vector<16xi32>
        %jit3A_147 = arith.constant 0 : i32
        %broadcast_in_dim3A_148 = vector.broadcast %jit3A_147 : i32 to vector<16xi32>
        %select_n3A_149 = arith.select %eq3A_146, %select_n3A, %broadcast_in_dim3A_148 : vector<16xi1>, vector<16xi32>
        %reduce_sum3A_150 = arith.constant true
        %reduce_sum3A_151 = vector.broadcast %reduce_sum3A_150 : i1 to vector<16xi1>
        %reduce_sum3A_152 = tpu.scan <sum>, %select_n3A_149 masked %reduce_sum3A_151 : vector<16xi32>, vector<16xi1> -> vector<16xi32>
        %reduce_sum3A_153 = vector.extract %reduce_sum3A_152[15] : i32 from vector<16xi32>
        %mul3A_154 = arith.constant 16 : i32
        %mul3A_155 = arith.muli %reduce_sum3A_153, %mul3A_154 : i32
        %add3A_156 = vector.broadcast %mul3A_155 : i32 to vector<16xi32>
        %add3A_157 = arith.addi %add3A_156, %iota3A : vector<16xi32>
        %mul3A_158 = arith.constant 16 : i32
        %mul3A_159 = arith.muli %scan3A_31, %mul3A_158 : i32
        %add3A_160 = arith.constant 5 : i32
        %add3A_161 = arith.addi %mul3A_159, %add3A_160 : i32
        %get3A_162 = arith.index_cast %add3A_161 : i32 to index
        %get3A_163 = arith.constant 0 : index
        %get3A_164 = tpu.vector_load %arg6[%get3A_162, %get3A_163] {strides = array<i32>} : memref<128x16xf32, #tpu.memory_space<vmem>>, vector<16xf32>,
        tpu.vector_store_idx %arg7[%add3A_157], %get3A_164 {add = true} : memref<82048xf32, #tpu.memory_space<vmem>>[vector<16xi32>], vector<16xf32>,
        %eq3A_165 = arith.constant 6 : i32
        %eq3A_166 = vector.broadcast %eq3A_165 : i32 to vector<16xi32>
        %eq3A_167 = arith.cmpi eq, %iota3A, %eq3A_166 : vector<16xi32>
        %jit3A_168 = arith.constant 0 : i32
        %broadcast_in_dim3A_169 = vector.broadcast %jit3A_168 : i32 to vector<16xi32>
        %select_n3A_170 = arith.select %eq3A_167, %select_n3A, %broadcast_in_dim3A_169 : vector<16xi1>, vector<16xi32>
        %reduce_sum3A_171 = arith.constant true
        %reduce_sum3A_172 = vector.broadcast %reduce_sum3A_171 : i1 to vector<16xi1>
        %reduce_sum3A_173 = tpu.scan <sum>, %select_n3A_170 masked %reduce_sum3A_172 : vector<16xi32>, vector<16xi1> -> vector<16xi32>
        %reduce_sum3A_174 = vector.extract %reduce_sum3A_173[15] : i32 from vector<16xi32>
        %mul3A_175 = arith.constant 16 : i32
        %mul3A_176 = arith.muli %reduce_sum3A_174, %mul3A_175 : i32
        %add3A_177 = vector.broadcast %mul3A_176 : i32 to vector<16xi32>
        %add3A_178 = arith.addi %add3A_177, %iota3A : vector<16xi32>
        %mul3A_179 = arith.constant 16 : i32
        %mul3A_180 = arith.muli %scan3A_31, %mul3A_179 : i32
        %add3A_181 = arith.constant 6 : i32
        %add3A_182 = arith.addi %mul3A_180, %add3A_181 : i32
        %get3A_183 = arith.index_cast %add3A_182 : i32 to index
        %get3A_184 = arith.constant 0 : index
        %get3A_185 = tpu.vector_load %arg6[%get3A_183, %get3A_184] {strides = array<i32>} : memref<128x16xf32, #tpu.memory_space<vmem>>, vector<16xf32>,
        tpu.vector_store_idx %arg7[%add3A_178], %get3A_185 {add = true} : memref<82048xf32, #tpu.memory_space<vmem>>[vector<16xi32>], vector<16xf32>,
        %eq3A_186 = arith.constant 7 : i32
        %eq3A_187 = vector.broadcast %eq3A_186 : i32 to vector<16xi32>
        %eq3A_188 = arith.cmpi eq, %iota3A, %eq3A_187 : vector<16xi32>
        %jit3A_189 = arith.constant 0 : i32
        %broadcast_in_dim3A_190 = vector.broadcast %jit3A_189 : i32 to vector<16xi32>
        %select_n3A_191 = arith.select %eq3A_188, %select_n3A, %broadcast_in_dim3A_190 : vector<16xi1>, vector<16xi32>
        %reduce_sum3A_192 = arith.constant true
        %reduce_sum3A_193 = vector.broadcast %reduce_sum3A_192 : i1 to vector<16xi1>
        %reduce_sum3A_194 = tpu.scan <sum>, %select_n3A_191 masked %reduce_sum3A_193 : vector<16xi32>, vector<16xi1> -> vector<16xi32>
        %reduce_sum3A_195 = vector.extract %reduce_sum3A_194[15] : i32 from vector<16xi32>
        %mul3A_196 = arith.constant 16 : i32
        %mul3A_197 = arith.muli %reduce_sum3A_195, %mul3A_196 : i32
        %add3A_198 = vector.broadcast %mul3A_197 : i32 to vector<16xi32>
        %add3A_199 = arith.addi %add3A_198, %iota3A : vector<16xi32>
        %mul3A_200 = arith.constant 16 : i32
        %mul3A_201 = arith.muli %scan3A_31, %mul3A_200 : i32
        %add3A_202 = arith.constant 7 : i32
        %add3A_203 = arith.addi %mul3A_201, %add3A_202 : i32
        %get3A_204 = arith.index_cast %add3A_203 : i32 to index
        %get3A_205 = arith.constant 0 : index
        %get3A_206 = tpu.vector_load %arg6[%get3A_204, %get3A_205] {strides = array<i32>} : memref<128x16xf32, #tpu.memory_space<vmem>>, vector<16xf32>,
        tpu.vector_store_idx %arg7[%add3A_199], %get3A_206 {add = true} : memref<82048xf32, #tpu.memory_space<vmem>>[vector<16xi32>], vector<16xf32>,
        %eq3A_207 = arith.constant 8 : i32
        %eq3A_208 = vector.broadcast %eq3A_207 : i32 to vector<16xi32>
        %eq3A_209 = arith.cmpi eq, %iota3A, %eq3A_208 : vector<16xi32>
        %jit3A_210 = arith.constant 0 : i32
        %broadcast_in_dim3A_211 = vector.broadcast %jit3A_210 : i32 to vector<16xi32>
        %select_n3A_212 = arith.select %eq3A_209, %select_n3A, %broadcast_in_dim3A_211 : vector<16xi1>, vector<16xi32>
        %reduce_sum3A_213 = arith.constant true
        %reduce_sum3A_214 = vector.broadcast %reduce_sum3A_213 : i1 to vector<16xi1>
        %reduce_sum3A_215 = tpu.scan <sum>, %select_n3A_212 masked %reduce_sum3A_214 : vector<16xi32>, vector<16xi1> -> vector<16xi32>
        %reduce_sum3A_216 = vector.extract %reduce_sum3A_215[15] : i32 from vector<16xi32>
        %mul3A_217 = arith.constant 16 : i32
        %mul3A_218 = arith.muli %reduce_sum3A_216, %mul3A_217 : i32
        %add3A_219 = vector.broadcast %mul3A_218 : i32 to vector<16xi32>
        %add3A_220 = arith.addi %add3A_219, %iota3A : vector<16xi32>
        %mul3A_221 = arith.constant 16 : i32
        %mul3A_222 = arith.muli %scan3A_31, %mul3A_221 : i32
        %add3A_223 = arith.constant 8 : i32
        %add3A_224 = arith.addi %mul3A_222, %add3A_223 : i32
        %get3A_225 = arith.index_cast %add3A_224 : i32 to index
        %get3A_226 = arith.constant 0 : index
        %get3A_227 = tpu.vector_load %arg6[%get3A_225, %get3A_226] {strides = array<i32>} : memref<128x16xf32, #tpu.memory_space<vmem>>, vector<16xf32>,
        tpu.vector_store_idx %arg7[%add3A_220], %get3A_227 {add = true} : memref<82048xf32, #tpu.memory_space<vmem>>[vector<16xi32>], vector<16xf32>,
        %eq3A_228 = arith.constant 9 : i32
        %eq3A_229 = vector.broadcast %eq3A_228 : i32 to vector<16xi32>
        %eq3A_230 = arith.cmpi eq, %iota3A, %eq3A_229 : vector<16xi32>
        %jit3A_231 = arith.constant 0 : i32
        %broadcast_in_dim3A_232 = vector.broadcast %jit3A_231 : i32 to vector<16xi32>
        %select_n3A_233 = arith.select %eq3A_230, %select_n3A, %broadcast_in_dim3A_232 : vector<16xi1>, vector<16xi32>
        %reduce_sum3A_234 = arith.constant true
        %reduce_sum3A_235 = vector.broadcast %reduce_sum3A_234 : i1 to vector<16xi1>
        %reduce_sum3A_236 = tpu.scan <sum>, %select_n3A_233 masked %reduce_sum3A_235 : vector<16xi32>, vector<16xi1> -> vector<16xi32>
        %reduce_sum3A_237 = vector.extract %reduce_sum3A_236[15] : i32 from vector<16xi32>
        %mul3A_238 = arith.constant 16 : i32
        %mul3A_239 = arith.muli %reduce_sum3A_237, %mul3A_238 : i32
        %add3A_240 = vector.broadcast %mul3A_239 : i32 to vector<16xi32>
        %add3A_241 = arith.addi %add3A_240, %iota3A : vector<16xi32>
        %mul3A_242 = arith.constant 16 : i32
        %mul3A_243 = arith.muli %scan3A_31, %mul3A_242 : i32
        %add3A_244 = arith.constant 9 : i32
        %add3A_245 = arith.addi %mul3A_243, %add3A_244 : i32
        %get3A_246 = arith.index_cast %add3A_245 : i32 to index
        %get3A_247 = arith.constant 0 : index
        %get3A_248 = tpu.vector_load %arg6[%get3A_246, %get3A_247] {strides = array<i32>} : memref<128x16xf32, #tpu.memory_space<vmem>>, vector<16xf32>,
        tpu.vector_store_idx %arg7[%add3A_241], %get3A_248 {add = true} : memref<82048xf32, #tpu.memory_space<vmem>>[vector<16xi32>], vector<16xf32>,
        %eq3A_249 = arith.constant 10 : i32
        %eq3A_250 = vector.broadcast %eq3A_249 : i32 to vector<16xi32>
        %eq3A_251 = arith.cmpi eq, %iota3A, %eq3A_250 : vector<16xi32>
        %jit3A_252 = arith.constant 0 : i32
        %broadcast_in_dim3A_253 = vector.broadcast %jit3A_252 : i32 to vector<16xi32>
        %select_n3A_254 = arith.select %eq3A_251, %select_n3A, %broadcast_in_dim3A_253 : vector<16xi1>, vector<16xi32>
        %reduce_sum3A_255 = arith.constant true
        %reduce_sum3A_256 = vector.broadcast %reduce_sum3A_255 : i1 to vector<16xi1>
        %reduce_sum3A_257 = tpu.scan <sum>, %select_n3A_254 masked %reduce_sum3A_256 : vector<16xi32>, vector<16xi1> -> vector<16xi32>
        %reduce_sum3A_258 = vector.extract %reduce_sum3A_257[15] : i32 from vector<16xi32>
        %mul3A_259 = arith.constant 16 : i32
        %mul3A_260 = arith.muli %reduce_sum3A_258, %mul3A_259 : i32
        %add3A_261 = vector.broadcast %mul3A_260 : i32 to vector<16xi32>
        %add3A_262 = arith.addi %add3A_261, %iota3A : vector<16xi32>
        %mul3A_263 = arith.constant 16 : i32
        %mul3A_264 = arith.muli %scan3A_31, %mul3A_263 : i32
        %add3A_265 = arith.constant 10 : i32
        %add3A_266 = arith.addi %mul3A_264, %add3A_265 : i32
        %get3A_267 = arith.index_cast %add3A_266 : i32 to index
        %get3A_268 = arith.constant 0 : index
        %get3A_269 = tpu.vector_load %arg6[%get3A_267, %get3A_268] {strides = array<i32>} : memref<128x16xf32, #tpu.memory_space<vmem>>, vector<16xf32>,
        tpu.vector_store_idx %arg7[%add3A_262], %get3A_269 {add = true} : memref<82048xf32, #tpu.memory_space<vmem>>[vector<16xi32>], vector<16xf32>,
        %eq3A_270 = arith.constant 11 : i32
        %eq3A_271 = vector.broadcast %eq3A_270 : i32 to vector<16xi32>
        %eq3A_272 = arith.cmpi eq, %iota3A, %eq3A_271 : vector<16xi32>
        %jit3A_273 = arith.constant 0 : i32
        %broadcast_in_dim3A_274 = vector.broadcast %jit3A_273 : i32 to vector<16xi32>
        %select_n3A_275 = arith.select %eq3A_272, %select_n3A, %broadcast_in_dim3A_274 : vector<16xi1>, vector<16xi32>
        %reduce_sum3A_276 = arith.constant true
        %reduce_sum3A_277 = vector.broadcast %reduce_sum3A_276 : i1 to vector<16xi1>
        %reduce_sum3A_278 = tpu.scan <sum>, %select_n3A_275 masked %reduce_sum3A_277 : vector<16xi32>, vector<16xi1> -> vector<16xi32>
        %reduce_sum3A_279 = vector.extract %reduce_sum3A_278[15] : i32 from vector<16xi32>
        %mul3A_280 = arith.constant 16 : i32
        %mul3A_281 = arith.muli %reduce_sum3A_279, %mul3A_280 : i32
        %add3A_282 = vector.broadcast %mul3A_281 : i32 to vector<16xi32>
        %add3A_283 = arith.addi %add3A_282, %iota3A : vector<16xi32>
        %mul3A_284 = arith.constant 16 : i32
        %mul3A_285 = arith.muli %scan3A_31, %mul3A_284 : i32
        %add3A_286 = arith.constant 11 : i32
        %add3A_287 = arith.addi %mul3A_285, %add3A_286 : i32
        %get3A_288 = arith.index_cast %add3A_287 : i32 to index
        %get3A_289 = arith.constant 0 : index
        %get3A_290 = tpu.vector_load %arg6[%get3A_288, %get3A_289] {strides = array<i32>} : memref<128x16xf32, #tpu.memory_space<vmem>>, vector<16xf32>,
        tpu.vector_store_idx %arg7[%add3A_283], %get3A_290 {add = true} : memref<82048xf32, #tpu.memory_space<vmem>>[vector<16xi32>], vector<16xf32>,
        %eq3A_291 = arith.constant 12 : i32
        %eq3A_292 = vector.broadcast %eq3A_291 : i32 to vector<16xi32>
        %eq3A_293 = arith.cmpi eq, %iota3A, %eq3A_292 : vector<16xi32>
        %jit3A_294 = arith.constant 0 : i32
        %broadcast_in_dim3A_295 = vector.broadcast %jit3A_294 : i32 to vector<16xi32>
        %select_n3A_296 = arith.select %eq3A_293, %select_n3A, %broadcast_in_dim3A_295 : vector<16xi1>, vector<16xi32>
        %reduce_sum3A_297 = arith.constant true
        %reduce_sum3A_298 = vector.broadcast %reduce_sum3A_297 : i1 to vector<16xi1>
        %reduce_sum3A_299 = tpu.scan <sum>, %select_n3A_296 masked %reduce_sum3A_298 : vector<16xi32>, vector<16xi1> -> vector<16xi32>
        %reduce_sum3A_300 = vector.extract %reduce_sum3A_299[15] : i32 from vector<16xi32>
        %mul3A_301 = arith.constant 16 : i32
        %mul3A_302 = arith.muli %reduce_sum3A_300, %mul3A_301 : i32
        %add3A_303 = vector.broadcast %mul3A_302 : i32 to vector<16xi32>
        %add3A_304 = arith.addi %add3A_303, %iota3A : vector<16xi32>
        %mul3A_305 = arith.constant 16 : i32
        %mul3A_306 = arith.muli %scan3A_31, %mul3A_305 : i32
        %add3A_307 = arith.constant 12 : i32
        %add3A_308 = arith.addi %mul3A_306, %add3A_307 : i32
        %get3A_309 = arith.index_cast %add3A_308 : i32 to index
        %get3A_310 = arith.constant 0 : index
        %get3A_311 = tpu.vector_load %arg6[%get3A_309, %get3A_310] {strides = array<i32>} : memref<128x16xf32, #tpu.memory_space<vmem>>, vector<16xf32>,
        tpu.vector_store_idx %arg7[%add3A_304], %get3A_311 {add = true} : memref<82048xf32, #tpu.memory_space<vmem>>[vector<16xi32>], vector<16xf32>,
        %eq3A_312 = arith.constant 13 : i32
        %eq3A_313 = vector.broadcast %eq3A_312 : i32 to vector<16xi32>
        %eq3A_314 = arith.cmpi eq, %iota3A, %eq3A_313 : vector<16xi32>
        %jit3A_315 = arith.constant 0 : i32
        %broadcast_in_dim3A_316 = vector.broadcast %jit3A_315 : i32 to vector<16xi32>
        %select_n3A_317 = arith.select %eq3A_314, %select_n3A, %broadcast_in_dim3A_316 : vector<16xi1>, vector<16xi32>
        %reduce_sum3A_318 = arith.constant true
        %reduce_sum3A_319 = vector.broadcast %reduce_sum3A_318 : i1 to vector<16xi1>
        %reduce_sum3A_320 = tpu.scan <sum>, %select_n3A_317 masked %reduce_sum3A_319 : vector<16xi32>, vector<16xi1> -> vector<16xi32>
        %reduce_sum3A_321 = vector.extract %reduce_sum3A_320[15] : i32 from vector<16xi32>
        %mul3A_322 = arith.constant 16 : i32
        %mul3A_323 = arith.muli %reduce_sum3A_321, %mul3A_322 : i32
        %add3A_324 = vector.broadcast %mul3A_323 : i32 to vector<16xi32>
        %add3A_325 = arith.addi %add3A_324, %iota3A : vector<16xi32>
        %mul3A_326 = arith.constant 16 : i32
        %mul3A_327 = arith.muli %scan3A_31, %mul3A_326 : i32
        %add3A_328 = arith.constant 13 : i32
        %add3A_329 = arith.addi %mul3A_327, %add3A_328 : i32
        %get3A_330 = arith.index_cast %add3A_329 : i32 to index
        %get3A_331 = arith.constant 0 : index
        %get3A_332 = tpu.vector_load %arg6[%get3A_330, %get3A_331] {strides = array<i32>} : memref<128x16xf32, #tpu.memory_space<vmem>>, vector<16xf32>,
        tpu.vector_store_idx %arg7[%add3A_325], %get3A_332 {add = true} : memref<82048xf32, #tpu.memory_space<vmem>>[vector<16xi32>], vector<16xf32>,
        %eq3A_333 = arith.constant 14 : i32
        %eq3A_334 = vector.broadcast %eq3A_333 : i32 to vector<16xi32>
        %eq3A_335 = arith.cmpi eq, %iota3A, %eq3A_334 : vector<16xi32>
        %jit3A_336 = arith.constant 0 : i32
        %broadcast_in_dim3A_337 = vector.broadcast %jit3A_336 : i32 to vector<16xi32>
        %select_n3A_338 = arith.select %eq3A_335, %select_n3A, %broadcast_in_dim3A_337 : vector<16xi1>, vector<16xi32>
        %reduce_sum3A_339 = arith.constant true
        %reduce_sum3A_340 = vector.broadcast %reduce_sum3A_339 : i1 to vector<16xi1>
        %reduce_sum3A_341 = tpu.scan <sum>, %select_n3A_338 masked %reduce_sum3A_340 : vector<16xi32>, vector<16xi1> -> vector<16xi32>
        %reduce_sum3A_342 = vector.extract %reduce_sum3A_341[15] : i32 from vector<16xi32>
        %mul3A_343 = arith.constant 16 : i32
        %mul3A_344 = arith.muli %reduce_sum3A_342, %mul3A_343 : i32
        %add3A_345 = vector.broadcast %mul3A_344 : i32 to vector<16xi32>
        %add3A_346 = arith.addi %add3A_345, %iota3A : vector<16xi32>
        %mul3A_347 = arith.constant 16 : i32
        %mul3A_348 = arith.muli %scan3A_31, %mul3A_347 : i32
        %add3A_349 = arith.constant 14 : i32
        %add3A_350 = arith.addi %mul3A_348, %add3A_349 : i32
        %get3A_351 = arith.index_cast %add3A_350 : i32 to index
        %get3A_352 = arith.constant 0 : index
        %get3A_353 = tpu.vector_load %arg6[%get3A_351, %get3A_352] {strides = array<i32>} : memref<128x16xf32, #tpu.memory_space<vmem>>, vector<16xf32>,
        tpu.vector_store_idx %arg7[%add3A_346], %get3A_353 {add = true} : memref<82048xf32, #tpu.memory_space<vmem>>[vector<16xi32>], vector<16xf32>,
        %eq3A_354 = arith.constant 15 : i32
        %eq3A_355 = vector.broadcast %eq3A_354 : i32 to vector<16xi32>
        %eq3A_356 = arith.cmpi eq, %iota3A, %eq3A_355 : vector<16xi32>
        %jit3A_357 = arith.constant 0 : i32
        %broadcast_in_dim3A_358 = vector.broadcast %jit3A_357 : i32 to vector<16xi32>
        %select_n3A_359 = arith.select %eq3A_356, %select_n3A, %broadcast_in_dim3A_358 : vector<16xi1>, vector<16xi32>
        %reduce_sum3A_360 = arith.constant true
        %reduce_sum3A_361 = vector.broadcast %reduce_sum3A_360 : i1 to vector<16xi1>
        %reduce_sum3A_362 = tpu.scan <sum>, %select_n3A_359 masked %reduce_sum3A_361 : vector<16xi32>, vector<16xi1> -> vector<16xi32>
        %reduce_sum3A_363 = vector.extract %reduce_sum3A_362[15] : i32 from vector<16xi32>
        %mul3A_364 = arith.constant 16 : i32
        %mul3A_365 = arith.muli %reduce_sum3A_363, %mul3A_364 : i32
        %add3A_366 = vector.broadcast %mul3A_365 : i32 to vector<16xi32>
        %add3A_367 = arith.addi %add3A_366, %iota3A : vector<16xi32>
        %mul3A_368 = arith.constant 16 : i32
        %mul3A_369 = arith.muli %scan3A_31, %mul3A_368 : i32
        %add3A_370 = arith.constant 15 : i32
        %add3A_371 = arith.addi %mul3A_369, %add3A_370 : i32
        %get3A_372 = arith.index_cast %add3A_371 : i32 to index
        %get3A_373 = arith.constant 0 : index
        %get3A_374 = tpu.vector_load %arg6[%get3A_372, %get3A_373] {strides = array<i32>} : memref<128x16xf32, #tpu.memory_space<vmem>>, vector<16xf32>,
        tpu.vector_store_idx %arg7[%add3A_367], %get3A_374 {add = true} : memref<82048xf32, #tpu.memory_space<vmem>>[vector<16xi32>], vector<16xf32>,
      }
      %scan3A_30 = arith.constant 8 : i32
    }
    %scan3A_16 = arith.constant 80 : i32
    %mul3A_17 = arith.constant 2 : i32
    %mul3A_18 = arith.muli %arg1, %mul3A_17 : i32
    %add3A = arith.addi %mul3A_18, %arg0 : i32
    %mul3A_19 = arith.constant 82048 : i32
    %mul3A_20 = arith.muli %add3A, %mul3A_19 : i32
    "tpu.region"() ({
      %run_scoped3A = tpu.sem_alloc : memref<!tpu.dma_semaphore, #tpu.memory_space<semaphore_mem>>
      %dma_start3A = tpu.memref_slice %arg4[%mul3A_20] : memref<2625536xf32, #tpu.memory_space<hbm>> -> memref<82048xf32, #tpu.memory_space<hbm>>
      %dma_start3A_21 = tpu.memref_slice %arg4[%mul3A_20] : memref<2625536xf32, #tpu.memory_space<hbm>> -> memref<82048xf32, #tpu.memory_space<hbm>>
      tpu.enqueue_dma source(%arg7 : memref<82048xf32, #tpu.memory_space<vmem>>) target(%dma_start3A_21 : memref<82048xf32, #tpu.memory_space<hbm>>) target_semaphore(%run_scoped3A : memref<!tpu.dma_semaphore, #tpu.memory_space<semaphore_mem>>)
      %dma_wait3A = tpu.memref_slice %arg4[%mul3A_20] : memref<2625536xf32, #tpu.memory_space<hbm>> -> memref<82048xf32, #tpu.memory_space<hbm>>
      %dma_wait3A_22 = tpu.memref_slice %arg4[%mul3A_20] : memref<2625536xf32, #tpu.memory_space<hbm>> -> memref<82048xf32, #tpu.memory_space<hbm>>
      tpu.wait_dma2 semaphore(%run_scoped3A : memref<!tpu.dma_semaphore, #tpu.memory_space<semaphore_mem>>) src(%arg7 : memref<82048xf32, #tpu.memory_space<vmem>>) dst(%dma_wait3A_22 : memref<82048xf32, #tpu.memory_space<hbm>>)
      tpu.yield
    }) : () -> ()
    return
  }
}

module attributes {stable_mosaic.version = 14 : i64} {
  func.func @_bn_xu_body(%arg0: memref<10000x256xf32, #tpu.memory_space<vmem>>, %arg1: memref<16x32xf32, #tpu.memory_space<vmem>>, %arg2: memref<1x256xf32, #tpu.memory_space<vmem>>, %arg3: memref<1x256xf32, #tpu.memory_space<vmem>>, %arg4: memref<1x32xf32, #tpu.memory_space<vmem>>, %arg5: memref<1x32xf32, #tpu.memory_space<vmem>>, %arg6: memref<10000x256xf32, #tpu.memory_space<vmem>>, %arg7: memref<16x32xf32, #tpu.memory_space<vmem>>) attributes {dimension_semantics = [], scalar_prefetch = 0 : i64, scratch_operands = 0 : i64, tpu.core_type = #tpu.core_type<tc>} {
    %get3A = arith.constant 0 : index
    %get3A_0 = arith.constant 0 : index
    %get3A_1 = vector.load %arg0[%get3A, %get3A_0] : memref<10000x256xf32, #tpu.memory_space<vmem>>, vector<10000x256xf32>
    %get3A_2 = arith.constant 0 : index
    %get3A_3 = arith.constant 0 : index
    %get3A_4 = vector.load %arg2[%get3A_2, %get3A_3] : memref<1x256xf32, #tpu.memory_space<vmem>>, vector<1x256xf32>
    %get3A_5 = arith.constant 0 : index
    %get3A_6 = arith.constant 0 : index
    %get3A_7 = vector.load %arg3[%get3A_5, %get3A_6] : memref<1x256xf32, #tpu.memory_space<vmem>>, vector<1x256xf32>
    %reduce_sum3A = arith.constant dense<0.000000e+00> : vector<256xf32>
    %reduce_sum3A_8 = vector.multi_reduction <add>, %get3A_1, %reduce_sum3A [0] : vector<10000x256xf32> to vector<256xf32>
    %broadcast_in_dim3A = vector.shape_cast %reduce_sum3A_8 : vector<256xf32> to vector<1x256xf32>
    %div3A = arith.constant 1.000000e+04 : f32
    %div3A_9 = vector.broadcast %div3A : f32 to vector<1x256xf32>
    %div3A_10 = arith.divf %broadcast_in_dim3A, %div3A_9 : vector<1x256xf32>
    %sub3A = vector.broadcast %div3A_10 : vector<1x256xf32> to vector<10000x256xf32>
    %sub3A_11 = arith.subf %get3A_1, %sub3A : vector<10000x256xf32>
    %square3A = arith.mulf %sub3A_11, %sub3A_11 : vector<10000x256xf32>
    %reduce_sum3A_12 = arith.constant dense<0.000000e+00> : vector<256xf32>
    %reduce_sum3A_13 = vector.multi_reduction <add>, %square3A, %reduce_sum3A_12 [0] : vector<10000x256xf32> to vector<256xf32>
    %broadcast_in_dim3A_14 = vector.shape_cast %reduce_sum3A_13 : vector<256xf32> to vector<1x256xf32>
    %div3A_15 = arith.constant 1.000000e+04 : f32
    %div3A_16 = vector.broadcast %div3A_15 : f32 to vector<1x256xf32>
    %div3A_17 = arith.divf %broadcast_in_dim3A_14, %div3A_16 : vector<1x256xf32>
    %sub3A_18 = vector.broadcast %div3A_10 : vector<1x256xf32> to vector<10000x256xf32>
    %sub3A_19 = arith.subf %get3A_1, %sub3A_18 : vector<10000x256xf32>
    %add3A = arith.constant 9.99999974E-6 : f32
    %add3A_20 = vector.broadcast %add3A : f32 to vector<1x256xf32>
    %add3A_21 = arith.addf %div3A_17, %add3A_20 : vector<1x256xf32>
    %rsqrt3A = math.rsqrt %add3A_21 : vector<1x256xf32>
    %mul3A = vector.broadcast %rsqrt3A : vector<1x256xf32> to vector<10000x256xf32>
    %mul3A_22 = arith.mulf %sub3A_19, %mul3A : vector<10000x256xf32>
    %mul3A_23 = vector.broadcast %get3A_4 : vector<1x256xf32> to vector<10000x256xf32>
    %mul3A_24 = arith.mulf %mul3A_22, %mul3A_23 : vector<10000x256xf32>
    %add3A_25 = vector.broadcast %get3A_7 : vector<1x256xf32> to vector<10000x256xf32>
    %add3A_26 = arith.addf %mul3A_24, %add3A_25 : vector<10000x256xf32>
    %swap3A = arith.constant 0 : index
    %swap3A_27 = arith.constant 0 : index
    %swap3A_28 = vector.load %arg6[%swap3A, %swap3A_27] : memref<10000x256xf32, #tpu.memory_space<vmem>>, vector<10000x256xf32>
    tpu.vector_store %arg6[%swap3A, %swap3A_27], %add3A_26 {strides = array<i32>} : memref<10000x256xf32, #tpu.memory_space<vmem>>, vector<10000x256xf32>,
    %get3A_29 = arith.constant 0 : index
    %get3A_30 = arith.constant 0 : index
    %get3A_31 = vector.load %arg1[%get3A_29, %get3A_30] : memref<16x32xf32, #tpu.memory_space<vmem>>, vector<16x32xf32>
    %get3A_32 = arith.constant 0 : index
    %get3A_33 = arith.constant 0 : index
    %get3A_34 = vector.load %arg4[%get3A_32, %get3A_33] : memref<1x32xf32, #tpu.memory_space<vmem>>, vector<1x32xf32>
    %get3A_35 = arith.constant 0 : index
    %get3A_36 = arith.constant 0 : index
    %get3A_37 = vector.load %arg5[%get3A_35, %get3A_36] : memref<1x32xf32, #tpu.memory_space<vmem>>, vector<1x32xf32>
    %reduce_sum3A_38 = arith.constant dense<0.000000e+00> : vector<32xf32>
    %reduce_sum3A_39 = vector.multi_reduction <add>, %get3A_31, %reduce_sum3A_38 [0] : vector<16x32xf32> to vector<32xf32>
    %broadcast_in_dim3A_40 = vector.shape_cast %reduce_sum3A_39 : vector<32xf32> to vector<1x32xf32>
    %div3A_41 = arith.constant 1.600000e+01 : f32
    %div3A_42 = vector.broadcast %div3A_41 : f32 to vector<1x32xf32>
    %div3A_43 = arith.divf %broadcast_in_dim3A_40, %div3A_42 : vector<1x32xf32>
    %sub3A_44 = vector.broadcast %div3A_43 : vector<1x32xf32> to vector<16x32xf32>
    %sub3A_45 = arith.subf %get3A_31, %sub3A_44 : vector<16x32xf32>
    %square3A_46 = arith.mulf %sub3A_45, %sub3A_45 : vector<16x32xf32>
    %reduce_sum3A_47 = arith.constant dense<0.000000e+00> : vector<32xf32>
    %reduce_sum3A_48 = vector.multi_reduction <add>, %square3A_46, %reduce_sum3A_47 [0] : vector<16x32xf32> to vector<32xf32>
    %broadcast_in_dim3A_49 = vector.shape_cast %reduce_sum3A_48 : vector<32xf32> to vector<1x32xf32>
    %div3A_50 = arith.constant 1.600000e+01 : f32
    %div3A_51 = vector.broadcast %div3A_50 : f32 to vector<1x32xf32>
    %div3A_52 = arith.divf %broadcast_in_dim3A_49, %div3A_51 : vector<1x32xf32>
    %sub3A_53 = vector.broadcast %div3A_43 : vector<1x32xf32> to vector<16x32xf32>
    %sub3A_54 = arith.subf %get3A_31, %sub3A_53 : vector<16x32xf32>
    %add3A_55 = arith.constant 9.99999974E-6 : f32
    %add3A_56 = vector.broadcast %add3A_55 : f32 to vector<1x32xf32>
    %add3A_57 = arith.addf %div3A_52, %add3A_56 : vector<1x32xf32>
    %rsqrt3A_58 = math.rsqrt %add3A_57 : vector<1x32xf32>
    %mul3A_59 = vector.broadcast %rsqrt3A_58 : vector<1x32xf32> to vector<16x32xf32>
    %mul3A_60 = arith.mulf %sub3A_54, %mul3A_59 : vector<16x32xf32>
    %mul3A_61 = vector.broadcast %get3A_34 : vector<1x32xf32> to vector<16x32xf32>
    %mul3A_62 = arith.mulf %mul3A_60, %mul3A_61 : vector<16x32xf32>
    %add3A_63 = vector.broadcast %get3A_37 : vector<1x32xf32> to vector<16x32xf32>
    %add3A_64 = arith.addf %mul3A_62, %add3A_63 : vector<16x32xf32>
    %swap3A_65 = arith.constant 0 : index
    %swap3A_66 = arith.constant 0 : index
    %swap3A_67 = vector.load %arg7[%swap3A_65, %swap3A_66] : memref<16x32xf32, #tpu.memory_space<vmem>>, vector<16x32xf32>
    tpu.vector_store %arg7[%swap3A_65, %swap3A_66], %add3A_64 {strides = array<i32>} : memref<16x32xf32, #tpu.memory_space<vmem>>, vector<16x32xf32>,
    return
  }
}

module attributes {stable_mosaic.version = 14 : i64} {
  func.func @_tables_body(%arg0: i32, %arg1: memref<1000x256xf32, #tpu.memory_space<vmem>>, %arg2: memref<1000x1xi32, #tpu.memory_space<vmem>>, %arg3: memref<16x32xf32, #tpu.memory_space<vmem>>, %arg4: memref<256x128xf32, #tpu.memory_space<vmem>>, %arg5: memref<256x128xf32, #tpu.memory_space<vmem>>, %arg6: memref<32x128xf32, #tpu.memory_space<vmem>>, %arg7: memref<1x128xf32, #tpu.memory_space<vmem>>, %arg8: memref<1000x128xf32, #tpu.memory_space<vmem>>, %arg9: memref<1000x128xf32, #tpu.memory_space<vmem>>) attributes {dimension_semantics = [#tpu.dimension_semantics<arbitrary>], iteration_bounds = array<i64: 10>, scalar_prefetch = 0 : i64, scratch_operands = 0 : i64, tpu.core_type = #tpu.core_type<tc>, window_params = [{transform_indices = @transform_0, window_bounds = array<i64: 1000, 256>}, {transform_indices = @transform_1, window_bounds = array<i64: 1000, 1>}, {pipeline_mode = #tpu.pipeline_mode<synchronous>, transform_indices = @transform_2, window_bounds = array<i64: 16, 32>}, {pipeline_mode = #tpu.pipeline_mode<synchronous>, transform_indices = @transform_3, window_bounds = array<i64: 256, 128>}, {pipeline_mode = #tpu.pipeline_mode<synchronous>, transform_indices = @transform_4, window_bounds = array<i64: 256, 128>}, {pipeline_mode = #tpu.pipeline_mode<synchronous>, transform_indices = @transform_5, window_bounds = array<i64: 32, 128>}, {pipeline_mode = #tpu.pipeline_mode<synchronous>, transform_indices = @transform_6, window_bounds = array<i64: 1, 128>}, {transform_indices = @transform_7, window_bounds = array<i64: 1000, 128>}, {transform_indices = @transform_8, window_bounds = array<i64: 1000, 128>}]} {
    %get3A = arith.constant 0 : index
    %get3A_0 = arith.constant 0 : index
    %get3A_1 = vector.load %arg1[%get3A, %get3A_0] : memref<1000x256xf32, #tpu.memory_space<vmem>>, vector<1000x256xf32>
    %get3A_2 = arith.constant 0 : index
    %get3A_3 = arith.constant 0 : index
    %get3A_4 = vector.load %arg3[%get3A_2, %get3A_3] : memref<16x32xf32, #tpu.memory_space<vmem>>, vector<16x32xf32>
    %get3A_5 = arith.constant 0 : index
    %get3A_6 = arith.constant 0 : index
    %get3A_7 = vector.load %arg6[%get3A_5, %get3A_6] : memref<32x128xf32, #tpu.memory_space<vmem>>, vector<32x128xf32>
    %dot_general3A = arith.constant dense<0.000000e+00> : vector<16x128xf32>
    %dot_general3A_8 = tpu.matmul %get3A_4, %get3A_7, %dot_general3A {dimension_numbers = #tpu.dot_dimension_numbers<[1], [0], [0], [1], [0, 0, 1, 1], [], []>, transpose_lhs_hint = false} : vector<16x32xf32>, vector<32x128xf32>, vector<16x128xf32> -> vector<16x128xf32>
    %get3A_9 = arith.constant 0 : index
    %get3A_10 = arith.constant 0 : index
    %get3A_11 = vector.load %arg7[%get3A_9, %get3A_10] : memref<1x128xf32, #tpu.memory_space<vmem>>, vector<1x128xf32>
    %add3A = vector.broadcast %get3A_11 : vector<1x128xf32> to vector<16x128xf32>
    %add3A_12 = arith.addf %dot_general3A_8, %add3A : vector<16x128xf32>
    %get3A_13 = arith.constant 0 : index
    %get3A_14 = arith.constant 0 : index
    %get3A_15 = vector.load %arg2[%get3A_13, %get3A_14] : memref<1000x1xi32, #tpu.memory_space<vmem>>, vector<1000x1xi32>
    %iota3A = tpu.iota {dimensions = array<i32: 1>} : vector<1x16xi32>
    %eq3A = vector.broadcast %get3A_15 : vector<1000x1xi32> to vector<1000x16xi32>
    %eq3A_16 = vector.broadcast %iota3A : vector<1x16xi32> to vector<1000x16xi32>
    %eq3A_17 = arith.cmpi eq, %eq3A, %eq3A_16 : vector<1000x16xi32>
    %convert_element_type3A = arith.extui %eq3A_17 : vector<1000x16xi1> to vector<1000x16xi32>
    %convert_element_type3A_18 = arith.sitofp %convert_element_type3A : vector<1000x16xi32> to vector<1000x16xf32>
    %get3A_19 = arith.constant 0 : index
    %get3A_20 = arith.constant 0 : index
    %get3A_21 = vector.load %arg4[%get3A_19, %get3A_20] : memref<256x128xf32, #tpu.memory_space<vmem>>, vector<256x128xf32>
    %dot_general3A_22 = arith.constant dense<0.000000e+00> : vector<1000x128xf32>
    %dot_general3A_23 = tpu.matmul %get3A_1, %get3A_21, %dot_general3A_22 {dimension_numbers = #tpu.dot_dimension_numbers<[1], [0], [0], [1], [0, 0, 1, 1], [], []>, transpose_lhs_hint = false} : vector<1000x256xf32>, vector<256x128xf32>, vector<1000x128xf32> -> vector<1000x128xf32>
    %dot_general3A_24 = arith.constant dense<0.000000e+00> : vector<1000x128xf32>
    %dot_general3A_25 = tpu.matmul %convert_element_type3A_18, %add3A_12, %dot_general3A_24 {dimension_numbers = #tpu.dot_dimension_numbers<[1], [0], [0], [1], [0, 0, 1, 1], [], []>, transpose_lhs_hint = false} : vector<1000x16xf32>, vector<16x128xf32>, vector<1000x128xf32> -> vector<1000x128xf32>
    %add3A_26 = arith.addf %dot_general3A_23, %dot_general3A_25 : vector<1000x128xf32>
    %swap3A = arith.constant 0 : index
    %swap3A_27 = arith.constant 0 : index
    %swap3A_28 = vector.load %arg8[%swap3A, %swap3A_27] : memref<1000x128xf32, #tpu.memory_space<vmem>>, vector<1000x128xf32>
    tpu.vector_store %arg8[%swap3A, %swap3A_27], %add3A_26 {strides = array<i32>} : memref<1000x128xf32, #tpu.memory_space<vmem>>, vector<1000x128xf32>,
    %get3A_29 = arith.constant 0 : index
    %get3A_30 = arith.constant 0 : index
    %get3A_31 = vector.load %arg5[%get3A_29, %get3A_30] : memref<256x128xf32, #tpu.memory_space<vmem>>, vector<256x128xf32>
    %dot_general3A_32 = arith.constant dense<0.000000e+00> : vector<1000x128xf32>
    %dot_general3A_33 = tpu.matmul %get3A_1, %get3A_31, %dot_general3A_32 {dimension_numbers = #tpu.dot_dimension_numbers<[1], [0], [0], [1], [0, 0, 1, 1], [], []>, transpose_lhs_hint = false} : vector<1000x256xf32>, vector<256x128xf32>, vector<1000x128xf32> -> vector<1000x128xf32>
    %swap3A_34 = arith.constant 0 : index
    %swap3A_35 = arith.constant 0 : index
    %swap3A_36 = vector.load %arg9[%swap3A_34, %swap3A_35] : memref<1000x128xf32, #tpu.memory_space<vmem>>, vector<1000x128xf32>
    tpu.vector_store %arg9[%swap3A_34, %swap3A_35], %dot_general3A_33 {strides = array<i32>} : memref<1000x128xf32, #tpu.memory_space<vmem>>, vector<1000x128xf32>,
    return
  }
  func.func @transform_0(%arg0: i32) -> (i32, i32) {
    %c0_i32 = arith.constant 0 : i32
    %c0_i32_0 = arith.constant 0 : i32
    return %arg0, %c0_i32 : i32, i32
  }
  func.func @transform_1(%arg0: i32) -> (i32, i32) {
    %c0_i32 = arith.constant 0 : i32
    %c0_i32_0 = arith.constant 0 : i32
    return %arg0, %c0_i32 : i32, i32
  }
  func.func @transform_2(%arg0: i32) -> (i32, i32) {
    %c0_i32 = arith.constant 0 : i32
    %c0_i32_0 = arith.constant 0 : i32
    %c0_i32_1 = arith.constant 0 : i32
    return %c0_i32, %c0_i32_0 : i32, i32
  }
  func.func @transform_3(%arg0: i32) -> (i32, i32) {
    %c0_i32 = arith.constant 0 : i32
    %c0_i32_0 = arith.constant 0 : i32
    %c0_i32_1 = arith.constant 0 : i32
    return %c0_i32, %c0_i32_0 : i32, i32
  }
  func.func @transform_4(%arg0: i32) -> (i32, i32) {
    %c0_i32 = arith.constant 0 : i32
    %c0_i32_0 = arith.constant 0 : i32
    %c0_i32_1 = arith.constant 0 : i32
    return %c0_i32, %c0_i32_0 : i32, i32
  }
  func.func @transform_5(%arg0: i32) -> (i32, i32) {
    %c0_i32 = arith.constant 0 : i32
    %c0_i32_0 = arith.constant 0 : i32
    %c0_i32_1 = arith.constant 0 : i32
    return %c0_i32, %c0_i32_0 : i32, i32
  }
  func.func @transform_6(%arg0: i32) -> (i32, i32) {
    %c0_i32 = arith.constant 0 : i32
    %c0_i32_0 = arith.constant 0 : i32
    %c0_i32_1 = arith.constant 0 : i32
    return %c0_i32, %c0_i32_0 : i32, i32
  }
  func.func @transform_7(%arg0: i32) -> (i32, i32) {
    %c0_i32 = arith.constant 0 : i32
    %c0_i32_0 = arith.constant 0 : i32
    return %arg0, %c0_i32 : i32, i32
  }
  func.func @transform_8(%arg0: i32) -> (i32, i32) {
    %c0_i32 = arith.constant 0 : i32
    %c0_i32_0 = arith.constant 0 : i32
    return %arg0, %c0_i32 : i32, i32
  }
}

module attributes {stable_mosaic.version = 14 : i64} {
  func.func @_estats_body(%arg0: i32, %arg1: memref<10000x16xf32, #tpu.memory_space<vmem>>, %arg2: memref<1x16xf32, #tpu.memory_space<vmem>>, %arg3: memref<1x16xf32, #tpu.memory_space<vmem>>) attributes {dimension_semantics = [#tpu.dimension_semantics<arbitrary>], iteration_bounds = array<i64: 16>, scalar_prefetch = 0 : i64, scratch_operands = 0 : i64, tpu.core_type = #tpu.core_type<tc>, window_params = [{transform_indices = @transform_0, window_bounds = array<i64: 10000, 16>}, {pipeline_mode = #tpu.pipeline_mode<synchronous>, transform_indices = @transform_1, window_bounds = array<i64: 1, 16>}, {pipeline_mode = #tpu.pipeline_mode<synchronous>, transform_indices = @transform_2, window_bounds = array<i64: 1, 16>}]} {
    %eq3A = arith.constant 0 : i32
    %eq3A_0 = arith.cmpi eq, %arg0, %eq3A : i32
    %convert_element_type3A = arith.extui %eq3A_0 : i1 to i32
    %cond3A = arith.constant 0 : i32
    %cond3A_1 = arith.cmpi ne, %convert_element_type3A, %cond3A : i32
    scf.if %cond3A_1 {
      %broadcast_in_dim3A_20 = arith.constant 0.000000e+00 : f32
      %broadcast_in_dim3A_21 = vector.broadcast %broadcast_in_dim3A_20 : f32 to vector<1x16xf32>
      %swap3A_22 = arith.constant 0 : index
      %swap3A_23 = arith.constant 0 : index
      %swap3A_24 = vector.load %arg2[%swap3A_22, %swap3A_23] : memref<1x16xf32, #tpu.memory_space<vmem>>, vector<1x16xf32>
      tpu.vector_store %arg2[%swap3A_22, %swap3A_23], %broadcast_in_dim3A_21 {strides = array<i32>} : memref<1x16xf32, #tpu.memory_space<vmem>>, vector<1x16xf32>,
      %broadcast_in_dim3A_25 = arith.constant 0.000000e+00 : f32
      %broadcast_in_dim3A_26 = vector.broadcast %broadcast_in_dim3A_25 : f32 to vector<1x16xf32>
      %swap3A_27 = arith.constant 0 : index
      %swap3A_28 = arith.constant 0 : index
      %swap3A_29 = vector.load %arg3[%swap3A_27, %swap3A_28] : memref<1x16xf32, #tpu.memory_space<vmem>>, vector<1x16xf32>
      tpu.vector_store %arg3[%swap3A_27, %swap3A_28], %broadcast_in_dim3A_26 {strides = array<i32>} : memref<1x16xf32, #tpu.memory_space<vmem>>, vector<1x16xf32>,
    } else {
    }
    %get3A = arith.constant 0 : index
    %get3A_2 = arith.constant 0 : index
    %get3A_3 = vector.load %arg1[%get3A, %get3A_2] : memref<10000x16xf32, #tpu.memory_space<vmem>>, vector<10000x16xf32>
    %get3A_4 = arith.constant 0 : index
    %get3A_5 = arith.constant 0 : index
    %get3A_6 = vector.load %arg2[%get3A_4, %get3A_5] : memref<1x16xf32, #tpu.memory_space<vmem>>, vector<1x16xf32>
    %reduce_sum3A = arith.constant dense<0.000000e+00> : vector<16xf32>
    %reduce_sum3A_7 = vector.multi_reduction <add>, %get3A_3, %reduce_sum3A [0] : vector<10000x16xf32> to vector<16xf32>
    %broadcast_in_dim3A = vector.shape_cast %reduce_sum3A_7 : vector<16xf32> to vector<1x16xf32>
    %add3A = arith.addf %get3A_6, %broadcast_in_dim3A : vector<1x16xf32>
    %swap3A = arith.constant 0 : index
    %swap3A_8 = arith.constant 0 : index
    %swap3A_9 = vector.load %arg2[%swap3A, %swap3A_8] : memref<1x16xf32, #tpu.memory_space<vmem>>, vector<1x16xf32>
    tpu.vector_store %arg2[%swap3A, %swap3A_8], %add3A {strides = array<i32>} : memref<1x16xf32, #tpu.memory_space<vmem>>, vector<1x16xf32>,
    %get3A_10 = arith.constant 0 : index
    %get3A_11 = arith.constant 0 : index
    %get3A_12 = vector.load %arg3[%get3A_10, %get3A_11] : memref<1x16xf32, #tpu.memory_space<vmem>>, vector<1x16xf32>
    %square3A = arith.mulf %get3A_3, %get3A_3 : vector<10000x16xf32>
    %reduce_sum3A_13 = arith.constant dense<0.000000e+00> : vector<16xf32>
    %reduce_sum3A_14 = vector.multi_reduction <add>, %square3A, %reduce_sum3A_13 [0] : vector<10000x16xf32> to vector<16xf32>
    %broadcast_in_dim3A_15 = vector.shape_cast %reduce_sum3A_14 : vector<16xf32> to vector<1x16xf32>
    %add3A_16 = arith.addf %get3A_12, %broadcast_in_dim3A_15 : vector<1x16xf32>
    %swap3A_17 = arith.constant 0 : index
    %swap3A_18 = arith.constant 0 : index
    %swap3A_19 = vector.load %arg3[%swap3A_17, %swap3A_18] : memref<1x16xf32, #tpu.memory_space<vmem>>, vector<1x16xf32>
    tpu.vector_store %arg3[%swap3A_17, %swap3A_18], %add3A_16 {strides = array<i32>} : memref<1x16xf32, #tpu.memory_space<vmem>>, vector<1x16xf32>,
    return
  }
  func.func @transform_0(%arg0: i32) -> (i32, i32) {
    %c0_i32 = arith.constant 0 : i32
    %c0_i32_0 = arith.constant 0 : i32
    return %arg0, %c0_i32 : i32, i32
  }
  func.func @transform_1(%arg0: i32) -> (i32, i32) {
    %c0_i32 = arith.constant 0 : i32
    %c0_i32_0 = arith.constant 0 : i32
    %c0_i32_1 = arith.constant 0 : i32
    return %c0_i32, %c0_i32_0 : i32, i32
  }
  func.func @transform_2(%arg0: i32) -> (i32, i32) {
    %c0_i32 = arith.constant 0 : i32
    %c0_i32_0 = arith.constant 0 : i32
    %c0_i32_1 = arith.constant 0 : i32
    return %c0_i32, %c0_i32_0 : i32, i32
  }
}

module attributes {stable_mosaic.version = 14 : i64} {
  func.func @_enorm_body(%arg0: i32, %arg1: memref<10240x16xf32, #tpu.memory_space<vmem>>, %arg2: memref<1x16xf32, #tpu.memory_space<vmem>>, %arg3: memref<1x16xf32, #tpu.memory_space<vmem>>, %arg4: memref<1x16xf32, #tpu.memory_space<vmem>>, %arg5: memref<1x16xf32, #tpu.memory_space<vmem>>, %arg6: memref<10240x16xf32, #tpu.memory_space<vmem>>) attributes {dimension_semantics = [#tpu.dimension_semantics<arbitrary>], iteration_bounds = array<i64: 16>, scalar_prefetch = 0 : i64, scratch_operands = 0 : i64, tpu.core_type = #tpu.core_type<tc>, window_params = [{transform_indices = @transform_0, window_bounds = array<i64: 10240, 16>}, {pipeline_mode = #tpu.pipeline_mode<synchronous>, transform_indices = @transform_1, window_bounds = array<i64: 1, 16>}, {pipeline_mode = #tpu.pipeline_mode<synchronous>, transform_indices = @transform_2, window_bounds = array<i64: 1, 16>}, {pipeline_mode = #tpu.pipeline_mode<synchronous>, transform_indices = @transform_3, window_bounds = array<i64: 1, 16>}, {pipeline_mode = #tpu.pipeline_mode<synchronous>, transform_indices = @transform_4, window_bounds = array<i64: 1, 16>}, {transform_indices = @transform_5, window_bounds = array<i64: 10240, 16>}]} {
    %get3A = arith.constant 0 : index
    %get3A_0 = arith.constant 0 : index
    %get3A_1 = vector.load %arg2[%get3A, %get3A_0] : memref<1x16xf32, #tpu.memory_space<vmem>>, vector<1x16xf32>
    %div3A = arith.constant 1.600000e+05 : f32
    %div3A_2 = vector.broadcast %div3A : f32 to vector<1x16xf32>
    %div3A_3 = arith.divf %get3A_1, %div3A_2 : vector<1x16xf32>
    %get3A_4 = arith.constant 0 : index
    %get3A_5 = arith.constant 0 : index
    %get3A_6 = vector.load %arg3[%get3A_4, %get3A_5] : memref<1x16xf32, #tpu.memory_space<vmem>>, vector<1x16xf32>
    %div3A_7 = arith.constant 1.600000e+05 : f32
    %div3A_8 = vector.broadcast %div3A_7 : f32 to vector<1x16xf32>
    %div3A_9 = arith.divf %get3A_6, %div3A_8 : vector<1x16xf32>
    %square3A = arith.mulf %div3A_3, %div3A_3 : vector<1x16xf32>
    %sub3A = arith.subf %div3A_9, %square3A : vector<1x16xf32>
    %get3A_10 = arith.constant 0 : index
    %get3A_11 = arith.constant 0 : index
    %get3A_12 = vector.load %arg1[%get3A_10, %get3A_11] : memref<10240x16xf32, #tpu.memory_space<vmem>>, vector<10240x16xf32>
    %sub3A_13 = vector.broadcast %div3A_3 : vector<1x16xf32> to vector<10240x16xf32>
    %sub3A_14 = arith.subf %get3A_12, %sub3A_13 : vector<10240x16xf32>
    %add3A = arith.constant 9.99999974E-6 : f32
    %add3A_15 = vector.broadcast %add3A : f32 to vector<1x16xf32>
    %add3A_16 = arith.addf %sub3A, %add3A_15 : vector<1x16xf32>
    %rsqrt3A = math.rsqrt %add3A_16 : vector<1x16xf32>
    %mul3A = vector.broadcast %rsqrt3A : vector<1x16xf32> to vector<10240x16xf32>
    %mul3A_17 = arith.mulf %sub3A_14, %mul3A : vector<10240x16xf32>
    %get3A_18 = arith.constant 0 : index
    %get3A_19 = arith.constant 0 : index
    %get3A_20 = vector.load %arg4[%get3A_18, %get3A_19] : memref<1x16xf32, #tpu.memory_space<vmem>>, vector<1x16xf32>
    %mul3A_21 = vector.broadcast %get3A_20 : vector<1x16xf32> to vector<10240x16xf32>
    %mul3A_22 = arith.mulf %mul3A_17, %mul3A_21 : vector<10240x16xf32>
    %get3A_23 = arith.constant 0 : index
    %get3A_24 = arith.constant 0 : index
    %get3A_25 = vector.load %arg5[%get3A_23, %get3A_24] : memref<1x16xf32, #tpu.memory_space<vmem>>, vector<1x16xf32>
    %add3A_26 = vector.broadcast %get3A_25 : vector<1x16xf32> to vector<10240x16xf32>
    %add3A_27 = arith.addf %mul3A_22, %add3A_26 : vector<10240x16xf32>
    %swap3A = arith.constant 0 : index
    %swap3A_28 = arith.constant 0 : index
    %swap3A_29 = vector.load %arg6[%swap3A, %swap3A_28] : memref<10240x16xf32, #tpu.memory_space<vmem>>, vector<10240x16xf32>
    tpu.vector_store %arg6[%swap3A, %swap3A_28], %add3A_27 {strides = array<i32>} : memref<10240x16xf32, #tpu.memory_space<vmem>>, vector<10240x16xf32>,
    return
  }
  func.func @transform_0(%arg0: i32) -> (i32, i32) {
    %c0_i32 = arith.constant 0 : i32
    %c0_i32_0 = arith.constant 0 : i32
    return %arg0, %c0_i32 : i32, i32
  }
  func.func @transform_1(%arg0: i32) -> (i32, i32) {
    %c0_i32 = arith.constant 0 : i32
    %c0_i32_0 = arith.constant 0 : i32
    %c0_i32_1 = arith.constant 0 : i32
    return %c0_i32, %c0_i32_0 : i32, i32
  }
  func.func @transform_2(%arg0: i32) -> (i32, i32) {
    %c0_i32 = arith.constant 0 : i32
    %c0_i32_0 = arith.constant 0 : i32
    %c0_i32_1 = arith.constant 0 : i32
    return %c0_i32, %c0_i32_0 : i32, i32
  }
  func.func @transform_3(%arg0: i32) -> (i32, i32) {
    %c0_i32 = arith.constant 0 : i32
    %c0_i32_0 = arith.constant 0 : i32
    %c0_i32_1 = arith.constant 0 : i32
    return %c0_i32, %c0_i32_0 : i32, i32
  }
  func.func @transform_4(%arg0: i32) -> (i32, i32) {
    %c0_i32 = arith.constant 0 : i32
    %c0_i32_0 = arith.constant 0 : i32
    %c0_i32_1 = arith.constant 0 : i32
    return %c0_i32, %c0_i32_0 : i32, i32
  }
  func.func @transform_5(%arg0: i32) -> (i32, i32) {
    %c0_i32 = arith.constant 0 : i32
    %c0_i32_0 = arith.constant 0 : i32
    return %arg0, %c0_i32 : i32, i32
  }
}

module attributes {stable_mosaic.version = 14 : i64} {
  func.func @_edge_body(%arg0: i32, %arg1: memref<2048x128xf32, #tpu.memory_space<vmem>>, %arg2: memref<2048x128xf32, #tpu.memory_space<vmem>>, %arg3: memref<2048x16xf32, #tpu.memory_space<vmem>>, %arg4: memref<16x128xf32, #tpu.memory_space<vmem>>, %arg5: memref<128x16xf32, #tpu.memory_space<vmem>>, %arg6: memref<1x16xf32, #tpu.memory_space<vmem>>, %arg7: memref<2048x16xf32, #tpu.memory_space<vmem>>) attributes {dimension_semantics = [#tpu.dimension_semantics<arbitrary>], iteration_bounds = array<i64: 80>, scalar_prefetch = 0 : i64, scratch_operands = 0 : i64, tpu.core_type = #tpu.core_type<tc>, window_params = [{transform_indices = @transform_0, window_bounds = array<i64: 2048, 128>}, {transform_indices = @transform_1, window_bounds = array<i64: 2048, 128>}, {transform_indices = @transform_2, window_bounds = array<i64: 2048, 16>}, {pipeline_mode = #tpu.pipeline_mode<synchronous>, transform_indices = @transform_3, window_bounds = array<i64: 16, 128>}, {pipeline_mode = #tpu.pipeline_mode<synchronous>, transform_indices = @transform_4, window_bounds = array<i64: 128, 16>}, {pipeline_mode = #tpu.pipeline_mode<synchronous>, transform_indices = @transform_5, window_bounds = array<i64: 1, 16>}, {transform_indices = @transform_6, window_bounds = array<i64: 2048, 16>}]} {
    %get3A = arith.constant 0 : index
    %get3A_0 = arith.constant 0 : index
    %get3A_1 = vector.load %arg1[%get3A, %get3A_0] : memref<2048x128xf32, #tpu.memory_space<vmem>>, vector<2048x128xf32>
    %get3A_2 = arith.constant 0 : index
    %get3A_3 = arith.constant 0 : index
    %get3A_4 = vector.load %arg2[%get3A_2, %get3A_3] : memref<2048x128xf32, #tpu.memory_space<vmem>>, vector<2048x128xf32>
    %add3A = arith.addf %get3A_1, %get3A_4 : vector<2048x128xf32>
    %get3A_5 = arith.constant 0 : index
    %get3A_6 = arith.constant 0 : index
    %get3A_7 = vector.load %arg3[%get3A_5, %get3A_6] : memref<2048x16xf32, #tpu.memory_space<vmem>>, vector<2048x16xf32>
    %get3A_8 = arith.constant 0 : index
    %get3A_9 = arith.constant 0 : index
    %get3A_10 = vector.load %arg4[%get3A_8, %get3A_9] : memref<16x128xf32, #tpu.memory_space<vmem>>, vector<16x128xf32>
    %dot_general3A = arith.constant dense<0.000000e+00> : vector<2048x128xf32>
    %dot_general3A_11 = tpu.matmul %get3A_7, %get3A_10, %dot_general3A {dimension_numbers = #tpu.dot_dimension_numbers<[1], [0], [0], [1], [0, 0, 1, 1], [], []>, transpose_lhs_hint = false} : vector<2048x16xf32>, vector<16x128xf32>, vector<2048x128xf32> -> vector<2048x128xf32>
    %add3A_12 = arith.addf %add3A, %dot_general3A_11 : vector<2048x128xf32>
    %max3A = arith.constant 0.000000e+00 : f32
    %max3A_13 = vector.broadcast %max3A : f32 to vector<2048x128xf32>
    %max3A_14 = arith.maximumf %add3A_12, %max3A_13 : vector<2048x128xf32>
    %get3A_15 = arith.constant 0 : index
    %get3A_16 = arith.constant 0 : index
    %get3A_17 = vector.load %arg5[%get3A_15, %get3A_16] : memref<128x16xf32, #tpu.memory_space<vmem>>, vector<128x16xf32>
    %dot_general3A_18 = arith.constant dense<0.000000e+00> : vector<2048x16xf32>
    %dot_general3A_19 = tpu.matmul %max3A_14, %get3A_17, %dot_general3A_18 {dimension_numbers = #tpu.dot_dimension_numbers<[1], [0], [0], [1], [0, 0, 1, 1], [], []>, transpose_lhs_hint = false} : vector<2048x128xf32>, vector<128x16xf32>, vector<2048x16xf32> -> vector<2048x16xf32>
    %get3A_20 = arith.constant 0 : index
    %get3A_21 = arith.constant 0 : index
    %get3A_22 = vector.load %arg6[%get3A_20, %get3A_21] : memref<1x16xf32, #tpu.memory_space<vmem>>, vector<1x16xf32>
    %add3A_23 = vector.broadcast %get3A_22 : vector<1x16xf32> to vector<2048x16xf32>
    %add3A_24 = arith.addf %dot_general3A_19, %add3A_23 : vector<2048x16xf32>
    %swap3A = arith.constant 0 : index
    %swap3A_25 = arith.constant 0 : index
    %swap3A_26 = vector.load %arg7[%swap3A, %swap3A_25] : memref<2048x16xf32, #tpu.memory_space<vmem>>, vector<2048x16xf32>
    tpu.vector_store %arg7[%swap3A, %swap3A_25], %add3A_24 {strides = array<i32>} : memref<2048x16xf32, #tpu.memory_space<vmem>>, vector<2048x16xf32>,
    return
  }
  func.func @transform_0(%arg0: i32) -> (i32, i32) {
    %c0_i32 = arith.constant 0 : i32
    %c0_i32_0 = arith.constant 0 : i32
    return %arg0, %c0_i32 : i32, i32
  }
  func.func @transform_1(%arg0: i32) -> (i32, i32) {
    %c0_i32 = arith.constant 0 : i32
    %c0_i32_0 = arith.constant 0 : i32
    return %arg0, %c0_i32 : i32, i32
  }
  func.func @transform_2(%arg0: i32) -> (i32, i32) {
    %c0_i32 = arith.constant 0 : i32
    %c0_i32_0 = arith.constant 0 : i32
    return %arg0, %c0_i32 : i32, i32
  }
  func.func @transform_3(%arg0: i32) -> (i32, i32) {
    %c0_i32 = arith.constant 0 : i32
    %c0_i32_0 = arith.constant 0 : i32
    %c0_i32_1 = arith.constant 0 : i32
    return %c0_i32, %c0_i32_0 : i32, i32
  }
  func.func @transform_4(%arg0: i32) -> (i32, i32) {
    %c0_i32 = arith.constant 0 : i32
    %c0_i32_0 = arith.constant 0 : i32
    %c0_i32_1 = arith.constant 0 : i32
    return %c0_i32, %c0_i32_0 : i32, i32
  }
  func.func @transform_5(%arg0: i32) -> (i32, i32) {
    %c0_i32 = arith.constant 0 : i32
    %c0_i32_0 = arith.constant 0 : i32
    %c0_i32_1 = arith.constant 0 : i32
    return %c0_i32, %c0_i32_0 : i32, i32
  }
  func.func @transform_6(%arg0: i32) -> (i32, i32) {
    %c0_i32 = arith.constant 0 : i32
    %c0_i32_0 = arith.constant 0 : i32
    return %arg0, %c0_i32 : i32, i32
  }
}

module attributes {stable_mosaic.version = 14 : i64} {
  func.func @_reduce_body(%arg0: i32, %arg1: i32, %arg2: memref<16x1x1024x16xf32, #tpu.memory_space<vmem>>, %arg3: memref<1x1024x16xf32, #tpu.memory_space<vmem>>) attributes {dimension_semantics = [#tpu.dimension_semantics<arbitrary>, #tpu.dimension_semantics<arbitrary>], iteration_bounds = array<i64: 2, 5>, scalar_prefetch = 0 : i64, scratch_operands = 0 : i64, tpu.core_type = #tpu.core_type<tc>, window_params = [{transform_indices = @transform_0, window_bounds = array<i64: 16, 1, 1024, 16>}, {transform_indices = @transform_1, window_bounds = array<i64: 1, 1024, 16>}]} {
    %get3A = arith.constant 0 : index
    %get3A_0 = arith.constant 0 : index
    %get3A_1 = arith.constant 0 : index
    %get3A_2 = arith.constant 0 : index
    %get3A_3 = vector.load %arg2[%get3A, %get3A_0, %get3A_1, %get3A_2] : memref<16x1x1024x16xf32, #tpu.memory_space<vmem>>, vector<16x1x1024x16xf32>
    %reduce_sum3A = arith.constant dense<0.000000e+00> : vector<1x1024x16xf32>
    %reduce_sum3A_4 = vector.multi_reduction <add>, %get3A_3, %reduce_sum3A [0] : vector<16x1x1024x16xf32> to vector<1x1024x16xf32>
    %swap3A = arith.constant 0 : index
    %swap3A_5 = arith.constant 0 : index
    %swap3A_6 = arith.constant 0 : index
    %swap3A_7 = vector.load %arg3[%swap3A, %swap3A_5, %swap3A_6] : memref<1x1024x16xf32, #tpu.memory_space<vmem>>, vector<1x1024x16xf32>
    tpu.vector_store %arg3[%swap3A, %swap3A_5, %swap3A_6], %reduce_sum3A_4 {strides = array<i32>} : memref<1x1024x16xf32, #tpu.memory_space<vmem>>, vector<1x1024x16xf32>,
    return
  }
  func.func @transform_0(%arg0: i32, %arg1: i32) -> (i32, i32, i32, i32) {
    %c0_i32 = arith.constant 0 : i32
    %c0_i32_0 = arith.constant 0 : i32
    %c0_i32_1 = arith.constant 0 : i32
    return %c0_i32, %arg0, %arg1, %c0_i32_0 : i32, i32, i32, i32
  }
  func.func @transform_1(%arg0: i32, %arg1: i32) -> (i32, i32, i32) {
    %c0_i32 = arith.constant 0 : i32
    %c0_i32_0 = arith.constant 0 : i32
    return %arg0, %arg1, %c0_i32 : i32, i32, i32
  }
}

module attributes {stable_mosaic.version = 14 : i64} {
  func.func @_node_body(%arg0: i32, %arg1: memref<1000x256xf32, #tpu.memory_space<vmem>>, %arg2: memref<1000x16xf32, #tpu.memory_space<vmem>>, %arg3: memref<1000x16xf32, #tpu.memory_space<vmem>>, %arg4: memref<1000x1xi32, #tpu.memory_space<vmem>>, %arg5: memref<16x32xf32, #tpu.memory_space<vmem>>, %arg6: memref<256x256xf32, #tpu.memory_space<vmem>>, %arg7: memref<16x256xf32, #tpu.memory_space<vmem>>, %arg8: memref<32x256xf32, #tpu.memory_space<vmem>>, %arg9: memref<1x256xf32, #tpu.memory_space<vmem>>, %arg10: memref<256x256xf32, #tpu.memory_space<vmem>>, %arg11: memref<1x256xf32, #tpu.memory_space<vmem>>, %arg12: memref<1000x256xf32, #tpu.memory_space<vmem>>, %arg13: memref<16x256xf32, #tpu.memory_space<vmem>>) attributes {dimension_semantics = [#tpu.dimension_semantics<arbitrary>], iteration_bounds = array<i64: 10>, scalar_prefetch = 0 : i64, scratch_operands = 0 : i64, tpu.core_type = #tpu.core_type<tc>, window_params = [{transform_indices = @transform_0, window_bounds = array<i64: 1000, 256>}, {transform_indices = @transform_1, window_bounds = array<i64: 1000, 16>}, {transform_indices = @transform_2, window_bounds = array<i64: 1000, 16>}, {transform_indices = @transform_3, window_bounds = array<i64: 1000, 1>}, {pipeline_mode = #tpu.pipeline_mode<synchronous>, transform_indices = @transform_4, window_bounds = array<i64: 16, 32>}, {pipeline_mode = #tpu.pipeline_mode<synchronous>, transform_indices = @transform_5, window_bounds = array<i64: 256, 256>}, {pipeline_mode = #tpu.pipeline_mode<synchronous>, transform_indices = @transform_6, window_bounds = array<i64: 16, 256>}, {pipeline_mode = #tpu.pipeline_mode<synchronous>, transform_indices = @transform_7, window_bounds = array<i64: 32, 256>}, {pipeline_mode = #tpu.pipeline_mode<synchronous>, transform_indices = @transform_8, window_bounds = array<i64: 1, 256>}, {pipeline_mode = #tpu.pipeline_mode<synchronous>, transform_indices = @transform_9, window_bounds = array<i64: 256, 256>}, {pipeline_mode = #tpu.pipeline_mode<synchronous>, transform_indices = @transform_10, window_bounds = array<i64: 1, 256>}, {transform_indices = @transform_11, window_bounds = array<i64: 1000, 256>}, {pipeline_mode = #tpu.pipeline_mode<synchronous>, transform_indices = @transform_12, window_bounds = array<i64: 16, 256>}]} {
    %get3A = arith.constant 0 : index
    %get3A_0 = arith.constant 0 : index
    %get3A_1 = vector.load %arg3[%get3A, %get3A_0] : memref<1000x16xf32, #tpu.memory_space<vmem>>, vector<1000x1xf32>
    %max3A = arith.constant 1.000000e+00 : f32
    %max3A_2 = vector.broadcast %max3A : f32 to vector<1000x1xf32>
    %max3A_3 = arith.maximumf %get3A_1, %max3A_2 : vector<1000x1xf32>
    %div3A = arith.constant 1.000000e+00 : f32
    %div3A_4 = vector.broadcast %div3A : f32 to vector<1000x1xf32>
    %div3A_5 = arith.divf %div3A_4, %max3A_3 : vector<1000x1xf32>
    %get3A_6 = arith.constant 0 : index
    %get3A_7 = arith.constant 0 : index
    %get3A_8 = vector.load %arg2[%get3A_6, %get3A_7] : memref<1000x16xf32, #tpu.memory_space<vmem>>, vector<1000x16xf32>
    %mul3A = vector.broadcast %div3A_5 : vector<1000x1xf32> to vector<1000x16xf32>
    %mul3A_9 = arith.mulf %get3A_8, %mul3A : vector<1000x16xf32>
    %get3A_10 = arith.constant 0 : index
    %get3A_11 = arith.constant 0 : index
    %get3A_12 = vector.load %arg5[%get3A_10, %get3A_11] : memref<16x32xf32, #tpu.memory_space<vmem>>, vector<16x32xf32>
    %get3A_13 = arith.constant 0 : index
    %get3A_14 = arith.constant 0 : index
    %get3A_15 = vector.load %arg8[%get3A_13, %get3A_14] : memref<32x256xf32, #tpu.memory_space<vmem>>, vector<32x256xf32>
    %dot_general3A = arith.constant dense<0.000000e+00> : vector<16x256xf32>
    %dot_general3A_16 = tpu.matmul %get3A_12, %get3A_15, %dot_general3A {dimension_numbers = #tpu.dot_dimension_numbers<[1], [0], [0], [1], [0, 0, 1, 1], [], []>, transpose_lhs_hint = false} : vector<16x32xf32>, vector<32x256xf32>, vector<16x256xf32> -> vector<16x256xf32>
    %get3A_17 = arith.constant 0 : index
    %get3A_18 = arith.constant 0 : index
    %get3A_19 = vector.load %arg4[%get3A_17, %get3A_18] : memref<1000x1xi32, #tpu.memory_space<vmem>>, vector<1000x1xi32>
    %iota3A = tpu.iota {dimensions = array<i32: 1>} : vector<1x16xi32>
    %eq3A = vector.broadcast %get3A_19 : vector<1000x1xi32> to vector<1000x16xi32>
    %eq3A_20 = vector.broadcast %iota3A : vector<1x16xi32> to vector<1000x16xi32>
    %eq3A_21 = arith.cmpi eq, %eq3A, %eq3A_20 : vector<1000x16xi32>
    %convert_element_type3A = arith.extui %eq3A_21 : vector<1000x16xi1> to vector<1000x16xi32>
    %convert_element_type3A_22 = arith.sitofp %convert_element_type3A : vector<1000x16xi32> to vector<1000x16xf32>
    %get3A_23 = arith.constant 0 : index
    %get3A_24 = arith.constant 0 : index
    %get3A_25 = vector.load %arg1[%get3A_23, %get3A_24] : memref<1000x256xf32, #tpu.memory_space<vmem>>, vector<1000x256xf32>
    %get3A_26 = arith.constant 0 : index
    %get3A_27 = arith.constant 0 : index
    %get3A_28 = vector.load %arg6[%get3A_26, %get3A_27] : memref<256x256xf32, #tpu.memory_space<vmem>>, vector<256x256xf32>
    %dot_general3A_29 = arith.constant dense<0.000000e+00> : vector<1000x256xf32>
    %dot_general3A_30 = tpu.matmul %get3A_25, %get3A_28, %dot_general3A_29 {dimension_numbers = #tpu.dot_dimension_numbers<[1], [0], [0], [1], [0, 0, 1, 1], [], []>, transpose_lhs_hint = false} : vector<1000x256xf32>, vector<256x256xf32>, vector<1000x256xf32> -> vector<1000x256xf32>
    %get3A_31 = arith.constant 0 : index
    %get3A_32 = arith.constant 0 : index
    %get3A_33 = vector.load %arg7[%get3A_31, %get3A_32] : memref<16x256xf32, #tpu.memory_space<vmem>>, vector<16x256xf32>
    %dot_general3A_34 = arith.constant dense<0.000000e+00> : vector<1000x256xf32>
    %dot_general3A_35 = tpu.matmul %mul3A_9, %get3A_33, %dot_general3A_34 {dimension_numbers = #tpu.dot_dimension_numbers<[1], [0], [0], [1], [0, 0, 1, 1], [], []>, transpose_lhs_hint = false} : vector<1000x16xf32>, vector<16x256xf32>, vector<1000x256xf32> -> vector<1000x256xf32>
    %add3A = arith.addf %dot_general3A_30, %dot_general3A_35 : vector<1000x256xf32>
    %dot_general3A_36 = arith.constant dense<0.000000e+00> : vector<1000x256xf32>
    %dot_general3A_37 = tpu.matmul %convert_element_type3A_22, %dot_general3A_16, %dot_general3A_36 {dimension_numbers = #tpu.dot_dimension_numbers<[1], [0], [0], [1], [0, 0, 1, 1], [], []>, transpose_lhs_hint = false} : vector<1000x16xf32>, vector<16x256xf32>, vector<1000x256xf32> -> vector<1000x256xf32>
    %add3A_38 = arith.addf %add3A, %dot_general3A_37 : vector<1000x256xf32>
    %get3A_39 = arith.constant 0 : index
    %get3A_40 = arith.constant 0 : index
    %get3A_41 = vector.load %arg9[%get3A_39, %get3A_40] : memref<1x256xf32, #tpu.memory_space<vmem>>, vector<1x256xf32>
    %add3A_42 = vector.broadcast %get3A_41 : vector<1x256xf32> to vector<1000x256xf32>
    %add3A_43 = arith.addf %add3A_38, %add3A_42 : vector<1000x256xf32>
    %max3A_44 = arith.constant 0.000000e+00 : f32
    %max3A_45 = vector.broadcast %max3A_44 : f32 to vector<1000x256xf32>
    %max3A_46 = arith.maximumf %add3A_43, %max3A_45 : vector<1000x256xf32>
    %get3A_47 = arith.constant 0 : index
    %get3A_48 = arith.constant 0 : index
    %get3A_49 = vector.load %arg10[%get3A_47, %get3A_48] : memref<256x256xf32, #tpu.memory_space<vmem>>, vector<256x256xf32>
    %dot_general3A_50 = arith.constant dense<0.000000e+00> : vector<1000x256xf32>
    %dot_general3A_51 = tpu.matmul %max3A_46, %get3A_49, %dot_general3A_50 {dimension_numbers = #tpu.dot_dimension_numbers<[1], [0], [0], [1], [0, 0, 1, 1], [], []>, transpose_lhs_hint = false} : vector<1000x256xf32>, vector<256x256xf32>, vector<1000x256xf32> -> vector<1000x256xf32>
    %get3A_52 = arith.constant 0 : index
    %get3A_53 = arith.constant 0 : index
    %get3A_54 = vector.load %arg11[%get3A_52, %get3A_53] : memref<1x256xf32, #tpu.memory_space<vmem>>, vector<1x256xf32>
    %add3A_55 = vector.broadcast %get3A_54 : vector<1x256xf32> to vector<1000x256xf32>
    %add3A_56 = arith.addf %dot_general3A_51, %add3A_55 : vector<1000x256xf32>
    %swap3A = arith.constant 0 : index
    %swap3A_57 = arith.constant 0 : index
    %swap3A_58 = vector.load %arg12[%swap3A, %swap3A_57] : memref<1000x256xf32, #tpu.memory_space<vmem>>, vector<1000x256xf32>
    tpu.vector_store %arg12[%swap3A, %swap3A_57], %add3A_56 {strides = array<i32>} : memref<1000x256xf32, #tpu.memory_space<vmem>>, vector<1000x256xf32>,
    %eq3A_59 = arith.constant 0 : i32
    %eq3A_60 = arith.cmpi eq, %arg0, %eq3A_59 : i32
    %convert_element_type3A_61 = arith.extui %eq3A_60 : i1 to i32
    %cond3A = arith.constant 0 : i32
    %cond3A_62 = arith.cmpi ne, %convert_element_type3A_61, %cond3A : i32
    scf.if %cond3A_62 {
      %broadcast_in_dim3A = arith.constant 0.000000e+00 : f32
      %broadcast_in_dim3A_72 = vector.broadcast %broadcast_in_dim3A : f32 to vector<16x256xf32>
      %swap3A_73 = arith.constant 0 : index
      %swap3A_74 = arith.constant 0 : index
      %swap3A_75 = vector.load %arg13[%swap3A_73, %swap3A_74] : memref<16x256xf32, #tpu.memory_space<vmem>>, vector<16x256xf32>
      tpu.vector_store %arg13[%swap3A_73, %swap3A_74], %broadcast_in_dim3A_72 {strides = array<i32>} : memref<16x256xf32, #tpu.memory_space<vmem>>, vector<16x256xf32>,
    } else {
    }
    %get3A_63 = arith.constant 0 : index
    %get3A_64 = arith.constant 0 : index
    %get3A_65 = vector.load %arg13[%get3A_63, %get3A_64] : memref<16x256xf32, #tpu.memory_space<vmem>>, vector<16x256xf32>
    %dot_general3A_66 = arith.constant dense<0.000000e+00> : vector<16x256xf32>
    %dot_general3A_67 = tpu.matmul %convert_element_type3A_22, %add3A_56, %dot_general3A_66 {dimension_numbers = #tpu.dot_dimension_numbers<[0], [0], [1], [1], [0, 1, 1, 1], [], []>, transpose_lhs_hint = false} : vector<1000x16xf32>, vector<1000x256xf32>, vector<16x256xf32> -> vector<16x256xf32>
    %add3A_68 = arith.addf %get3A_65, %dot_general3A_67 : vector<16x256xf32>
    %swap3A_69 = arith.constant 0 : index
    %swap3A_70 = arith.constant 0 : index
    %swap3A_71 = vector.load %arg13[%swap3A_69, %swap3A_70] : memref<16x256xf32, #tpu.memory_space<vmem>>, vector<16x256xf32>
    tpu.vector_store %arg13[%swap3A_69, %swap3A_70], %add3A_68 {strides = array<i32>} : memref<16x256xf32, #tpu.memory_space<vmem>>, vector<16x256xf32>,
    return
  }
  func.func @transform_0(%arg0: i32) -> (i32, i32) {
    %c0_i32 = arith.constant 0 : i32
    %c0_i32_0 = arith.constant 0 : i32
    return %arg0, %c0_i32 : i32, i32
  }
  func.func @transform_1(%arg0: i32) -> (i32, i32) {
    %c0_i32 = arith.constant 0 : i32
    %c0_i32_0 = arith.constant 0 : i32
    return %arg0, %c0_i32 : i32, i32
  }
  func.func @transform_2(%arg0: i32) -> (i32, i32) {
    %c0_i32 = arith.constant 0 : i32
    %c0_i32_0 = arith.constant 0 : i32
    return %arg0, %c0_i32 : i32, i32
  }
  func.func @transform_3(%arg0: i32) -> (i32, i32) {
    %c0_i32 = arith.constant 0 : i32
    %c0_i32_0 = arith.constant 0 : i32
    return %arg0, %c0_i32 : i32, i32
  }
  func.func @transform_4(%arg0: i32) -> (i32, i32) {
    %c0_i32 = arith.constant 0 : i32
    %c0_i32_0 = arith.constant 0 : i32
    %c0_i32_1 = arith.constant 0 : i32
    return %c0_i32, %c0_i32_0 : i32, i32
  }
  func.func @transform_5(%arg0: i32) -> (i32, i32) {
    %c0_i32 = arith.constant 0 : i32
    %c0_i32_0 = arith.constant 0 : i32
    %c0_i32_1 = arith.constant 0 : i32
    return %c0_i32, %c0_i32_0 : i32, i32
  }
  func.func @transform_6(%arg0: i32) -> (i32, i32) {
    %c0_i32 = arith.constant 0 : i32
    %c0_i32_0 = arith.constant 0 : i32
    %c0_i32_1 = arith.constant 0 : i32
    return %c0_i32, %c0_i32_0 : i32, i32
  }
  func.func @transform_7(%arg0: i32) -> (i32, i32) {
    %c0_i32 = arith.constant 0 : i32
    %c0_i32_0 = arith.constant 0 : i32
    %c0_i32_1 = arith.constant 0 : i32
    return %c0_i32, %c0_i32_0 : i32, i32
  }
  func.func @transform_8(%arg0: i32) -> (i32, i32) {
    %c0_i32 = arith.constant 0 : i32
    %c0_i32_0 = arith.constant 0 : i32
    %c0_i32_1 = arith.constant 0 : i32
    return %c0_i32, %c0_i32_0 : i32, i32
  }
  func.func @transform_9(%arg0: i32) -> (i32, i32) {
    %c0_i32 = arith.constant 0 : i32
    %c0_i32_0 = arith.constant 0 : i32
    %c0_i32_1 = arith.constant 0 : i32
    return %c0_i32, %c0_i32_0 : i32, i32
  }
  func.func @transform_10(%arg0: i32) -> (i32, i32) {
    %c0_i32 = arith.constant 0 : i32
    %c0_i32_0 = arith.constant 0 : i32
    %c0_i32_1 = arith.constant 0 : i32
    return %c0_i32, %c0_i32_0 : i32, i32
  }
  func.func @transform_11(%arg0: i32) -> (i32, i32) {
    %c0_i32 = arith.constant 0 : i32
    %c0_i32_0 = arith.constant 0 : i32
    return %arg0, %c0_i32 : i32, i32
  }
  func.func @transform_12(%arg0: i32) -> (i32, i32) {
    %c0_i32 = arith.constant 0 : i32
    %c0_i32_0 = arith.constant 0 : i32
    %c0_i32_1 = arith.constant 0 : i32
    return %c0_i32, %c0_i32_0 : i32, i32
  }
}

module attributes {stable_mosaic.version = 14 : i64} {
  func.func @_glob_body(%arg0: memref<16x256xf32, #tpu.memory_space<vmem>>, %arg1: memref<10000x1xi32, #tpu.memory_space<vmem>>, %arg2: memref<16x32xf32, #tpu.memory_space<vmem>>, %arg3: memref<288x64xf32, #tpu.memory_space<vmem>>, %arg4: memref<1x64xf32, #tpu.memory_space<vmem>>, %arg5: memref<64x32xf32, #tpu.memory_space<vmem>>, %arg6: memref<1x32xf32, #tpu.memory_space<vmem>>, %arg7: memref<16x32xf32, #tpu.memory_space<vmem>>) attributes {dimension_semantics = [], scalar_prefetch = 0 : i64, scratch_operands = 0 : i64, tpu.core_type = #tpu.core_type<tc>} {
    %get3A = arith.constant 0 : index
    %get3A_0 = arith.constant 0 : index
    %get3A_1 = vector.load %arg1[%get3A, %get3A_0] : memref<10000x1xi32, #tpu.memory_space<vmem>>, vector<10000x1xi32>
    %iota3A = tpu.iota {dimensions = array<i32: 1>} : vector<1x16xi32>
    %eq3A = vector.broadcast %get3A_1 : vector<10000x1xi32> to vector<10000x16xi32>
    %eq3A_2 = vector.broadcast %iota3A : vector<1x16xi32> to vector<10000x16xi32>
    %eq3A_3 = arith.cmpi eq, %eq3A, %eq3A_2 : vector<10000x16xi32>
    %convert_element_type3A = arith.extui %eq3A_3 : vector<10000x16xi1> to vector<10000x16xi32>
    %convert_element_type3A_4 = arith.sitofp %convert_element_type3A : vector<10000x16xi32> to vector<10000x16xf32>
    %reduce_sum3A = arith.constant dense<0.000000e+00> : vector<16xf32>
    %reduce_sum3A_5 = vector.multi_reduction <add>, %convert_element_type3A_4, %reduce_sum3A [0] : vector<10000x16xf32> to vector<16xf32>
    %broadcast_in_dim3A = vector.shape_cast %reduce_sum3A_5 : vector<16xf32> to vector<1x16xf32>
    %get3A_6 = arith.constant 0 : index
    %get3A_7 = arith.constant 0 : index
    %get3A_8 = vector.load %arg0[%get3A_6, %get3A_7] : memref<16x256xf32, #tpu.memory_space<vmem>>, vector<16x256xf32>
    %max3A = arith.constant 1.000000e+00 : f32
    %max3A_9 = vector.broadcast %max3A : f32 to vector<1x16xf32>
    %max3A_10 = arith.maximumf %broadcast_in_dim3A, %max3A_9 : vector<1x16xf32>
    %transpose3A = tpu.transpose %max3A_10, [1, 0] : vector<1x16xf32> -> vector<16x1xf32>
    %div3A = vector.broadcast %transpose3A : vector<16x1xf32> to vector<16x256xf32>
    %div3A_11 = arith.divf %get3A_8, %div3A : vector<16x256xf32>
    %get3A_12 = arith.constant 0 : index
    %get3A_13 = arith.constant 0 : index
    %get3A_14 = vector.load %arg2[%get3A_12, %get3A_13] : memref<16x32xf32, #tpu.memory_space<vmem>>, vector<16x32xf32>
    %concatenate3A = tpu.concatenate %div3A_11, %get3A_14 in 1 : vector<16x256xf32>, vector<16x32xf32> -> vector<16x288xf32>
    %get3A_15 = arith.constant 0 : index
    %get3A_16 = arith.constant 0 : index
    %get3A_17 = vector.load %arg3[%get3A_15, %get3A_16] : memref<288x64xf32, #tpu.memory_space<vmem>>, vector<288x64xf32>
    %dot_general3A = arith.constant dense<0.000000e+00> : vector<16x64xf32>
    %dot_general3A_18 = tpu.matmul %concatenate3A, %get3A_17, %dot_general3A {dimension_numbers = #tpu.dot_dimension_numbers<[1], [0], [0], [1], [0, 0, 1, 1], [], []>, transpose_lhs_hint = false} : vector<16x288xf32>, vector<288x64xf32>, vector<16x64xf32> -> vector<16x64xf32>
    %get3A_19 = arith.constant 0 : index
    %get3A_20 = arith.constant 0 : index
    %get3A_21 = vector.load %arg4[%get3A_19, %get3A_20] : memref<1x64xf32, #tpu.memory_space<vmem>>, vector<1x64xf32>
    %add3A = vector.broadcast %get3A_21 : vector<1x64xf32> to vector<16x64xf32>
    %add3A_22 = arith.addf %dot_general3A_18, %add3A : vector<16x64xf32>
    %max3A_23 = arith.constant 0.000000e+00 : f32
    %max3A_24 = vector.broadcast %max3A_23 : f32 to vector<16x64xf32>
    %max3A_25 = arith.maximumf %add3A_22, %max3A_24 : vector<16x64xf32>
    %get3A_26 = arith.constant 0 : index
    %get3A_27 = arith.constant 0 : index
    %get3A_28 = vector.load %arg5[%get3A_26, %get3A_27] : memref<64x32xf32, #tpu.memory_space<vmem>>, vector<64x32xf32>
    %dot_general3A_29 = arith.constant dense<0.000000e+00> : vector<16x32xf32>
    %dot_general3A_30 = tpu.matmul %max3A_25, %get3A_28, %dot_general3A_29 {dimension_numbers = #tpu.dot_dimension_numbers<[1], [0], [0], [1], [0, 0, 1, 1], [], []>, transpose_lhs_hint = false} : vector<16x64xf32>, vector<64x32xf32>, vector<16x32xf32> -> vector<16x32xf32>
    %get3A_31 = arith.constant 0 : index
    %get3A_32 = arith.constant 0 : index
    %get3A_33 = vector.load %arg6[%get3A_31, %get3A_32] : memref<1x32xf32, #tpu.memory_space<vmem>>, vector<1x32xf32>
    %add3A_34 = vector.broadcast %get3A_33 : vector<1x32xf32> to vector<16x32xf32>
    %add3A_35 = arith.addf %dot_general3A_30, %add3A_34 : vector<16x32xf32>
    %swap3A = arith.constant 0 : index
    %swap3A_36 = arith.constant 0 : index
    %swap3A_37 = vector.load %arg7[%swap3A, %swap3A_36] : memref<16x32xf32, #tpu.memory_space<vmem>>, vector<16x32xf32>
    tpu.vector_store %arg7[%swap3A, %swap3A_36], %add3A_35 {strides = array<i32>} : memref<16x32xf32, #tpu.memory_space<vmem>>, vector<16x32xf32>,
    return
  }
}

module attributes {stable_mosaic.version = 14 : i64} {
  func.func @_glob_body(%arg0: memref<16x256xf32, #tpu.memory_space<vmem>>, %arg1: memref<10000x1xi32, #tpu.memory_space<vmem>>, %arg2: memref<16x32xf32, #tpu.memory_space<vmem>>, %arg3: memref<288x64xf32, #tpu.memory_space<vmem>>, %arg4: memref<1x64xf32, #tpu.memory_space<vmem>>, %arg5: memref<64x32xf32, #tpu.memory_space<vmem>>, %arg6: memref<1x32xf32, #tpu.memory_space<vmem>>, %arg7: memref<16x32xf32, #tpu.memory_space<vmem>>) attributes {dimension_semantics = [], scalar_prefetch = 0 : i64, scratch_operands = 0 : i64, tpu.core_type = #tpu.core_type<tc>} {
    %get3A = arith.constant 0 : index
    %get3A_0 = arith.constant 0 : index
    %get3A_1 = vector.load %arg1[%get3A, %get3A_0] : memref<10000x1xi32, #tpu.memory_space<vmem>>, vector<10000x1xi32>
    %iota3A = tpu.iota {dimensions = array<i32: 1>} : vector<1x16xi32>
    %eq3A = vector.broadcast %get3A_1 : vector<10000x1xi32> to vector<10000x16xi32>
    %eq3A_2 = vector.broadcast %iota3A : vector<1x16xi32> to vector<10000x16xi32>
    %eq3A_3 = arith.cmpi eq, %eq3A, %eq3A_2 : vector<10000x16xi32>
    %convert_element_type3A = arith.extui %eq3A_3 : vector<10000x16xi1> to vector<10000x16xi32>
    %convert_element_type3A_4 = arith.sitofp %convert_element_type3A : vector<10000x16xi32> to vector<10000x16xf32>
    %reduce_sum3A = arith.constant dense<0.000000e+00> : vector<16xf32>
    %reduce_sum3A_5 = vector.multi_reduction <add>, %convert_element_type3A_4, %reduce_sum3A [0] : vector<10000x16xf32> to vector<16xf32>
    %broadcast_in_dim3A = vector.shape_cast %reduce_sum3A_5 : vector<16xf32> to vector<1x16xf32>
    %get3A_6 = arith.constant 0 : index
    %get3A_7 = arith.constant 0 : index
    %get3A_8 = vector.load %arg0[%get3A_6, %get3A_7] : memref<16x256xf32, #tpu.memory_space<vmem>>, vector<16x256xf32>
    %max3A = arith.constant 1.000000e+00 : f32
    %max3A_9 = vector.broadcast %max3A : f32 to vector<1x16xf32>
    %max3A_10 = arith.maximumf %broadcast_in_dim3A, %max3A_9 : vector<1x16xf32>
    %transpose3A = tpu.transpose %max3A_10, [1, 0] : vector<1x16xf32> -> vector<16x1xf32>
    %div3A = vector.broadcast %transpose3A : vector<16x1xf32> to vector<16x256xf32>
    %div3A_11 = arith.divf %get3A_8, %div3A : vector<16x256xf32>
    %get3A_12 = arith.constant 0 : index
    %get3A_13 = arith.constant 0 : index
    %get3A_14 = vector.load %arg2[%get3A_12, %get3A_13] : memref<16x32xf32, #tpu.memory_space<vmem>>, vector<16x32xf32>
    %concatenate3A = tpu.concatenate %div3A_11, %get3A_14 in 1 : vector<16x256xf32>, vector<16x32xf32> -> vector<16x288xf32>
    %get3A_15 = arith.constant 0 : index
    %get3A_16 = arith.constant 0 : index
    %get3A_17 = vector.load %arg3[%get3A_15, %get3A_16] : memref<288x64xf32, #tpu.memory_space<vmem>>, vector<288x64xf32>
    %dot_general3A = arith.constant dense<0.000000e+00> : vector<16x64xf32>
    %dot_general3A_18 = tpu.matmul %concatenate3A, %get3A_17, %dot_general3A {dimension_numbers = #tpu.dot_dimension_numbers<[1], [0], [0], [1], [0, 0, 1, 1], [], []>, transpose_lhs_hint = false} : vector<16x288xf32>, vector<288x64xf32>, vector<16x64xf32> -> vector<16x64xf32>
    %get3A_19 = arith.constant 0 : index
    %get3A_20 = arith.constant 0 : index
    %get3A_21 = vector.load %arg4[%get3A_19, %get3A_20] : memref<1x64xf32, #tpu.memory_space<vmem>>, vector<1x64xf32>
    %add3A = vector.broadcast %get3A_21 : vector<1x64xf32> to vector<16x64xf32>
    %add3A_22 = arith.addf %dot_general3A_18, %add3A : vector<16x64xf32>
    %max3A_23 = arith.constant 0.000000e+00 : f32
    %max3A_24 = vector.broadcast %max3A_23 : f32 to vector<16x64xf32>
    %max3A_25 = arith.maximumf %add3A_22, %max3A_24 : vector<16x64xf32>
    %get3A_26 = arith.constant 0 : index
    %get3A_27 = arith.constant 0 : index
    %get3A_28 = vector.load %arg5[%get3A_26, %get3A_27] : memref<64x32xf32, #tpu.memory_space<vmem>>, vector<64x32xf32>
    %dot_general3A_29 = arith.constant dense<0.000000e+00> : vector<16x32xf32>
    %dot_general3A_30 = tpu.matmul %max3A_25, %get3A_28, %dot_general3A_29 {dimension_numbers = #tpu.dot_dimension_numbers<[1], [0], [0], [1], [0, 0, 1, 1], [], []>, transpose_lhs_hint = false} : vector<16x64xf32>, vector<64x32xf32>, vector<16x32xf32> -> vector<16x32xf32>
    %get3A_31 = arith.constant 0 : index
    %get3A_32 = arith.constant 0 : index
    %get3A_33 = vector.load %arg6[%get3A_31, %get3A_32] : memref<1x32xf32, #tpu.memory_space<vmem>>, vector<1x32xf32>
    %add3A_34 = vector.broadcast %get3A_33 : vector<1x32xf32> to vector<16x32xf32>
    %add3A_35 = arith.addf %dot_general3A_30, %add3A_34 : vector<16x32xf32>
    %swap3A = arith.constant 0 : index
    %swap3A_36 = arith.constant 0 : index
    %swap3A_37 = vector.load %arg7[%swap3A, %swap3A_36] : memref<16x32xf32, #tpu.memory_space<vmem>>, vector<16x32xf32>
    tpu.vector_store %arg7[%swap3A, %swap3A_36], %add3A_35 {strides = array<i32>} : memref<16x32xf32, #tpu.memory_space<vmem>>, vector<16x32xf32>,
    return
  }
}

</mosaic_0001>

<sc_bundles>
// kernel: kernel.28.cloned.1.call-start
scs
__scs_entry_jumppad:
0x0: {  	(pc) =	sbr.rel $0x88, $3  }
0x1: {  	(tag) =	ssettag $0x0;
	lr =	simm.s32 $0x1  }
0x2: {  	[smem:$0x3F8A] =	sst lr;
	_ =	strace $0xD0000000  }
0x3: {  	_ = 	snop  }
0x4: {  	_ = 	snop  }
0x5: {  	_ = 	snop  }
0x6: {  	_ = 	snop  }
0x7: {  	_ = 	snop  }
__scs_overlays_trampoline_lowered:
0x8: {  	[smem:$0x3F99] =	sst s0  }
0x9: {  	[smem:$0x3F9A] =	sst s1  }
0xa: {  	[smem:$0x3F9B] =	sst s2  }
0xb: {  	[smem:$0x3F9C] =	sst s3  }
0xc: {  	[smem:$0x3F9D] =	sst s4  }
0xd: {  	[smem:$0x3F9E] =	sst s5  }
0xe: {  	[smem:$0x3F9F] =	sst s6  }
0xf: {  	[smem:$0x3FA0] =	sst s7  }
0x10: {  	[smem:$0x3FA1] =	sst s8  }
0x11: {  	[smem:$0x3FA2] =	sst s9;
	s0 =	simm.s32 @!p0 $0x0  }
0x12: {  	s1 =	sld [smem:$0x3F88];
	s0 =	simm.s32 @p0 $0x1  }
0x13: {  	[smem:$0x3FA3] =	sst s0;
	s0 =	simm.s32 @!p1 $0x0  }
0x14: {  	s2 =	sld [smem:$0x3F87];
	s0 =	simm.s32 @p1 $0x1  }
0x15: {  	[smem:$0x3FA4] =	sst s0;
	s0 =	simm.s32 @!p2 $0x0  }
0x16: {  	s3 =	sld [smem:$0x3FDB];
	s0 =	simm.s32 @p2 $0x1  }
0x17: {  	s4 =	simm.s32 $0x1BF5;
	[smem:$0x3FA6] =	sst s0  }
0x18: {  	s0 =	sld [smem:$0x3F89];
	_ =	swait.ge [sflag:s4], $0x0  }
0x19: {  	s7 =	sld [smem:$0x3F8A]  }
0x1a: {  	s8 =	sadd.s32 $0xFFFFE003, lr  }
0x1b: {  	s9 =	sadd.s32 $0xFFFFFEF7, lr;
	s5 =	simm.s32 $0xFFFFFFFF;
	p2 =	slt.u32 s8, $0xFFFFF086  }
0x1c: {  	p1 =	slt.u32 s9, $0xF7A;
	s5 =	simm.s32 @!p2 $0x0  }
0x1d: {  	s5 =	simm.s32 @p1 $0x1;
	p0 =	seq.s32 s7, s2  }
0x1e: {  	s7 =	smul.u32 @!p0 $0xF7A, s2;
	p2 =	seq.s32 @!p0 s5, $0x0  }
0x1f: {  	s9 =	smul.u32 $0xF7A, s1;
	s8 =	simm.s32 @!p0 $0x1BF5;
	p2 =	por !p2, p0  }
0x20: {  	[sflag:s8] =	ssyncset.s32 @!p0 $0xFFFFF086;
	s6 =	sadd.s32 @!p0 s3, s7;
	s7 =	simm.s32 @!p0 $0x108  }
0x21: {  	s3 =	sadd.s32 s3, s9;
	s6 =	sadd.s32 @!p0 $0x88, s6;
	s7 =	simm.s32 @p2 $0x1082  }
0x22: {  	[simem:s7], [sflag:s8] =	dma.local @!p0 [hbm:s6], $0xF7A  }
0x23: {  	s9 =	sor.u32 $0xD0000000, s2;
	s6 =	simm.s32 $0x108;
	_ =	swait.ge @!p0 [sflag:s8], $0x0  }
0x24: {  	s3 =	sadd.s32 $0x88, s3;
	s6 =	simm.s32 @!p1 $0x1082;
	[sflag:s4] =	ssyncset.s32 $0xFFFFF086  }
0x25: {  	[simem:s6], [sflag:s4] =	dma.local [hbm:s3], $0xF7A  }
0x26: {  	[smem:$0x3F8A] =	sst s1;
	(tag) =	ssettag s2;
	_ =	strace s9  }
0x27: {  	s1 =	sld [smem:$0x3F9A]  }
0x28: {  	s2 =	sld [smem:$0x3F9B]  }
0x29: {  	s4 =	sld [smem:$0x3F9D]  }
0x2a: {  	p0 =	seq.s32 s5, $0x0;
	s5 =	sld [smem:$0x3F9E]  }
0x2b: {  	s6 =	sld [smem:$0x3F9F]  }
0x2c: {  	s7 =	sld [smem:$0x3FA0]  }
0x2d: {  	s3 =	simm.s32 $0x108;
	s8 =	sld [smem:$0x3FA1]  }
0x2e: {  	s3 =	simm.s32 @!p0 $0x1082;
	s9 =	sld [smem:$0x3FA2]  }
0x2f: {  	lr =	sadd.s32 s0, s3;
	s0 =	sld [smem:$0x3F99]  }
0x30: {  	s3 =	sld [smem:$0x3F9C]  }
0x31: {  	[smem:$0x3FA5] =	sst s10  }
0x32: {  	s10 =	sld [smem:$0x3FA3];
	_ =	sdelay $0x3  }
0x33: {  	p0 =	seq.s32 s10, $0x1;
	s10 =	sld [smem:$0x3FA5];
	_ =	sdelay $0x3  }
0x34: {  	[smem:$0x3FA5] =	sst s10  }
0x35: {  	s10 =	sld [smem:$0x3FA4];
	_ =	sdelay $0x3  }
0x36: {  	p1 =	seq.s32 s10, $0x1;
	s10 =	sld [smem:$0x3FA5];
	_ =	sdelay $0x3  }
0x37: {  	[smem:$0x3FA5] =	sst s10  }
0x38: {  	s10 =	sld [smem:$0x3FA6]  }
0x39: {  	_ = 	snop;
	(pc) =	sbr.ind lr, $3  }
0x3a: {  	_ = 	snop  }
0x3b: {  	_ = 	snop  }
0x3c: {  	p2 =	seq.s32 s10, $0x1;
	s10 =	sld [smem:$0x3FA5]  }
0x3d: {  	_ =	shalt  }
0x3e: {  	_ =	shalt  }
0x3f: {  	_ =	shalt  }
0x40: {  	_ =	shalt  }
0x41: {  	_ =	shalt  }
0x42: {  	_ =	shalt  }
0x43: {  	_ =	shalt  }
0x44: {  	_ =	shalt  }
0x45: {  	_ =	shalt  }
0x46: {  	_ =	shalt  }
0x47: {  	_ =	shalt  }
0x48: {  	_ =	shalt  }
0x49: {  	_ =	shalt  }
0x4a: {  	_ =	shalt  }
0x4b: {  	_ =	shalt  }
0x4c: {  	_ =	shalt  }
0x4d: {  	_ =	shalt  }
0x4e: {  	_ =	shalt  }
0x4f: {  	_ =	shalt  }
0x50: {  	_ =	shalt  }
0x51: {  	_ =	shalt  }
0x52: {  	_ =	shalt  }
0x53: {  	_ =	shalt  }
0x54: {  	_ =	shalt  }
0x55: {  	_ =	shalt  }
0x56: {  	_ =	shalt  }
0x57: {  	_ =	shalt  }
0x58: {  	_ =	shalt  }
0x59: {  	_ =	shalt  }
0x5a: {  	_ =	shalt  }
0x5b: {  	_ =	shalt  }
0x5c: {  	_ =	shalt  }
0x5d: {  	_ =	shalt  }
0x5e: {  	_ =	shalt  }
0x5f: {  	_ =	shalt  }
0x60: {  	_ =	shalt  }
0x61: {  	_ =	shalt  }
0x62: {  	_ =	shalt  }
0x63: {  	_ =	shalt  }
0x64: {  	_ =	shalt  }
0x65: {  	_ =	shalt  }
0x66: {  	_ =	shalt  }
0x67: {  	_ =	shalt  }
0x68: {  	_ =	shalt  }
0x69: {  	_ =	shalt  }
0x6a: {  	_ =	shalt  }
0x6b: {  	_ =	shalt  }
0x6c: {  	_ =	shalt  }
0x6d: {  	_ =	shalt  }
0x6e: {  	_ =	shalt  }
0x6f: {  	_ =	shalt  }
0x70: {  	_ =	shalt  }
0x71: {  	_ =	shalt  }
0x72: {  	_ =	shalt  }
0x73: {  	_ =	shalt  }
0x74: {  	_ =	shalt  }
0x75: {  	_ =	shalt  }
0x76: {  	_ =	shalt  }
0x77: {  	_ =	shalt  }
0x78: {  	_ =	shalt  }
0x79: {  	_ =	shalt  }
0x7a: {  	_ =	shalt  }
0x7b: {  	_ =	shalt  }
0x7c: {  	_ =	shalt  }
0x7d: {  	_ =	shalt  }
0x7e: {  	_ =	shalt  }
0x7f: {  	_ =	shalt  }
0x80: {  	_ =	shalt  }
0x81: {  	_ =	shalt  }
0x82: {  	_ =	shalt  }
0x83: {  	_ =	shalt  }
0x84: {  	_ =	shalt  }
0x85: {  	_ =	shalt  }
0x86: {  	_ =	shalt  }
0x87: {  	_ =	shalt  }
.Lfunc_end0:
.L_simem_size_0:
called_computation_lowered:
.L_overlay_start_0:
0x88: {  	s2 =	sld [smem:$0x3FD9]  }
0x89: {  	s3 =	sld [smem:$0x3FFE];
	_ =	sdelay $0x1  }
0x8a: {  	s1 =	srdreg.scid  }
0x8b: {  	s0 =	sand.u32 $0x1, s1  }
0x8c: {  	s17 =	sshll.u32 s0, $0xA;
	s2 =	sadd.s32 s3, s2  }
0x8d: {  	s2 =	sadd.s32 s2, s17  }
0x8e: {  	[smem:$0x3FB1] =	sst s2  }
0x8f: {  	_ = 	snop  }
0x90: {  	(tm) =	ssettm $0x1  }
0x91: {  	s18 =	sld [smem:$0x3FFB];
	_ =	sdelay $0x3  }
0x92: {  	_ =	strace s18  }
0x93: {  	s2 =	sld [smem:$0x3FFC];
	_ =	sdelay $0x3  }
0x94: {  	_ =	strace s2  }
0x95: {  	s2 =	sld [smem:$0x3FFD];
	_ =	sdelay $0x3  }
0x96: {  	_ =	strace s2  }
0x97: {  	_ =	strace $0x8FFFFFFF  }
0x98: {  	s19 =	sld [smem:$0x3FDB];
	_ =	sdelay $0x1  }
0x99: {  	s20 =	simm.s32 $_scs_section_size  }
0x9a: {  	s4 =	simm.s32 $_size__tile_overlayer_lowered;
	s5 =	simm.s32 $_tile_overlayer_lowered  }
0x9b: {  	s6 =	simm.s32 $0x1BFF;
	s21 =	sshll.u32 s5, $0x1;
	s3 =	sadd.s32 s20, s19  }
0x9c: {  	s22 =	simm.s32 $0x0;
	s4 =	sshll.u32 s4, $0x1;
	s5 =	sadd.s32 s21, s3  }
0x9d: {  	[timem:s22], [sflag:s6] =	dma.local [hbm:s5], s4  }
0x9e: {  	_ =	swait.ge [sflag:s6], s4  }
0x9f: {  	s4 =	ssub.s32 $0x0, s4;
	[sflag:s6] =	ssyncset.done $0x0  }
0xa0: {  	[sflag:s6] =	ssyncadd.s32 s4;
	_ =	sdelay $0x1  }
0xa1: {  	s23 =	simm.s32 $0x1B8B  }
0xa2: {  	_ =	swait.ge [sflag:s23], $0x1  }
0xa3: {  	[sflag:s23] =	ssyncset.done $0x0  }
0xa4: {  	[sflag:s23] =	ssyncadd.s32 $0xFFFFFFFF  }
0xa5: {  	s4 =	sld [smem:$0x0]  }
0xa6: {  	s5 =	sand.u32 $0xFFFFFFFE, s1  }
0xa7: {  	p0 =	sne.s32 s1, s5  }
0xa8: {  	s5 =	sshll.u32 @p0 s5, $0xE  }
0xa9: {  	s5 =	sadd.s32 @p0 $0x11B8D, s5;
	s6 =	sshll.u32 @p0 s4, $0x11  }
0xaa: {  	s5 =	sor.u32 @p0 s6, s5  }
0xab: {  	[sflag:s5] =	ssyncadd.remote.s32 @p0 $0x1;
	_ =	sdelay $0x1  }
0xac: {  	s5 =	simm.s32 @p0 $0x1B8D  }
0xad: {  	_ =	swait.eq @p0 [sflag:s5], $0x1  }
0xae: {  	[sflag:s5] =	ssyncadd.s32 @p0 $0xFFFFFFFF  }
0xaf: {  	s6 =	sshll.u32 @!p0 s1, $0xE  }
0xb0: {  	s6 =	sor.u32 @!p0 $0x4000, s6;
	s5 =	simm.s32 @!p0 $0x1B8D  }
0xb1: {  	s4 =	sshll.u32 @!p0 s4, $0x11;
	s6 =	sadd.s32 @!p0 $0x11B8D, s6;
	_ =	swait.eq @!p0 [sflag:s5], $0x1  }
0xb2: {  	s4 =	sor.u32 @!p0 s4, s6;
	[sflag:s5] =	ssyncadd.s32 @!p0 $0xFFFFFFFF  }
0xb3: {  	s25 =	simm.s32 $0x1B8E;
	s24 =	sld [smem:$0x3FFE];
	[sflag:s4] =	ssyncadd.remote.s32 @!p0 $0x1  }
0xb4: {  	s26 =	simm.s32 $execute0_lowered;
	[smem:$0x3FD2] =	sst s25  }
0xb5: {  	s5 =	sshll.u32 s26, $0x1;
	_ =	strace $0x80000049;
	[dreg:$0x1] =	wrdreg $0xFFFFFFFF  }
0xb6: {  	s28 =	simm.s32 $_size_execute0_lowered;
	s3 =	sadd.s32 s3, s5;
	[dreg:$0x0] =	wrdreg $0x0  }
0xb7: {  	s5 =	sshll.u32 s28, $0x1;
	[dreg:$0x2] =	wrdreg s3  }
0xb8: {  	[dreg:$0x3] =	wrdreg s5  }
0xb9: {  	[dreg:$0x4] =	wrdreg $0xC0  }
0xba: {  	_ =	task [dreg:s22], $0x5FFFF  }
0xbb: {  	[dreg:$0x1] =	wrdreg $0xFFFFFFFF  }
0xbc: {  	[dreg:$0x0] =	wrdreg $0x60  }
0xbd: {  	[dreg:$0x2] =	wrdreg s24  }
0xbe: {  	[dreg:$0x3] =	wrdreg $0x9  }
0xbf: {  	_ =	task.clear_ibuf [dreg:s22], $0x4FFFF;
	_ =	strace $0x90000049  }
0xc0: {  	s29 =	simm.s32 $0x9;
	_ =	strace $0x8000004B  }
0xc1: {  	_ =	swait.ge [sflag:s29], $0x1  }
0xc2: {  	[sflag:s29] =	ssyncadd.s32 $0xFFFFFFFF  }
0xc3: {  	_ =	strace $0x9000004B  }
0xc4: {  	_ =	sfence  }
0xc5: {  	s30 =	sld [smem:$0x0];
	_ =	sdelay $0x2  }
0xc6: {  	s31 =	sshll.u32 s1, $0xD;
	s1 =	sshrl.u32 s1, $0x2  }
0xc7: {  	s4 =	sand.u32 $0x4000, s31;
	s1 =	sadd.s32 s1, s30  }
0xc8: {  	s0 =	sor.u32 s4, s0;
	s1 =	sshll.u32 s1, $0x11  }
0xc9: {  	s0 =	sor.u32 s1, s0  }
0xca: {  	s0 =	sadd.s32 $0x8F2B, s0  }
0xcb: {  	[sflag:s0] =	ssyncadd.remote.s32 $0x1  }
0xcc: {  	_ =	sfence.sel $0xFFFF  }
0xcd: {  	[dreg:$0x0] =	wrdreg $0xFFFFFFFF;
	(pc) =	sbr.abs _section_cstart, $3  }
0xce: {  	[dreg:$0x1] =	wrdreg $0xFFFFFFFF  }
0xcf: {  	_ =	task.clear_ibuf [dreg:s22], $0x2FFFF;
	_ =	strace $0x9FFFFFFF  }
0xd0: {  	(tm) =	ssettm $0x7FFFFFFF  }
0xd1: {  	_ =	shalt  }
tec
execute0_lowered:
.L_overlay_start_1:
0x0: {  	(tag) =	ssettag $0x1  }
0x1: {  	s0 =	srdreg.scid;
	s4 =	rddreg [dreg:$0x0]  }
0x2: {  	v1 =	vimm.f32 $0.0e+00;
	vm1 =	vcmask $0x300;
	s2 =	simm.s32 $0x0;
	vm0 =	vmmov $0x1;
	s3 =	sand.u32 $0x1, s0;
	s0 =	stileid.u32  }
0x3: {  	v2 =	vlaneseq.u32;
	vm2 =	vcmask $0x70C;
	vm3 =	vcmask $0xB10;
	s8 =	simm.s32 $0x80;
	s9 =	simm.s32 $0x0;
	s5 =	sshll.u32 s0, $0x1  }
0x4: {  	vm4 =	vcmask $0xF14;
	vm5 =	vcmask $0x1318;
	vm6 =	vcmask $0x171C;
	s1 =	smul.u32 $0xFFFFEC00, s3;
	s6 =	ssub.s32 $0x2, s3;
	s5 =	sor.u32 s3, s5  }
0x5: {  	vm7 =	vcmask $0x1B20;
	vm8 =	vcmask $0x1F24;
	vm9 =	vcmask $0x2328;
	[smem:$0x7FF] =	sst s2;
	s7 =	sshrl.u32 s6, $0x1;
	s5 =	smul.u32 $0x2810, s5  }
0x6: {  	vm10 =	vcmask $0x272C;
	vm11 =	vcmask $0x2B30;
	s3 =	sadd.s32 $0x40600, s4;
	v0 =	vmov s1;
	s1 =	rddreg [dreg:$0x1];
	_ =	strace $0x8000004A  }
0x7: {  	vm12 =	vcmask $0x2F34;
	vm13 =	vcmask $0x3338;
	vm14 =	vcmask $0x373C;
	s6 =	ssub.s32 s6, s7;
	s7 =	simm.s32 $0x1;
	s5 =	sadd.s32 s5, s4  }
0x8: {  	vm15 =	vmmov $0x7fff;
	v3 =	vsel vm1, $0x3F800000, v1;
	vm1 =	vcmask $0x308;
	s6 =	smax.u32 s6, $0x1;
	s4 =	smul.u32 $0x50, s0;
	s5 =	sadd.s32 $0x571A00, s5  }
.LBB2_1:
0x9: {  	s10 =	simm.s32 $0x40;
	s11 =	simm.s32 $0x0  }
.LBB2_2:
0xa: {  	p0 =	sne.s32 s10, $0x501C0;
	[tilespmem:s11+$0x80] =	vst v1;
	s11 =	smov.u32 s10;
	s10 =	sadd.s32 $0x40, s10  }
.Ltmp0:
0xb: {  	(pc) =	sbr.rel @p0 .LBB2_2-.Ltmp0, $2  }
0xc: {  	_ =	sdelay $0x2  }
0xd: {  	s11 =	sshra.s32 s11, $0x2  }
0xe: {  	[tilespmem:s11+$0x80] =	vst v1;
	s10 =	simm.s32 $0x0;
	s11 =	simm.s32 $0x0  }
.LBB2_4:
0xf: {  	s12 =	sadd.s32 s4, s11  }
0x10: {  	s12 =	sshll.u32 s12, $0x4  }
0x11: {  	s12 =	sadd.s32 s3, s12  }
0x12: {  	[tilespmem:s10], [sflag:$0x1] =	stream.linear.gather [hbm4b:s12+s10], $0x80, $0x38;
	[tilespmem:$0x14100] =	vst v63  }
0x13: {  	_ =	swait.ge [sflag:s7], $0x80  }
0x14: {  	[sflag:s7] =	ssyncset.done $0x0  }
0x15: {  	s19 =	simm.s32 $0x0;
	[sflag:s7] =	ssyncadd.s32 $0xFFFFFF80  }
0x16: {  	v4 =	vld [tilespmem:s19+$0x0];
	_ =	sdelay $0x4  }
0x17: {  	v4 =	vadd.s32 v0, v4  }
0x18: {  	v4 =	vmin.u32 v4, $0x1400  }
0x19: {  	v5 =	vnsel vm0, $0x0, v4  }
0x1a: {  	v6 =	vsel vm1, $0x0, v4;
	(xrf0) =	vadd.scan.msk.s32 $0xffff, v5  }
0x1b: {  	v5 =	vsel vm2, $0x0, v4;
	(xrf0) =	vadd.scan.msk.s32 $0xffff, v6  }
0x1c: {  	v6 =	vsel vm3, $0x0, v4;
	(xrf0) =	vadd.scan.msk.s32 $0xffff, v5  }
0x1d: {  	v5 =	vsel vm4, $0x0, v4;
	(xrf0) =	vadd.scan.msk.s32 $0xffff, v6  }
0x1e: {  	v6 =	vsel vm5, $0x0, v4;
	(xrf0) =	vadd.scan.msk.s32 $0xffff, v5  }
0x1f: {  	v5 =	vsel vm6, $0x0, v4;
	(xrf0) =	vadd.scan.msk.s32 $0xffff, v6  }
0x20: {  	v6 =	vsel vm7, $0x0, v4;
	v7, _, _ =	vpop (xrf0);
	(xrf0) =	vadd.scan.msk.s32 $0xffff, v5  }
0x21: {  	v5 =	vsel vm8, $0x0, v4;
	(v2sf) =	vpush v7, $0xF;
	v7, _, _ =	vpop (xrf0);
	(xrf0) =	vadd.scan.msk.s32 $0xffff, v6  }
0x22: {  	v6 =	vsel vm9, $0x0, v4;
	(v2sf) =	vpush v7, $0xF;
	v7, _, _ =	vpop (xrf0);
	(xrf0) =	vadd.scan.msk.s32 $0xffff, v5  }
0x23: {  	v5 =	vsel vm10, $0x0, v4;
	(v2sf) =	vpush v7, $0xF;
	v7, _, _ =	vpop (xrf0);
	(xrf0) =	vadd.scan.msk.s32 $0xffff, v6  }
0x24: {  	v6 =	vsel vm11, $0x0, v4;
	(v2sf) =	vpush v7, $0xF;
	v7, _, _ =	vpop (xrf0);
	(xrf0) =	vadd.scan.msk.s32 $0xffff, v5  }
0x25: {  	v5 =	vsel vm12, $0x0, v4;
	(v2sf) =	vpush v7, $0xF;
	v7, _, _ =	vpop (xrf0);
	(xrf0) =	vadd.scan.msk.s32 $0xffff, v6;
	v6 =	vsel vm13, $0x0, v4  }
0x26: {  	(v2sf) =	vpush v7, $0xF;
	v7, _, _ =	vpop (xrf0);
	(xrf0) =	vadd.scan.msk.s32 $0xffff, v5;
	v5 =	vsel vm14, $0x0, v4  }
0x27: {  	(v2sf) =	vpush v7, $0xF;
	v7, _, _ =	vpop (xrf0)  }
0x28: {  	(xrf0) =	vadd.scan.msk.s32 $0xffff, v6;
	(v2sf) =	vpush v7, $0xF;
	v6, _, _ =	vpop (xrf0)  }
0x29: {  	(xrf0) =	vadd.scan.msk.s32 $0xffff, v5;
	(v2sf) =	vpush v6, $0xF;
	v5, _, _ =	vpop (xrf0)  }
0x2a: {  	(v2sf) =	vpush v5, $0xF;
	v5, _, _ =	vpop (xrf0)  }
0x2b: {  	v4 =	vsel vm15, $0x0, v4;
	(v2sf) =	vpush v5, $0xF;
	v5, _, _ =	vpop (xrf0)  }
0x2c: {  	(v2sf) =	vpush v5, $0xF;
	v5, _, _ =	vpop (xrf0);
	(xrf0) =	vadd.scan.msk.s32 $0xffff, v4;
	_ =	sdelay $0x2  }
0x2d: {  	(v2sf) =	vpush v5, $0xF;
	v4, _, _ =	vpop (xrf0)  }
0x2e: {  	(v2sf) =	vpush v4, $0xF;
	v4, _, _ =	vpop (xrf0)  }
0x2f: {  	(v2sf) =	vpush v4, $0xF  }
0x30: {  	s20 =	spop (v2sf);
	v5, _, _ =	vpop (xrf0)  }
0x31: {  	s12 =	sshll.u32 s20, $0x4;
	s13 =	spop (v2sf);
	(v2sf) =	vpush v5, $0xF  }
0x32: {  	v4 =	vor.u32 s12, v2;
	s21 =	sshll.u32 s13, $0x4;
	s22 =	spop (v2sf)  }
0x33: {  	v6 =	vor.u32 s21, v2;
	s23 =	sshll.u32 s22, $0x4;
	s24 =	spop (v2sf)  }
0x34: {  	v5 =	vor.u32 s23, v2;
	s25 =	sshll.u32 s24, $0x4;
	s26 =	spop (v2sf)  }
0x35: {  	v7 =	vor.u32 s25, v2;
	s28 =	sshll.u32 s26, $0x4;
	s29 =	spop (v2sf)  }
0x36: {  	v8 =	vor.u32 s28, v2;
	s30 =	sshll.u32 s29, $0x4;
	s31 =	spop (v2sf)  }
0x37: {  	[tilespmem:v4+s8+$0x0] =	vst.idx.add.f32.msk $0xffff, v3;
	v4 =	vor.u32 s30, v2;
	s13 =	sshll.u32 s31, $0x4;
	s14 =	spop (v2sf)  }
0x38: {  	[tilespmem:v6+s8+$0x0] =	vst.idx.add.f32.msk $0xffff, v3;
	v6 =	vor.u32 s13, v2;
	s15 =	sshll.u32 s14, $0x4;
	s16 =	spop (v2sf)  }
0x39: {  	[tilespmem:v5+s8+$0x0] =	vst.idx.add.f32.msk $0xffff, v3;
	v5 =	vor.u32 s15, v2;
	s17 =	sshll.u32 s16, $0x4;
	s18 =	spop (v2sf)  }
0x3a: {  	[tilespmem:v7+s8+$0x0] =	vst.idx.add.f32.msk $0xffff, v3;
	v7 =	vor.u32 s17, v2;
	s19 =	sshll.u32 s18, $0x4;
	s20 =	spop (v2sf)  }
0x3b: {  	[tilespmem:v8+s8+$0x0] =	vst.idx.add.f32.msk $0xffff, v3;
	v62 =	vor.u32 s19, v2;
	s21 =	sshll.u32 s20, $0x4;
	s22 =	spop (v2sf)  }
0x3c: {  	[tilespmem:v4+s8+$0x0] =	vst.idx.add.f32.msk $0xffff, v3;
	v4 =	vor.u32 s21, v2;
	s23 =	sshll.u32 s22, $0x4;
	s24 =	spop (v2sf)  }
0x3d: {  	[tilespmem:v6+s8+$0x0] =	vst.idx.add.f32.msk $0xffff, v3;
	v6 =	vor.u32 s23, v2;
	s25 =	sshll.u32 s24, $0x4;
	s26 =	spop (v2sf)  }
0x3e: {  	[tilespmem:v5+s8+$0x0] =	vst.idx.add.f32.msk $0xffff, v3;
	v5 =	vor.u32 s25, v2;
	s28 =	sshll.u32 s26, $0x4;
	s29 =	spop (v2sf)  }
0x3f: {  	[tilespmem:v7+s8+$0x0] =	vst.idx.add.f32.msk $0xffff, v3;
	v7 =	vor.u32 s28, v2;
	s30 =	sshll.u32 s29, $0x4  }
0x40: {  	[tilespmem:v62+s8+$0x0] =	vst.idx.add.f32.msk $0xffff, v3;
	v63 =	vor.u32 s30, v2;
	s31 =	spop (v2sf)  }
0x41: {  	[tilespmem:v4+s8+$0x0] =	vst.idx.add.f32.msk $0xffff, v3;
	s14 =	sshll.u32 s31, $0x4  }
0x42: {  	[tilespmem:v6+s8+$0x0] =	vst.idx.add.f32.msk $0xffff, v3;
	v4 =	vor.u32 s14, v2  }
0x43: {  	[tilespmem:v5+s8+$0x0] =	vst.idx.add.f32.msk $0xffff, v3  }
0x44: {  	[tilespmem:v7+s8+$0x0] =	vst.idx.add.f32.msk $0xffff, v3  }
0x45: {  	s12 =	simm.s32 $0x40;
	s13 =	simm.s32 $0x80;
	[tilespmem:v63+s8+$0x0] =	vst.idx.add.f32.msk $0xffff, v3  }
.LBB2_5:
0x46: {  	p0 =	sne.s32 s13, $0x1C0  }
0x47: {  	s14 =	sshra.s32 s12, $0x2;
	[tilespmem:v4+s8+$0x0] =	vst.idx.add.f32.msk $0xffff, v3;
	s12 =	smov.u32 s13;
	s13 =	sadd.s32 $0x40, s13  }
0x48: {  	v4 =	vld [tilespmem:s14+$0x0];
	_ =	sdelay $0x4  }
0x49: {  	v4 =	vadd.s32 v0, v4  }
0x4a: {  	v4 =	vmin.u32 v4, $0x1400  }
0x4b: {  	v5 =	vnsel vm0, $0x0, v4;
	v6 =	vsel vm1, $0x0, v4;
	v7 =	vsel vm2, $0x0, v4  }
0x4c: {  	v8 =	vsel vm3, $0x0, v4;
	v9 =	vsel vm4, $0x0, v4;
	v10 =	vsel vm5, $0x0, v4;
	(xrf0) =	vadd.scan.msk.s32 $0xffff, v5  }
0x4d: {  	v11 =	vsel vm7, $0x0, v4;
	v12 =	vsel vm8, $0x0, v4;
	v5 =	vsel vm6, $0x0, v4;
	(xrf0) =	vadd.scan.msk.s32 $0xffff, v6  }
0x4e: {  	v13 =	vsel vm10, $0x0, v4;
	v14 =	vsel vm11, $0x0, v4;
	v6 =	vsel vm9, $0x0, v4;
	(xrf0) =	vadd.scan.msk.s32 $0xffff, v7  }
0x4f: {  	v15 =	vsel vm13, $0x0, v4;
	v16 =	vsel vm14, $0x0, v4;
	v7 =	vsel vm12, $0x0, v4;
	(xrf0) =	vadd.scan.msk.s32 $0xffff, v8  }
0x50: {  	v4 =	vsel vm15, $0x0, v4;
	(xrf0) =	vadd.scan.msk.s32 $0xffff, v9  }
0x51: {  	(xrf0) =	vadd.scan.msk.s32 $0xffff, v10  }
0x52: {  	v8, _, _ =	vpop (xrf0);
	(xrf0) =	vadd.scan.msk.s32 $0xffff, v5  }
0x53: {  	(v2sf) =	vpush v8, $0xF;
	v5, _, _ =	vpop (xrf0);
	(xrf0) =	vadd.scan.msk.s32 $0xffff, v11  }
0x54: {  	(v2sf) =	vpush v5, $0xF;
	v5, _, _ =	vpop (xrf0);
	(xrf0) =	vadd.scan.msk.s32 $0xffff, v12  }
0x55: {  	(v2sf) =	vpush v5, $0xF;
	v5, _, _ =	vpop (xrf0);
	(xrf0) =	vadd.scan.msk.s32 $0xffff, v6  }
0x56: {  	(v2sf) =	vpush v5, $0xF;
	v5, _, _ =	vpop (xrf0);
	(xrf0) =	vadd.scan.msk.s32 $0xffff, v13  }
0x57: {  	(v2sf) =	vpush v5, $0xF;
	v5, _, _ =	vpop (xrf0);
	(xrf0) =	vadd.scan.msk.s32 $0xffff, v14  }
0x58: {  	(v2sf) =	vpush v5, $0xF;
	v5, _, _ =	vpop (xrf0);
	(xrf0) =	vadd.scan.msk.s32 $0xffff, v7  }
0x59: {  	(v2sf) =	vpush v5, $0xF;
	v5, _, _ =	vpop (xrf0);
	(xrf0) =	vadd.scan.msk.s32 $0xffff, v15  }
0x5a: {  	(v2sf) =	vpush v5, $0xF;
	v5, _, _ =	vpop (xrf0);
	(xrf0) =	vadd.scan.msk.s32 $0xffff, v16  }
0x5b: {  	(v2sf) =	vpush v5, $0xF;
	v5, _, _ =	vpop (xrf0);
	(xrf0) =	vadd.scan.msk.s32 $0xffff, v4  }
0x5c: {  	(v2sf) =	vpush v5, $0xF;
	v4, _, _ =	vpop (xrf0)  }
0x5d: {  	(v2sf) =	vpush v4, $0xF;
	v4, _, _ =	vpop (xrf0)  }
0x5e: {  	(v2sf) =	vpush v4, $0xF;
	v4, _, _ =	vpop (xrf0)  }
0x5f: {  	(v2sf) =	vpush v4, $0xF;
	v4, _, _ =	vpop (xrf0)  }
0x60: {  	(v2sf) =	vpush v4, $0xF;
	v4, _, _ =	vpop (xrf0)  }
0x61: {  	(v2sf) =	vpush v4, $0xF;
	v4, _, _ =	vpop (xrf0)  }
0x62: {  	s14 =	spop (v2sf);
	(v2sf) =	vpush v4, $0xF  }
0x63: {  	s14 =	sshll.u32 s14, $0x4;
	s15 =	spop (v2sf)  }
0x64: {  	v4 =	vor.u32 s14, v2;
	s14 =	sshll.u32 s15, $0x4;
	s15 =	spop (v2sf)  }
0x65: {  	v5 =	vor.u32 s14, v2;
	s14 =	sshll.u32 s15, $0x4;
	s15 =	spop (v2sf)  }
0x66: {  	v6 =	vor.u32 s14, v2;
	s14 =	sshll.u32 s15, $0x4;
	s15 =	spop (v2sf)  }
0x67: {  	v7 =	vor.u32 s14, v2;
	s14 =	sshll.u32 s15, $0x4;
	s15 =	spop (v2sf)  }
0x68: {  	v8 =	vor.u32 s14, v2;
	s14 =	sshll.u32 s15, $0x4;
	s15 =	spop (v2sf)  }
0x69: {  	[tilespmem:v4+s8+$0x0] =	vst.idx.add.f32.msk $0xffff, v3;
	v4 =	vor.u32 s14, v2;
	s14 =	sshll.u32 s15, $0x4;
	s15 =	spop (v2sf)  }
0x6a: {  	[tilespmem:v5+s8+$0x0] =	vst.idx.add.f32.msk $0xffff, v3;
	v5 =	vor.u32 s14, v2;
	s14 =	sshll.u32 s15, $0x4;
	s15 =	spop (v2sf)  }
0x6b: {  	[tilespmem:v6+s8+$0x0] =	vst.idx.add.f32.msk $0xffff, v3;
	v6 =	vor.u32 s14, v2;
	s14 =	sshll.u32 s15, $0x4;
	s15 =	spop (v2sf)  }
0x6c: {  	[tilespmem:v7+s8+$0x0] =	vst.idx.add.f32.msk $0xffff, v3;
	v7 =	vor.u32 s14, v2;
	s14 =	sshll.u32 s15, $0x4;
	s15 =	spop (v2sf)  }
0x6d: {  	[tilespmem:v8+s8+$0x0] =	vst.idx.add.f32.msk $0xffff, v3;
	v8 =	vor.u32 s14, v2;
	s14 =	sshll.u32 s15, $0x4;
	s15 =	spop (v2sf)  }
0x6e: {  	[tilespmem:v4+s8+$0x0] =	vst.idx.add.f32.msk $0xffff, v3;
	v4 =	vor.u32 s14, v2;
	s14 =	sshll.u32 s15, $0x4;
	s15 =	spop (v2sf)  }
0x6f: {  	[tilespmem:v5+s8+$0x0] =	vst.idx.add.f32.msk $0xffff, v3;
	v5 =	vor.u32 s14, v2;
	s14 =	sshll.u32 s15, $0x4;
	s15 =	spop (v2sf)  }
0x70: {  	[tilespmem:v6+s8+$0x0] =	vst.idx.add.f32.msk $0xffff, v3;
	v6 =	vor.u32 s14, v2;
	s14 =	sshll.u32 s15, $0x4;
	s15 =	spop (v2sf)  }
0x71: {  	[tilespmem:v7+s8+$0x0] =	vst.idx.add.f32.msk $0xffff, v3;
	v7 =	vor.u32 s14, v2;
	s14 =	sshll.u32 s15, $0x4;
	s15 =	spop (v2sf)  }
0x72: {  	[tilespmem:v8+s8+$0x0] =	vst.idx.add.f32.msk $0xffff, v3;
	v8 =	vor.u32 s14, v2;
	s14 =	sshll.u32 s15, $0x4  }
.Ltmp1:
0x73: {  	[tilespmem:v4+s8+$0x0] =	vst.idx.add.f32.msk $0xffff, v3;
	v4 =	vor.u32 s14, v2;
	(pc) =	sbr.rel @p0 .LBB2_5-.Ltmp1, $4  }
0x74: {  	[tilespmem:v5+s8+$0x0] =	vst.idx.add.f32.msk $0xffff, v3  }
0x75: {  	[tilespmem:v6+s8+$0x0] =	vst.idx.add.f32.msk $0xffff, v3  }
0x76: {  	[tilespmem:v7+s8+$0x0] =	vst.idx.add.f32.msk $0xffff, v3  }
0x77: {  	[tilespmem:v8+s8+$0x0] =	vst.idx.add.f32.msk $0xffff, v3  }
0x78: {  	_ =	sdelay $0x3  }
0x79: {  	s12 =	sshra.s32 s12, $0x2;
	[tilespmem:v4+s8+$0x0] =	vst.idx.add.f32.msk $0xffff, v3  }
0x7a: {  	v4 =	vld [tilespmem:s12+$0x0];
	_ =	sdelay $0x4  }
0x7b: {  	v4 =	vadd.s32 v0, v4  }
0x7c: {  	v4 =	vmin.u32 v4, $0x1400  }
0x7d: {  	v5 =	vnsel vm0, $0x0, v4  }
0x7e: {  	v6 =	vsel vm1, $0x0, v4;
	(xrf0) =	vadd.scan.msk.s32 $0xffff, v5  }
0x7f: {  	v5 =	vsel vm2, $0x0, v4;
	(xrf0) =	vadd.scan.msk.s32 $0xffff, v6  }
0x80: {  	v42 =	vsel vm3, $0x0, v4;
	(xrf0) =	vadd.scan.msk.s32 $0xffff, v5  }
0x81: {  	v5 =	vsel vm4, $0x0, v4;
	(xrf0) =	vadd.scan.msk.s32 $0xffff, v42  }
0x82: {  	v43 =	vsel vm5, $0x0, v4;
	(xrf0) =	vadd.scan.msk.s32 $0xffff, v5  }
0x83: {  	v5 =	vsel vm6, $0x0, v4;
	(xrf0) =	vadd.scan.msk.s32 $0xffff, v43  }
0x84: {  	v44 =	vsel vm7, $0x0, v4;
	v7, _, _ =	vpop (xrf0);
	(xrf0) =	vadd.scan.msk.s32 $0xffff, v5  }
0x85: {  	v5 =	vsel vm8, $0x0, v4;
	(v2sf) =	vpush v7, $0xF;
	v45, _, _ =	vpop (xrf0);
	(xrf0) =	vadd.scan.msk.s32 $0xffff, v44  }
0x86: {  	v46 =	vsel vm9, $0x0, v4;
	(v2sf) =	vpush v45, $0xF;
	v47, _, _ =	vpop (xrf0);
	(xrf0) =	vadd.scan.msk.s32 $0xffff, v5  }
0x87: {  	v5 =	vsel vm10, $0x0, v4;
	(v2sf) =	vpush v47, $0xF;
	v48, _, _ =	vpop (xrf0);
	(xrf0) =	vadd.scan.msk.s32 $0xffff, v46  }
0x88: {  	v49 =	vsel vm11, $0x0, v4;
	(v2sf) =	vpush v48, $0xF;
	v50, _, _ =	vpop (xrf0);
	(xrf0) =	vadd.scan.msk.s32 $0xffff, v5  }
0x89: {  	v5 =	vsel vm12, $0x0, v4;
	(v2sf) =	vpush v50, $0xF;
	v51, _, _ =	vpop (xrf0);
	(xrf0) =	vadd.scan.msk.s32 $0xffff, v49  }
0x8a: {  	v52 =	vsel vm13, $0x0, v4;
	(v2sf) =	vpush v51, $0xF;
	v53, _, _ =	vpop (xrf0);
	(xrf0) =	vadd.scan.msk.s32 $0xffff, v5;
	v5 =	vsel vm14, $0x0, v4  }
0x8b: {  	v4 =	vsel vm15, $0x0, v4;
	(v2sf) =	vpush v53, $0xF;
	v54, _, _ =	vpop (xrf0);
	(xrf0) =	vadd.scan.msk.s32 $0xffff, v52  }
0x8c: {  	(v2sf) =	vpush v54, $0xF;
	v55, _, _ =	vpop (xrf0);
	(xrf0) =	vadd.scan.msk.s32 $0xffff, v5  }
0x8d: {  	(v2sf) =	vpush v55, $0xF;
	v5, _, _ =	vpop (xrf0);
	(xrf0) =	vadd.scan.msk.s32 $0xffff, v4  }
0x8e: {  	(v2sf) =	vpush v5, $0xF;
	v4, _, _ =	vpop (xrf0)  }
0x8f: {  	(v2sf) =	vpush v4, $0xF;
	v4, _, _ =	vpop (xrf0)  }
0x90: {  	(v2sf) =	vpush v4, $0xF;
	v4, _, _ =	vpop (xrf0)  }
0x91: {  	(v2sf) =	vpush v4, $0xF;
	v4, _, _ =	vpop (xrf0)  }
0x92: {  	(v2sf) =	vpush v4, $0xF;
	v4, _, _ =	vpop (xrf0)  }
0x93: {  	(v2sf) =	vpush v4, $0xF;
	v4, _, _ =	vpop (xrf0)  }
0x94: {  	s18 =	spop (v2sf);
	(v2sf) =	vpush v4, $0xF  }
0x95: {  	s12 =	sshll.u32 s18, $0x4;
	s13 =	spop (v2sf)  }
0x96: {  	v4 =	vor.u32 s12, v2;
	s19 =	sshll.u32 s13, $0x4;
	s20 =	spop (v2sf)  }
0x97: {  	v5 =	vor.u32 s19, v2;
	s21 =	sshll.u32 s20, $0x4;
	s22 =	spop (v2sf)  }
0x98: {  	v56 =	vor.u32 s21, v2;
	s23 =	sshll.u32 s22, $0x4;
	s24 =	spop (v2sf)  }
0x99: {  	v57 =	vor.u32 s23, v2;
	s25 =	sshll.u32 s24, $0x4;
	s26 =	spop (v2sf)  }
0x9a: {  	v8 =	vor.u32 s25, v2;
	s28 =	sshll.u32 s26, $0x4;
	s29 =	spop (v2sf)  }
0x9b: {  	[tilespmem:v4+s8+$0x0] =	vst.idx.add.f32.msk $0xffff, v3;
	v4 =	vor.u32 s28, v2;
	s30 =	sshll.u32 s29, $0x4;
	s31 =	spop (v2sf)  }
0x9c: {  	[tilespmem:v5+s8+$0x0] =	vst.idx.add.f32.msk $0xffff, v3;
	v5 =	vor.u32 s30, v2;
	s14 =	sshll.u32 s31, $0x4;
	s15 =	spop (v2sf)  }
0x9d: {  	[tilespmem:v56+s8+$0x0] =	vst.idx.add.f32.msk $0xffff, v3;
	v58 =	vor.u32 s14, v2;
	s16 =	sshll.u32 s15, $0x4;
	s17 =	spop (v2sf)  }
0x9e: {  	[tilespmem:v57+s8+$0x0] =	vst.idx.add.f32.msk $0xffff, v3;
	v59 =	vor.u32 s16, v2;
	s18 =	sshll.u32 s17, $0x4;
	s19 =	spop (v2sf)  }
0x9f: {  	[tilespmem:v8+s8+$0x0] =	vst.idx.add.f32.msk $0xffff, v3;
	v60 =	vor.u32 s18, v2;
	s20 =	sshll.u32 s19, $0x4;
	s21 =	spop (v2sf)  }
0xa0: {  	[tilespmem:v4+s8+$0x0] =	vst.idx.add.f32.msk $0xffff, v3;
	v4 =	vor.u32 s20, v2;
	s22 =	sshll.u32 s21, $0x4;
	s23 =	spop (v2sf)  }
0xa1: {  	[tilespmem:v5+s8+$0x0] =	vst.idx.add.f32.msk $0xffff, v3;
	v5 =	vor.u32 s22, v2;
	s24 =	sshll.u32 s23, $0x4;
	s25 =	spop (v2sf)  }
0xa2: {  	[tilespmem:v58+s8+$0x0] =	vst.idx.add.f32.msk $0xffff, v3;
	v61 =	vor.u32 s24, v2;
	s26 =	sshll.u32 s25, $0x4;
	s28 =	spop (v2sf)  }
0xa3: {  	[tilespmem:v59+s8+$0x0] =	vst.idx.add.f32.msk $0xffff, v3;
	v62 =	vor.u32 s26, v2;
	s29 =	sshll.u32 s28, $0x4;
	s30 =	spop (v2sf)  }
0xa4: {  	s11 =	sadd.s32 $0x1, s11;
	[tilespmem:v60+s8+$0x0] =	vst.idx.add.f32.msk $0xffff, v3;
	v63 =	vor.u32 s29, v2;
	s31 =	sshll.u32 s30, $0x4  }
0xa5: {  	p0 =	sne.s32 s11, $0x50;
	[tilespmem:v4+s8+$0x0] =	vst.idx.add.f32.msk $0xffff, v3;
	v4 =	vor.u32 s31, v2  }
.Ltmp2:
0xa6: {  	[tilespmem:v5+s8+$0x0] =	vst.idx.add.f32.msk $0xffff, v3;
	(pc) =	sbr.rel @p0 .LBB2_4-.Ltmp2, $4  }
0xa7: {  	[tilespmem:v61+s8+$0x0] =	vst.idx.add.f32.msk $0xffff, v3  }
0xa8: {  	[tilespmem:v62+s8+$0x0] =	vst.idx.add.f32.msk $0xffff, v3  }
0xa9: {  	[tilespmem:v63+s8+$0x0] =	vst.idx.add.f32.msk $0xffff, v3  }
0xaa: {  	[tilespmem:v4+s8+$0x0] =	vst.idx.add.f32.msk $0xffff, v3  }
0xab: {  	s9 =	sadd.s32 $0x1, s9  }
0xac: {  	p0 =	sne.s32 s9, s6  }
.Ltmp3:
0xad: {  	_ = 	snop;
	(pc) =	sbr.rel @p0 .LBB2_1-.Ltmp3, $4  }
0xae: {  	[hbm4b:s5+s2] =	stream.linear.scatter [tilespmem:s8], [sflag:$0x1], $0x14080, $0x38;
	[tilespmem:$0x14100] =	vst v63  }
0xaf: {  	_ =	swait.ge [sflag:s7], $0x14080  }
0xb0: {  	[sflag:s7] =	ssyncset.done $0x0  }
0xb1: {  	[sflag:s7] =	ssyncadd.s32 $0xFFFEBF80  }
0xb2: {  	_ =	sfence.sel $0x180000  }
0xb3: {  	[bflag:$0x0] =	sbarrier.arrive $0xFFFF  }
0xb4: {  	p0 =	sne.s32 s0, $0x0;
	_ =	strace $0x9000004A  }
0xb5: {  	s0 =	sadd.s32 @!p0 $0x100000, s1;
	[bflag:$0x2] =	sbarrier.arrive $0xFFFF  }
0xb6: {  	[sflag:s0] =	ssyncadd.tile.s32 @!p0 $0x1;
	_ =	shalt  }
.Lfunc_end2:
_tile_overlayer_lowered:
.L_overlay_start_2:
0xb7: {  	(tag) =	ssettag $0x2  }
0xb8: {  	s0 =	rddreg [dreg:$0x0];
	s2 =	stileid.u32  }
0xb9: {  	s1 =	rddreg [dreg:$0x1];
	p0 =	sne.s32 s2, $0x0  }
0xba: {  	s3 =	rddreg [dreg:$0x2];
	[bflag:$0x3] =	sbarrier.arrive $0xFFFF;
	s2 =	simm.s32 @!p0 $0x1C01  }
0xbb: {  	[timem:s3], [sflag:s2] =	dma.local @!p0 [hbm:s0], s1  }
0xbc: {  	s0 =	simm.s32 @!p0 $0x1  }
0xbd: {  	_ =	swait.ge @!p0 [sflag:s0], s1  }
0xbe: {  	s1 =	ssub.s32 @!p0 $0x0, s1;
	[sflag:s0] =	ssyncset.done @!p0 $0x0  }
0xbf: {  	[sflag:s0] =	ssyncadd.s32 @!p0 s1  }
0xc0: {  	[bflag:$0x3] =	sbarrier.arrive $0xFFFF  }
0xc1: {  	_ =	shalt  }

// kernel: kernel.31.cloned.1.call-start
scs
__scs_entry_jumppad:
0x0: {  	(pc) =	sbr.rel $0x88, $3  }
0x1: {  	(tag) =	ssettag $0x0;
	lr =	simm.s32 $0x1  }
0x2: {  	[smem:$0x3F8A] =	sst lr;
	_ =	strace $0xD0000000  }
0x3: {  	_ = 	snop  }
0x4: {  	_ = 	snop  }
0x5: {  	_ = 	snop  }
0x6: {  	_ = 	snop  }
0x7: {  	_ = 	snop  }
__scs_overlays_trampoline_lowered:
0x8: {  	[smem:$0x3F99] =	sst s0  }
0x9: {  	[smem:$0x3F9A] =	sst s1  }
0xa: {  	[smem:$0x3F9B] =	sst s2  }
0xb: {  	[smem:$0x3F9C] =	sst s3  }
0xc: {  	[smem:$0x3F9D] =	sst s4  }
0xd: {  	[smem:$0x3F9E] =	sst s5  }
0xe: {  	[smem:$0x3F9F] =	sst s6  }
0xf: {  	[smem:$0x3FA0] =	sst s7  }
0x10: {  	[smem:$0x3FA1] =	sst s8  }
0x11: {  	[smem:$0x3FA2] =	sst s9;
	s0 =	simm.s32 @!p0 $0x0  }
0x12: {  	s1 =	sld [smem:$0x3F88];
	s0 =	simm.s32 @p0 $0x1  }
0x13: {  	[smem:$0x3FA3] =	sst s0;
	s0 =	simm.s32 @!p1 $0x0  }
0x14: {  	s2 =	sld [smem:$0x3F87];
	s0 =	simm.s32 @p1 $0x1  }
0x15: {  	[smem:$0x3FA4] =	sst s0;
	s0 =	simm.s32 @!p2 $0x0  }
0x16: {  	s3 =	sld [smem:$0x3FDB];
	s0 =	simm.s32 @p2 $0x1  }
0x17: {  	s4 =	simm.s32 $0x1BF5;
	[smem:$0x3FA6] =	sst s0  }
0x18: {  	s0 =	sld [smem:$0x3F89];
	_ =	swait.ge [sflag:s4], $0x0  }
0x19: {  	s7 =	sld [smem:$0x3F8A]  }
0x1a: {  	s8 =	sadd.s32 $0xFFFFE003, lr  }
0x1b: {  	s9 =	sadd.s32 $0xFFFFFEF7, lr;
	s5 =	simm.s32 $0xFFFFFFFF;
	p2 =	slt.u32 s8, $0xFFFFF086  }
0x1c: {  	p1 =	slt.u32 s9, $0xF7A;
	s5 =	simm.s32 @!p2 $0x0  }
0x1d: {  	s5 =	simm.s32 @p1 $0x1;
	p0 =	seq.s32 s7, s2  }
0x1e: {  	s7 =	smul.u32 @!p0 $0xF7A, s2;
	p2 =	seq.s32 @!p0 s5, $0x0  }
0x1f: {  	s9 =	smul.u32 $0xF7A, s1;
	s8 =	simm.s32 @!p0 $0x1BF5;
	p2 =	por !p2, p0  }
0x20: {  	[sflag:s8] =	ssyncset.s32 @!p0 $0xFFFFF086;
	s6 =	sadd.s32 @!p0 s3, s7;
	s7 =	simm.s32 @!p0 $0x108  }
0x21: {  	s3 =	sadd.s32 s3, s9;
	s6 =	sadd.s32 @!p0 $0x88, s6;
	s7 =	simm.s32 @p2 $0x1082  }
0x22: {  	[simem:s7], [sflag:s8] =	dma.local @!p0 [hbm:s6], $0xF7A  }
0x23: {  	s9 =	sor.u32 $0xD0000000, s2;
	s6 =	simm.s32 $0x108;
	_ =	swait.ge @!p0 [sflag:s8], $0x0  }
0x24: {  	s3 =	sadd.s32 $0x88, s3;
	s6 =	simm.s32 @!p1 $0x1082;
	[sflag:s4] =	ssyncset.s32 $0xFFFFF086  }
0x25: {  	[simem:s6], [sflag:s4] =	dma.local [hbm:s3], $0xF7A  }
0x26: {  	[smem:$0x3F8A] =	sst s1;
	(tag) =	ssettag s2;
	_ =	strace s9  }
0x27: {  	s1 =	sld [smem:$0x3F9A]  }
0x28: {  	s2 =	sld [smem:$0x3F9B]  }
0x29: {  	s4 =	sld [smem:$0x3F9D]  }
0x2a: {  	p0 =	seq.s32 s5, $0x0;
	s5 =	sld [smem:$0x3F9E]  }
0x2b: {  	s6 =	sld [smem:$0x3F9F]  }
0x2c: {  	s7 =	sld [smem:$0x3FA0]  }
0x2d: {  	s3 =	simm.s32 $0x108;
	s8 =	sld [smem:$0x3FA1]  }
0x2e: {  	s3 =	simm.s32 @!p0 $0x1082;
	s9 =	sld [smem:$0x3FA2]  }
0x2f: {  	lr =	sadd.s32 s0, s3;
	s0 =	sld [smem:$0x3F99]  }
0x30: {  	s3 =	sld [smem:$0x3F9C]  }
0x31: {  	[smem:$0x3FA5] =	sst s10  }
0x32: {  	s10 =	sld [smem:$0x3FA3];
	_ =	sdelay $0x3  }
0x33: {  	p0 =	seq.s32 s10, $0x1;
	s10 =	sld [smem:$0x3FA5];
	_ =	sdelay $0x3  }
0x34: {  	[smem:$0x3FA5] =	sst s10  }
0x35: {  	s10 =	sld [smem:$0x3FA4];
	_ =	sdelay $0x3  }
0x36: {  	p1 =	seq.s32 s10, $0x1;
	s10 =	sld [smem:$0x3FA5];
	_ =	sdelay $0x3  }
0x37: {  	[smem:$0x3FA5] =	sst s10  }
0x38: {  	s10 =	sld [smem:$0x3FA6]  }
0x39: {  	_ = 	snop;
	(pc) =	sbr.ind lr, $3  }
0x3a: {  	_ = 	snop  }
0x3b: {  	_ = 	snop  }
0x3c: {  	p2 =	seq.s32 s10, $0x1;
	s10 =	sld [smem:$0x3FA5]  }
0x3d: {  	_ =	shalt  }
0x3e: {  	_ =	shalt  }
0x3f: {  	_ =	shalt  }
0x40: {  	_ =	shalt  }
0x41: {  	_ =	shalt  }
0x42: {  	_ =	shalt  }
0x43: {  	_ =	shalt  }
0x44: {  	_ =	shalt  }
0x45: {  	_ =	shalt  }
0x46: {  	_ =	shalt  }
0x47: {  	_ =	shalt  }
0x48: {  	_ =	shalt  }
0x49: {  	_ =	shalt  }
0x4a: {  	_ =	shalt  }
0x4b: {  	_ =	shalt  }
0x4c: {  	_ =	shalt  }
0x4d: {  	_ =	shalt  }
0x4e: {  	_ =	shalt  }
0x4f: {  	_ =	shalt  }
0x50: {  	_ =	shalt  }
0x51: {  	_ =	shalt  }
0x52: {  	_ =	shalt  }
0x53: {  	_ =	shalt  }
0x54: {  	_ =	shalt  }
0x55: {  	_ =	shalt  }
0x56: {  	_ =	shalt  }
0x57: {  	_ =	shalt  }
0x58: {  	_ =	shalt  }
0x59: {  	_ =	shalt  }
0x5a: {  	_ =	shalt  }
0x5b: {  	_ =	shalt  }
0x5c: {  	_ =	shalt  }
0x5d: {  	_ =	shalt  }
0x5e: {  	_ =	shalt  }
0x5f: {  	_ =	shalt  }
0x60: {  	_ =	shalt  }
0x61: {  	_ =	shalt  }
0x62: {  	_ =	shalt  }
0x63: {  	_ =	shalt  }
0x64: {  	_ =	shalt  }
0x65: {  	_ =	shalt  }
0x66: {  	_ =	shalt  }
0x67: {  	_ =	shalt  }
0x68: {  	_ =	shalt  }
0x69: {  	_ =	shalt  }
0x6a: {  	_ =	shalt  }
0x6b: {  	_ =	shalt  }
0x6c: {  	_ =	shalt  }
0x6d: {  	_ =	shalt  }
0x6e: {  	_ =	shalt  }
0x6f: {  	_ =	shalt  }
0x70: {  	_ =	shalt  }
0x71: {  	_ =	shalt  }
0x72: {  	_ =	shalt  }
0x73: {  	_ =	shalt  }
0x74: {  	_ =	shalt  }
0x75: {  	_ =	shalt  }
0x76: {  	_ =	shalt  }
0x77: {  	_ =	shalt  }
0x78: {  	_ =	shalt  }
0x79: {  	_ =	shalt  }
0x7a: {  	_ =	shalt  }
0x7b: {  	_ =	shalt  }
0x7c: {  	_ =	shalt  }
0x7d: {  	_ =	shalt  }
0x7e: {  	_ =	shalt  }
0x7f: {  	_ =	shalt  }
0x80: {  	_ =	shalt  }
0x81: {  	_ =	shalt  }
0x82: {  	_ =	shalt  }
0x83: {  	_ =	shalt  }
0x84: {  	_ =	shalt  }
0x85: {  	_ =	shalt  }
0x86: {  	_ =	shalt  }
0x87: {  	_ =	shalt  }
.Lfunc_end0:
.L_simem_size_0:
called_computation.1_lowered:
.L_overlay_start_0:
0x88: {  	s2 =	sld [smem:$0x3FD9]  }
0x89: {  	s3 =	sld [smem:$0x3FFE];
	_ =	sdelay $0x1  }
0x8a: {  	s1 =	srdreg.scid  }
0x8b: {  	s0 =	sand.u32 $0x1, s1  }
0x8c: {  	s14 =	sshll.u32 s0, $0xA;
	s2 =	sadd.s32 s3, s2  }
0x8d: {  	s2 =	sadd.s32 s2, s14  }
0x8e: {  	[smem:$0x3FB1] =	sst s2  }
0x8f: {  	_ = 	snop  }
0x90: {  	s2 =	sld [smem:$0x3FD0];
	_ =	sdelay $0x2  }
0x91: {  	s15 =	simm.s32 $0xB;
	s4 =	simm.s32 $0x10  }
0x92: {  	[smem:s4], [sflag:s15] =	dma.local [hbm:s2], $0x1  }
0x93: {  	_ =	swait.eq [sflag:s15], $0x1  }
0x94: {  	[sflag:s15] =	ssyncset.done $0x0  }
0x95: {  	[sflag:s15] =	ssyncadd.s32 $0xFFFFFFFF  }
0x96: {  	s16 =	sld [smem:$0x10];
	(tm) =	ssettm $0x1  }
0x97: {  	s17 =	sld [smem:$0x3FFB];
	_ =	sdelay $0x3  }
0x98: {  	_ =	strace s17  }
0x99: {  	s3 =	sld [smem:$0x3FFC];
	_ =	sdelay $0x3  }
0x9a: {  	_ =	strace s3  }
0x9b: {  	s3 =	sld [smem:$0x3FFD];
	_ =	sdelay $0x3  }
0x9c: {  	_ =	strace s3  }
0x9d: {  	_ =	strace $0x8FFFFFFF  }
0x9e: {  	s18 =	sld [smem:$0x3FDB];
	_ =	sdelay $0x1  }
0x9f: {  	s19 =	simm.s32 $_scs_section_size  }
0xa0: {  	s5 =	simm.s32 $_size__tile_overlayer_lowered;
	s6 =	simm.s32 $_tile_overlayer_lowered  }
0xa1: {  	s22 =	simm.s32 $0x1BFF;
	s21 =	sshll.u32 s6, $0x1;
	s3 =	sadd.s32 s19, s18  }
0xa2: {  	s7 =	simm.s32 $0x0;
	s20 =	sshll.u32 s5, $0x1;
	s5 =	sadd.s32 s21, s3  }
0xa3: {  	[timem:s7], [sflag:s22] =	dma.local [hbm:s5], s20  }
0xa4: {  	_ =	swait.ge [sflag:s22], s20  }
0xa5: {  	s4 =	ssub.s32 $0x0, s20;
	[sflag:s22] =	ssyncset.done $0x0  }
0xa6: {  	[sflag:s22] =	ssyncadd.s32 s4;
	_ =	sdelay $0x1  }
0xa7: {  	s23 =	simm.s32 $0x1B8B  }
0xa8: {  	_ =	swait.ge [sflag:s23], $0x1  }
0xa9: {  	[sflag:s23] =	ssyncset.done $0x0  }
0xaa: {  	s25 =	simm.s32 $0x1B8E;
	s24 =	sld [smem:$0x3FFE];
	[sflag:s23] =	ssyncadd.s32 $0xFFFFFFFF  }
0xab: {  	s26 =	simm.s32 $execute0_lowered;
	[smem:$0x3FD2] =	sst s25  }
0xac: {  	s5 =	sshll.u32 s26, $0x1;
	_ =	strace $0x80000046;
	[dreg:$0x1] =	wrdreg $0xFFFFFFFF  }
0xad: {  	s28 =	simm.s32 $_size_execute0_lowered;
	s3 =	sadd.s32 s3, s5;
	[dreg:$0x0] =	wrdreg $0x0  }
0xae: {  	s5 =	sshll.u32 s28, $0x1;
	[dreg:$0x2] =	wrdreg s3  }
0xaf: {  	[dreg:$0x3] =	wrdreg s5  }
0xb0: {  	[dreg:$0x4] =	wrdreg $0xC0  }
0xb1: {  	_ =	task [dreg:s7], $0x5FFFF  }
0xb2: {  	[dreg:$0x1] =	wrdreg $0xFFFFFFFF  }
0xb3: {  	[dreg:$0x0] =	wrdreg $0x60  }
0xb4: {  	[dreg:$0x2] =	wrdreg s16  }
0xb5: {  	[dreg:$0x3] =	wrdreg s24  }
0xb6: {  	[dreg:$0x4] =	wrdreg $0xA  }
0xb7: {  	_ =	task.clear_ibuf [dreg:s7], $0x5FFFF;
	_ =	strace $0x90000046  }
0xb8: {  	s29 =	simm.s32 $0xA;
	_ =	strace $0x80000048  }
0xb9: {  	_ =	swait.ge [sflag:s29], $0x1  }
0xba: {  	[sflag:s29] =	ssyncadd.s32 $0xFFFFFFFF  }
0xbb: {  	_ =	strace $0x90000048  }
0xbc: {  	_ =	sfence  }
0xbd: {  	s30 =	sld [smem:$0x0];
	_ =	sdelay $0x2  }
0xbe: {  	s31 =	sshll.u32 s1, $0xD;
	s1 =	sshrl.u32 s1, $0x2  }
0xbf: {  	s3 =	sand.u32 $0x4000, s31;
	s1 =	sadd.s32 s1, s30  }
0xc0: {  	s0 =	sor.u32 s3, s0;
	s1 =	sshll.u32 s1, $0x11  }
0xc1: {  	s0 =	sor.u32 s1, s0  }
0xc2: {  	s0 =	sadd.s32 $0x8F2B, s0  }
0xc3: {  	[sflag:s0] =	ssyncadd.remote.s32 $0x1  }
0xc4: {  	_ =	sfence.sel $0xFFFF  }
0xc5: {  	[dreg:$0x0] =	wrdreg $0xFFFFFFFF;
	(pc) =	sbr.abs _section_cstart, $3  }
0xc6: {  	[dreg:$0x1] =	wrdreg $0xFFFFFFFF  }
0xc7: {  	_ =	task.clear_ibuf [dreg:s7], $0x2FFFF;
	_ =	strace $0x9FFFFFFF  }
0xc8: {  	(tm) =	ssettm $0x7FFFFFFF  }
0xc9: {  	_ =	shalt  }
tec
execute0_lowered:
.L_overlay_start_1:
0x0: {  	(tag) =	ssettag $0x1  }
0x1: {  	s2 =	rddreg [dreg:$0x0]  }
0x2: {  	s5 =	rddreg [dreg:$0x1]  }
0x3: {  	s0 =	rddreg [dreg:$0x2];
	s4 =	srdreg.scid  }
0x4: {  	s1 =	stileid.u32;
	s3 =	simm.s32 $0x0;
	s12 =	simm.s32 $0x100  }
0x5: {  	s13 =	simm.s32 $0x4100;
	s14 =	simm.s32 $0x1;
	s7 =	smul.u32 $0x2800, s1  }
0x6: {  	s15 =	simm.s32 $0x2;
	s6 =	sand.u32 $0x1, s4;
	s9 =	smul.u32 $0x28000, s1  }
0x7: {  	s16 =	simm.s32 $0x0;
	[smem:$0x7FF] =	sst s3;
	s8 =	smul.u32 $0x1400, s6  }
0x8: {  	s4 =	sadd.s32 $0x4A800, s5;
	s29 =	ssub.s32 $0x2, s6;
	s6 =	smul.u32 $0x14000, s6  }
0x9: {  	_ =	strace $0x80000047;
	s9 =	sadd.s32 s9, s5;
	s10 =	sshrl.u32 s29, $0x1  }
0xa: {  	s7 =	sadd.s32 s8, s7;
	s30 =	ssub.s32 s29, s10;
	s31 =	sadd.s32 s6, s9  }
0xb: {  	s10 =	simm.s32 $0x3;
	s7 =	sshrl.u32 s7, $0x3;
	s6 =	sadd.s32 $0x71A00, s31  }
0xc: {  	s11 =	sadd.s32 s7, s5;
	s5 =	smax.u32 s30, $0x1;
	s7 =	sadd.s32 $0x2F1A00, s31  }
0xd: {  	s8 =	sadd.s32 $0x3B600, s11;
	s9 =	sadd.s32 $0x45600, s11;
	s11 =	simm.s32 $0x80  }
.LBB2_1:
0xe: {  	s17 =	sadd.s32 $0x0, s9  }
0xf: {  	[tilespmem:s3], [sflag:$0x3] =	stream.linear.gather [hbm4b:s17+s3], $0x80, $0x38;
	[tilespmem:$0x8100] =	vst v63  }
0x10: {  	_ =	swait.ge [sflag:s10], $0x80  }
0x11: {  	[sflag:s10] =	ssyncset.done $0x0  }
0x12: {  	s31 =	sadd.s32 $0x0, s8;
	[sflag:s10] =	ssyncadd.s32 $0xFFFFFF80  }
0x13: {  	[tilespmem:s11], [sflag:$0x3] =	stream.linear.gather [hbm4b:s31+s3], $0x80, $0x38;
	[tilespmem:$0x8100] =	vst v63  }
0x14: {  	_ =	swait.ge [sflag:s10], $0x80  }
0x15: {  	[sflag:s10] =	ssyncset.done $0x0  }
0x16: {  	[sflag:s10] =	ssyncadd.s32 $0xFFFFFF80  }
0x17: {  	[tilespmem:s12], [sflag:$0x1] =	stream.indirect.gather [hbm4b:s2+s11], $0x80, s3, s11, $0xb8;
	[tilespmem:$0x8100] =	vst v63  }
0x18: {  	_ = 	snop  }
0x19: {  	[tilespmem:s13], [sflag:$0x2] =	stream.indirect.gather [hbm4b:s4+s11], $0x80, s11, s11, $0xb8;
	[tilespmem:$0x8100] =	vst v63  }
0x1a: {  	_ =	swait.ge [sflag:s14], $0x4000  }
0x1b: {  	[sflag:s14] =	ssyncset.done $0x0  }
0x1c: {  	[sflag:s14] =	ssyncadd.s32 $0xFFFFC000  }
0x1d: {  	_ =	swait.ge [sflag:s15], $0x4000  }
0x1e: {  	[sflag:s15] =	ssyncset.done $0x0  }
0x1f: {  	[sflag:s15] =	ssyncadd.s32 $0xFFFFC000  }
0x20: {  	[hbm4b:s6+s3] =	stream.linear.scatter [tilespmem:s12], [sflag:$0x3], $0x4000, $0x38;
	[tilespmem:$0x8100] =	vst v63  }
0x21: {  	_ =	swait.ge [sflag:s10], $0x4000  }
0x22: {  	[sflag:s10] =	ssyncset.done $0x0  }
0x23: {  	[sflag:s10] =	ssyncadd.s32 $0xFFFFC000  }
0x24: {  	[hbm4b:s7+s3] =	stream.linear.scatter [tilespmem:s13], [sflag:$0x3], $0x4000, $0x38;
	[tilespmem:$0x8100] =	vst v63  }
0x25: {  	s19 =	simm.s32 $0x10;
	s20 =	simm.s32 $0x20;
	_ =	swait.ge [sflag:s10], $0x4000  }
0x26: {  	s18 =	sadd.s32 $0x800, s6;
	s17 =	sadd.s32 $0x800, s7;
	[sflag:s10] =	ssyncset.done $0x0  }
.LBB2_2:
0x27: {  	s21 =	sadd.s32 s19, s9  }
0x28: {  	[sflag:s10] =	ssyncadd.s32 $0xFFFFC000;
	s22 =	smov.u32 s20;
	s23 =	sadd.s32 $0x10, s20  }
0x29: {  	[tilespmem:s3], [sflag:$0x3] =	stream.linear.gather [hbm4b:s21+s3], $0x80, $0x38;
	[tilespmem:$0x8100] =	vst v63  }
0x2a: {  	p0 =	sne.s32 s20, $0x270;
	_ =	swait.ge [sflag:s10], $0x80  }
0x2b: {  	[sflag:s10] =	ssyncset.done $0x0  }
0x2c: {  	s20 =	sadd.s32 s19, s8;
	s19 =	smov.u32 s22;
	[sflag:s10] =	ssyncadd.s32 $0xFFFFFF80  }
0x2d: {  	[tilespmem:s11], [sflag:$0x3] =	stream.linear.gather [hbm4b:s20+s3], $0x80, $0x38;
	[tilespmem:$0x8100] =	vst v63  }
0x2e: {  	_ =	swait.ge [sflag:s10], $0x80  }
0x2f: {  	[sflag:s10] =	ssyncset.done $0x0  }
0x30: {  	[sflag:s10] =	ssyncadd.s32 $0xFFFFFF80  }
0x31: {  	[tilespmem:s12], [sflag:$0x1] =	stream.indirect.gather [hbm4b:s2+s11], $0x80, s3, s11, $0xb8;
	[tilespmem:$0x8100] =	vst v63  }
0x32: {  	_ = 	snop  }
0x33: {  	[tilespmem:s13], [sflag:$0x2] =	stream.indirect.gather [hbm4b:s4+s11], $0x80, s11, s11, $0xb8;
	[tilespmem:$0x8100] =	vst v63  }
0x34: {  	_ =	swait.ge [sflag:s14], $0x4000  }
0x35: {  	[sflag:s14] =	ssyncset.done $0x0  }
0x36: {  	[sflag:s14] =	ssyncadd.s32 $0xFFFFC000  }
0x37: {  	_ =	swait.ge [sflag:s15], $0x4000  }
0x38: {  	[sflag:s15] =	ssyncset.done $0x0  }
0x39: {  	[sflag:s15] =	ssyncadd.s32 $0xFFFFC000  }
0x3a: {  	[hbm4b:s18+s3] =	stream.linear.scatter [tilespmem:s12], [sflag:$0x3], $0x4000, $0x38;
	[tilespmem:$0x8100] =	vst v63  }
0x3b: {  	_ =	swait.ge [sflag:s10], $0x4000  }
.Ltmp0:
0x3c: {  	[sflag:s10] =	ssyncset.done $0x0;
	(pc) =	sbr.rel @p0 .LBB2_2-.Ltmp0, $4  }
0x3d: {  	[sflag:s10] =	ssyncadd.s32 $0xFFFFC000  }
0x3e: {  	[hbm4b:s17+s3] =	stream.linear.scatter [tilespmem:s13], [sflag:$0x3], $0x4000, $0x38;
	[tilespmem:$0x8100] =	vst v63  }
0x3f: {  	s20 =	smov.u32 s23;
	_ =	swait.ge [sflag:s10], $0x4000  }
0x40: {  	s18 =	sadd.s32 $0x800, s18;
	s17 =	sadd.s32 $0x800, s17;
	[sflag:s10] =	ssyncset.done $0x0  }
0x41: {  	s20 =	sadd.s32 s19, s9;
	[sflag:s10] =	ssyncadd.s32 $0xFFFFC000  }
0x42: {  	[tilespmem:s3], [sflag:$0x3] =	stream.linear.gather [hbm4b:s20+s3], $0x80, $0x38;
	[tilespmem:$0x8100] =	vst v63  }
0x43: {  	_ =	swait.ge [sflag:s10], $0x80  }
0x44: {  	[sflag:s10] =	ssyncset.done $0x0  }
0x45: {  	s31 =	sadd.s32 s19, s8;
	[sflag:s10] =	ssyncadd.s32 $0xFFFFFF80  }
0x46: {  	[tilespmem:s11], [sflag:$0x3] =	stream.linear.gather [hbm4b:s31+s3], $0x80, $0x38;
	[tilespmem:$0x8100] =	vst v63  }
0x47: {  	_ =	swait.ge [sflag:s10], $0x80  }
0x48: {  	[sflag:s10] =	ssyncset.done $0x0  }
0x49: {  	[sflag:s10] =	ssyncadd.s32 $0xFFFFFF80  }
0x4a: {  	[tilespmem:s12], [sflag:$0x1] =	stream.indirect.gather [hbm4b:s2+s11], $0x80, s3, s11, $0xb8;
	[tilespmem:$0x8100] =	vst v63  }
0x4b: {  	_ = 	snop  }
0x4c: {  	[tilespmem:s13], [sflag:$0x2] =	stream.indirect.gather [hbm4b:s4+s11], $0x80, s11, s11, $0xb8;
	[tilespmem:$0x8100] =	vst v63  }
0x4d: {  	_ =	swait.ge [sflag:s14], $0x4000  }
0x4e: {  	[sflag:s14] =	ssyncset.done $0x0  }
0x4f: {  	[sflag:s14] =	ssyncadd.s32 $0xFFFFC000  }
0x50: {  	_ =	swait.ge [sflag:s15], $0x4000  }
0x51: {  	[sflag:s15] =	ssyncset.done $0x0  }
0x52: {  	[sflag:s15] =	ssyncadd.s32 $0xFFFFC000  }
0x53: {  	[hbm4b:s18+s3] =	stream.linear.scatter [tilespmem:s12], [sflag:$0x3], $0x4000, $0x38;
	[tilespmem:$0x8100] =	vst v63  }
0x54: {  	s16 =	sadd.s32 $0x1, s16;
	_ =	swait.ge [sflag:s10], $0x4000  }
0x55: {  	p0 =	sne.s32 s16, s5;
	[sflag:s10] =	ssyncset.done $0x0  }
.Ltmp1:
0x56: {  	[sflag:s10] =	ssyncadd.s32 $0xFFFFC000;
	(pc) =	sbr.rel @p0 .LBB2_1-.Ltmp1, $4  }
0x57: {  	[hbm4b:s17+s3] =	stream.linear.scatter [tilespmem:s13], [sflag:$0x3], $0x4000, $0x38;
	[tilespmem:$0x8100] =	vst v63  }
0x58: {  	_ =	swait.ge [sflag:s10], $0x4000  }
0x59: {  	[sflag:s10] =	ssyncset.done $0x0  }
0x5a: {  	[sflag:s10] =	ssyncadd.s32 $0xFFFFC000  }
0x5b: {  	_ =	sfence.sel $0x180000  }
0x5c: {  	[bflag:$0x0] =	sbarrier.arrive $0xFFFF  }
0x5d: {  	p0 =	sne.s32 s1, $0x0;
	_ =	strace $0x90000047  }
0x5e: {  	s0 =	sadd.s32 @!p0 $0x100000, s0;
	[bflag:$0x2] =	sbarrier.arrive $0xFFFF  }
0x5f: {  	[sflag:s0] =	ssyncadd.tile.s32 @!p0 $0x1;
	_ =	shalt  }
.Lfunc_end2:
_tile_overlayer_lowered:
.L_overlay_start_2:
0x60: {  	(tag) =	ssettag $0x2  }
0x61: {  	s0 =	rddreg [dreg:$0x0];
	s2 =	stileid.u32  }
0x62: {  	s1 =	rddreg [dreg:$0x1];
	p0 =	sne.s32 s2, $0x0  }
0x63: {  	s3 =	rddreg [dreg:$0x2];
	[bflag:$0x3] =	sbarrier.arrive $0xFFFF;
	s2 =	simm.s32 @!p0 $0x1C03  }
0x64: {  	[timem:s3], [sflag:s2] =	dma.local @!p0 [hbm:s0], s1  }
0x65: {  	s0 =	simm.s32 @!p0 $0x3  }
0x66: {  	_ =	swait.ge @!p0 [sflag:s0], s1  }
0x67: {  	s1 =	ssub.s32 @!p0 $0x0, s1;
	[sflag:s0] =	ssyncset.done @!p0 $0x0  }
0x68: {  	[sflag:s0] =	ssyncadd.s32 @!p0 s1  }
0x69: {  	[bflag:$0x3] =	sbarrier.arrive $0xFFFF  }
0x6a: {  	_ =	shalt  }

// kernel: kernel.34.cloned.1.call-start
scs
__scs_entry_jumppad:
0x0: {  	(pc) =	sbr.rel $0x88, $3  }
0x1: {  	(tag) =	ssettag $0x0;
	lr =	simm.s32 $0x1  }
0x2: {  	[smem:$0x3F8A] =	sst lr;
	_ =	strace $0xD0000000  }
0x3: {  	_ = 	snop  }
0x4: {  	_ = 	snop  }
0x5: {  	_ = 	snop  }
0x6: {  	_ = 	snop  }
0x7: {  	_ = 	snop  }
__scs_overlays_trampoline_lowered:
0x8: {  	[smem:$0x3F99] =	sst s0  }
0x9: {  	[smem:$0x3F9A] =	sst s1  }
0xa: {  	[smem:$0x3F9B] =	sst s2  }
0xb: {  	[smem:$0x3F9C] =	sst s3  }
0xc: {  	[smem:$0x3F9D] =	sst s4  }
0xd: {  	[smem:$0x3F9E] =	sst s5  }
0xe: {  	[smem:$0x3F9F] =	sst s6  }
0xf: {  	[smem:$0x3FA0] =	sst s7  }
0x10: {  	[smem:$0x3FA1] =	sst s8  }
0x11: {  	[smem:$0x3FA2] =	sst s9;
	s0 =	simm.s32 @!p0 $0x0  }
0x12: {  	s1 =	sld [smem:$0x3F88];
	s0 =	simm.s32 @p0 $0x1  }
0x13: {  	[smem:$0x3FA3] =	sst s0;
	s0 =	simm.s32 @!p1 $0x0  }
0x14: {  	s2 =	sld [smem:$0x3F87];
	s0 =	simm.s32 @p1 $0x1  }
0x15: {  	[smem:$0x3FA4] =	sst s0;
	s0 =	simm.s32 @!p2 $0x0  }
0x16: {  	s3 =	sld [smem:$0x3FDB];
	s0 =	simm.s32 @p2 $0x1  }
0x17: {  	s4 =	simm.s32 $0x1BF5;
	[smem:$0x3FA6] =	sst s0  }
0x18: {  	s0 =	sld [smem:$0x3F89];
	_ =	swait.ge [sflag:s4], $0x0  }
0x19: {  	s7 =	sld [smem:$0x3F8A]  }
0x1a: {  	s8 =	sadd.s32 $0xFFFFE003, lr  }
0x1b: {  	s9 =	sadd.s32 $0xFFFFFEF7, lr;
	s5 =	simm.s32 $0xFFFFFFFF;
	p2 =	slt.u32 s8, $0xFFFFF086  }
0x1c: {  	p1 =	slt.u32 s9, $0xF7A;
	s5 =	simm.s32 @!p2 $0x0  }
0x1d: {  	s5 =	simm.s32 @p1 $0x1;
	p0 =	seq.s32 s7, s2  }
0x1e: {  	s7 =	smul.u32 @!p0 $0xF7A, s2;
	p2 =	seq.s32 @!p0 s5, $0x0  }
0x1f: {  	s9 =	smul.u32 $0xF7A, s1;
	s8 =	simm.s32 @!p0 $0x1BF5;
	p2 =	por !p2, p0  }
0x20: {  	[sflag:s8] =	ssyncset.s32 @!p0 $0xFFFFF086;
	s6 =	sadd.s32 @!p0 s3, s7;
	s7 =	simm.s32 @!p0 $0x108  }
0x21: {  	s3 =	sadd.s32 s3, s9;
	s6 =	sadd.s32 @!p0 $0x88, s6;
	s7 =	simm.s32 @p2 $0x1082  }
0x22: {  	[simem:s7], [sflag:s8] =	dma.local @!p0 [hbm:s6], $0xF7A  }
0x23: {  	s9 =	sor.u32 $0xD0000000, s2;
	s6 =	simm.s32 $0x108;
	_ =	swait.ge @!p0 [sflag:s8], $0x0  }
0x24: {  	s3 =	sadd.s32 $0x88, s3;
	s6 =	simm.s32 @!p1 $0x1082;
	[sflag:s4] =	ssyncset.s32 $0xFFFFF086  }
0x25: {  	[simem:s6], [sflag:s4] =	dma.local [hbm:s3], $0xF7A  }
0x26: {  	[smem:$0x3F8A] =	sst s1;
	(tag) =	ssettag s2;
	_ =	strace s9  }
0x27: {  	s1 =	sld [smem:$0x3F9A]  }
0x28: {  	s2 =	sld [smem:$0x3F9B]  }
0x29: {  	s4 =	sld [smem:$0x3F9D]  }
0x2a: {  	p0 =	seq.s32 s5, $0x0;
	s5 =	sld [smem:$0x3F9E]  }
0x2b: {  	s6 =	sld [smem:$0x3F9F]  }
0x2c: {  	s7 =	sld [smem:$0x3FA0]  }
0x2d: {  	s3 =	simm.s32 $0x108;
	s8 =	sld [smem:$0x3FA1]  }
0x2e: {  	s3 =	simm.s32 @!p0 $0x1082;
	s9 =	sld [smem:$0x3FA2]  }
0x2f: {  	lr =	sadd.s32 s0, s3;
	s0 =	sld [smem:$0x3F99]  }
0x30: {  	s3 =	sld [smem:$0x3F9C]  }
0x31: {  	[smem:$0x3FA5] =	sst s10  }
0x32: {  	s10 =	sld [smem:$0x3FA3];
	_ =	sdelay $0x3  }
0x33: {  	p0 =	seq.s32 s10, $0x1;
	s10 =	sld [smem:$0x3FA5];
	_ =	sdelay $0x3  }
0x34: {  	[smem:$0x3FA5] =	sst s10  }
0x35: {  	s10 =	sld [smem:$0x3FA4];
	_ =	sdelay $0x3  }
0x36: {  	p1 =	seq.s32 s10, $0x1;
	s10 =	sld [smem:$0x3FA5];
	_ =	sdelay $0x3  }
0x37: {  	[smem:$0x3FA5] =	sst s10  }
0x38: {  	s10 =	sld [smem:$0x3FA6]  }
0x39: {  	_ = 	snop;
	(pc) =	sbr.ind lr, $3  }
0x3a: {  	_ = 	snop  }
0x3b: {  	_ = 	snop  }
0x3c: {  	p2 =	seq.s32 s10, $0x1;
	s10 =	sld [smem:$0x3FA5]  }
0x3d: {  	_ =	shalt  }
0x3e: {  	_ =	shalt  }
0x3f: {  	_ =	shalt  }
0x40: {  	_ =	shalt  }
0x41: {  	_ =	shalt  }
0x42: {  	_ =	shalt  }
0x43: {  	_ =	shalt  }
0x44: {  	_ =	shalt  }
0x45: {  	_ =	shalt  }
0x46: {  	_ =	shalt  }
0x47: {  	_ =	shalt  }
0x48: {  	_ =	shalt  }
0x49: {  	_ =	shalt  }
0x4a: {  	_ =	shalt  }
0x4b: {  	_ =	shalt  }
0x4c: {  	_ =	shalt  }
0x4d: {  	_ =	shalt  }
0x4e: {  	_ =	shalt  }
0x4f: {  	_ =	shalt  }
0x50: {  	_ =	shalt  }
0x51: {  	_ =	shalt  }
0x52: {  	_ =	shalt  }
0x53: {  	_ =	shalt  }
0x54: {  	_ =	shalt  }
0x55: {  	_ =	shalt  }
0x56: {  	_ =	shalt  }
0x57: {  	_ =	shalt  }
0x58: {  	_ =	shalt  }
0x59: {  	_ =	shalt  }
0x5a: {  	_ =	shalt  }
0x5b: {  	_ =	shalt  }
0x5c: {  	_ =	shalt  }
0x5d: {  	_ =	shalt  }
0x5e: {  	_ =	shalt  }
0x5f: {  	_ =	shalt  }
0x60: {  	_ =	shalt  }
0x61: {  	_ =	shalt  }
0x62: {  	_ =	shalt  }
0x63: {  	_ =	shalt  }
0x64: {  	_ =	shalt  }
0x65: {  	_ =	shalt  }
0x66: {  	_ =	shalt  }
0x67: {  	_ =	shalt  }
0x68: {  	_ =	shalt  }
0x69: {  	_ =	shalt  }
0x6a: {  	_ =	shalt  }
0x6b: {  	_ =	shalt  }
0x6c: {  	_ =	shalt  }
0x6d: {  	_ =	shalt  }
0x6e: {  	_ =	shalt  }
0x6f: {  	_ =	shalt  }
0x70: {  	_ =	shalt  }
0x71: {  	_ =	shalt  }
0x72: {  	_ =	shalt  }
0x73: {  	_ =	shalt  }
0x74: {  	_ =	shalt  }
0x75: {  	_ =	shalt  }
0x76: {  	_ =	shalt  }
0x77: {  	_ =	shalt  }
0x78: {  	_ =	shalt  }
0x79: {  	_ =	shalt  }
0x7a: {  	_ =	shalt  }
0x7b: {  	_ =	shalt  }
0x7c: {  	_ =	shalt  }
0x7d: {  	_ =	shalt  }
0x7e: {  	_ =	shalt  }
0x7f: {  	_ =	shalt  }
0x80: {  	_ =	shalt  }
0x81: {  	_ =	shalt  }
0x82: {  	_ =	shalt  }
0x83: {  	_ =	shalt  }
0x84: {  	_ =	shalt  }
0x85: {  	_ =	shalt  }
0x86: {  	_ =	shalt  }
0x87: {  	_ =	shalt  }
.Lfunc_end0:
.L_simem_size_0:
called_computation.2_lowered:
.L_overlay_start_0:
0x88: {  	s2 =	sld [smem:$0x3FD9]  }
0x89: {  	s3 =	sld [smem:$0x3FFE];
	_ =	sdelay $0x1  }
0x8a: {  	s1 =	srdreg.scid  }
0x8b: {  	s0 =	sand.u32 $0x1, s1  }
0x8c: {  	s17 =	sshll.u32 s0, $0xA;
	s2 =	sadd.s32 s3, s2  }
0x8d: {  	s2 =	sadd.s32 s2, s17  }
0x8e: {  	[smem:$0x3FB1] =	sst s2  }
0x8f: {  	_ = 	snop  }
0x90: {  	(tm) =	ssettm $0x1  }
0x91: {  	s18 =	sld [smem:$0x3FFB];
	_ =	sdelay $0x3  }
0x92: {  	_ =	strace s18  }
0x93: {  	s2 =	sld [smem:$0x3FFC];
	_ =	sdelay $0x3  }
0x94: {  	_ =	strace s2  }
0x95: {  	s2 =	sld [smem:$0x3FFD];
	_ =	sdelay $0x3  }
0x96: {  	_ =	strace s2  }
0x97: {  	_ =	strace $0x8FFFFFFF  }
0x98: {  	s19 =	sld [smem:$0x3FDB];
	_ =	sdelay $0x1  }
0x99: {  	s20 =	simm.s32 $_scs_section_size  }
0x9a: {  	s4 =	simm.s32 $_size__tile_overlayer_lowered;
	s5 =	simm.s32 $_tile_overlayer_lowered  }
0x9b: {  	s6 =	simm.s32 $0x1BFF;
	s21 =	sshll.u32 s5, $0x1;
	s3 =	sadd.s32 s20, s19  }
0x9c: {  	s22 =	simm.s32 $0x0;
	s4 =	sshll.u32 s4, $0x1;
	s5 =	sadd.s32 s21, s3  }
0x9d: {  	[timem:s22], [sflag:s6] =	dma.local [hbm:s5], s4  }
0x9e: {  	_ =	swait.ge [sflag:s6], s4  }
0x9f: {  	s4 =	ssub.s32 $0x0, s4;
	[sflag:s6] =	ssyncset.done $0x0  }
0xa0: {  	[sflag:s6] =	ssyncadd.s32 s4;
	_ =	sdelay $0x1  }
0xa1: {  	s23 =	simm.s32 $0x1B8B  }
0xa2: {  	_ =	swait.ge [sflag:s23], $0x1  }
0xa3: {  	[sflag:s23] =	ssyncset.done $0x0  }
0xa4: {  	[sflag:s23] =	ssyncadd.s32 $0xFFFFFFFF  }
0xa5: {  	s4 =	sld [smem:$0x0]  }
0xa6: {  	s5 =	sand.u32 $0xFFFFFFFE, s1  }
0xa7: {  	p0 =	sne.s32 s1, s5  }
0xa8: {  	s5 =	sshll.u32 @p0 s5, $0xE  }
0xa9: {  	s5 =	sadd.s32 @p0 $0x11B8D, s5;
	s6 =	sshll.u32 @p0 s4, $0x11  }
0xaa: {  	s5 =	sor.u32 @p0 s6, s5  }
0xab: {  	[sflag:s5] =	ssyncadd.remote.s32 @p0 $0x1;
	_ =	sdelay $0x1  }
0xac: {  	s5 =	simm.s32 @p0 $0x1B8D  }
0xad: {  	_ =	swait.eq @p0 [sflag:s5], $0x1  }
0xae: {  	[sflag:s5] =	ssyncadd.s32 @p0 $0xFFFFFFFF  }
0xaf: {  	s6 =	sshll.u32 @!p0 s1, $0xE  }
0xb0: {  	s6 =	sor.u32 @!p0 $0x4000, s6;
	s5 =	simm.s32 @!p0 $0x1B8D  }
0xb1: {  	s4 =	sshll.u32 @!p0 s4, $0x11;
	s6 =	sadd.s32 @!p0 $0x11B8D, s6;
	_ =	swait.eq @!p0 [sflag:s5], $0x1  }
0xb2: {  	s4 =	sor.u32 @!p0 s4, s6;
	[sflag:s5] =	ssyncadd.s32 @!p0 $0xFFFFFFFF  }
0xb3: {  	s25 =	simm.s32 $0x1B8E;
	s24 =	sld [smem:$0x3FFE];
	[sflag:s4] =	ssyncadd.remote.s32 @!p0 $0x1  }
0xb4: {  	s26 =	simm.s32 $execute0_lowered;
	[smem:$0x3FD2] =	sst s25  }
0xb5: {  	s5 =	sshll.u32 s26, $0x1;
	_ =	strace $0x8000004C;
	[dreg:$0x1] =	wrdreg $0xFFFFFFFF  }
0xb6: {  	s28 =	simm.s32 $_size_execute0_lowered;
	s3 =	sadd.s32 s3, s5;
	[dreg:$0x0] =	wrdreg $0x0  }
0xb7: {  	s5 =	sshll.u32 s28, $0x1;
	[dreg:$0x2] =	wrdreg s3  }
0xb8: {  	[dreg:$0x3] =	wrdreg s5  }
0xb9: {  	[dreg:$0x4] =	wrdreg $0xC0  }
0xba: {  	_ =	task [dreg:s22], $0x5FFFF  }
0xbb: {  	[dreg:$0x1] =	wrdreg $0xFFFFFFFF  }
0xbc: {  	[dreg:$0x0] =	wrdreg $0x60  }
0xbd: {  	[dreg:$0x2] =	wrdreg s24  }
0xbe: {  	[dreg:$0x3] =	wrdreg $0xA  }
0xbf: {  	_ =	task.clear_ibuf [dreg:s22], $0x4FFFF;
	_ =	strace $0x9000004C  }
0xc0: {  	s29 =	simm.s32 $0xA;
	_ =	strace $0x8000004E  }
0xc1: {  	_ =	swait.ge [sflag:s29], $0x1  }
0xc2: {  	[sflag:s29] =	ssyncadd.s32 $0xFFFFFFFF  }
0xc3: {  	_ =	strace $0x9000004E  }
0xc4: {  	_ =	sfence  }
0xc5: {  	s30 =	sld [smem:$0x0];
	_ =	sdelay $0x2  }
0xc6: {  	s31 =	sshll.u32 s1, $0xD;
	s1 =	sshrl.u32 s1, $0x2  }
0xc7: {  	s4 =	sand.u32 $0x4000, s31;
	s1 =	sadd.s32 s1, s30  }
0xc8: {  	s0 =	sor.u32 s4, s0;
	s1 =	sshll.u32 s1, $0x11  }
0xc9: {  	s0 =	sor.u32 s1, s0  }
0xca: {  	s0 =	sadd.s32 $0x8F2B, s0  }
0xcb: {  	[sflag:s0] =	ssyncadd.remote.s32 $0x1  }
0xcc: {  	_ =	sfence.sel $0xFFFF  }
0xcd: {  	[dreg:$0x0] =	wrdreg $0xFFFFFFFF;
	(pc) =	sbr.abs _section_cstart, $3  }
0xce: {  	[dreg:$0x1] =	wrdreg $0xFFFFFFFF  }
0xcf: {  	_ =	task.clear_ibuf [dreg:s22], $0x2FFFF;
	_ =	strace $0x9FFFFFFF  }
0xd0: {  	(tm) =	ssettm $0x7FFFFFFF  }
0xd1: {  	_ =	shalt  }
tec
execute0_lowered:
.L_overlay_start_1:
0x0: {  	(tag) =	ssettag $0x1  }
0x1: {  	s0 =	srdreg.scid  }
0x2: {  	s5 =	rddreg [dreg:$0x0];
	s1 =	stileid.u32;
	s2 =	simm.s32 $0x0  }
0x3: {  	v1 =	vimm.f32 $0.0e+00;
	s9 =	simm.s32 $0x80;
	s10 =	simm.s32 $0x4080;
	s11 =	simm.s32 $0x0  }
0x4: {  	vm0 =	vmmov $0x1;
	v2 =	vlaneseq.u32;
	vm1 =	vcmask $0x308;
	s3 =	sand.u32 $0x1, s0;
	s0 =	rddreg [dreg:$0x1];
	s6 =	sshll.u32 s1, $0x1  }
0x5: {  	vm2 =	vcmask $0x70C;
	vm3 =	vcmask $0xB10;
	vm4 =	vcmask $0xF14;
	[smem:$0x7FF] =	sst s2;
	s4 =	smul.u32 $0xFFFFEC00, s3;
	s31 =	sor.u32 s3, s6  }
0x6: {  	vm5 =	vcmask $0x1318;
	vm6 =	vcmask $0x171C;
	vm7 =	vcmask $0x1B20;
	_ =	strace $0x8000004D;
	s7 =	ssub.s32 $0x2, s3;
	s6 =	smul.u32 $0x2810, s31  }
0x7: {  	vm8 =	vcmask $0x1F24;
	vm9 =	vcmask $0x2328;
	s3 =	sadd.s32 $0x5C2600, s5;
	s8 =	sshrl.u32 s7, $0x1;
	v0 =	vmov s4;
	s4 =	sadd.s32 $0x40600, s5  }
0x8: {  	vm10 =	vcmask $0x272C;
	vm11 =	vcmask $0x2B30;
	vm12 =	vcmask $0x2F34;
	s7 =	ssub.s32 s7, s8;
	s8 =	simm.s32 $0x1;
	s6 =	sadd.s32 s6, s5  }
0x9: {  	vm13 =	vcmask $0x3338;
	vm14 =	vcmask $0x373C;
	vm15 =	vmmov $0x7fff;
	s5 =	smul.u32 $0x2800, s1;
	s7 =	smax.u32 s7, $0x1;
	s6 =	sadd.s32 $0x4A800, s6  }
.LBB2_1:
0xa: {  	s12 =	simm.s32 $0x40;
	s13 =	simm.s32 $0x0  }
.LBB2_2:
0xb: {  	p0 =	sne.s32 s12, $0x501C0;
	[tilespmem:s13+$0x4080] =	vst v1;
	s13 =	smov.u32 s12;
	s12 =	sadd.s32 $0x40, s12  }
.Ltmp0:
0xc: {  	(pc) =	sbr.rel @p0 .LBB2_2-.Ltmp0, $2  }
0xd: {  	_ =	sdelay $0x2  }
0xe: {  	s13 =	sshra.s32 s13, $0x2  }
0xf: {  	[tilespmem:s13+$0x4080] =	vst v1;
	s12 =	simm.s32 $0x0;
	s13 =	simm.s32 $0x0  }
.LBB2_4:
0x10: {  	s14 =	sshll.u32 s13, $0x7  }
0x11: {  	s14 =	sadd.s32 s5, s14  }
0x12: {  	s15 =	sshrl.u32 s14, $0x3  }
0x13: {  	s15 =	sadd.s32 s4, s15  }
0x14: {  	[tilespmem:s12], [sflag:$0x1] =	stream.linear.gather [hbm4b:s15+s12], $0x80, $0x38;
	[tilespmem:$0x18100] =	vst v63  }
0x15: {  	_ =	swait.ge [sflag:s8], $0x80  }
0x16: {  	s14 =	sshll.u32 s14, $0x4;
	[sflag:s8] =	ssyncset.done $0x0  }
0x17: {  	s14 =	sadd.s32 s3, s14;
	[sflag:s8] =	ssyncadd.s32 $0xFFFFFF80  }
0x18: {  	[tilespmem:s9], [sflag:$0x1] =	stream.linear.gather [hbm4b:s14+s12], $0x4000, $0x38;
	[tilespmem:$0x18100] =	vst v63  }
0x19: {  	_ =	swait.ge [sflag:s8], $0x4000  }
0x1a: {  	[sflag:s8] =	ssyncset.done $0x0  }
0x1b: {  	s30 =	simm.s32 $0x0;
	[sflag:s8] =	ssyncadd.s32 $0xFFFFC000  }
0x1c: {  	v3 =	vld [tilespmem:s30+$0x0];
	_ =	sdelay $0x4  }
0x1d: {  	v3 =	vadd.s32 v0, v3  }
0x1e: {  	v3 =	vmin.u32 v3, $0x1400  }
0x1f: {  	v4 =	vnsel vm0, $0x0, v3  }
0x20: {  	(xrf0) =	vadd.scan.msk.s32 $0xffff, v4;
	_ =	sdelay $0x2  }
0x21: {  	v4 =	vsel vm1, $0x0, v3;
	_ =	sdelay $0x2  }
0x22: {  	(xrf0) =	vadd.scan.msk.s32 $0xffff, v4;
	v4, _, _ =	vpop (xrf0)  }
0x23: {  	(v2sf) =	vpush v4, $0xF;
	_ =	sdelay $0x1  }
0x24: {  	v4 =	vsel vm2, $0x0, v3;
	_ =	sdelay $0x2  }
0x25: {  	(xrf0) =	vadd.scan.msk.s32 $0xffff, v4;
	v4, _, _ =	vpop (xrf0)  }
0x26: {  	(v2sf) =	vpush v4, $0xF;
	_ =	sdelay $0x1  }
0x27: {  	v4 =	vsel vm3, $0x0, v3;
	_ =	sdelay $0x2  }
0x28: {  	(xrf0) =	vadd.scan.msk.s32 $0xffff, v4;
	v4, _, _ =	vpop (xrf0)  }
0x29: {  	(v2sf) =	vpush v4, $0xF;
	_ =	sdelay $0x1  }
0x2a: {  	v4 =	vsel vm4, $0x0, v3  }
0x2b: {  	s31 =	spop (v2sf)  }
0x2c: {  	s14 =	simm.s32 $0x480;
	s15 =	sshll.u32 s31, $0x4  }
0x2d: {  	v5 =	vld [tilespmem:s14+$0xFFFFFC00];
	(xrf0) =	vadd.scan.msk.s32 $0xffff, v4;
	v4, _, _ =	vpop (xrf0);
	v6 =	vor.u32 s15, v2  }
0x2e: {  	(v2sf) =	vpush v4, $0xF;
	_ =	sdelay $0x1  }
0x2f: {  	v4 =	vsel vm5, $0x0, v3  }
0x30: {  	s16 =	spop (v2sf)  }
0x31: {  	s15 =	sshll.u32 s16, $0x4;
	[tilespmem:v6+s10+$0x0] =	vst.idx.add.f32.msk $0xffff, v5  }
0x32: {  	(xrf0) =	vadd.scan.msk.s32 $0xffff, v4;
	v4, _, _ =	vpop (xrf0);
	v6 =	vor.u32 s15, v2;
	v5 =	vld [tilespmem:s14+$0xFFFFFC80]  }
0x33: {  	(v2sf) =	vpush v4, $0xF;
	_ =	sdelay $0x1  }
0x34: {  	v4 =	vsel vm6, $0x0, v3  }
0x35: {  	s17 =	spop (v2sf)  }
0x36: {  	s15 =	sshll.u32 s17, $0x4;
	[tilespmem:v6+s10+$0x0] =	vst.idx.add.f32.msk $0xffff, v5  }
0x37: {  	(xrf0) =	vadd.scan.msk.s32 $0xffff, v4;
	v4, _, _ =	vpop (xrf0);
	v6 =	vor.u32 s15, v2;
	v5 =	vld [tilespmem:s14+$0xFFFFFD00]  }
0x38: {  	(v2sf) =	vpush v4, $0xF;
	_ =	sdelay $0x1  }
0x39: {  	v4 =	vsel vm7, $0x0, v3  }
0x3a: {  	s18 =	spop (v2sf)  }
0x3b: {  	s15 =	sshll.u32 s18, $0x4;
	[tilespmem:v6+s10+$0x0] =	vst.idx.add.f32.msk $0xffff, v5  }
0x3c: {  	(xrf0) =	vadd.scan.msk.s32 $0xffff, v4;
	v4, _, _ =	vpop (xrf0);
	v6 =	vor.u32 s15, v2;
	v5 =	vld [tilespmem:s14+$0xFFFFFD80]  }
0x3d: {  	(v2sf) =	vpush v4, $0xF;
	_ =	sdelay $0x1  }
0x3e: {  	v4 =	vsel vm8, $0x0, v3  }
0x3f: {  	s19 =	spop (v2sf)  }
0x40: {  	s15 =	sshll.u32 s19, $0x4;
	[tilespmem:v6+s10+$0x0] =	vst.idx.add.f32.msk $0xffff, v5  }
0x41: {  	(xrf0) =	vadd.scan.msk.s32 $0xffff, v4;
	v4, _, _ =	vpop (xrf0);
	v6 =	vor.u32 s15, v2;
	v5 =	vld [tilespmem:s14+$0xFFFFFE00]  }
0x42: {  	(v2sf) =	vpush v4, $0xF;
	_ =	sdelay $0x1  }
0x43: {  	v4 =	vsel vm9, $0x0, v3  }
0x44: {  	s20 =	spop (v2sf)  }
0x45: {  	s15 =	sshll.u32 s20, $0x4;
	[tilespmem:v6+s10+$0x0] =	vst.idx.add.f32.msk $0xffff, v5  }
0x46: {  	(xrf0) =	vadd.scan.msk.s32 $0xffff, v4;
	v4, _, _ =	vpop (xrf0);
	v6 =	vor.u32 s15, v2;
	v5 =	vld [tilespmem:s14+$0xFFFFFE80]  }
0x47: {  	(v2sf) =	vpush v4, $0xF;
	_ =	sdelay $0x1  }
0x48: {  	v4 =	vsel vm10, $0x0, v3  }
0x49: {  	s21 =	spop (v2sf)  }
0x4a: {  	s15 =	sshll.u32 s21, $0x4;
	[tilespmem:v6+s10+$0x0] =	vst.idx.add.f32.msk $0xffff, v5  }
0x4b: {  	(xrf0) =	vadd.scan.msk.s32 $0xffff, v4;
	v4, _, _ =	vpop (xrf0);
	v6 =	vor.u32 s15, v2;
	v5 =	vld [tilespmem:s14+$0xFFFFFF00]  }
0x4c: {  	(v2sf) =	vpush v4, $0xF;
	_ =	sdelay $0x1  }
0x4d: {  	v4 =	vsel vm11, $0x0, v3  }
0x4e: {  	s22 =	spop (v2sf)  }
0x4f: {  	s15 =	sshll.u32 s22, $0x4;
	[tilespmem:v6+s10+$0x0] =	vst.idx.add.f32.msk $0xffff, v5  }
0x50: {  	(xrf0) =	vadd.scan.msk.s32 $0xffff, v4;
	v4, _, _ =	vpop (xrf0);
	v6 =	vor.u32 s15, v2;
	v5 =	vld [tilespmem:s14+$0xFFFFFF80]  }
0x51: {  	(v2sf) =	vpush v4, $0xF;
	_ =	sdelay $0x1  }
0x52: {  	v4 =	vsel vm12, $0x0, v3  }
0x53: {  	s23 =	spop (v2sf)  }
0x54: {  	s15 =	sshll.u32 s23, $0x4;
	[tilespmem:v6+s10+$0x0] =	vst.idx.add.f32.msk $0xffff, v5  }
0x55: {  	(xrf0) =	vadd.scan.msk.s32 $0xffff, v4;
	v4, _, _ =	vpop (xrf0);
	v6 =	vor.u32 s15, v2;
	v5 =	vld [tilespmem:s14+$0x0]  }
0x56: {  	(v2sf) =	vpush v4, $0xF;
	_ =	sdelay $0x1  }
0x57: {  	v4 =	vsel vm13, $0x0, v3  }
0x58: {  	s24 =	spop (v2sf)  }
0x59: {  	s15 =	sshll.u32 s24, $0x4;
	[tilespmem:v6+s10+$0x0] =	vst.idx.add.f32.msk $0xffff, v5  }
0x5a: {  	(xrf0) =	vadd.scan.msk.s32 $0xffff, v4;
	v4, _, _ =	vpop (xrf0);
	v6 =	vor.u32 s15, v2;
	v5 =	vld [tilespmem:s14+$0x80]  }
0x5b: {  	(v2sf) =	vpush v4, $0xF;
	_ =	sdelay $0x1  }
0x5c: {  	v4 =	vsel vm14, $0x0, v3  }
0x5d: {  	s25 =	spop (v2sf)  }
0x5e: {  	s15 =	sshll.u32 s25, $0x4;
	[tilespmem:v6+s10+$0x0] =	vst.idx.add.f32.msk $0xffff, v5  }
0x5f: {  	(xrf0) =	vadd.scan.msk.s32 $0xffff, v4;
	v4, _, _ =	vpop (xrf0);
	v6 =	vor.u32 s15, v2;
	v5 =	vld [tilespmem:s14+$0x100]  }
0x60: {  	(v2sf) =	vpush v4, $0xF;
	_ =	sdelay $0x1  }
0x61: {  	v3 =	vsel vm15, $0x0, v3  }
0x62: {  	s26 =	spop (v2sf)  }
0x63: {  	s15 =	sshll.u32 s26, $0x4;
	[tilespmem:v6+s10+$0x0] =	vst.idx.add.f32.msk $0xffff, v5  }
0x64: {  	(xrf0) =	vadd.scan.msk.s32 $0xffff, v3;
	v3, _, _ =	vpop (xrf0);
	v5 =	vor.u32 s15, v2;
	v4 =	vld [tilespmem:s14+$0x180]  }
0x65: {  	(v2sf) =	vpush v3, $0xF;
	_ =	sdelay $0x2  }
0x66: {  	s28 =	spop (v2sf)  }
0x67: {  	s15 =	sshll.u32 s28, $0x4;
	[tilespmem:v5+s10+$0x0] =	vst.idx.add.f32.msk $0xffff, v4  }
0x68: {  	v3, _, _ =	vpop (xrf0);
	v5 =	vor.u32 s15, v2;
	v4 =	vld [tilespmem:s14+$0x200]  }
0x69: {  	(v2sf) =	vpush v3, $0xF;
	_ =	sdelay $0x2  }
0x6a: {  	s29 =	spop (v2sf)  }
0x6b: {  	s15 =	sshll.u32 s29, $0x4;
	[tilespmem:v5+s10+$0x0] =	vst.idx.add.f32.msk $0xffff, v4  }
0x6c: {  	v4 =	vor.u32 s15, v2;
	v3 =	vld [tilespmem:s14+$0x280];
	_ =	sdelay $0x3  }
0x6d: {  	s30 =	spop (v2sf)  }
0x6e: {  	s15 =	sshll.u32 s30, $0x4;
	[tilespmem:v4+s10+$0x0] =	vst.idx.add.f32.msk $0xffff, v3  }
0x6f: {  	v4 =	vor.u32 s15, v2;
	v3 =	vld [tilespmem:s14+$0x300];
	_ =	sdelay $0x3  }
0x70: {  	s31 =	spop (v2sf)  }
0x71: {  	s16 =	sshll.u32 s31, $0x4;
	[tilespmem:v4+s10+$0x0] =	vst.idx.add.f32.msk $0xffff, v3  }
0x72: {  	s17 =	simm.s32 $0x80;
	s15 =	simm.s32 $0x40;
	v4 =	vor.u32 s16, v2;
	v3 =	vld [tilespmem:s14+$0x380]  }
.LBB2_5:
0x73: {  	_ =	sdelay $0x2  }
0x74: {  	s18 =	sshra.s32 s15, $0x2  }
0x75: {  	s14 =	sadd.s32 $0x800, s14;
	s15 =	smov.u32 s17;
	s16 =	sadd.s32 $0x40, s17;
	[tilespmem:v4+s10+$0x0] =	vst.idx.add.f32.msk $0xffff, v3  }
0x76: {  	p0 =	sne.s32 s17, $0x1C0;
	v3 =	vld [tilespmem:s18+$0x0];
	_ =	sdelay $0x4  }
0x77: {  	v3 =	vadd.s32 v0, v3  }
0x78: {  	v3 =	vmin.u32 v3, $0x1400  }
0x79: {  	v4 =	vnsel vm0, $0x0, v3;
	v5 =	vsel vm1, $0x0, v3;
	v6 =	vsel vm2, $0x0, v3  }
0x7a: {  	v7 =	vsel vm3, $0x0, v3;
	v8 =	vsel vm4, $0x0, v3;
	v9 =	vsel vm5, $0x0, v3;
	(xrf0) =	vadd.scan.msk.s32 $0xffff, v4  }
0x7b: {  	v10 =	vsel vm7, $0x0, v3;
	v11 =	vsel vm8, $0x0, v3;
	v4 =	vsel vm6, $0x0, v3;
	(xrf0) =	vadd.scan.msk.s32 $0xffff, v5  }
0x7c: {  	v12 =	vsel vm10, $0x0, v3;
	v13 =	vsel vm11, $0x0, v3;
	v5 =	vsel vm9, $0x0, v3;
	(xrf0) =	vadd.scan.msk.s32 $0xffff, v6  }
0x7d: {  	v14 =	vsel vm13, $0x0, v3;
	v15 =	vsel vm14, $0x0, v3;
	v6 =	vsel vm12, $0x0, v3;
	(xrf0) =	vadd.scan.msk.s32 $0xffff, v7  }
0x7e: {  	v3 =	vsel vm15, $0x0, v3;
	(xrf0) =	vadd.scan.msk.s32 $0xffff, v8  }
0x7f: {  	(xrf0) =	vadd.scan.msk.s32 $0xffff, v9  }
0x80: {  	v7, _, _ =	vpop (xrf0);
	(xrf0) =	vadd.scan.msk.s32 $0xffff, v4  }
0x81: {  	(v2sf) =	vpush v7, $0xF;
	v4, _, _ =	vpop (xrf0);
	(xrf0) =	vadd.scan.msk.s32 $0xffff, v10  }
0x82: {  	(v2sf) =	vpush v4, $0xF;
	v4, _, _ =	vpop (xrf0);
	(xrf0) =	vadd.scan.msk.s32 $0xffff, v11  }
0x83: {  	(v2sf) =	vpush v4, $0xF;
	v4, _, _ =	vpop (xrf0);
	(xrf0) =	vadd.scan.msk.s32 $0xffff, v5  }
0x84: {  	(v2sf) =	vpush v4, $0xF;
	v4, _, _ =	vpop (xrf0);
	(xrf0) =	vadd.scan.msk.s32 $0xffff, v12  }
0x85: {  	(v2sf) =	vpush v4, $0xF;
	v4, _, _ =	vpop (xrf0);
	(xrf0) =	vadd.scan.msk.s32 $0xffff, v13  }
0x86: {  	(v2sf) =	vpush v4, $0xF;
	v4, _, _ =	vpop (xrf0);
	(xrf0) =	vadd.scan.msk.s32 $0xffff, v6  }
0x87: {  	(v2sf) =	vpush v4, $0xF;
	v4, _, _ =	vpop (xrf0);
	(xrf0) =	vadd.scan.msk.s32 $0xffff, v14  }
0x88: {  	(v2sf) =	vpush v4, $0xF;
	v4, _, _ =	vpop (xrf0);
	(xrf0) =	vadd.scan.msk.s32 $0xffff, v15  }
0x89: {  	(v2sf) =	vpush v4, $0xF;
	v4, _, _ =	vpop (xrf0);
	(xrf0) =	vadd.scan.msk.s32 $0xffff, v3  }
0x8a: {  	(v2sf) =	vpush v4, $0xF;
	v3, _, _ =	vpop (xrf0)  }
0x8b: {  	(v2sf) =	vpush v3, $0xF;
	v3, _, _ =	vpop (xrf0)  }
0x8c: {  	(v2sf) =	vpush v3, $0xF;
	v3, _, _ =	vpop (xrf0)  }
0x8d: {  	(v2sf) =	vpush v3, $0xF;
	v3, _, _ =	vpop (xrf0)  }
0x8e: {  	(v2sf) =	vpush v3, $0xF;
	v3, _, _ =	vpop (xrf0)  }
0x8f: {  	(v2sf) =	vpush v3, $0xF;
	v3, _, _ =	vpop (xrf0)  }
0x90: {  	s17 =	spop (v2sf);
	(v2sf) =	vpush v3, $0xF  }
0x91: {  	s17 =	sshll.u32 s17, $0x4;
	s18 =	spop (v2sf)  }
0x92: {  	v3 =	vld [tilespmem:s14+$0xFFFFFC00];
	v4 =	vor.u32 s17, v2;
	s17 =	sshll.u32 s18, $0x4;
	s18 =	spop (v2sf)  }
0x93: {  	s18 =	sshll.u32 s18, $0x4;
	s19 =	spop (v2sf)  }
0x94: {  	s28 =	sshll.u32 s19, $0x4;
	s19 =	spop (v2sf)  }
0x95: {  	s29 =	sshll.u32 s19, $0x4;
	s19 =	spop (v2sf)  }
0x96: {  	s30 =	sshll.u32 s19, $0x4;
	s19 =	spop (v2sf)  }
0x97: {  	[tilespmem:v4+s10+$0x0] =	vst.idx.add.f32.msk $0xffff, v3;
	s26 =	sshll.u32 s19, $0x4;
	s19 =	spop (v2sf)  }
0x98: {  	v4 =	vor.u32 s17, v2;
	v3 =	vld [tilespmem:s14+$0xFFFFFC80];
	s25 =	sshll.u32 s19, $0x4;
	s17 =	spop (v2sf)  }
0x99: {  	s24 =	sshll.u32 s17, $0x4;
	s17 =	spop (v2sf)  }
0x9a: {  	s23 =	sshll.u32 s17, $0x4;
	s17 =	spop (v2sf)  }
0x9b: {  	s22 =	sshll.u32 s17, $0x4;
	s17 =	spop (v2sf)  }
0x9c: {  	s21 =	sshll.u32 s17, $0x4;
	s17 =	spop (v2sf)  }
0x9d: {  	[tilespmem:v4+s10+$0x0] =	vst.idx.add.f32.msk $0xffff, v3;
	s20 =	sshll.u32 s17, $0x4;
	s17 =	spop (v2sf)  }
0x9e: {  	v4 =	vor.u32 s18, v2;
	v3 =	vld [tilespmem:s14+$0xFFFFFD00];
	s19 =	sshll.u32 s17, $0x4;
	s17 =	spop (v2sf)  }
0x9f: {  	s18 =	sshll.u32 s17, $0x4;
	s17 =	spop (v2sf)  }
0xa0: {  	s17 =	sshll.u32 s17, $0x4;
	_ =	sdelay $0x2  }
0xa1: {  	[tilespmem:v4+s10+$0x0] =	vst.idx.add.f32.msk $0xffff, v3  }
0xa2: {  	v4 =	vor.u32 s28, v2;
	v3 =	vld [tilespmem:s14+$0xFFFFFD80];
	_ =	sdelay $0x4  }
0xa3: {  	[tilespmem:v4+s10+$0x0] =	vst.idx.add.f32.msk $0xffff, v3  }
0xa4: {  	v4 =	vor.u32 s29, v2;
	v3 =	vld [tilespmem:s14+$0xFFFFFE00];
	_ =	sdelay $0x4  }
0xa5: {  	[tilespmem:v4+s10+$0x0] =	vst.idx.add.f32.msk $0xffff, v3  }
0xa6: {  	v4 =	vor.u32 s30, v2;
	v3 =	vld [tilespmem:s14+$0xFFFFFE80];
	_ =	sdelay $0x4  }
0xa7: {  	[tilespmem:v4+s10+$0x0] =	vst.idx.add.f32.msk $0xffff, v3  }
0xa8: {  	v4 =	vor.u32 s26, v2;
	v3 =	vld [tilespmem:s14+$0xFFFFFF00];
	_ =	sdelay $0x4  }
0xa9: {  	[tilespmem:v4+s10+$0x0] =	vst.idx.add.f32.msk $0xffff, v3  }
0xaa: {  	v4 =	vor.u32 s25, v2;
	v3 =	vld [tilespmem:s14+$0xFFFFFF80];
	_ =	sdelay $0x4  }
0xab: {  	[tilespmem:v4+s10+$0x0] =	vst.idx.add.f32.msk $0xffff, v3  }
0xac: {  	v4 =	vor.u32 s24, v2;
	v3 =	vld [tilespmem:s14+$0x0];
	_ =	sdelay $0x4  }
0xad: {  	[tilespmem:v4+s10+$0x0] =	vst.idx.add.f32.msk $0xffff, v3  }
0xae: {  	v4 =	vor.u32 s23, v2;
	v3 =	vld [tilespmem:s14+$0x80];
	_ =	sdelay $0x4  }
0xaf: {  	[tilespmem:v4+s10+$0x0] =	vst.idx.add.f32.msk $0xffff, v3  }
0xb0: {  	v4 =	vor.u32 s22, v2;
	v3 =	vld [tilespmem:s14+$0x100];
	_ =	sdelay $0x4  }
0xb1: {  	[tilespmem:v4+s10+$0x0] =	vst.idx.add.f32.msk $0xffff, v3  }
0xb2: {  	v4 =	vor.u32 s21, v2;
	v3 =	vld [tilespmem:s14+$0x180];
	_ =	sdelay $0x4  }
0xb3: {  	[tilespmem:v4+s10+$0x0] =	vst.idx.add.f32.msk $0xffff, v3  }
0xb4: {  	v4 =	vor.u32 s20, v2;
	v3 =	vld [tilespmem:s14+$0x200];
	_ =	sdelay $0x4  }
0xb5: {  	[tilespmem:v4+s10+$0x0] =	vst.idx.add.f32.msk $0xffff, v3  }
0xb6: {  	v4 =	vor.u32 s19, v2;
	v3 =	vld [tilespmem:s14+$0x280];
	_ =	sdelay $0x4  }
0xb7: {  	[tilespmem:v4+s10+$0x0] =	vst.idx.add.f32.msk $0xffff, v3  }
0xb8: {  	v4 =	vor.u32 s18, v2;
	v3 =	vld [tilespmem:s14+$0x300];
	_ =	sdelay $0x1  }
.Ltmp1:
0xb9: {  	(pc) =	sbr.rel @p0 .LBB2_5-.Ltmp1, $3  }
0xba: {  	_ =	sdelay $0x1  }
0xbb: {  	[tilespmem:v4+s10+$0x0] =	vst.idx.add.f32.msk $0xffff, v3  }
0xbc: {  	v4 =	vor.u32 s17, v2;
	s17 =	smov.u32 s16;
	v3 =	vld [tilespmem:s14+$0x380]  }
0xbd: {  	_ =	sdelay $0x3  }
0xbe: {  	s15 =	sshra.s32 s15, $0x2;
	[tilespmem:v4+s10+$0x0] =	vst.idx.add.f32.msk $0xffff, v3  }
0xbf: {  	v3 =	vld [tilespmem:s15+$0x0];
	_ =	sdelay $0x4  }
0xc0: {  	v3 =	vadd.s32 v0, v3  }
0xc1: {  	v3 =	vmin.u32 v3, $0x1400  }
0xc2: {  	v19 =	vnsel vm0, $0x0, v3  }
0xc3: {  	(xrf0) =	vadd.scan.msk.s32 $0xffff, v19;
	_ =	sdelay $0x4  }
0xc4: {  	v20 =	vsel vm1, $0x0, v3  }
0xc5: {  	(xrf0) =	vadd.scan.msk.s32 $0xffff, v20;
	v21, _, _ =	vpop (xrf0)  }
0xc6: {  	(v2sf) =	vpush v21, $0xF;
	_ =	sdelay $0x3  }
0xc7: {  	v22 =	vsel vm2, $0x0, v3  }
0xc8: {  	(xrf0) =	vadd.scan.msk.s32 $0xffff, v22;
	v23, _, _ =	vpop (xrf0)  }
0xc9: {  	(v2sf) =	vpush v23, $0xF;
	_ =	sdelay $0x3  }
0xca: {  	v24 =	vsel vm3, $0x0, v3  }
0xcb: {  	(xrf0) =	vadd.scan.msk.s32 $0xffff, v24;
	v25, _, _ =	vpop (xrf0)  }
0xcc: {  	(v2sf) =	vpush v25, $0xF;
	_ =	sdelay $0x2  }
0xcd: {  	s31 =	spop (v2sf)  }
0xce: {  	s14 =	sadd.s32 $0x800, s14;
	v26 =	vsel vm4, $0x0, v3;
	s15 =	sshll.u32 s31, $0x4  }
0xcf: {  	v5 =	vld [tilespmem:s14+$0xFFFFFC00];
	(xrf0) =	vadd.scan.msk.s32 $0xffff, v26;
	v27, _, _ =	vpop (xrf0);
	v6 =	vor.u32 s15, v2  }
0xd0: {  	(v2sf) =	vpush v27, $0xF;
	_ =	sdelay $0x2  }
0xd1: {  	s16 =	spop (v2sf)  }
0xd2: {  	v28 =	vsel vm5, $0x0, v3;
	s15 =	sshll.u32 s16, $0x4;
	[tilespmem:v6+s10+$0x0] =	vst.idx.add.f32.msk $0xffff, v5  }
0xd3: {  	(xrf0) =	vadd.scan.msk.s32 $0xffff, v28;
	v29, _, _ =	vpop (xrf0);
	v30 =	vor.u32 s15, v2;
	v5 =	vld [tilespmem:s14+$0xFFFFFC80]  }
0xd4: {  	(v2sf) =	vpush v29, $0xF;
	_ =	sdelay $0x2  }
0xd5: {  	s17 =	spop (v2sf)  }
0xd6: {  	v31 =	vsel vm6, $0x0, v3;
	s15 =	sshll.u32 s17, $0x4;
	[tilespmem:v30+s10+$0x0] =	vst.idx.add.f32.msk $0xffff, v5  }
0xd7: {  	(xrf0) =	vadd.scan.msk.s32 $0xffff, v31;
	v32, _, _ =	vpop (xrf0);
	v33 =	vor.u32 s15, v2;
	v5 =	vld [tilespmem:s14+$0xFFFFFD00]  }
0xd8: {  	(v2sf) =	vpush v32, $0xF;
	_ =	sdelay $0x2  }
0xd9: {  	s18 =	spop (v2sf)  }
0xda: {  	v34 =	vsel vm7, $0x0, v3;
	s15 =	sshll.u32 s18, $0x4;
	[tilespmem:v33+s10+$0x0] =	vst.idx.add.f32.msk $0xffff, v5  }
0xdb: {  	(xrf0) =	vadd.scan.msk.s32 $0xffff, v34;
	v35, _, _ =	vpop (xrf0);
	v36 =	vor.u32 s15, v2;
	v5 =	vld [tilespmem:s14+$0xFFFFFD80]  }
0xdc: {  	(v2sf) =	vpush v35, $0xF;
	_ =	sdelay $0x2  }
0xdd: {  	s19 =	spop (v2sf)  }
0xde: {  	v37 =	vsel vm8, $0x0, v3;
	s15 =	sshll.u32 s19, $0x4;
	[tilespmem:v36+s10+$0x0] =	vst.idx.add.f32.msk $0xffff, v5  }
0xdf: {  	(xrf0) =	vadd.scan.msk.s32 $0xffff, v37;
	v38, _, _ =	vpop (xrf0);
	v39 =	vor.u32 s15, v2;
	v5 =	vld [tilespmem:s14+$0xFFFFFE00]  }
0xe0: {  	(v2sf) =	vpush v38, $0xF;
	_ =	sdelay $0x2  }
0xe1: {  	s20 =	spop (v2sf)  }
0xe2: {  	v40 =	vsel vm9, $0x0, v3;
	s15 =	sshll.u32 s20, $0x4;
	[tilespmem:v39+s10+$0x0] =	vst.idx.add.f32.msk $0xffff, v5  }
0xe3: {  	(xrf0) =	vadd.scan.msk.s32 $0xffff, v40;
	v41, _, _ =	vpop (xrf0);
	v42 =	vor.u32 s15, v2;
	v5 =	vld [tilespmem:s14+$0xFFFFFE80]  }
0xe4: {  	(v2sf) =	vpush v41, $0xF;
	_ =	sdelay $0x2  }
0xe5: {  	s21 =	spop (v2sf)  }
0xe6: {  	v43 =	vsel vm10, $0x0, v3;
	s15 =	sshll.u32 s21, $0x4;
	[tilespmem:v42+s10+$0x0] =	vst.idx.add.f32.msk $0xffff, v5  }
0xe7: {  	(xrf0) =	vadd.scan.msk.s32 $0xffff, v43;
	v44, _, _ =	vpop (xrf0);
	v45 =	vor.u32 s15, v2;
	v5 =	vld [tilespmem:s14+$0xFFFFFF00]  }
0xe8: {  	(v2sf) =	vpush v44, $0xF;
	_ =	sdelay $0x2  }
0xe9: {  	s22 =	spop (v2sf)  }
0xea: {  	v46 =	vsel vm11, $0x0, v3;
	s15 =	sshll.u32 s22, $0x4;
	[tilespmem:v45+s10+$0x0] =	vst.idx.add.f32.msk $0xffff, v5  }
0xeb: {  	(xrf0) =	vadd.scan.msk.s32 $0xffff, v46;
	v47, _, _ =	vpop (xrf0);
	v48 =	vor.u32 s15, v2;
	v5 =	vld [tilespmem:s14+$0xFFFFFF80]  }
0xec: {  	(v2sf) =	vpush v47, $0xF;
	_ =	sdelay $0x2  }
0xed: {  	s23 =	spop (v2sf)  }
0xee: {  	v49 =	vsel vm12, $0x0, v3;
	s15 =	sshll.u32 s23, $0x4;
	[tilespmem:v48+s10+$0x0] =	vst.idx.add.f32.msk $0xffff, v5  }
0xef: {  	(xrf0) =	vadd.scan.msk.s32 $0xffff, v49;
	v50, _, _ =	vpop (xrf0);
	v51 =	vor.u32 s15, v2;
	v5 =	vld [tilespmem:s14+$0x0]  }
0xf0: {  	(v2sf) =	vpush v50, $0xF;
	_ =	sdelay $0x2  }
0xf1: {  	s24 =	spop (v2sf)  }
0xf2: {  	v52 =	vsel vm13, $0x0, v3;
	s15 =	sshll.u32 s24, $0x4;
	[tilespmem:v51+s10+$0x0] =	vst.idx.add.f32.msk $0xffff, v5  }
0xf3: {  	(xrf0) =	vadd.scan.msk.s32 $0xffff, v52;
	v53, _, _ =	vpop (xrf0);
	v54 =	vor.u32 s15, v2;
	v5 =	vld [tilespmem:s14+$0x80]  }
0xf4: {  	(v2sf) =	vpush v53, $0xF;
	_ =	sdelay $0x2  }
0xf5: {  	s25 =	spop (v2sf)  }
0xf6: {  	v55 =	vsel vm14, $0x0, v3;
	s15 =	sshll.u32 s25, $0x4;
	[tilespmem:v54+s10+$0x0] =	vst.idx.add.f32.msk $0xffff, v5  }
0xf7: {  	(xrf0) =	vadd.scan.msk.s32 $0xffff, v55;
	v56, _, _ =	vpop (xrf0);
	v57 =	vor.u32 s15, v2;
	v5 =	vld [tilespmem:s14+$0x100]  }
0xf8: {  	(v2sf) =	vpush v56, $0xF;
	_ =	sdelay $0x1  }
0xf9: {  	v3 =	vsel vm15, $0x0, v3  }
0xfa: {  	s26 =	spop (v2sf)  }
0xfb: {  	s15 =	sshll.u32 s26, $0x4;
	[tilespmem:v57+s10+$0x0] =	vst.idx.add.f32.msk $0xffff, v5  }
0xfc: {  	(xrf0) =	vadd.scan.msk.s32 $0xffff, v3;
	v3, _, _ =	vpop (xrf0);
	v59 =	vor.u32 s15, v2;
	v58 =	vld [tilespmem:s14+$0x180]  }
0xfd: {  	(v2sf) =	vpush v3, $0xF;
	_ =	sdelay $0x2  }
0xfe: {  	s28 =	spop (v2sf)  }
0xff: {  	s15 =	sshll.u32 s28, $0x4;
	[tilespmem:v59+s10+$0x0] =	vst.idx.add.f32.msk $0xffff, v58  }
0x100: {  	v3, _, _ =	vpop (xrf0);
	v60 =	vor.u32 s15, v2;
	v4 =	vld [tilespmem:s14+$0x200]  }
0x101: {  	(v2sf) =	vpush v3, $0xF;
	_ =	sdelay $0x2  }
0x102: {  	s29 =	spop (v2sf)  }
0x103: {  	s15 =	sshll.u32 s29, $0x4;
	[tilespmem:v60+s10+$0x0] =	vst.idx.add.f32.msk $0xffff, v4  }
0x104: {  	v61 =	vor.u32 s15, v2;
	v3 =	vld [tilespmem:s14+$0x280];
	_ =	sdelay $0x3  }
0x105: {  	s30 =	spop (v2sf)  }
0x106: {  	s15 =	sshll.u32 s30, $0x4;
	[tilespmem:v61+s10+$0x0] =	vst.idx.add.f32.msk $0xffff, v3  }
0x107: {  	v62 =	vor.u32 s15, v2;
	v3 =	vld [tilespmem:s14+$0x300];
	_ =	sdelay $0x3  }
0x108: {  	s31 =	spop (v2sf)  }
0x109: {  	s13 =	sadd.s32 $0x1, s13;
	s15 =	sshll.u32 s31, $0x4;
	[tilespmem:v62+s10+$0x0] =	vst.idx.add.f32.msk $0xffff, v3  }
0x10a: {  	p0 =	sne.s32 s13, $0x50;
	v63 =	vor.u32 s15, v2;
	v3 =	vld [tilespmem:s14+$0x380]  }
.Ltmp2:
0x10b: {  	_ = 	snop;
	(pc) =	sbr.rel @p0 .LBB2_4-.Ltmp2, $2  }
0x10c: {  	_ =	sdelay $0x2  }
0x10d: {  	[tilespmem:v63+s10+$0x0] =	vst.idx.add.f32.msk $0xffff, v3  }
0x10e: {  	s11 =	sadd.s32 $0x1, s11  }
0x10f: {  	p0 =	sne.s32 s11, s7  }
.Ltmp3:
0x110: {  	_ = 	snop;
	(pc) =	sbr.rel @p0 .LBB2_1-.Ltmp3, $4  }
0x111: {  	[hbm4b:s6+s2] =	stream.linear.scatter [tilespmem:s10], [sflag:$0x1], $0x14080, $0x38;
	[tilespmem:$0x18100] =	vst v63  }
0x112: {  	_ =	swait.ge [sflag:s8], $0x14080  }
0x113: {  	[sflag:s8] =	ssyncset.done $0x0  }
0x114: {  	[sflag:s8] =	ssyncadd.s32 $0xFFFEBF80  }
0x115: {  	_ =	sfence.sel $0x180000  }
0x116: {  	[bflag:$0x0] =	sbarrier.arrive $0xFFFF  }
0x117: {  	p0 =	sne.s32 s1, $0x0;
	_ =	strace $0x9000004D  }
0x118: {  	s0 =	sadd.s32 @!p0 $0x100000, s0;
	[bflag:$0x2] =	sbarrier.arrive $0xFFFF  }
0x119: {  	[sflag:s0] =	ssyncadd.tile.s32 @!p0 $0x1;
	_ =	shalt  }
.Lfunc_end2:
_tile_overlayer_lowered:
.L_overlay_start_2:
0x11a: {  	(tag) =	ssettag $0x2  }
0x11b: {  	s0 =	rddreg [dreg:$0x0];
	s2 =	stileid.u32  }
0x11c: {  	s1 =	rddreg [dreg:$0x1];
	p0 =	sne.s32 s2, $0x0  }
0x11d: {  	s3 =	rddreg [dreg:$0x2];
	[bflag:$0x3] =	sbarrier.arrive $0xFFFF;
	s2 =	simm.s32 @!p0 $0x1C01  }
0x11e: {  	[timem:s3], [sflag:s2] =	dma.local @!p0 [hbm:s0], s1  }
0x11f: {  	s0 =	simm.s32 @!p0 $0x1  }
0x120: {  	_ =	swait.ge @!p0 [sflag:s0], s1  }
0x121: {  	s1 =	ssub.s32 @!p0 $0x0, s1;
	[sflag:s0] =	ssyncset.done @!p0 $0x0  }
0x122: {  	[sflag:s0] =	ssyncadd.s32 @!p0 s1  }
0x123: {  	[bflag:$0x3] =	sbarrier.arrive $0xFFFF  }
0x124: {  	_ =	shalt  }

// kernel: kernel.37.cloned.1.call-start
scs
__scs_entry_jumppad:
0x0: {  	(pc) =	sbr.rel $0x88, $3  }
0x1: {  	(tag) =	ssettag $0x0;
	lr =	simm.s32 $0x1  }
0x2: {  	[smem:$0x3F8A] =	sst lr;
	_ =	strace $0xD0000000  }
0x3: {  	_ = 	snop  }
0x4: {  	_ = 	snop  }
0x5: {  	_ = 	snop  }
0x6: {  	_ = 	snop  }
0x7: {  	_ = 	snop  }
__scs_overlays_trampoline_lowered:
0x8: {  	[smem:$0x3F99] =	sst s0  }
0x9: {  	[smem:$0x3F9A] =	sst s1  }
0xa: {  	[smem:$0x3F9B] =	sst s2  }
0xb: {  	[smem:$0x3F9C] =	sst s3  }
0xc: {  	[smem:$0x3F9D] =	sst s4  }
0xd: {  	[smem:$0x3F9E] =	sst s5  }
0xe: {  	[smem:$0x3F9F] =	sst s6  }
0xf: {  	[smem:$0x3FA0] =	sst s7  }
0x10: {  	[smem:$0x3FA1] =	sst s8  }
0x11: {  	[smem:$0x3FA2] =	sst s9;
	s0 =	simm.s32 @!p0 $0x0  }
0x12: {  	s1 =	sld [smem:$0x3F88];
	s0 =	simm.s32 @p0 $0x1  }
0x13: {  	[smem:$0x3FA3] =	sst s0;
	s0 =	simm.s32 @!p1 $0x0  }
0x14: {  	s2 =	sld [smem:$0x3F87];
	s0 =	simm.s32 @p1 $0x1  }
0x15: {  	[smem:$0x3FA4] =	sst s0;
	s0 =	simm.s32 @!p2 $0x0  }
0x16: {  	s3 =	sld [smem:$0x3FDB];
	s0 =	simm.s32 @p2 $0x1  }
0x17: {  	s4 =	simm.s32 $0x1BF5;
	[smem:$0x3FA6] =	sst s0  }
0x18: {  	s0 =	sld [smem:$0x3F89];
	_ =	swait.ge [sflag:s4], $0x0  }
0x19: {  	s7 =	sld [smem:$0x3F8A]  }
0x1a: {  	s8 =	sadd.s32 $0xFFFFE003, lr  }
0x1b: {  	s9 =	sadd.s32 $0xFFFFFEF7, lr;
	s5 =	simm.s32 $0xFFFFFFFF;
	p2 =	slt.u32 s8, $0xFFFFF086  }
0x1c: {  	p1 =	slt.u32 s9, $0xF7A;
	s5 =	simm.s32 @!p2 $0x0  }
0x1d: {  	s5 =	simm.s32 @p1 $0x1;
	p0 =	seq.s32 s7, s2  }
0x1e: {  	s7 =	smul.u32 @!p0 $0xF7A, s2;
	p2 =	seq.s32 @!p0 s5, $0x0  }
0x1f: {  	s9 =	smul.u32 $0xF7A, s1;
	s8 =	simm.s32 @!p0 $0x1BF5;
	p2 =	por !p2, p0  }
0x20: {  	[sflag:s8] =	ssyncset.s32 @!p0 $0xFFFFF086;
	s6 =	sadd.s32 @!p0 s3, s7;
	s7 =	simm.s32 @!p0 $0x108  }
0x21: {  	s3 =	sadd.s32 s3, s9;
	s6 =	sadd.s32 @!p0 $0x88, s6;
	s7 =	simm.s32 @p2 $0x1082  }
0x22: {  	[simem:s7], [sflag:s8] =	dma.local @!p0 [hbm:s6], $0xF7A  }
0x23: {  	s9 =	sor.u32 $0xD0000000, s2;
	s6 =	simm.s32 $0x108;
	_ =	swait.ge @!p0 [sflag:s8], $0x0  }
0x24: {  	s3 =	sadd.s32 $0x88, s3;
	s6 =	simm.s32 @!p1 $0x1082;
	[sflag:s4] =	ssyncset.s32 $0xFFFFF086  }
0x25: {  	[simem:s6], [sflag:s4] =	dma.local [hbm:s3], $0xF7A  }
0x26: {  	[smem:$0x3F8A] =	sst s1;
	(tag) =	ssettag s2;
	_ =	strace s9  }
0x27: {  	s1 =	sld [smem:$0x3F9A]  }
0x28: {  	s2 =	sld [smem:$0x3F9B]  }
0x29: {  	s4 =	sld [smem:$0x3F9D]  }
0x2a: {  	p0 =	seq.s32 s5, $0x0;
	s5 =	sld [smem:$0x3F9E]  }
0x2b: {  	s6 =	sld [smem:$0x3F9F]  }
0x2c: {  	s7 =	sld [smem:$0x3FA0]  }
0x2d: {  	s3 =	simm.s32 $0x108;
	s8 =	sld [smem:$0x3FA1]  }
0x2e: {  	s3 =	simm.s32 @!p0 $0x1082;
	s9 =	sld [smem:$0x3FA2]  }
0x2f: {  	lr =	sadd.s32 s0, s3;
	s0 =	sld [smem:$0x3F99]  }
0x30: {  	s3 =	sld [smem:$0x3F9C]  }
0x31: {  	[smem:$0x3FA5] =	sst s10  }
0x32: {  	s10 =	sld [smem:$0x3FA3];
	_ =	sdelay $0x3  }
0x33: {  	p0 =	seq.s32 s10, $0x1;
	s10 =	sld [smem:$0x3FA5];
	_ =	sdelay $0x3  }
0x34: {  	[smem:$0x3FA5] =	sst s10  }
0x35: {  	s10 =	sld [smem:$0x3FA4];
	_ =	sdelay $0x3  }
0x36: {  	p1 =	seq.s32 s10, $0x1;
	s10 =	sld [smem:$0x3FA5];
	_ =	sdelay $0x3  }
0x37: {  	[smem:$0x3FA5] =	sst s10  }
0x38: {  	s10 =	sld [smem:$0x3FA6]  }
0x39: {  	_ = 	snop;
	(pc) =	sbr.ind lr, $3  }
0x3a: {  	_ = 	snop  }
0x3b: {  	_ = 	snop  }
0x3c: {  	p2 =	seq.s32 s10, $0x1;
	s10 =	sld [smem:$0x3FA5]  }
0x3d: {  	_ =	shalt  }
0x3e: {  	_ =	shalt  }
0x3f: {  	_ =	shalt  }
0x40: {  	_ =	shalt  }
0x41: {  	_ =	shalt  }
0x42: {  	_ =	shalt  }
0x43: {  	_ =	shalt  }
0x44: {  	_ =	shalt  }
0x45: {  	_ =	shalt  }
0x46: {  	_ =	shalt  }
0x47: {  	_ =	shalt  }
0x48: {  	_ =	shalt  }
0x49: {  	_ =	shalt  }
0x4a: {  	_ =	shalt  }
0x4b: {  	_ =	shalt  }
0x4c: {  	_ =	shalt  }
0x4d: {  	_ =	shalt  }
0x4e: {  	_ =	shalt  }
0x4f: {  	_ =	shalt  }
0x50: {  	_ =	shalt  }
0x51: {  	_ =	shalt  }
0x52: {  	_ =	shalt  }
0x53: {  	_ =	shalt  }
0x54: {  	_ =	shalt  }
0x55: {  	_ =	shalt  }
0x56: {  	_ =	shalt  }
0x57: {  	_ =	shalt  }
0x58: {  	_ =	shalt  }
0x59: {  	_ =	shalt  }
0x5a: {  	_ =	shalt  }
0x5b: {  	_ =	shalt  }
0x5c: {  	_ =	shalt  }
0x5d: {  	_ =	shalt  }
0x5e: {  	_ =	shalt  }
0x5f: {  	_ =	shalt  }
0x60: {  	_ =	shalt  }
0x61: {  	_ =	shalt  }
0x62: {  	_ =	shalt  }
0x63: {  	_ =	shalt  }
0x64: {  	_ =	shalt  }
0x65: {  	_ =	shalt  }
0x66: {  	_ =	shalt  }
0x67: {  	_ =	shalt  }
0x68: {  	_ =	shalt  }
0x69: {  	_ =	shalt  }
0x6a: {  	_ =	shalt  }
0x6b: {  	_ =	shalt  }
0x6c: {  	_ =	shalt  }
0x6d: {  	_ =	shalt  }
0x6e: {  	_ =	shalt  }
0x6f: {  	_ =	shalt  }
0x70: {  	_ =	shalt  }
0x71: {  	_ =	shalt  }
0x72: {  	_ =	shalt  }
0x73: {  	_ =	shalt  }
0x74: {  	_ =	shalt  }
0x75: {  	_ =	shalt  }
0x76: {  	_ =	shalt  }
0x77: {  	_ =	shalt  }
0x78: {  	_ =	shalt  }
0x79: {  	_ =	shalt  }
0x7a: {  	_ =	shalt  }
0x7b: {  	_ =	shalt  }
0x7c: {  	_ =	shalt  }
0x7d: {  	_ =	shalt  }
0x7e: {  	_ =	shalt  }
0x7f: {  	_ =	shalt  }
0x80: {  	_ =	shalt  }
0x81: {  	_ =	shalt  }
0x82: {  	_ =	shalt  }
0x83: {  	_ =	shalt  }
0x84: {  	_ =	shalt  }
0x85: {  	_ =	shalt  }
0x86: {  	_ =	shalt  }
0x87: {  	_ =	shalt  }
.Lfunc_end0:
.L_simem_size_0:
called_computation.3_lowered:
.L_overlay_start_0:
0x88: {  	s2 =	sld [smem:$0x3FD9]  }
0x89: {  	s3 =	sld [smem:$0x3FFE];
	_ =	sdelay $0x1  }
0x8a: {  	s1 =	srdreg.scid  }
0x8b: {  	s0 =	sand.u32 $0x1, s1  }
0x8c: {  	s14 =	sshll.u32 s0, $0xA;
	s2 =	sadd.s32 s3, s2  }
0x8d: {  	s2 =	sadd.s32 s2, s14  }
0x8e: {  	[smem:$0x3FB1] =	sst s2  }
0x8f: {  	_ = 	snop  }
0x90: {  	s2 =	sld [smem:$0x3FD0];
	_ =	sdelay $0x2  }
0x91: {  	s15 =	simm.s32 $0xB;
	s4 =	simm.s32 $0x10  }
0x92: {  	[smem:s4], [sflag:s15] =	dma.local [hbm:s2], $0x1  }
0x93: {  	_ =	swait.eq [sflag:s15], $0x1  }
0x94: {  	[sflag:s15] =	ssyncset.done $0x0  }
0x95: {  	[sflag:s15] =	ssyncadd.s32 $0xFFFFFFFF  }
0x96: {  	s16 =	sld [smem:$0x11];
	(tm) =	ssettm $0x1  }
0x97: {  	s17 =	sld [smem:$0x3FFB];
	_ =	sdelay $0x3  }
0x98: {  	_ =	strace s17  }
0x99: {  	s3 =	sld [smem:$0x3FFC];
	_ =	sdelay $0x3  }
0x9a: {  	_ =	strace s3  }
0x9b: {  	s3 =	sld [smem:$0x3FFD];
	_ =	sdelay $0x3  }
0x9c: {  	_ =	strace s3  }
0x9d: {  	_ =	strace $0x8FFFFFFF  }
0x9e: {  	s18 =	sld [smem:$0x3FDB];
	_ =	sdelay $0x1  }
0x9f: {  	s19 =	simm.s32 $_scs_section_size  }
0xa0: {  	s5 =	simm.s32 $_size__tile_overlayer_lowered;
	s6 =	simm.s32 $_tile_overlayer_lowered  }
0xa1: {  	s22 =	simm.s32 $0x1BFF;
	s21 =	sshll.u32 s6, $0x1;
	s3 =	sadd.s32 s19, s18  }
0xa2: {  	s7 =	simm.s32 $0x0;
	s20 =	sshll.u32 s5, $0x1;
	s5 =	sadd.s32 s21, s3  }
0xa3: {  	[timem:s7], [sflag:s22] =	dma.local [hbm:s5], s20  }
0xa4: {  	_ =	swait.ge [sflag:s22], s20  }
0xa5: {  	s4 =	ssub.s32 $0x0, s20;
	[sflag:s22] =	ssyncset.done $0x0  }
0xa6: {  	[sflag:s22] =	ssyncadd.s32 s4;
	_ =	sdelay $0x1  }
0xa7: {  	s23 =	simm.s32 $0x1B8B  }
0xa8: {  	_ =	swait.ge [sflag:s23], $0x1  }
0xa9: {  	[sflag:s23] =	ssyncset.done $0x0  }
0xaa: {  	s25 =	simm.s32 $0x1B8E;
	s24 =	sld [smem:$0x3FFE];
	[sflag:s23] =	ssyncadd.s32 $0xFFFFFFFF  }
0xab: {  	s26 =	simm.s32 $execute0_lowered;
	[smem:$0x3FD2] =	sst s25  }
0xac: {  	s5 =	sshll.u32 s26, $0x1;
	_ =	strace $0x8000004F;
	[dreg:$0x1] =	wrdreg $0xFFFFFFFF  }
0xad: {  	s28 =	simm.s32 $_size_execute0_lowered;
	s3 =	sadd.s32 s3, s5;
	[dreg:$0x0] =	wrdreg $0x0  }
0xae: {  	s5 =	sshll.u32 s28, $0x1;
	[dreg:$0x2] =	wrdreg s3  }
0xaf: {  	[dreg:$0x3] =	wrdreg s5  }
0xb0: {  	[dreg:$0x4] =	wrdreg $0xC0  }
0xb1: {  	_ =	task [dreg:s7], $0x5FFFF  }
0xb2: {  	[dreg:$0x1] =	wrdreg $0xFFFFFFFF  }
0xb3: {  	[dreg:$0x0] =	wrdreg $0x60  }
0xb4: {  	[dreg:$0x2] =	wrdreg s16  }
0xb5: {  	[dreg:$0x3] =	wrdreg s24  }
0xb6: {  	[dreg:$0x4] =	wrdreg $0x9  }
0xb7: {  	_ =	task.clear_ibuf [dreg:s7], $0x5FFFF;
	_ =	strace $0x9000004F  }
0xb8: {  	s29 =	simm.s32 $0x9;
	_ =	strace $0x80000051  }
0xb9: {  	_ =	swait.ge [sflag:s29], $0x1  }
0xba: {  	[sflag:s29] =	ssyncadd.s32 $0xFFFFFFFF  }
0xbb: {  	_ =	strace $0x90000051  }
0xbc: {  	_ =	sfence  }
0xbd: {  	s30 =	sld [smem:$0x0];
	_ =	sdelay $0x2  }
0xbe: {  	s31 =	sshll.u32 s1, $0xD;
	s1 =	sshrl.u32 s1, $0x2  }
0xbf: {  	s3 =	sand.u32 $0x4000, s31;
	s1 =	sadd.s32 s1, s30  }
0xc0: {  	s0 =	sor.u32 s3, s0;
	s1 =	sshll.u32 s1, $0x11  }
0xc1: {  	s0 =	sor.u32 s1, s0  }
0xc2: {  	s0 =	sadd.s32 $0x8F2B, s0  }
0xc3: {  	[sflag:s0] =	ssyncadd.remote.s32 $0x1  }
0xc4: {  	_ =	sfence.sel $0xFFFF  }
0xc5: {  	[dreg:$0x0] =	wrdreg $0xFFFFFFFF;
	(pc) =	sbr.abs _section_cstart, $3  }
0xc6: {  	[dreg:$0x1] =	wrdreg $0xFFFFFFFF  }
0xc7: {  	_ =	task.clear_ibuf [dreg:s7], $0x2FFFF;
	_ =	strace $0x9FFFFFFF  }
0xc8: {  	(tm) =	ssettm $0x7FFFFFFF  }
0xc9: {  	_ =	shalt  }
tec
execute0_lowered:
.L_overlay_start_1:
0x0: {  	(tag) =	ssettag $0x1  }
0x1: {  	s2 =	rddreg [dreg:$0x0]  }
0x2: {  	s5 =	rddreg [dreg:$0x1]  }
0x3: {  	s0 =	rddreg [dreg:$0x2];
	s4 =	srdreg.scid  }
0x4: {  	s1 =	stileid.u32;
	s3 =	simm.s32 $0x0;
	s12 =	simm.s32 $0x100  }
0x5: {  	s13 =	simm.s32 $0x4100;
	s14 =	simm.s32 $0x1;
	s7 =	smul.u32 $0x2800, s1  }
0x6: {  	s15 =	simm.s32 $0x2;
	s6 =	sand.u32 $0x1, s4;
	s9 =	smul.u32 $0x28000, s1  }
0x7: {  	s16 =	simm.s32 $0x0;
	[smem:$0x7FF] =	sst s3;
	s8 =	smul.u32 $0x1400, s6  }
0x8: {  	s4 =	sadd.s32 $0x4A800, s5;
	s29 =	ssub.s32 $0x2, s6;
	s6 =	smul.u32 $0x14000, s6  }
0x9: {  	_ =	strace $0x80000050;
	s9 =	sadd.s32 s9, s5;
	s10 =	sshrl.u32 s29, $0x1  }
0xa: {  	s7 =	sadd.s32 s8, s7;
	s30 =	ssub.s32 s29, s10;
	s31 =	sadd.s32 s6, s9  }
0xb: {  	s10 =	simm.s32 $0x3;
	s7 =	sshrl.u32 s7, $0x3;
	s6 =	sadd.s32 $0xCE200, s31  }
0xc: {  	s11 =	sadd.s32 s7, s5;
	s5 =	smax.u32 s30, $0x1;
	s7 =	sadd.s32 $0x842600, s31  }
0xd: {  	s8 =	sadd.s32 $0x3B600, s11;
	s9 =	sadd.s32 $0x45600, s11;
	s11 =	simm.s32 $0x80  }
.LBB2_1:
0xe: {  	s17 =	sadd.s32 $0x0, s9  }
0xf: {  	[tilespmem:s3], [sflag:$0x3] =	stream.linear.gather [hbm4b:s17+s3], $0x80, $0x38;
	[tilespmem:$0x8100] =	vst v63  }
0x10: {  	_ =	swait.ge [sflag:s10], $0x80  }
0x11: {  	[sflag:s10] =	ssyncset.done $0x0  }
0x12: {  	s31 =	sadd.s32 $0x0, s8;
	[sflag:s10] =	ssyncadd.s32 $0xFFFFFF80  }
0x13: {  	[tilespmem:s11], [sflag:$0x3] =	stream.linear.gather [hbm4b:s31+s3], $0x80, $0x38;
	[tilespmem:$0x8100] =	vst v63  }
0x14: {  	_ =	swait.ge [sflag:s10], $0x80  }
0x15: {  	[sflag:s10] =	ssyncset.done $0x0  }
0x16: {  	[sflag:s10] =	ssyncadd.s32 $0xFFFFFF80  }
0x17: {  	[tilespmem:s12], [sflag:$0x1] =	stream.indirect.gather [hbm4b:s2+s11], $0x80, s3, s11, $0xb8;
	[tilespmem:$0x8100] =	vst v63  }
0x18: {  	_ = 	snop  }
0x19: {  	[tilespmem:s13], [sflag:$0x2] =	stream.indirect.gather [hbm4b:s4+s11], $0x80, s11, s11, $0xb8;
	[tilespmem:$0x8100] =	vst v63  }
0x1a: {  	_ =	swait.ge [sflag:s14], $0x4000  }
0x1b: {  	[sflag:s14] =	ssyncset.done $0x0  }
0x1c: {  	[sflag:s14] =	ssyncadd.s32 $0xFFFFC000  }
0x1d: {  	_ =	swait.ge [sflag:s15], $0x4000  }
0x1e: {  	[sflag:s15] =	ssyncset.done $0x0  }
0x1f: {  	[sflag:s15] =	ssyncadd.s32 $0xFFFFC000  }
0x20: {  	[hbm4b:s6+s3] =	stream.linear.scatter [tilespmem:s12], [sflag:$0x3], $0x4000, $0x38;
	[tilespmem:$0x8100] =	vst v63  }
0x21: {  	_ =	swait.ge [sflag:s10], $0x4000  }
0x22: {  	[sflag:s10] =	ssyncset.done $0x0  }
0x23: {  	[sflag:s10] =	ssyncadd.s32 $0xFFFFC000  }
0x24: {  	[hbm4b:s7+s3] =	stream.linear.scatter [tilespmem:s13], [sflag:$0x3], $0x4000, $0x38;
	[tilespmem:$0x8100] =	vst v63  }
0x25: {  	s19 =	simm.s32 $0x10;
	s20 =	simm.s32 $0x20;
	_ =	swait.ge [sflag:s10], $0x4000  }
0x26: {  	s18 =	sadd.s32 $0x800, s6;
	s17 =	sadd.s32 $0x800, s7;
	[sflag:s10] =	ssyncset.done $0x0  }
.LBB2_2:
0x27: {  	s21 =	sadd.s32 s19, s9  }
0x28: {  	[sflag:s10] =	ssyncadd.s32 $0xFFFFC000;
	s22 =	smov.u32 s20;
	s23 =	sadd.s32 $0x10, s20  }
0x29: {  	[tilespmem:s3], [sflag:$0x3] =	stream.linear.gather [hbm4b:s21+s3], $0x80, $0x38;
	[tilespmem:$0x8100] =	vst v63  }
0x2a: {  	p0 =	sne.s32 s20, $0x270;
	_ =	swait.ge [sflag:s10], $0x80  }
0x2b: {  	[sflag:s10] =	ssyncset.done $0x0  }
0x2c: {  	s20 =	sadd.s32 s19, s8;
	s19 =	smov.u32 s22;
	[sflag:s10] =	ssyncadd.s32 $0xFFFFFF80  }
0x2d: {  	[tilespmem:s11], [sflag:$0x3] =	stream.linear.gather [hbm4b:s20+s3], $0x80, $0x38;
	[tilespmem:$0x8100] =	vst v63  }
0x2e: {  	_ =	swait.ge [sflag:s10], $0x80  }
0x2f: {  	[sflag:s10] =	ssyncset.done $0x0  }
0x30: {  	[sflag:s10] =	ssyncadd.s32 $0xFFFFFF80  }
0x31: {  	[tilespmem:s12], [sflag:$0x1] =	stream.indirect.gather [hbm4b:s2+s11], $0x80, s3, s11, $0xb8;
	[tilespmem:$0x8100] =	vst v63  }
0x32: {  	_ = 	snop  }
0x33: {  	[tilespmem:s13], [sflag:$0x2] =	stream.indirect.gather [hbm4b:s4+s11], $0x80, s11, s11, $0xb8;
	[tilespmem:$0x8100] =	vst v63  }
0x34: {  	_ =	swait.ge [sflag:s14], $0x4000  }
0x35: {  	[sflag:s14] =	ssyncset.done $0x0  }
0x36: {  	[sflag:s14] =	ssyncadd.s32 $0xFFFFC000  }
0x37: {  	_ =	swait.ge [sflag:s15], $0x4000  }
0x38: {  	[sflag:s15] =	ssyncset.done $0x0  }
0x39: {  	[sflag:s15] =	ssyncadd.s32 $0xFFFFC000  }
0x3a: {  	[hbm4b:s18+s3] =	stream.linear.scatter [tilespmem:s12], [sflag:$0x3], $0x4000, $0x38;
	[tilespmem:$0x8100] =	vst v63  }
0x3b: {  	_ =	swait.ge [sflag:s10], $0x4000  }
.Ltmp0:
0x3c: {  	[sflag:s10] =	ssyncset.done $0x0;
	(pc) =	sbr.rel @p0 .LBB2_2-.Ltmp0, $4  }
0x3d: {  	[sflag:s10] =	ssyncadd.s32 $0xFFFFC000  }
0x3e: {  	[hbm4b:s17+s3] =	stream.linear.scatter [tilespmem:s13], [sflag:$0x3], $0x4000, $0x38;
	[tilespmem:$0x8100] =	vst v63  }
0x3f: {  	s20 =	smov.u32 s23;
	_ =	swait.ge [sflag:s10], $0x4000  }
0x40: {  	s18 =	sadd.s32 $0x800, s18;
	s17 =	sadd.s32 $0x800, s17;
	[sflag:s10] =	ssyncset.done $0x0  }
0x41: {  	s20 =	sadd.s32 s19, s9;
	[sflag:s10] =	ssyncadd.s32 $0xFFFFC000  }
0x42: {  	[tilespmem:s3], [sflag:$0x3] =	stream.linear.gather [hbm4b:s20+s3], $0x80, $0x38;
	[tilespmem:$0x8100] =	vst v63  }
0x43: {  	_ =	swait.ge [sflag:s10], $0x80  }
0x44: {  	[sflag:s10] =	ssyncset.done $0x0  }
0x45: {  	s31 =	sadd.s32 s19, s8;
	[sflag:s10] =	ssyncadd.s32 $0xFFFFFF80  }
0x46: {  	[tilespmem:s11], [sflag:$0x3] =	stream.linear.gather [hbm4b:s31+s3], $0x80, $0x38;
	[tilespmem:$0x8100] =	vst v63  }
0x47: {  	_ =	swait.ge [sflag:s10], $0x80  }
0x48: {  	[sflag:s10] =	ssyncset.done $0x0  }
0x49: {  	[sflag:s10] =	ssyncadd.s32 $0xFFFFFF80  }
0x4a: {  	[tilespmem:s12], [sflag:$0x1] =	stream.indirect.gather [hbm4b:s2+s11], $0x80, s3, s11, $0xb8;
	[tilespmem:$0x8100] =	vst v63  }
0x4b: {  	_ = 	snop  }
0x4c: {  	[tilespmem:s13], [sflag:$0x2] =	stream.indirect.gather [hbm4b:s4+s11], $0x80, s11, s11, $0xb8;
	[tilespmem:$0x8100] =	vst v63  }
0x4d: {  	_ =	swait.ge [sflag:s14], $0x4000  }
0x4e: {  	[sflag:s14] =	ssyncset.done $0x0  }
0x4f: {  	[sflag:s14] =	ssyncadd.s32 $0xFFFFC000  }
0x50: {  	_ =	swait.ge [sflag:s15], $0x4000  }
0x51: {  	[sflag:s15] =	ssyncset.done $0x0  }
0x52: {  	[sflag:s15] =	ssyncadd.s32 $0xFFFFC000  }
0x53: {  	[hbm4b:s18+s3] =	stream.linear.scatter [tilespmem:s12], [sflag:$0x3], $0x4000, $0x38;
	[tilespmem:$0x8100] =	vst v63  }
0x54: {  	s16 =	sadd.s32 $0x1, s16;
	_ =	swait.ge [sflag:s10], $0x4000  }
0x55: {  	p0 =	sne.s32 s16, s5;
	[sflag:s10] =	ssyncset.done $0x0  }
.Ltmp1:
0x56: {  	[sflag:s10] =	ssyncadd.s32 $0xFFFFC000;
	(pc) =	sbr.rel @p0 .LBB2_1-.Ltmp1, $4  }
0x57: {  	[hbm4b:s17+s3] =	stream.linear.scatter [tilespmem:s13], [sflag:$0x3], $0x4000, $0x38;
	[tilespmem:$0x8100] =	vst v63  }
0x58: {  	_ =	swait.ge [sflag:s10], $0x4000  }
0x59: {  	[sflag:s10] =	ssyncset.done $0x0  }
0x5a: {  	[sflag:s10] =	ssyncadd.s32 $0xFFFFC000  }
0x5b: {  	_ =	sfence.sel $0x180000  }
0x5c: {  	[bflag:$0x0] =	sbarrier.arrive $0xFFFF  }
0x5d: {  	p0 =	sne.s32 s1, $0x0;
	_ =	strace $0x90000050  }
0x5e: {  	s0 =	sadd.s32 @!p0 $0x100000, s0;
	[bflag:$0x2] =	sbarrier.arrive $0xFFFF  }
0x5f: {  	[sflag:s0] =	ssyncadd.tile.s32 @!p0 $0x1;
	_ =	shalt  }
.Lfunc_end2:
_tile_overlayer_lowered:
.L_overlay_start_2:
0x60: {  	(tag) =	ssettag $0x2  }
0x61: {  	s0 =	rddreg [dreg:$0x0];
	s2 =	stileid.u32  }
0x62: {  	s1 =	rddreg [dreg:$0x1];
	p0 =	sne.s32 s2, $0x0  }
0x63: {  	s3 =	rddreg [dreg:$0x2];
	[bflag:$0x3] =	sbarrier.arrive $0xFFFF;
	s2 =	simm.s32 @!p0 $0x1C03  }
0x64: {  	[timem:s3], [sflag:s2] =	dma.local @!p0 [hbm:s0], s1  }
0x65: {  	s0 =	simm.s32 @!p0 $0x3  }
0x66: {  	_ =	swait.ge @!p0 [sflag:s0], s1  }
0x67: {  	s1 =	ssub.s32 @!p0 $0x0, s1;
	[sflag:s0] =	ssyncset.done @!p0 $0x0  }
0x68: {  	[sflag:s0] =	ssyncadd.s32 @!p0 s1  }
0x69: {  	[bflag:$0x3] =	sbarrier.arrive $0xFFFF  }
0x6a: {  	_ =	shalt  }

// kernel: kernel.40.cloned.1.call-start
scs
__scs_entry_jumppad:
0x0: {  	(pc) =	sbr.rel $0x88, $3  }
0x1: {  	(tag) =	ssettag $0x0;
	lr =	simm.s32 $0x1  }
0x2: {  	[smem:$0x3F8A] =	sst lr;
	_ =	strace $0xD0000000  }
0x3: {  	_ = 	snop  }
0x4: {  	_ = 	snop  }
0x5: {  	_ = 	snop  }
0x6: {  	_ = 	snop  }
0x7: {  	_ = 	snop  }
__scs_overlays_trampoline_lowered:
0x8: {  	[smem:$0x3F99] =	sst s0  }
0x9: {  	[smem:$0x3F9A] =	sst s1  }
0xa: {  	[smem:$0x3F9B] =	sst s2  }
0xb: {  	[smem:$0x3F9C] =	sst s3  }
0xc: {  	[smem:$0x3F9D] =	sst s4  }
0xd: {  	[smem:$0x3F9E] =	sst s5  }
0xe: {  	[smem:$0x3F9F] =	sst s6  }
0xf: {  	[smem:$0x3FA0] =	sst s7  }
0x10: {  	[smem:$0x3FA1] =	sst s8  }
0x11: {  	[smem:$0x3FA2] =	sst s9;
	s0 =	simm.s32 @!p0 $0x0  }
0x12: {  	s1 =	sld [smem:$0x3F88];
	s0 =	simm.s32 @p0 $0x1  }
0x13: {  	[smem:$0x3FA3] =	sst s0;
	s0 =	simm.s32 @!p1 $0x0  }
0x14: {  	s2 =	sld [smem:$0x3F87];
	s0 =	simm.s32 @p1 $0x1  }
0x15: {  	[smem:$0x3FA4] =	sst s0;
	s0 =	simm.s32 @!p2 $0x0  }
0x16: {  	s3 =	sld [smem:$0x3FDB];
	s0 =	simm.s32 @p2 $0x1  }
0x17: {  	s4 =	simm.s32 $0x1BF5;
	[smem:$0x3FA6] =	sst s0  }
0x18: {  	s0 =	sld [smem:$0x3F89];
	_ =	swait.ge [sflag:s4], $0x0  }
0x19: {  	s7 =	sld [smem:$0x3F8A]  }
0x1a: {  	s8 =	sadd.s32 $0xFFFFE003, lr  }
0x1b: {  	s9 =	sadd.s32 $0xFFFFFEF7, lr;
	s5 =	simm.s32 $0xFFFFFFFF;
	p2 =	slt.u32 s8, $0xFFFFF086  }
0x1c: {  	p1 =	slt.u32 s9, $0xF7A;
	s5 =	simm.s32 @!p2 $0x0  }
0x1d: {  	s5 =	simm.s32 @p1 $0x1;
	p0 =	seq.s32 s7, s2  }
0x1e: {  	s7 =	smul.u32 @!p0 $0xF7A, s2;
	p2 =	seq.s32 @!p0 s5, $0x0  }
0x1f: {  	s9 =	smul.u32 $0xF7A, s1;
	s8 =	simm.s32 @!p0 $0x1BF5;
	p2 =	por !p2, p0  }
0x20: {  	[sflag:s8] =	ssyncset.s32 @!p0 $0xFFFFF086;
	s6 =	sadd.s32 @!p0 s3, s7;
	s7 =	simm.s32 @!p0 $0x108  }
0x21: {  	s3 =	sadd.s32 s3, s9;
	s6 =	sadd.s32 @!p0 $0x88, s6;
	s7 =	simm.s32 @p2 $0x1082  }
0x22: {  	[simem:s7], [sflag:s8] =	dma.local @!p0 [hbm:s6], $0xF7A  }
0x23: {  	s9 =	sor.u32 $0xD0000000, s2;
	s6 =	simm.s32 $0x108;
	_ =	swait.ge @!p0 [sflag:s8], $0x0  }
0x24: {  	s3 =	sadd.s32 $0x88, s3;
	s6 =	simm.s32 @!p1 $0x1082;
	[sflag:s4] =	ssyncset.s32 $0xFFFFF086  }
0x25: {  	[simem:s6], [sflag:s4] =	dma.local [hbm:s3], $0xF7A  }
0x26: {  	[smem:$0x3F8A] =	sst s1;
	(tag) =	ssettag s2;
	_ =	strace s9  }
0x27: {  	s1 =	sld [smem:$0x3F9A]  }
0x28: {  	s2 =	sld [smem:$0x3F9B]  }
0x29: {  	s4 =	sld [smem:$0x3F9D]  }
0x2a: {  	p0 =	seq.s32 s5, $0x0;
	s5 =	sld [smem:$0x3F9E]  }
0x2b: {  	s6 =	sld [smem:$0x3F9F]  }
0x2c: {  	s7 =	sld [smem:$0x3FA0]  }
0x2d: {  	s3 =	simm.s32 $0x108;
	s8 =	sld [smem:$0x3FA1]  }
0x2e: {  	s3 =	simm.s32 @!p0 $0x1082;
	s9 =	sld [smem:$0x3FA2]  }
0x2f: {  	lr =	sadd.s32 s0, s3;
	s0 =	sld [smem:$0x3F99]  }
0x30: {  	s3 =	sld [smem:$0x3F9C]  }
0x31: {  	[smem:$0x3FA5] =	sst s10  }
0x32: {  	s10 =	sld [smem:$0x3FA3];
	_ =	sdelay $0x3  }
0x33: {  	p0 =	seq.s32 s10, $0x1;
	s10 =	sld [smem:$0x3FA5];
	_ =	sdelay $0x3  }
0x34: {  	[smem:$0x3FA5] =	sst s10  }
0x35: {  	s10 =	sld [smem:$0x3FA4];
	_ =	sdelay $0x3  }
0x36: {  	p1 =	seq.s32 s10, $0x1;
	s10 =	sld [smem:$0x3FA5];
	_ =	sdelay $0x3  }
0x37: {  	[smem:$0x3FA5] =	sst s10  }
0x38: {  	s10 =	sld [smem:$0x3FA6]  }
0x39: {  	_ = 	snop;
	(pc) =	sbr.ind lr, $3  }
0x3a: {  	_ = 	snop  }
0x3b: {  	_ = 	snop  }
0x3c: {  	p2 =	seq.s32 s10, $0x1;
	s10 =	sld [smem:$0x3FA5]  }
0x3d: {  	_ =	shalt  }
0x3e: {  	_ =	shalt  }
0x3f: {  	_ =	shalt  }
0x40: {  	_ =	shalt  }
0x41: {  	_ =	shalt  }
0x42: {  	_ =	shalt  }
0x43: {  	_ =	shalt  }
0x44: {  	_ =	shalt  }
0x45: {  	_ =	shalt  }
0x46: {  	_ =	shalt  }
0x47: {  	_ =	shalt  }
0x48: {  	_ =	shalt  }
0x49: {  	_ =	shalt  }
0x4a: {  	_ =	shalt  }
0x4b: {  	_ =	shalt  }
0x4c: {  	_ =	shalt  }
0x4d: {  	_ =	shalt  }
0x4e: {  	_ =	shalt  }
0x4f: {  	_ =	shalt  }
0x50: {  	_ =	shalt  }
0x51: {  	_ =	shalt  }
0x52: {  	_ =	shalt  }
0x53: {  	_ =	shalt  }
0x54: {  	_ =	shalt  }
0x55: {  	_ =	shalt  }
0x56: {  	_ =	shalt  }
0x57: {  	_ =	shalt  }
0x58: {  	_ =	shalt  }
0x59: {  	_ =	shalt  }
0x5a: {  	_ =	shalt  }
0x5b: {  	_ =	shalt  }
0x5c: {  	_ =	shalt  }
0x5d: {  	_ =	shalt  }
0x5e: {  	_ =	shalt  }
0x5f: {  	_ =	shalt  }
0x60: {  	_ =	shalt  }
0x61: {  	_ =	shalt  }
0x62: {  	_ =	shalt  }
0x63: {  	_ =	shalt  }
0x64: {  	_ =	shalt  }
0x65: {  	_ =	shalt  }
0x66: {  	_ =	shalt  }
0x67: {  	_ =	shalt  }
0x68: {  	_ =	shalt  }
0x69: {  	_ =	shalt  }
0x6a: {  	_ =	shalt  }
0x6b: {  	_ =	shalt  }
0x6c: {  	_ =	shalt  }
0x6d: {  	_ =	shalt  }
0x6e: {  	_ =	shalt  }
0x6f: {  	_ =	shalt  }
0x70: {  	_ =	shalt  }
0x71: {  	_ =	shalt  }
0x72: {  	_ =	shalt  }
0x73: {  	_ =	shalt  }
0x74: {  	_ =	shalt  }
0x75: {  	_ =	shalt  }
0x76: {  	_ =	shalt  }
0x77: {  	_ =	shalt  }
0x78: {  	_ =	shalt  }
0x79: {  	_ =	shalt  }
0x7a: {  	_ =	shalt  }
0x7b: {  	_ =	shalt  }
0x7c: {  	_ =	shalt  }
0x7d: {  	_ =	shalt  }
0x7e: {  	_ =	shalt  }
0x7f: {  	_ =	shalt  }
0x80: {  	_ =	shalt  }
0x81: {  	_ =	shalt  }
0x82: {  	_ =	shalt  }
0x83: {  	_ =	shalt  }
0x84: {  	_ =	shalt  }
0x85: {  	_ =	shalt  }
0x86: {  	_ =	shalt  }
0x87: {  	_ =	shalt  }
.Lfunc_end0:
.L_simem_size_0:
called_computation.4_lowered:
.L_overlay_start_0:
0x88: {  	s2 =	sld [smem:$0x3FD9]  }
0x89: {  	s3 =	sld [smem:$0x3FFE];
	_ =	sdelay $0x1  }
0x8a: {  	s1 =	srdreg.scid  }
0x8b: {  	s0 =	sand.u32 $0x1, s1  }
0x8c: {  	s16 =	sshll.u32 s0, $0xA;
	s2 =	sadd.s32 s3, s2  }
0x8d: {  	s2 =	sadd.s32 s2, s16  }
0x8e: {  	[smem:$0x3FB1] =	sst s2  }
0x8f: {  	_ = 	snop  }
0x90: {  	(tm) =	ssettm $0x1  }
0x91: {  	s17 =	sld [smem:$0x3FFB];
	_ =	sdelay $0x3  }
0x92: {  	_ =	strace s17  }
0x93: {  	s2 =	sld [smem:$0x3FFC];
	_ =	sdelay $0x3  }
0x94: {  	_ =	strace s2  }
0x95: {  	s2 =	sld [smem:$0x3FFD];
	_ =	sdelay $0x3  }
0x96: {  	_ =	strace s2  }
0x97: {  	_ =	strace $0x8FFFFFFF  }
0x98: {  	s18 =	sld [smem:$0x3FDB];
	_ =	sdelay $0x1  }
0x99: {  	s19 =	simm.s32 $_scs_section_size  }
0x9a: {  	s4 =	simm.s32 $_size__tile_overlayer_lowered;
	s5 =	simm.s32 $_tile_overlayer_lowered  }
0x9b: {  	s22 =	simm.s32 $0x1BFF;
	s21 =	sshll.u32 s5, $0x1;
	s2 =	sadd.s32 s19, s18  }
0x9c: {  	s6 =	simm.s32 $0x0;
	s20 =	sshll.u32 s4, $0x1;
	s4 =	sadd.s32 s21, s2  }
0x9d: {  	[timem:s6], [sflag:s22] =	dma.local [hbm:s4], s20  }
0x9e: {  	_ =	swait.ge [sflag:s22], s20  }
0x9f: {  	s3 =	ssub.s32 $0x0, s20;
	[sflag:s22] =	ssyncset.done $0x0  }
0xa0: {  	[sflag:s22] =	ssyncadd.s32 s3;
	_ =	sdelay $0x1  }
0xa1: {  	s23 =	simm.s32 $0x1B8B  }
0xa2: {  	_ =	swait.ge [sflag:s23], $0x1  }
0xa3: {  	[sflag:s23] =	ssyncset.done $0x0  }
0xa4: {  	s25 =	simm.s32 $0x1B8E;
	s24 =	sld [smem:$0x3FFE];
	[sflag:s23] =	ssyncadd.s32 $0xFFFFFFFF  }
0xa5: {  	s26 =	simm.s32 $execute0_lowered;
	[smem:$0x3FD2] =	sst s25  }
0xa6: {  	s4 =	sshll.u32 s26, $0x1;
	_ =	strace $0x80000052;
	[dreg:$0x1] =	wrdreg $0xFFFFFFFF  }
0xa7: {  	s28 =	simm.s32 $_size_execute0_lowered;
	s2 =	sadd.s32 s2, s4;
	[dreg:$0x0] =	wrdreg $0x0  }
0xa8: {  	s4 =	sshll.u32 s28, $0x1;
	[dreg:$0x2] =	wrdreg s2  }
0xa9: {  	[dreg:$0x3] =	wrdreg s4  }
0xaa: {  	[dreg:$0x4] =	wrdreg $0xC0  }
0xab: {  	_ =	task [dreg:s6], $0x5FFFF  }
0xac: {  	[dreg:$0x1] =	wrdreg $0xFFFFFFFF  }
0xad: {  	[dreg:$0x0] =	wrdreg $0x60  }
0xae: {  	[dreg:$0x2] =	wrdreg s24  }
0xaf: {  	[dreg:$0x3] =	wrdreg $0x9  }
0xb0: {  	_ =	task.clear_ibuf [dreg:s6], $0x4FFFF;
	_ =	strace $0x90000052  }
0xb1: {  	s29 =	simm.s32 $0x9;
	_ =	strace $0x80000054  }
0xb2: {  	_ =	swait.ge [sflag:s29], $0x1  }
0xb3: {  	[sflag:s29] =	ssyncadd.s32 $0xFFFFFFFF  }
0xb4: {  	_ =	strace $0x90000054  }
0xb5: {  	_ =	sfence  }
0xb6: {  	s30 =	sld [smem:$0x0];
	_ =	sdelay $0x2  }
0xb7: {  	s31 =	sshll.u32 s1, $0xD;
	s1 =	sshrl.u32 s1, $0x2  }
0xb8: {  	s3 =	sand.u32 $0x4000, s31;
	s1 =	sadd.s32 s1, s30  }
0xb9: {  	s0 =	sor.u32 s3, s0;
	s1 =	sshll.u32 s1, $0x11  }
0xba: {  	s0 =	sor.u32 s1, s0  }
0xbb: {  	s0 =	sadd.s32 $0x8F2B, s0  }
0xbc: {  	[sflag:s0] =	ssyncadd.remote.s32 $0x1  }
0xbd: {  	_ =	sfence.sel $0xFFFF  }
0xbe: {  	[dreg:$0x0] =	wrdreg $0xFFFFFFFF;
	(pc) =	sbr.abs _section_cstart, $3  }
0xbf: {  	[dreg:$0x1] =	wrdreg $0xFFFFFFFF  }
0xc0: {  	_ =	task.clear_ibuf [dreg:s6], $0x2FFFF;
	_ =	strace $0x9FFFFFFF  }
0xc1: {  	(tm) =	ssettm $0x7FFFFFFF  }
tec
execute0_lowered:
.L_overlay_start_1:
0x0: {  	(tag) =	ssettag $0x1  }
0x1: {  	s0 =	srdreg.scid  }
0x2: {  	s5 =	rddreg [dreg:$0x0];
	s1 =	stileid.u32;
	s2 =	simm.s32 $0x0  }
0x3: {  	v1 =	vimm.f32 $0.0e+00;
	s9 =	simm.s32 $0x80;
	s10 =	simm.s32 $0x4080;
	s11 =	simm.s32 $0x0  }
0x4: {  	vm0 =	vmmov $0x1;
	v2 =	vlaneseq.u32;
	vm1 =	vcmask $0x308;
	s3 =	sand.u32 $0x1, s0;
	s0 =	rddreg [dreg:$0x1];
	s6 =	sshll.u32 s1, $0x1  }
0x5: {  	vm2 =	vcmask $0x70C;
	vm3 =	vcmask $0xB10;
	vm4 =	vcmask $0xF14;
	[smem:$0x7FF] =	sst s2;
	s4 =	smul.u32 $0xFFFFEC00, s3;
	s31 =	sor.u32 s3, s6  }
0x6: {  	vm5 =	vcmask $0x1318;
	vm6 =	vcmask $0x171C;
	vm7 =	vcmask $0x1B20;
	_ =	strace $0x80000053;
	s7 =	ssub.s32 $0x2, s3;
	s6 =	smul.u32 $0x2810, s31  }
0x7: {  	vm8 =	vcmask $0x1F24;
	vm9 =	vcmask $0x2328;
	s3 =	sadd.s32 $0xAC2600, s5;
	s8 =	sshrl.u32 s7, $0x1;
	v0 =	vmov s4;
	s4 =	sadd.s32 $0x40600, s5  }
0x8: {  	vm10 =	vcmask $0x272C;
	vm11 =	vcmask $0x2B30;
	vm12 =	vcmask $0x2F34;
	s7 =	ssub.s32 s7, s8;
	s8 =	simm.s32 $0x1;
	s6 =	sadd.s32 s6, s5  }
0x9: {  	vm13 =	vcmask $0x3338;
	vm14 =	vcmask $0x373C;
	vm15 =	vmmov $0x7fff;
	s5 =	smul.u32 $0x2800, s1;
	s7 =	smax.u32 s7, $0x1;
	s6 =	sadd.s32 $0x4A800, s6  }
.LBB2_1:
0xa: {  	s12 =	simm.s32 $0x40;
	s13 =	simm.s32 $0x0  }
.LBB2_2:
0xb: {  	p0 =	sne.s32 s12, $0x501C0;
	[tilespmem:s13+$0x4080] =	vst v1;
	s13 =	smov.u32 s12;
	s12 =	sadd.s32 $0x40, s12  }
.Ltmp0:
0xc: {  	(pc) =	sbr.rel @p0 .LBB2_2-.Ltmp0, $2  }
0xd: {  	_ =	sdelay $0x2  }
0xe: {  	s13 =	sshra.s32 s13, $0x2  }
0xf: {  	[tilespmem:s13+$0x4080] =	vst v1;
	s12 =	simm.s32 $0x0;
	s13 =	simm.s32 $0x0  }
.LBB2_4:
0x10: {  	s14 =	sshll.u32 s13, $0x7  }
0x11: {  	s14 =	sadd.s32 s5, s14  }
0x12: {  	s15 =	sshrl.u32 s14, $0x3  }
0x13: {  	s15 =	sadd.s32 s4, s15  }
0x14: {  	[tilespmem:s12], [sflag:$0x1] =	stream.linear.gather [hbm4b:s15+s12], $0x80, $0x38;
	[tilespmem:$0x18100] =	vst v63  }
0x15: {  	_ =	swait.ge [sflag:s8], $0x80  }
0x16: {  	s14 =	sshll.u32 s14, $0x4;
	[sflag:s8] =	ssyncset.done $0x0  }
0x17: {  	s14 =	sadd.s32 s3, s14;
	[sflag:s8] =	ssyncadd.s32 $0xFFFFFF80  }
0x18: {  	[tilespmem:s9], [sflag:$0x1] =	stream.linear.gather [hbm4b:s14+s12], $0x4000, $0x38;
	[tilespmem:$0x18100] =	vst v63  }
0x19: {  	_ =	swait.ge [sflag:s8], $0x4000  }
0x1a: {  	[sflag:s8] =	ssyncset.done $0x0  }
0x1b: {  	s30 =	simm.s32 $0x0;
	[sflag:s8] =	ssyncadd.s32 $0xFFFFC000  }
0x1c: {  	v3 =	vld [tilespmem:s30+$0x0];
	_ =	sdelay $0x4  }
0x1d: {  	v3 =	vadd.s32 v0, v3  }
0x1e: {  	v3 =	vmin.u32 v3, $0x1400  }
0x1f: {  	v4 =	vnsel vm0, $0x0, v3  }
0x20: {  	(xrf0) =	vadd.scan.msk.s32 $0xffff, v4;
	_ =	sdelay $0x2  }
0x21: {  	v4 =	vsel vm1, $0x0, v3;
	_ =	sdelay $0x2  }
0x22: {  	(xrf0) =	vadd.scan.msk.s32 $0xffff, v4;
	v4, _, _ =	vpop (xrf0)  }
0x23: {  	(v2sf) =	vpush v4, $0xF;
	_ =	sdelay $0x1  }
0x24: {  	v4 =	vsel vm2, $0x0, v3;
	_ =	sdelay $0x2  }
0x25: {  	(xrf0) =	vadd.scan.msk.s32 $0xffff, v4;
	v4, _, _ =	vpop (xrf0)  }
0x26: {  	(v2sf) =	vpush v4, $0xF;
	_ =	sdelay $0x1  }
0x27: {  	v4 =	vsel vm3, $0x0, v3;
	_ =	sdelay $0x2  }
0x28: {  	(xrf0) =	vadd.scan.msk.s32 $0xffff, v4;
	v4, _, _ =	vpop (xrf0)  }
0x29: {  	(v2sf) =	vpush v4, $0xF;
	_ =	sdelay $0x1  }
0x2a: {  	v4 =	vsel vm4, $0x0, v3  }
0x2b: {  	s31 =	spop (v2sf)  }
0x2c: {  	s14 =	simm.s32 $0x480;
	s15 =	sshll.u32 s31, $0x4  }
0x2d: {  	v5 =	vld [tilespmem:s14+$0xFFFFFC00];
	(xrf0) =	vadd.scan.msk.s32 $0xffff, v4;
	v4, _, _ =	vpop (xrf0);
	v6 =	vor.u32 s15, v2  }
0x2e: {  	(v2sf) =	vpush v4, $0xF;
	_ =	sdelay $0x1  }
0x2f: {  	v4 =	vsel vm5, $0x0, v3  }
0x30: {  	s16 =	spop (v2sf)  }
0x31: {  	s15 =	sshll.u32 s16, $0x4;
	[tilespmem:v6+s10+$0x0] =	vst.idx.add.f32.msk $0xffff, v5  }
0x32: {  	(xrf0) =	vadd.scan.msk.s32 $0xffff, v4;
	v4, _, _ =	vpop (xrf0);
	v6 =	vor.u32 s15, v2;
	v5 =	vld [tilespmem:s14+$0xFFFFFC80]  }
0x33: {  	(v2sf) =	vpush v4, $0xF;
	_ =	sdelay $0x1  }
0x34: {  	v4 =	vsel vm6, $0x0, v3  }
0x35: {  	s17 =	spop (v2sf)  }
0x36: {  	s15 =	sshll.u32 s17, $0x4;
	[tilespmem:v6+s10+$0x0] =	vst.idx.add.f32.msk $0xffff, v5  }
0x37: {  	(xrf0) =	vadd.scan.msk.s32 $0xffff, v4;
	v4, _, _ =	vpop (xrf0);
	v6 =	vor.u32 s15, v2;
	v5 =	vld [tilespmem:s14+$0xFFFFFD00]  }
0x38: {  	(v2sf) =	vpush v4, $0xF;
	_ =	sdelay $0x1  }
0x39: {  	v4 =	vsel vm7, $0x0, v3  }
0x3a: {  	s18 =	spop (v2sf)  }
0x3b: {  	s15 =	sshll.u32 s18, $0x4;
	[tilespmem:v6+s10+$0x0] =	vst.idx.add.f32.msk $0xffff, v5  }
0x3c: {  	(xrf0) =	vadd.scan.msk.s32 $0xffff, v4;
	v4, _, _ =	vpop (xrf0);
	v6 =	vor.u32 s15, v2;
	v5 =	vld [tilespmem:s14+$0xFFFFFD80]  }
0x3d: {  	(v2sf) =	vpush v4, $0xF;
	_ =	sdelay $0x1  }
0x3e: {  	v4 =	vsel vm8, $0x0, v3  }
0x3f: {  	s19 =	spop (v2sf)  }
0x40: {  	s15 =	sshll.u32 s19, $0x4;
	[tilespmem:v6+s10+$0x0] =	vst.idx.add.f32.msk $0xffff, v5  }
0x41: {  	(xrf0) =	vadd.scan.msk.s32 $0xffff, v4;
	v4, _, _ =	vpop (xrf0);
	v6 =	vor.u32 s15, v2;
	v5 =	vld [tilespmem:s14+$0xFFFFFE00]  }
0x42: {  	(v2sf) =	vpush v4, $0xF;
	_ =	sdelay $0x1  }
0x43: {  	v4 =	vsel vm9, $0x0, v3  }
0x44: {  	s20 =	spop (v2sf)  }
0x45: {  	s15 =	sshll.u32 s20, $0x4;
	[tilespmem:v6+s10+$0x0] =	vst.idx.add.f32.msk $0xffff, v5  }
0x46: {  	(xrf0) =	vadd.scan.msk.s32 $0xffff, v4;
	v4, _, _ =	vpop (xrf0);
	v6 =	vor.u32 s15, v2;
	v5 =	vld [tilespmem:s14+$0xFFFFFE80]  }
0x47: {  	(v2sf) =	vpush v4, $0xF;
	_ =	sdelay $0x1  }
0x48: {  	v4 =	vsel vm10, $0x0, v3  }
0x49: {  	s21 =	spop (v2sf)  }
0x4a: {  	s15 =	sshll.u32 s21, $0x4;
	[tilespmem:v6+s10+$0x0] =	vst.idx.add.f32.msk $0xffff, v5  }
0x4b: {  	(xrf0) =	vadd.scan.msk.s32 $0xffff, v4;
	v4, _, _ =	vpop (xrf0);
	v6 =	vor.u32 s15, v2;
	v5 =	vld [tilespmem:s14+$0xFFFFFF00]  }
0x4c: {  	(v2sf) =	vpush v4, $0xF;
	_ =	sdelay $0x1  }
0x4d: {  	v4 =	vsel vm11, $0x0, v3  }
0x4e: {  	s22 =	spop (v2sf)  }
0x4f: {  	s15 =	sshll.u32 s22, $0x4;
	[tilespmem:v6+s10+$0x0] =	vst.idx.add.f32.msk $0xffff, v5  }
0x50: {  	(xrf0) =	vadd.scan.msk.s32 $0xffff, v4;
	v4, _, _ =	vpop (xrf0);
	v6 =	vor.u32 s15, v2;
	v5 =	vld [tilespmem:s14+$0xFFFFFF80]  }
0x51: {  	(v2sf) =	vpush v4, $0xF;
	_ =	sdelay $0x1  }
0x52: {  	v4 =	vsel vm12, $0x0, v3  }
0x53: {  	s23 =	spop (v2sf)  }
0x54: {  	s15 =	sshll.u32 s23, $0x4;
	[tilespmem:v6+s10+$0x0] =	vst.idx.add.f32.msk $0xffff, v5  }
0x55: {  	(xrf0) =	vadd.scan.msk.s32 $0xffff, v4;
	v4, _, _ =	vpop (xrf0);
	v6 =	vor.u32 s15, v2;
	v5 =	vld [tilespmem:s14+$0x0]  }
0x56: {  	(v2sf) =	vpush v4, $0xF;
	_ =	sdelay $0x1  }
0x57: {  	v4 =	vsel vm13, $0x0, v3  }
0x58: {  	s24 =	spop (v2sf)  }
0x59: {  	s15 =	sshll.u32 s24, $0x4;
	[tilespmem:v6+s10+$0x0] =	vst.idx.add.f32.msk $0xffff, v5  }
0x5a: {  	(xrf0) =	vadd.scan.msk.s32 $0xffff, v4;
	v4, _, _ =	vpop (xrf0);
	v6 =	vor.u32 s15, v2;
	v5 =	vld [tilespmem:s14+$0x80]  }
0x5b: {  	(v2sf) =	vpush v4, $0xF;
	_ =	sdelay $0x1  }
0x5c: {  	v4 =	vsel vm14, $0x0, v3  }
0x5d: {  	s25 =	spop (v2sf)  }
0x5e: {  	s15 =	sshll.u32 s25, $0x4;
	[tilespmem:v6+s10+$0x0] =	vst.idx.add.f32.msk $0xffff, v5  }
0x5f: {  	(xrf0) =	vadd.scan.msk.s32 $0xffff, v4;
	v4, _, _ =	vpop (xrf0);
	v6 =	vor.u32 s15, v2;
	v5 =	vld [tilespmem:s14+$0x100]  }
0x60: {  	(v2sf) =	vpush v4, $0xF;
	_ =	sdelay $0x1  }
0x61: {  	v3 =	vsel vm15, $0x0, v3  }
0x62: {  	s26 =	spop (v2sf)  }
0x63: {  	s15 =	sshll.u32 s26, $0x4;
	[tilespmem:v6+s10+$0x0] =	vst.idx.add.f32.msk $0xffff, v5  }
0x64: {  	(xrf0) =	vadd.scan.msk.s32 $0xffff, v3;
	v3, _, _ =	vpop (xrf0);
	v5 =	vor.u32 s15, v2;
	v4 =	vld [tilespmem:s14+$0x180]  }
0x65: {  	(v2sf) =	vpush v3, $0xF;
	_ =	sdelay $0x2  }
0x66: {  	s28 =	spop (v2sf)  }
0x67: {  	s15 =	sshll.u32 s28, $0x4;
	[tilespmem:v5+s10+$0x0] =	vst.idx.add.f32.msk $0xffff, v4  }
0x68: {  	v3, _, _ =	vpop (xrf0);
	v5 =	vor.u32 s15, v2;
	v4 =	vld [tilespmem:s14+$0x200]  }
0x69: {  	(v2sf) =	vpush v3, $0xF;
	_ =	sdelay $0x2  }
0x6a: {  	s29 =	spop (v2sf)  }
0x6b: {  	s15 =	sshll.u32 s29, $0x4;
	[tilespmem:v5+s10+$0x0] =	vst.idx.add.f32.msk $0xffff, v4  }
0x6c: {  	v4 =	vor.u32 s15, v2;
	v3 =	vld [tilespmem:s14+$0x280];
	_ =	sdelay $0x3  }
0x6d: {  	s30 =	spop (v2sf)  }
0x6e: {  	s15 =	sshll.u32 s30, $0x4;
	[tilespmem:v4+s10+$0x0] =	vst.idx.add.f32.msk $0xffff, v3  }
0x6f: {  	v4 =	vor.u32 s15, v2;
	v3 =	vld [tilespmem:s14+$0x300];
	_ =	sdelay $0x3  }
0x70: {  	s31 =	spop (v2sf)  }
0x71: {  	s16 =	sshll.u32 s31, $0x4;
	[tilespmem:v4+s10+$0x0] =	vst.idx.add.f32.msk $0xffff, v3  }
0x72: {  	s17 =	simm.s32 $0x80;
	s15 =	simm.s32 $0x40;
	v4 =	vor.u32 s16, v2;
	v3 =	vld [tilespmem:s14+$0x380]  }
.LBB2_5:
0x73: {  	_ =	sdelay $0x2  }
0x74: {  	s18 =	sshra.s32 s15, $0x2  }
0x75: {  	s14 =	sadd.s32 $0x800, s14;
	s15 =	smov.u32 s17;
	s16 =	sadd.s32 $0x40, s17;
	[tilespmem:v4+s10+$0x0] =	vst.idx.add.f32.msk $0xffff, v3  }
0x76: {  	p0 =	sne.s32 s17, $0x1C0;
	v3 =	vld [tilespmem:s18+$0x0];
	_ =	sdelay $0x4  }
0x77: {  	v3 =	vadd.s32 v0, v3  }
0x78: {  	v3 =	vmin.u32 v3, $0x1400  }
0x79: {  	v4 =	vnsel vm0, $0x0, v3;
	v5 =	vsel vm1, $0x0, v3;
	v6 =	vsel vm2, $0x0, v3  }
0x7a: {  	v7 =	vsel vm3, $0x0, v3;
	v8 =	vsel vm4, $0x0, v3;
	v9 =	vsel vm5, $0x0, v3;
	(xrf0) =	vadd.scan.msk.s32 $0xffff, v4  }
0x7b: {  	v10 =	vsel vm7, $0x0, v3;
	v11 =	vsel vm8, $0x0, v3;
	v4 =	vsel vm6, $0x0, v3;
	(xrf0) =	vadd.scan.msk.s32 $0xffff, v5  }
0x7c: {  	v12 =	vsel vm10, $0x0, v3;
	v13 =	vsel vm11, $0x0, v3;
	v5 =	vsel vm9, $0x0, v3;
	(xrf0) =	vadd.scan.msk.s32 $0xffff, v6  }
0x7d: {  	v14 =	vsel vm13, $0x0, v3;
	v15 =	vsel vm14, $0x0, v3;
	v6 =	vsel vm12, $0x0, v3;
	(xrf0) =	vadd.scan.msk.s32 $0xffff, v7  }
0x7e: {  	v3 =	vsel vm15, $0x0, v3;
	(xrf0) =	vadd.scan.msk.s32 $0xffff, v8  }
0x7f: {  	(xrf0) =	vadd.scan.msk.s32 $0xffff, v9  }
0x80: {  	v7, _, _ =	vpop (xrf0);
	(xrf0) =	vadd.scan.msk.s32 $0xffff, v4  }
0x81: {  	(v2sf) =	vpush v7, $0xF;
	v4, _, _ =	vpop (xrf0);
	(xrf0) =	vadd.scan.msk.s32 $0xffff, v10  }
0x82: {  	(v2sf) =	vpush v4, $0xF;
	v4, _, _ =	vpop (xrf0);
	(xrf0) =	vadd.scan.msk.s32 $0xffff, v11  }
0x83: {  	(v2sf) =	vpush v4, $0xF;
	v4, _, _ =	vpop (xrf0);
	(xrf0) =	vadd.scan.msk.s32 $0xffff, v5  }
0x84: {  	(v2sf) =	vpush v4, $0xF;
	v4, _, _ =	vpop (xrf0);
	(xrf0) =	vadd.scan.msk.s32 $0xffff, v12  }
0x85: {  	(v2sf) =	vpush v4, $0xF;
	v4, _, _ =	vpop (xrf0);
	(xrf0) =	vadd.scan.msk.s32 $0xffff, v13  }
0x86: {  	(v2sf) =	vpush v4, $0xF;
	v4, _, _ =	vpop (xrf0);
	(xrf0) =	vadd.scan.msk.s32 $0xffff, v6  }
0x87: {  	(v2sf) =	vpush v4, $0xF;
	v4, _, _ =	vpop (xrf0);
	(xrf0) =	vadd.scan.msk.s32 $0xffff, v14  }
0x88: {  	(v2sf) =	vpush v4, $0xF;
	v4, _, _ =	vpop (xrf0);
	(xrf0) =	vadd.scan.msk.s32 $0xffff, v15  }
0x89: {  	(v2sf) =	vpush v4, $0xF;
	v4, _, _ =	vpop (xrf0);
	(xrf0) =	vadd.scan.msk.s32 $0xffff, v3  }
0x8a: {  	(v2sf) =	vpush v4, $0xF;
	v3, _, _ =	vpop (xrf0)  }
0x8b: {  	(v2sf) =	vpush v3, $0xF;
	v3, _, _ =	vpop (xrf0)  }
0x8c: {  	(v2sf) =	vpush v3, $0xF;
	v3, _, _ =	vpop (xrf0)  }
0x8d: {  	(v2sf) =	vpush v3, $0xF;
	v3, _, _ =	vpop (xrf0)  }
0x8e: {  	(v2sf) =	vpush v3, $0xF;
	v3, _, _ =	vpop (xrf0)  }
0x8f: {  	(v2sf) =	vpush v3, $0xF;
	v3, _, _ =	vpop (xrf0)  }
0x90: {  	s17 =	spop (v2sf);
	(v2sf) =	vpush v3, $0xF  }
0x91: {  	s17 =	sshll.u32 s17, $0x4;
	s18 =	spop (v2sf)  }
0x92: {  	v3 =	vld [tilespmem:s14+$0xFFFFFC00];
	v4 =	vor.u32 s17, v2;
	s17 =	sshll.u32 s18, $0x4;
	s18 =	spop (v2sf)  }
0x93: {  	s18 =	sshll.u32 s18, $0x4;
	s19 =	spop (v2sf)  }
0x94: {  	s28 =	sshll.u32 s19, $0x4;
	s19 =	spop (v2sf)  }
0x95: {  	s29 =	sshll.u32 s19, $0x4;
	s19 =	spop (v2sf)  }
0x96: {  	s30 =	sshll.u32 s19, $0x4;
	s19 =	spop (v2sf)  }
0x97: {  	[tilespmem:v4+s10+$0x0] =	vst.idx.add.f32.msk $0xffff, v3;
	s26 =	sshll.u32 s19, $0x4;
	s19 =	spop (v2sf)  }
0x98: {  	v4 =	vor.u32 s17, v2;
	v3 =	vld [tilespmem:s14+$0xFFFFFC80];
	s25 =	sshll.u32 s19, $0x4;
	s17 =	spop (v2sf)  }
0x99: {  	s24 =	sshll.u32 s17, $0x4;
	s17 =	spop (v2sf)  }
0x9a: {  	s23 =	sshll.u32 s17, $0x4;
	s17 =	spop (v2sf)  }
0x9b: {  	s22 =	sshll.u32 s17, $0x4;
	s17 =	spop (v2sf)  }
0x9c: {  	s21 =	sshll.u32 s17, $0x4;
	s17 =	spop (v2sf)  }
0x9d: {  	[tilespmem:v4+s10+$0x0] =	vst.idx.add.f32.msk $0xffff, v3;
	s20 =	sshll.u32 s17, $0x4;
	s17 =	spop (v2sf)  }
0x9e: {  	v4 =	vor.u32 s18, v2;
	v3 =	vld [tilespmem:s14+$0xFFFFFD00];
	s19 =	sshll.u32 s17, $0x4;
	s17 =	spop (v2sf)  }
0x9f: {  	s18 =	sshll.u32 s17, $0x4;
	s17 =	spop (v2sf)  }
0xa0: {  	s17 =	sshll.u32 s17, $0x4;
	_ =	sdelay $0x2  }
0xa1: {  	[tilespmem:v4+s10+$0x0] =	vst.idx.add.f32.msk $0xffff, v3  }
0xa2: {  	v4 =	vor.u32 s28, v2;
	v3 =	vld [tilespmem:s14+$0xFFFFFD80];
	_ =	sdelay $0x4  }
0xa3: {  	[tilespmem:v4+s10+$0x0] =	vst.idx.add.f32.msk $0xffff, v3  }
0xa4: {  	v4 =	vor.u32 s29, v2;
	v3 =	vld [tilespmem:s14+$0xFFFFFE00];
	_ =	sdelay $0x4  }
0xa5: {  	[tilespmem:v4+s10+$0x0] =	vst.idx.add.f32.msk $0xffff, v3  }
0xa6: {  	v4 =	vor.u32 s30, v2;
	v3 =	vld [tilespmem:s14+$0xFFFFFE80];
	_ =	sdelay $0x4  }
0xa7: {  	[tilespmem:v4+s10+$0x0] =	vst.idx.add.f32.msk $0xffff, v3  }
0xa8: {  	v4 =	vor.u32 s26, v2;
	v3 =	vld [tilespmem:s14+$0xFFFFFF00];
	_ =	sdelay $0x4  }
0xa9: {  	[tilespmem:v4+s10+$0x0] =	vst.idx.add.f32.msk $0xffff, v3  }
0xaa: {  	v4 =	vor.u32 s25, v2;
	v3 =	vld [tilespmem:s14+$0xFFFFFF80];
	_ =	sdelay $0x4  }
0xab: {  	[tilespmem:v4+s10+$0x0] =	vst.idx.add.f32.msk $0xffff, v3  }
0xac: {  	v4 =	vor.u32 s24, v2;
	v3 =	vld [tilespmem:s14+$0x0];
	_ =	sdelay $0x4  }
0xad: {  	[tilespmem:v4+s10+$0x0] =	vst.idx.add.f32.msk $0xffff, v3  }
0xae: {  	v4 =	vor.u32 s23, v2;
	v3 =	vld [tilespmem:s14+$0x80];
	_ =	sdelay $0x4  }
0xaf: {  	[tilespmem:v4+s10+$0x0] =	vst.idx.add.f32.msk $0xffff, v3  }
0xb0: {  	v4 =	vor.u32 s22, v2;
	v3 =	vld [tilespmem:s14+$0x100];
	_ =	sdelay $0x4  }
0xb1: {  	[tilespmem:v4+s10+$0x0] =	vst.idx.add.f32.msk $0xffff, v3  }
0xb2: {  	v4 =	vor.u32 s21, v2;
	v3 =	vld [tilespmem:s14+$0x180];
	_ =	sdelay $0x4  }
0xb3: {  	[tilespmem:v4+s10+$0x0] =	vst.idx.add.f32.msk $0xffff, v3  }
0xb4: {  	v4 =	vor.u32 s20, v2;
	v3 =	vld [tilespmem:s14+$0x200];
	_ =	sdelay $0x4  }
0xb5: {  	[tilespmem:v4+s10+$0x0] =	vst.idx.add.f32.msk $0xffff, v3  }
0xb6: {  	v4 =	vor.u32 s19, v2;
	v3 =	vld [tilespmem:s14+$0x280];
	_ =	sdelay $0x4  }
0xb7: {  	[tilespmem:v4+s10+$0x0] =	vst.idx.add.f32.msk $0xffff, v3  }
0xb8: {  	v4 =	vor.u32 s18, v2;
	v3 =	vld [tilespmem:s14+$0x300];
	_ =	sdelay $0x1  }
.Ltmp1:
0xb9: {  	(pc) =	sbr.rel @p0 .LBB2_5-.Ltmp1, $3  }
0xba: {  	_ =	sdelay $0x1  }
0xbb: {  	[tilespmem:v4+s10+$0x0] =	vst.idx.add.f32.msk $0xffff, v3  }
0xbc: {  	v4 =	vor.u32 s17, v2;
	s17 =	smov.u32 s16;
	v3 =	vld [tilespmem:s14+$0x380]  }
0xbd: {  	_ =	sdelay $0x3  }
0xbe: {  	s15 =	sshra.s32 s15, $0x2;
	[tilespmem:v4+s10+$0x0] =	vst.idx.add.f32.msk $0xffff, v3  }
0xbf: {  	v3 =	vld [tilespmem:s15+$0x0];
	_ =	sdelay $0x4  }
0xc0: {  	v3 =	vadd.s32 v0, v3  }
0xc1: {  	v3 =	vmin.u32 v3, $0x1400  }
0xc2: {  	v19 =	vnsel vm0, $0x0, v3  }
0xc3: {  	(xrf0) =	vadd.scan.msk.s32 $0xffff, v19;
	_ =	sdelay $0x4  }
0xc4: {  	v20 =	vsel vm1, $0x0, v3  }
0xc5: {  	(xrf0) =	vadd.scan.msk.s32 $0xffff, v20;
	v21, _, _ =	vpop (xrf0)  }
0xc6: {  	(v2sf) =	vpush v21, $0xF;
	_ =	sdelay $0x3  }
0xc7: {  	v22 =	vsel vm2, $0x0, v3  }
0xc8: {  	(xrf0) =	vadd.scan.msk.s32 $0xffff, v22;
	v23, _, _ =	vpop (xrf0)  }
0xc9: {  	(v2sf) =	vpush v23, $0xF;
	_ =	sdelay $0x3  }
0xca: {  	v24 =	vsel vm3, $0x0, v3  }
0xcb: {  	(xrf0) =	vadd.scan.msk.s32 $0xffff, v24;
	v25, _, _ =	vpop (xrf0)  }
0xcc: {  	(v2sf) =	vpush v25, $0xF;
	_ =	sdelay $0x2  }
0xcd: {  	s31 =	spop (v2sf)  }
0xce: {  	s14 =	sadd.s32 $0x800, s14;
	v26 =	vsel vm4, $0x0, v3;
	s15 =	sshll.u32 s31, $0x4  }
0xcf: {  	v5 =	vld [tilespmem:s14+$0xFFFFFC00];
	(xrf0) =	vadd.scan.msk.s32 $0xffff, v26;
	v27, _, _ =	vpop (xrf0);
	v6 =	vor.u32 s15, v2  }
0xd0: {  	(v2sf) =	vpush v27, $0xF;
	_ =	sdelay $0x2  }
0xd1: {  	s16 =	spop (v2sf)  }
0xd2: {  	v28 =	vsel vm5, $0x0, v3;
	s15 =	sshll.u32 s16, $0x4;
	[tilespmem:v6+s10+$0x0] =	vst.idx.add.f32.msk $0xffff, v5  }
0xd3: {  	(xrf0) =	vadd.scan.msk.s32 $0xffff, v28;
	v29, _, _ =	vpop (xrf0);
	v30 =	vor.u32 s15, v2;
	v5 =	vld [tilespmem:s14+$0xFFFFFC80]  }
0xd4: {  	(v2sf) =	vpush v29, $0xF;
	_ =	sdelay $0x2  }
0xd5: {  	s17 =	spop (v2sf)  }
0xd6: {  	v31 =	vsel vm6, $0x0, v3;
	s15 =	sshll.u32 s17, $0x4;
	[tilespmem:v30+s10+$0x0] =	vst.idx.add.f32.msk $0xffff, v5  }
0xd7: {  	(xrf0) =	vadd.scan.msk.s32 $0xffff, v31;
	v32, _, _ =	vpop (xrf0);
	v33 =	vor.u32 s15, v2;
	v5 =	vld [tilespmem:s14+$0xFFFFFD00]  }
0xd8: {  	(v2sf) =	vpush v32, $0xF;
	_ =	sdelay $0x2  }
0xd9: {  	s18 =	spop (v2sf)  }
0xda: {  	v34 =	vsel vm7, $0x0, v3;
	s15 =	sshll.u32 s18, $0x4;
	[tilespmem:v33+s10+$0x0] =	vst.idx.add.f32.msk $0xffff, v5  }
0xdb: {  	(xrf0) =	vadd.scan.msk.s32 $0xffff, v34;
	v35, _, _ =	vpop (xrf0);
	v36 =	vor.u32 s15, v2;
	v5 =	vld [tilespmem:s14+$0xFFFFFD80]  }
0xdc: {  	(v2sf) =	vpush v35, $0xF;
	_ =	sdelay $0x2  }
0xdd: {  	s19 =	spop (v2sf)  }
0xde: {  	v37 =	vsel vm8, $0x0, v3;
	s15 =	sshll.u32 s19, $0x4;
	[tilespmem:v36+s10+$0x0] =	vst.idx.add.f32.msk $0xffff, v5  }
0xdf: {  	(xrf0) =	vadd.scan.msk.s32 $0xffff, v37;
	v38, _, _ =	vpop (xrf0);
	v39 =	vor.u32 s15, v2;
	v5 =	vld [tilespmem:s14+$0xFFFFFE00]  }
0xe0: {  	(v2sf) =	vpush v38, $0xF;
	_ =	sdelay $0x2  }
0xe1: {  	s20 =	spop (v2sf)  }
0xe2: {  	v40 =	vsel vm9, $0x0, v3;
	s15 =	sshll.u32 s20, $0x4;
	[tilespmem:v39+s10+$0x0] =	vst.idx.add.f32.msk $0xffff, v5  }
0xe3: {  	(xrf0) =	vadd.scan.msk.s32 $0xffff, v40;
	v41, _, _ =	vpop (xrf0);
	v42 =	vor.u32 s15, v2;
	v5 =	vld [tilespmem:s14+$0xFFFFFE80]  }
0xe4: {  	(v2sf) =	vpush v41, $0xF;
	_ =	sdelay $0x2  }
0xe5: {  	s21 =	spop (v2sf)  }
0xe6: {  	v43 =	vsel vm10, $0x0, v3;
	s15 =	sshll.u32 s21, $0x4;
	[tilespmem:v42+s10+$0x0] =	vst.idx.add.f32.msk $0xffff, v5  }
0xe7: {  	(xrf0) =	vadd.scan.msk.s32 $0xffff, v43;
	v44, _, _ =	vpop (xrf0);
	v45 =	vor.u32 s15, v2;
	v5 =	vld [tilespmem:s14+$0xFFFFFF00]  }
0xe8: {  	(v2sf) =	vpush v44, $0xF;
	_ =	sdelay $0x2  }
0xe9: {  	s22 =	spop (v2sf)  }
0xea: {  	v46 =	vsel vm11, $0x0, v3;
	s15 =	sshll.u32 s22, $0x4;
	[tilespmem:v45+s10+$0x0] =	vst.idx.add.f32.msk $0xffff, v5  }
0xeb: {  	(xrf0) =	vadd.scan.msk.s32 $0xffff, v46;
	v47, _, _ =	vpop (xrf0);
	v48 =	vor.u32 s15, v2;
	v5 =	vld [tilespmem:s14+$0xFFFFFF80]  }
0xec: {  	(v2sf) =	vpush v47, $0xF;
	_ =	sdelay $0x2  }
0xed: {  	s23 =	spop (v2sf)  }
0xee: {  	v49 =	vsel vm12, $0x0, v3;
	s15 =	sshll.u32 s23, $0x4;
	[tilespmem:v48+s10+$0x0] =	vst.idx.add.f32.msk $0xffff, v5  }
0xef: {  	(xrf0) =	vadd.scan.msk.s32 $0xffff, v49;
	v50, _, _ =	vpop (xrf0);
	v51 =	vor.u32 s15, v2;
	v5 =	vld [tilespmem:s14+$0x0]  }
0xf0: {  	(v2sf) =	vpush v50, $0xF;
	_ =	sdelay $0x2  }
0xf1: {  	s24 =	spop (v2sf)  }
0xf2: {  	v52 =	vsel vm13, $0x0, v3;
	s15 =	sshll.u32 s24, $0x4;
	[tilespmem:v51+s10+$0x0] =	vst.idx.add.f32.msk $0xffff, v5  }
0xf3: {  	(xrf0) =	vadd.scan.msk.s32 $0xffff, v52;
	v53, _, _ =	vpop (xrf0);
	v54 =	vor.u32 s15, v2;
	v5 =	vld [tilespmem:s14+$0x80]  }
0xf4: {  	(v2sf) =	vpush v53, $0xF;
	_ =	sdelay $0x2  }
0xf5: {  	s25 =	spop (v2sf)  }
0xf6: {  	v55 =	vsel vm14, $0x0, v3;
	s15 =	sshll.u32 s25, $0x4;
	[tilespmem:v54+s10+$0x0] =	vst.idx.add.f32.msk $0xffff, v5  }
0xf7: {  	(xrf0) =	vadd.scan.msk.s32 $0xffff, v55;
	v56, _, _ =	vpop (xrf0);
	v57 =	vor.u32 s15, v2;
	v5 =	vld [tilespmem:s14+$0x100]  }
0xf8: {  	(v2sf) =	vpush v56, $0xF;
	_ =	sdelay $0x1  }
0xf9: {  	v3 =	vsel vm15, $0x0, v3  }
0xfa: {  	s26 =	spop (v2sf)  }
0xfb: {  	s15 =	sshll.u32 s26, $0x4;
	[tilespmem:v57+s10+$0x0] =	vst.idx.add.f32.msk $0xffff, v5  }
0xfc: {  	(xrf0) =	vadd.scan.msk.s32 $0xffff, v3;
	v3, _, _ =	vpop (xrf0);
	v59 =	vor.u32 s15, v2;
	v58 =	vld [tilespmem:s14+$0x180]  }
0xfd: {  	(v2sf) =	vpush v3, $0xF;
	_ =	sdelay $0x2  }
0xfe: {  	s28 =	spop (v2sf)  }
0xff: {  	s15 =	sshll.u32 s28, $0x4;
	[tilespmem:v59+s10+$0x0] =	vst.idx.add.f32.msk $0xffff, v58  }
0x100: {  	v3, _, _ =	vpop (xrf0);
	v60 =	vor.u32 s15, v2;
	v4 =	vld [tilespmem:s14+$0x200]  }
0x101: {  	(v2sf) =	vpush v3, $0xF;
	_ =	sdelay $0x2  }
0x102: {  	s29 =	spop (v2sf)  }
0x103: {  	s15 =	sshll.u32 s29, $0x4;
	[tilespmem:v60+s10+$0x0] =	vst.idx.add.f32.msk $0xffff, v4  }
0x104: {  	v61 =	vor.u32 s15, v2;
	v3 =	vld [tilespmem:s14+$0x280];
	_ =	sdelay $0x3  }
0x105: {  	s30 =	spop (v2sf)  }
0x106: {  	s15 =	sshll.u32 s30, $0x4;
	[tilespmem:v61+s10+$0x0] =	vst.idx.add.f32.msk $0xffff, v3  }
0x107: {  	v62 =	vor.u32 s15, v2;
	v3 =	vld [tilespmem:s14+$0x300];
	_ =	sdelay $0x3  }
0x108: {  	s31 =	spop (v2sf)  }
0x109: {  	s13 =	sadd.s32 $0x1, s13;
	s15 =	sshll.u32 s31, $0x4;
	[tilespmem:v62+s10+$0x0] =	vst.idx.add.f32.msk $0xffff, v3  }
0x10a: {  	p0 =	sne.s32 s13, $0x50;
	v63 =	vor.u32 s15, v2;
	v3 =	vld [tilespmem:s14+$0x380]  }
.Ltmp2:
0x10b: {  	_ = 	snop;
	(pc) =	sbr.rel @p0 .LBB2_4-.Ltmp2, $2  }
0x10c: {  	_ =	sdelay $0x2  }
0x10d: {  	[tilespmem:v63+s10+$0x0] =	vst.idx.add.f32.msk $0xffff, v3  }
0x10e: {  	s11 =	sadd.s32 $0x1, s11  }
0x10f: {  	p0 =	sne.s32 s11, s7  }
.Ltmp3:
0x110: {  	_ = 	snop;
	(pc) =	sbr.rel @p0 .LBB2_1-.Ltmp3, $4  }
0x111: {  	[hbm4b:s6+s2] =	stream.linear.scatter [tilespmem:s10], [sflag:$0x1], $0x14080, $0x38;
	[tilespmem:$0x18100] =	vst v63  }
0x112: {  	_ =	swait.ge [sflag:s8], $0x14080  }
0x113: {  	[sflag:s8] =	ssyncset.done $0x0  }
0x114: {  	[sflag:s8] =	ssyncadd.s32 $0xFFFEBF80  }
0x115: {  	_ =	sfence.sel $0x180000  }
0x116: {  	[bflag:$0x0] =	sbarrier.arrive $0xFFFF  }
0x117: {  	p0 =	sne.s32 s1, $0x0;
	_ =	strace $0x90000053  }
0x118: {  	s0 =	sadd.s32 @!p0 $0x100000, s0;
	[bflag:$0x2] =	sbarrier.arrive $0xFFFF  }
0x119: {  	[sflag:s0] =	ssyncadd.tile.s32 @!p0 $0x1;
	_ =	shalt  }
.Lfunc_end2:
_tile_overlayer_lowered:
.L_overlay_start_2:
0x11a: {  	(tag) =	ssettag $0x2  }
0x11b: {  	s0 =	rddreg [dreg:$0x0];
	s2 =	stileid.u32  }
0x11c: {  	s1 =	rddreg [dreg:$0x1];
	p0 =	sne.s32 s2, $0x0  }
0x11d: {  	s3 =	rddreg [dreg:$0x2];
	[bflag:$0x3] =	sbarrier.arrive $0xFFFF;
	s2 =	simm.s32 @!p0 $0x1C01  }
0x11e: {  	[timem:s3], [sflag:s2] =	dma.local @!p0 [hbm:s0], s1  }
0x11f: {  	s0 =	simm.s32 @!p0 $0x1  }
0x120: {  	_ =	swait.ge @!p0 [sflag:s0], s1  }
0x121: {  	s1 =	ssub.s32 @!p0 $0x0, s1;
	[sflag:s0] =	ssyncset.done @!p0 $0x0  }
0x122: {  	[sflag:s0] =	ssyncadd.s32 @!p0 s1  }
0x123: {  	[bflag:$0x3] =	sbarrier.arrive $0xFFFF  }
0x124: {  	_ =	shalt  }

// kernel: kernel.43.cloned.1.call-start
scs
__scs_entry_jumppad:
0x0: {  	(pc) =	sbr.rel $0x88, $3  }
0x1: {  	(tag) =	ssettag $0x0;
	lr =	simm.s32 $0x1  }
0x2: {  	[smem:$0x3F8A] =	sst lr;
	_ =	strace $0xD0000000  }
0x3: {  	_ = 	snop  }
0x4: {  	_ = 	snop  }
0x5: {  	_ = 	snop  }
0x6: {  	_ = 	snop  }
0x7: {  	_ = 	snop  }
__scs_overlays_trampoline_lowered:
0x8: {  	[smem:$0x3F99] =	sst s0  }
0x9: {  	[smem:$0x3F9A] =	sst s1  }
0xa: {  	[smem:$0x3F9B] =	sst s2  }
0xb: {  	[smem:$0x3F9C] =	sst s3  }
0xc: {  	[smem:$0x3F9D] =	sst s4  }
0xd: {  	[smem:$0x3F9E] =	sst s5  }
0xe: {  	[smem:$0x3F9F] =	sst s6  }
0xf: {  	[smem:$0x3FA0] =	sst s7  }
0x10: {  	[smem:$0x3FA1] =	sst s8  }
0x11: {  	[smem:$0x3FA2] =	sst s9;
	s0 =	simm.s32 @!p0 $0x0  }
0x12: {  	s1 =	sld [smem:$0x3F88];
	s0 =	simm.s32 @p0 $0x1  }
0x13: {  	[smem:$0x3FA3] =	sst s0;
	s0 =	simm.s32 @!p1 $0x0  }
0x14: {  	s2 =	sld [smem:$0x3F87];
	s0 =	simm.s32 @p1 $0x1  }
0x15: {  	[smem:$0x3FA4] =	sst s0;
	s0 =	simm.s32 @!p2 $0x0  }
0x16: {  	s3 =	sld [smem:$0x3FDB];
	s0 =	simm.s32 @p2 $0x1  }
0x17: {  	s4 =	simm.s32 $0x1BF5;
	[smem:$0x3FA6] =	sst s0  }
0x18: {  	s0 =	sld [smem:$0x3F89];
	_ =	swait.ge [sflag:s4], $0x0  }
0x19: {  	s7 =	sld [smem:$0x3F8A]  }
0x1a: {  	s8 =	sadd.s32 $0xFFFFE003, lr  }
0x1b: {  	s9 =	sadd.s32 $0xFFFFFEF7, lr;
	s5 =	simm.s32 $0xFFFFFFFF;
	p2 =	slt.u32 s8, $0xFFFFF086  }
0x1c: {  	p1 =	slt.u32 s9, $0xF7A;
	s5 =	simm.s32 @!p2 $0x0  }
0x1d: {  	s5 =	simm.s32 @p1 $0x1;
	p0 =	seq.s32 s7, s2  }
0x1e: {  	s7 =	smul.u32 @!p0 $0xF7A, s2;
	p2 =	seq.s32 @!p0 s5, $0x0  }
0x1f: {  	s9 =	smul.u32 $0xF7A, s1;
	s8 =	simm.s32 @!p0 $0x1BF5;
	p2 =	por !p2, p0  }
0x20: {  	[sflag:s8] =	ssyncset.s32 @!p0 $0xFFFFF086;
	s6 =	sadd.s32 @!p0 s3, s7;
	s7 =	simm.s32 @!p0 $0x108  }
0x21: {  	s3 =	sadd.s32 s3, s9;
	s6 =	sadd.s32 @!p0 $0x88, s6;
	s7 =	simm.s32 @p2 $0x1082  }
0x22: {  	[simem:s7], [sflag:s8] =	dma.local @!p0 [hbm:s6], $0xF7A  }
0x23: {  	s9 =	sor.u32 $0xD0000000, s2;
	s6 =	simm.s32 $0x108;
	_ =	swait.ge @!p0 [sflag:s8], $0x0  }
0x24: {  	s3 =	sadd.s32 $0x88, s3;
	s6 =	simm.s32 @!p1 $0x1082;
	[sflag:s4] =	ssyncset.s32 $0xFFFFF086  }
0x25: {  	[simem:s6], [sflag:s4] =	dma.local [hbm:s3], $0xF7A  }
0x26: {  	[smem:$0x3F8A] =	sst s1;
	(tag) =	ssettag s2;
	_ =	strace s9  }
0x27: {  	s1 =	sld [smem:$0x3F9A]  }
0x28: {  	s2 =	sld [smem:$0x3F9B]  }
0x29: {  	s4 =	sld [smem:$0x3F9D]  }
0x2a: {  	p0 =	seq.s32 s5, $0x0;
	s5 =	sld [smem:$0x3F9E]  }
0x2b: {  	s6 =	sld [smem:$0x3F9F]  }
0x2c: {  	s7 =	sld [smem:$0x3FA0]  }
0x2d: {  	s3 =	simm.s32 $0x108;
	s8 =	sld [smem:$0x3FA1]  }
0x2e: {  	s3 =	simm.s32 @!p0 $0x1082;
	s9 =	sld [smem:$0x3FA2]  }
0x2f: {  	lr =	sadd.s32 s0, s3;
	s0 =	sld [smem:$0x3F99]  }
0x30: {  	s3 =	sld [smem:$0x3F9C]  }
0x31: {  	[smem:$0x3FA5] =	sst s10  }
0x32: {  	s10 =	sld [smem:$0x3FA3];
	_ =	sdelay $0x3  }
0x33: {  	p0 =	seq.s32 s10, $0x1;
	s10 =	sld [smem:$0x3FA5];
	_ =	sdelay $0x3  }
0x34: {  	[smem:$0x3FA5] =	sst s10  }
0x35: {  	s10 =	sld [smem:$0x3FA4];
	_ =	sdelay $0x3  }
0x36: {  	p1 =	seq.s32 s10, $0x1;
	s10 =	sld [smem:$0x3FA5];
	_ =	sdelay $0x3  }
0x37: {  	[smem:$0x3FA5] =	sst s10  }
0x38: {  	s10 =	sld [smem:$0x3FA6]  }
0x39: {  	_ = 	snop;
	(pc) =	sbr.ind lr, $3  }
0x3a: {  	_ = 	snop  }
0x3b: {  	_ = 	snop  }
0x3c: {  	p2 =	seq.s32 s10, $0x1;
	s10 =	sld [smem:$0x3FA5]  }
0x3d: {  	_ =	shalt  }
0x3e: {  	_ =	shalt  }
0x3f: {  	_ =	shalt  }
0x40: {  	_ =	shalt  }
0x41: {  	_ =	shalt  }
0x42: {  	_ =	shalt  }
0x43: {  	_ =	shalt  }
0x44: {  	_ =	shalt  }
0x45: {  	_ =	shalt  }
0x46: {  	_ =	shalt  }
0x47: {  	_ =	shalt  }
0x48: {  	_ =	shalt  }
0x49: {  	_ =	shalt  }
0x4a: {  	_ =	shalt  }
0x4b: {  	_ =	shalt  }
0x4c: {  	_ =	shalt  }
0x4d: {  	_ =	shalt  }
0x4e: {  	_ =	shalt  }
0x4f: {  	_ =	shalt  }
0x50: {  	_ =	shalt  }
0x51: {  	_ =	shalt  }
0x52: {  	_ =	shalt  }
0x53: {  	_ =	shalt  }
0x54: {  	_ =	shalt  }
0x55: {  	_ =	shalt  }
0x56: {  	_ =	shalt  }
0x57: {  	_ =	shalt  }
0x58: {  	_ =	shalt  }
0x59: {  	_ =	shalt  }
0x5a: {  	_ =	shalt  }
0x5b: {  	_ =	shalt  }
0x5c: {  	_ =	shalt  }
0x5d: {  	_ =	shalt  }
0x5e: {  	_ =	shalt  }
0x5f: {  	_ =	shalt  }
0x60: {  	_ =	shalt  }
0x61: {  	_ =	shalt  }
0x62: {  	_ =	shalt  }
0x63: {  	_ =	shalt  }
0x64: {  	_ =	shalt  }
0x65: {  	_ =	shalt  }
0x66: {  	_ =	shalt  }
0x67: {  	_ =	shalt  }
0x68: {  	_ =	shalt  }
0x69: {  	_ =	shalt  }
0x6a: {  	_ =	shalt  }
0x6b: {  	_ =	shalt  }
0x6c: {  	_ =	shalt  }
0x6d: {  	_ =	shalt  }
0x6e: {  	_ =	shalt  }
0x6f: {  	_ =	shalt  }
0x70: {  	_ =	shalt  }
0x71: {  	_ =	shalt  }
0x72: {  	_ =	shalt  }
0x73: {  	_ =	shalt  }
0x74: {  	_ =	shalt  }
0x75: {  	_ =	shalt  }
0x76: {  	_ =	shalt  }
0x77: {  	_ =	shalt  }
0x78: {  	_ =	shalt  }
0x79: {  	_ =	shalt  }
0x7a: {  	_ =	shalt  }
0x7b: {  	_ =	shalt  }
0x7c: {  	_ =	shalt  }
0x7d: {  	_ =	shalt  }
0x7e: {  	_ =	shalt  }
0x7f: {  	_ =	shalt  }
0x80: {  	_ =	shalt  }
0x81: {  	_ =	shalt  }
0x82: {  	_ =	shalt  }
0x83: {  	_ =	shalt  }
0x84: {  	_ =	shalt  }
0x85: {  	_ =	shalt  }
0x86: {  	_ =	shalt  }
0x87: {  	_ =	shalt  }
.Lfunc_end0:
.L_simem_size_0:
called_computation.5_lowered:
.L_overlay_start_0:
0x88: {  	s2 =	sld [smem:$0x3FD9]  }
0x89: {  	s3 =	sld [smem:$0x3FFE];
	_ =	sdelay $0x1  }
0x8a: {  	s1 =	srdreg.scid  }
0x8b: {  	s0 =	sand.u32 $0x1, s1  }
0x8c: {  	s14 =	sshll.u32 s0, $0xA;
	s2 =	sadd.s32 s3, s2  }
0x8d: {  	s2 =	sadd.s32 s2, s14  }
0x8e: {  	[smem:$0x3FB1] =	sst s2  }
0x8f: {  	_ = 	snop  }
0x90: {  	s2 =	sld [smem:$0x3FD0];
	_ =	sdelay $0x2  }
0x91: {  	s15 =	simm.s32 $0xB;
	s4 =	simm.s32 $0x10  }
0x92: {  	[smem:s4], [sflag:s15] =	dma.local [hbm:s2], $0x1  }
0x93: {  	_ =	swait.eq [sflag:s15], $0x1  }
0x94: {  	[sflag:s15] =	ssyncset.done $0x0  }
0x95: {  	s16 =	sld [smem:$0x10];
	[sflag:s15] =	ssyncadd.s32 $0xFFFFFFFF  }
0x96: {  	s17 =	sld [smem:$0x11];
	(tm) =	ssettm $0x1  }
0x97: {  	s18 =	sld [smem:$0x3FFB];
	_ =	sdelay $0x3  }
0x98: {  	_ =	strace s18  }
0x99: {  	s4 =	sld [smem:$0x3FFC];
	_ =	sdelay $0x3  }
0x9a: {  	_ =	strace s4  }
0x9b: {  	s4 =	sld [smem:$0x3FFD];
	_ =	sdelay $0x3  }
0x9c: {  	_ =	strace s4  }
0x9d: {  	_ =	strace $0x8FFFFFFF  }
0x9e: {  	s19 =	sld [smem:$0x3FDB];
	_ =	sdelay $0x1  }
0x9f: {  	s5 =	simm.s32 $_scs_section_size  }
0xa0: {  	s6 =	simm.s32 $_size__tile_overlayer_lowered;
	s7 =	simm.s32 $_tile_overlayer_lowered  }
0xa1: {  	s22 =	simm.s32 $0x1BFF;
	s21 =	sshll.u32 s7, $0x1;
	s4 =	sadd.s32 s5, s19  }
0xa2: {  	s8 =	simm.s32 $0x0;
	s20 =	sshll.u32 s6, $0x1;
	s6 =	sadd.s32 s21, s4  }
0xa3: {  	[timem:s8], [sflag:s22] =	dma.local [hbm:s6], s20  }
0xa4: {  	_ =	swait.ge [sflag:s22], s20  }
0xa5: {  	s5 =	ssub.s32 $0x0, s20;
	[sflag:s22] =	ssyncset.done $0x0  }
0xa6: {  	[sflag:s22] =	ssyncadd.s32 s5;
	_ =	sdelay $0x1  }
0xa7: {  	s23 =	simm.s32 $0x1B8B  }
0xa8: {  	_ =	swait.ge [sflag:s23], $0x1  }
0xa9: {  	[sflag:s23] =	ssyncset.done $0x0  }
0xaa: {  	s25 =	simm.s32 $0x1B8E;
	s24 =	sld [smem:$0x3FFE];
	[sflag:s23] =	ssyncadd.s32 $0xFFFFFFFF  }
0xab: {  	s26 =	simm.s32 $execute0_lowered;
	[smem:$0x3FD2] =	sst s25  }
0xac: {  	s6 =	sshll.u32 s26, $0x1;
	_ =	strace $0x80000055;
	[dreg:$0x1] =	wrdreg $0xFFFFFFFF  }
0xad: {  	s28 =	simm.s32 $_size_execute0_lowered;
	s4 =	sadd.s32 s4, s6;
	[dreg:$0x0] =	wrdreg $0x0  }
0xae: {  	s6 =	sshll.u32 s28, $0x1;
	[dreg:$0x2] =	wrdreg s4  }
0xaf: {  	[dreg:$0x3] =	wrdreg s6  }
0xb0: {  	[dreg:$0x4] =	wrdreg $0xC0  }
0xb1: {  	_ =	task [dreg:s8], $0x5FFFF  }
0xb2: {  	[dreg:$0x1] =	wrdreg $0xFFFFFFFF  }
0xb3: {  	[dreg:$0x0] =	wrdreg $0x60  }
0xb4: {  	[dreg:$0x2] =	wrdreg s17  }
0xb5: {  	[dreg:$0x3] =	wrdreg s16  }
0xb6: {  	[dreg:$0x4] =	wrdreg s24  }
0xb7: {  	[dreg:$0x5] =	wrdreg $0x9  }
0xb8: {  	_ =	task.clear_ibuf [dreg:s8], $0x6FFFF;
	_ =	strace $0x90000055  }
0xb9: {  	s29 =	simm.s32 $0x9;
	_ =	strace $0x80000057  }
0xba: {  	_ =	swait.ge [sflag:s29], $0x1  }
0xbb: {  	[sflag:s29] =	ssyncadd.s32 $0xFFFFFFFF  }
0xbc: {  	_ =	strace $0x90000057  }
0xbd: {  	_ =	sfence  }
0xbe: {  	s30 =	sld [smem:$0x0];
	_ =	sdelay $0x2  }
0xbf: {  	s31 =	sshll.u32 s1, $0xD;
	s1 =	sshrl.u32 s1, $0x2  }
0xc0: {  	s3 =	sand.u32 $0x4000, s31;
	s1 =	sadd.s32 s1, s30  }
0xc1: {  	s0 =	sor.u32 s3, s0;
	s1 =	sshll.u32 s1, $0x11  }
0xc2: {  	s0 =	sor.u32 s1, s0  }
0xc3: {  	s0 =	sadd.s32 $0x8F2B, s0  }
0xc4: {  	[sflag:s0] =	ssyncadd.remote.s32 $0x1  }
0xc5: {  	_ =	sfence.sel $0xFFFF  }
0xc6: {  	[dreg:$0x0] =	wrdreg $0xFFFFFFFF;
	(pc) =	sbr.abs _section_cstart, $3  }
0xc7: {  	[dreg:$0x1] =	wrdreg $0xFFFFFFFF  }
0xc8: {  	_ =	task.clear_ibuf [dreg:s8], $0x2FFFF;
	_ =	strace $0x9FFFFFFF  }
0xc9: {  	(tm) =	ssettm $0x7FFFFFFF  }
tec
execute0_lowered:
.L_overlay_start_1:
0x0: {  	(tag) =	ssettag $0x1  }
0x1: {  	s1 =	rddreg [dreg:$0x0]  }
0x2: {  	s3 =	rddreg [dreg:$0x1]  }
0x3: {  	s5 =	rddreg [dreg:$0x2]  }
0x4: {  	s0 =	rddreg [dreg:$0x3]  }
0x5: {  	s6 =	srdreg.scid;
	s2 =	stileid.u32;
	s4 =	simm.s32 $0x0  }
0x6: {  	s12 =	simm.s32 $0x100;
	s13 =	simm.s32 $0x4100;
	s7 =	smul.u32 $0x2800, s2  }
0x7: {  	s14 =	simm.s32 $0x1;
	s6 =	sand.u32 $0x1, s6;
	s9 =	smul.u32 $0x28000, s2  }
0x8: {  	s15 =	simm.s32 $0x2;
	s16 =	simm.s32 $0x0;
	s8 =	smul.u32 $0x1400, s6  }
0x9: {  	[smem:$0x7FF] =	sst s4;
	s29 =	ssub.s32 $0x2, s6;
	s6 =	smul.u32 $0x14000, s6  }
0xa: {  	_ =	strace $0x80000056;
	s9 =	sadd.s32 s9, s5;
	s10 =	sshrl.u32 s29, $0x1  }
0xb: {  	s7 =	sadd.s32 s8, s7;
	s30 =	ssub.s32 s29, s10;
	s31 =	sadd.s32 s6, s9  }
0xc: {  	s10 =	simm.s32 $0x3;
	s7 =	sshrl.u32 s7, $0x3;
	s6 =	sadd.s32 $0xCE200, s31  }
0xd: {  	s11 =	sadd.s32 s7, s5;
	s5 =	smax.u32 s30, $0x1;
	s7 =	sadd.s32 $0x5C2400, s31  }
0xe: {  	s8 =	sadd.s32 $0x3B600, s11;
	s9 =	sadd.s32 $0x45600, s11;
	s11 =	simm.s32 $0x80  }
.LBB2_1:
0xf: {  	s17 =	sadd.s32 $0x0, s9  }
0x10: {  	[tilespmem:s4], [sflag:$0x3] =	stream.linear.gather [hbm4b:s17+s4], $0x80, $0x38;
	[tilespmem:$0x8100] =	vst v63  }
0x11: {  	_ =	swait.ge [sflag:s10], $0x80  }
0x12: {  	[sflag:s10] =	ssyncset.done $0x0  }
0x13: {  	s31 =	sadd.s32 $0x0, s8;
	[sflag:s10] =	ssyncadd.s32 $0xFFFFFF80  }
0x14: {  	[tilespmem:s11], [sflag:$0x3] =	stream.linear.gather [hbm4b:s31+s4], $0x80, $0x38;
	[tilespmem:$0x8100] =	vst v63  }
0x15: {  	_ =	swait.ge [sflag:s10], $0x80  }
0x16: {  	[sflag:s10] =	ssyncset.done $0x0  }
0x17: {  	[sflag:s10] =	ssyncadd.s32 $0xFFFFFF80  }
0x18: {  	[tilespmem:s12], [sflag:$0x1] =	stream.indirect.gather [hbm4b:s1+s11], $0x80, s4, s11, $0xb8;
	[tilespmem:$0x8100] =	vst v63  }
0x19: {  	_ = 	snop  }
0x1a: {  	[tilespmem:s13], [sflag:$0x2] =	stream.indirect.gather [hbm4b:s3+s11], $0x80, s11, s11, $0xb8;
	[tilespmem:$0x8100] =	vst v63  }
0x1b: {  	_ =	swait.ge [sflag:s14], $0x4000  }
0x1c: {  	[sflag:s14] =	ssyncset.done $0x0  }
0x1d: {  	[sflag:s14] =	ssyncadd.s32 $0xFFFFC000  }
0x1e: {  	_ =	swait.ge [sflag:s15], $0x4000  }
0x1f: {  	[sflag:s15] =	ssyncset.done $0x0  }
0x20: {  	[sflag:s15] =	ssyncadd.s32 $0xFFFFC000  }
0x21: {  	[hbm4b:s6+s4] =	stream.linear.scatter [tilespmem:s12], [sflag:$0x3], $0x4000, $0x38;
	[tilespmem:$0x8100] =	vst v63  }
0x22: {  	_ =	swait.ge [sflag:s10], $0x4000  }
0x23: {  	[sflag:s10] =	ssyncset.done $0x0  }
0x24: {  	[sflag:s10] =	ssyncadd.s32 $0xFFFFC000  }
0x25: {  	[hbm4b:s7+s4] =	stream.linear.scatter [tilespmem:s13], [sflag:$0x3], $0x4000, $0x38;
	[tilespmem:$0x8100] =	vst v63  }
0x26: {  	s19 =	simm.s32 $0x10;
	s20 =	simm.s32 $0x20;
	_ =	swait.ge [sflag:s10], $0x4000  }
0x27: {  	s18 =	sadd.s32 $0x800, s6;
	s17 =	sadd.s32 $0x800, s7;
	[sflag:s10] =	ssyncset.done $0x0  }
.LBB2_2:
0x28: {  	s21 =	sadd.s32 s19, s9  }
0x29: {  	[sflag:s10] =	ssyncadd.s32 $0xFFFFC000;
	s22 =	smov.u32 s20;
	s23 =	sadd.s32 $0x10, s20  }
0x2a: {  	[tilespmem:s4], [sflag:$0x3] =	stream.linear.gather [hbm4b:s21+s4], $0x80, $0x38;
	[tilespmem:$0x8100] =	vst v63  }
0x2b: {  	p0 =	sne.s32 s20, $0x270;
	_ =	swait.ge [sflag:s10], $0x80  }
0x2c: {  	[sflag:s10] =	ssyncset.done $0x0  }
0x2d: {  	s20 =	sadd.s32 s19, s8;
	s19 =	smov.u32 s22;
	[sflag:s10] =	ssyncadd.s32 $0xFFFFFF80  }
0x2e: {  	[tilespmem:s11], [sflag:$0x3] =	stream.linear.gather [hbm4b:s20+s4], $0x80, $0x38;
	[tilespmem:$0x8100] =	vst v63  }
0x2f: {  	_ =	swait.ge [sflag:s10], $0x80  }
0x30: {  	[sflag:s10] =	ssyncset.done $0x0  }
0x31: {  	[sflag:s10] =	ssyncadd.s32 $0xFFFFFF80  }
0x32: {  	[tilespmem:s12], [sflag:$0x1] =	stream.indirect.gather [hbm4b:s1+s11], $0x80, s4, s11, $0xb8;
	[tilespmem:$0x8100] =	vst v63  }
0x33: {  	_ = 	snop  }
0x34: {  	[tilespmem:s13], [sflag:$0x2] =	stream.indirect.gather [hbm4b:s3+s11], $0x80, s11, s11, $0xb8;
	[tilespmem:$0x8100] =	vst v63  }
0x35: {  	_ =	swait.ge [sflag:s14], $0x4000  }
0x36: {  	[sflag:s14] =	ssyncset.done $0x0  }
0x37: {  	[sflag:s14] =	ssyncadd.s32 $0xFFFFC000  }
0x38: {  	_ =	swait.ge [sflag:s15], $0x4000  }
0x39: {  	[sflag:s15] =	ssyncset.done $0x0  }
0x3a: {  	[sflag:s15] =	ssyncadd.s32 $0xFFFFC000  }
0x3b: {  	[hbm4b:s18+s4] =	stream.linear.scatter [tilespmem:s12], [sflag:$0x3], $0x4000, $0x38;
	[tilespmem:$0x8100] =	vst v63  }
0x3c: {  	_ =	swait.ge [sflag:s10], $0x4000  }
.Ltmp0:
0x3d: {  	[sflag:s10] =	ssyncset.done $0x0;
	(pc) =	sbr.rel @p0 .LBB2_2-.Ltmp0, $4  }
0x3e: {  	[sflag:s10] =	ssyncadd.s32 $0xFFFFC000  }
0x3f: {  	[hbm4b:s17+s4] =	stream.linear.scatter [tilespmem:s13], [sflag:$0x3], $0x4000, $0x38;
	[tilespmem:$0x8100] =	vst v63  }
0x40: {  	s20 =	smov.u32 s23;
	_ =	swait.ge [sflag:s10], $0x4000  }
0x41: {  	s18 =	sadd.s32 $0x800, s18;
	s17 =	sadd.s32 $0x800, s17;
	[sflag:s10] =	ssyncset.done $0x0  }
0x42: {  	s20 =	sadd.s32 s19, s9;
	[sflag:s10] =	ssyncadd.s32 $0xFFFFC000  }
0x43: {  	[tilespmem:s4], [sflag:$0x3] =	stream.linear.gather [hbm4b:s20+s4], $0x80, $0x38;
	[tilespmem:$0x8100] =	vst v63  }
0x44: {  	_ =	swait.ge [sflag:s10], $0x80  }
0x45: {  	[sflag:s10] =	ssyncset.done $0x0  }
0x46: {  	s31 =	sadd.s32 s19, s8;
	[sflag:s10] =	ssyncadd.s32 $0xFFFFFF80  }
0x47: {  	[tilespmem:s11], [sflag:$0x3] =	stream.linear.gather [hbm4b:s31+s4], $0x80, $0x38;
	[tilespmem:$0x8100] =	vst v63  }
0x48: {  	_ =	swait.ge [sflag:s10], $0x80  }
0x49: {  	[sflag:s10] =	ssyncset.done $0x0  }
0x4a: {  	[sflag:s10] =	ssyncadd.s32 $0xFFFFFF80  }
0x4b: {  	[tilespmem:s12], [sflag:$0x1] =	stream.indirect.gather [hbm4b:s1+s11], $0x80, s4, s11, $0xb8;
	[tilespmem:$0x8100] =	vst v63  }
0x4c: {  	_ = 	snop  }
0x4d: {  	[tilespmem:s13], [sflag:$0x2] =	stream.indirect.gather [hbm4b:s3+s11], $0x80, s11, s11, $0xb8;
	[tilespmem:$0x8100] =	vst v63  }
0x4e: {  	_ =	swait.ge [sflag:s14], $0x4000  }
0x4f: {  	[sflag:s14] =	ssyncset.done $0x0  }
0x50: {  	[sflag:s14] =	ssyncadd.s32 $0xFFFFC000  }
0x51: {  	_ =	swait.ge [sflag:s15], $0x4000  }
0x52: {  	[sflag:s15] =	ssyncset.done $0x0  }
0x53: {  	[sflag:s15] =	ssyncadd.s32 $0xFFFFC000  }
0x54: {  	[hbm4b:s18+s4] =	stream.linear.scatter [tilespmem:s12], [sflag:$0x3], $0x4000, $0x38;
	[tilespmem:$0x8100] =	vst v63  }
0x55: {  	s16 =	sadd.s32 $0x1, s16;
	_ =	swait.ge [sflag:s10], $0x4000  }
0x56: {  	p0 =	sne.s32 s16, s5;
	[sflag:s10] =	ssyncset.done $0x0  }
.Ltmp1:
0x57: {  	[sflag:s10] =	ssyncadd.s32 $0xFFFFC000;
	(pc) =	sbr.rel @p0 .LBB2_1-.Ltmp1, $4  }
0x58: {  	[hbm4b:s17+s4] =	stream.linear.scatter [tilespmem:s13], [sflag:$0x3], $0x4000, $0x38;
	[tilespmem:$0x8100] =	vst v63  }
0x59: {  	_ =	swait.ge [sflag:s10], $0x4000  }
0x5a: {  	[sflag:s10] =	ssyncset.done $0x0  }
0x5b: {  	[sflag:s10] =	ssyncadd.s32 $0xFFFFC000  }
0x5c: {  	_ =	sfence.sel $0x180000  }
0x5d: {  	[bflag:$0x0] =	sbarrier.arrive $0xFFFF  }
0x5e: {  	p0 =	sne.s32 s2, $0x0;
	_ =	strace $0x90000056  }
0x5f: {  	s0 =	sadd.s32 @!p0 $0x100000, s0;
	[bflag:$0x2] =	sbarrier.arrive $0xFFFF  }
0x60: {  	[sflag:s0] =	ssyncadd.tile.s32 @!p0 $0x1;
	_ =	shalt  }
.Lfunc_end2:
_tile_overlayer_lowered:
.L_overlay_start_2:
0x61: {  	(tag) =	ssettag $0x2  }
0x62: {  	s0 =	rddreg [dreg:$0x0];
	s2 =	stileid.u32  }
0x63: {  	s1 =	rddreg [dreg:$0x1];
	p0 =	sne.s32 s2, $0x0  }
0x64: {  	s3 =	rddreg [dreg:$0x2];
	[bflag:$0x3] =	sbarrier.arrive $0xFFFF;
	s2 =	simm.s32 @!p0 $0x1C03  }
0x65: {  	[timem:s3], [sflag:s2] =	dma.local @!p0 [hbm:s0], s1  }
0x66: {  	s0 =	simm.s32 @!p0 $0x3  }
0x67: {  	_ =	swait.ge @!p0 [sflag:s0], s1  }
0x68: {  	s1 =	ssub.s32 @!p0 $0x0, s1;
	[sflag:s0] =	ssyncset.done @!p0 $0x0  }
0x69: {  	[sflag:s0] =	ssyncadd.s32 @!p0 s1  }
0x6a: {  	[bflag:$0x3] =	sbarrier.arrive $0xFFFF  }
0x6b: {  	_ =	shalt  }

// kernel: kernel.46.cloned.1.call-start
scs
__scs_entry_jumppad:
0x0: {  	(pc) =	sbr.rel $0x88, $3  }
0x1: {  	(tag) =	ssettag $0x0;
	lr =	simm.s32 $0x1  }
0x2: {  	[smem:$0x3F8A] =	sst lr;
	_ =	strace $0xD0000000  }
0x3: {  	_ = 	snop  }
0x4: {  	_ = 	snop  }
0x5: {  	_ = 	snop  }
0x6: {  	_ = 	snop  }
0x7: {  	_ = 	snop  }
__scs_overlays_trampoline_lowered:
0x8: {  	[smem:$0x3F99] =	sst s0  }
0x9: {  	[smem:$0x3F9A] =	sst s1  }
0xa: {  	[smem:$0x3F9B] =	sst s2  }
0xb: {  	[smem:$0x3F9C] =	sst s3  }
0xc: {  	[smem:$0x3F9D] =	sst s4  }
0xd: {  	[smem:$0x3F9E] =	sst s5  }
0xe: {  	[smem:$0x3F9F] =	sst s6  }
0xf: {  	[smem:$0x3FA0] =	sst s7  }
0x10: {  	[smem:$0x3FA1] =	sst s8  }
0x11: {  	[smem:$0x3FA2] =	sst s9;
	s0 =	simm.s32 @!p0 $0x0  }
0x12: {  	s1 =	sld [smem:$0x3F88];
	s0 =	simm.s32 @p0 $0x1  }
0x13: {  	[smem:$0x3FA3] =	sst s0;
	s0 =	simm.s32 @!p1 $0x0  }
0x14: {  	s2 =	sld [smem:$0x3F87];
	s0 =	simm.s32 @p1 $0x1  }
0x15: {  	[smem:$0x3FA4] =	sst s0;
	s0 =	simm.s32 @!p2 $0x0  }
0x16: {  	s3 =	sld [smem:$0x3FDB];
	s0 =	simm.s32 @p2 $0x1  }
0x17: {  	s4 =	simm.s32 $0x1BF5;
	[smem:$0x3FA6] =	sst s0  }
0x18: {  	s0 =	sld [smem:$0x3F89];
	_ =	swait.ge [sflag:s4], $0x0  }
0x19: {  	s7 =	sld [smem:$0x3F8A]  }
0x1a: {  	s8 =	sadd.s32 $0xFFFFE003, lr  }
0x1b: {  	s9 =	sadd.s32 $0xFFFFFEF7, lr;
	s5 =	simm.s32 $0xFFFFFFFF;
	p2 =	slt.u32 s8, $0xFFFFF086  }
0x1c: {  	p1 =	slt.u32 s9, $0xF7A;
	s5 =	simm.s32 @!p2 $0x0  }
0x1d: {  	s5 =	simm.s32 @p1 $0x1;
	p0 =	seq.s32 s7, s2  }
0x1e: {  	s7 =	smul.u32 @!p0 $0xF7A, s2;
	p2 =	seq.s32 @!p0 s5, $0x0  }
0x1f: {  	s9 =	smul.u32 $0xF7A, s1;
	s8 =	simm.s32 @!p0 $0x1BF5;
	p2 =	por !p2, p0  }
0x20: {  	[sflag:s8] =	ssyncset.s32 @!p0 $0xFFFFF086;
	s6 =	sadd.s32 @!p0 s3, s7;
	s7 =	simm.s32 @!p0 $0x108  }
0x21: {  	s3 =	sadd.s32 s3, s9;
	s6 =	sadd.s32 @!p0 $0x88, s6;
	s7 =	simm.s32 @p2 $0x1082  }
0x22: {  	[simem:s7], [sflag:s8] =	dma.local @!p0 [hbm:s6], $0xF7A  }
0x23: {  	s9 =	sor.u32 $0xD0000000, s2;
	s6 =	simm.s32 $0x108;
	_ =	swait.ge @!p0 [sflag:s8], $0x0  }
0x24: {  	s3 =	sadd.s32 $0x88, s3;
	s6 =	simm.s32 @!p1 $0x1082;
	[sflag:s4] =	ssyncset.s32 $0xFFFFF086  }
0x25: {  	[simem:s6], [sflag:s4] =	dma.local [hbm:s3], $0xF7A  }
0x26: {  	[smem:$0x3F8A] =	sst s1;
	(tag) =	ssettag s2;
	_ =	strace s9  }
0x27: {  	s1 =	sld [smem:$0x3F9A]  }
0x28: {  	s2 =	sld [smem:$0x3F9B]  }
0x29: {  	s4 =	sld [smem:$0x3F9D]  }
0x2a: {  	p0 =	seq.s32 s5, $0x0;
	s5 =	sld [smem:$0x3F9E]  }
0x2b: {  	s6 =	sld [smem:$0x3F9F]  }
0x2c: {  	s7 =	sld [smem:$0x3FA0]  }
0x2d: {  	s3 =	simm.s32 $0x108;
	s8 =	sld [smem:$0x3FA1]  }
0x2e: {  	s3 =	simm.s32 @!p0 $0x1082;
	s9 =	sld [smem:$0x3FA2]  }
0x2f: {  	lr =	sadd.s32 s0, s3;
	s0 =	sld [smem:$0x3F99]  }
0x30: {  	s3 =	sld [smem:$0x3F9C]  }
0x31: {  	[smem:$0x3FA5] =	sst s10  }
0x32: {  	s10 =	sld [smem:$0x3FA3];
	_ =	sdelay $0x3  }
0x33: {  	p0 =	seq.s32 s10, $0x1;
	s10 =	sld [smem:$0x3FA5];
	_ =	sdelay $0x3  }
0x34: {  	[smem:$0x3FA5] =	sst s10  }
0x35: {  	s10 =	sld [smem:$0x3FA4];
	_ =	sdelay $0x3  }
0x36: {  	p1 =	seq.s32 s10, $0x1;
	s10 =	sld [smem:$0x3FA5];
	_ =	sdelay $0x3  }
0x37: {  	[smem:$0x3FA5] =	sst s10  }
0x38: {  	s10 =	sld [smem:$0x3FA6]  }
0x39: {  	_ = 	snop;
	(pc) =	sbr.ind lr, $3  }
0x3a: {  	_ = 	snop  }
0x3b: {  	_ = 	snop  }
0x3c: {  	p2 =	seq.s32 s10, $0x1;
	s10 =	sld [smem:$0x3FA5]  }
0x3d: {  	_ =	shalt  }
0x3e: {  	_ =	shalt  }
0x3f: {  	_ =	shalt  }
0x40: {  	_ =	shalt  }
0x41: {  	_ =	shalt  }
0x42: {  	_ =	shalt  }
0x43: {  	_ =	shalt  }
0x44: {  	_ =	shalt  }
0x45: {  	_ =	shalt  }
0x46: {  	_ =	shalt  }
0x47: {  	_ =	shalt  }
0x48: {  	_ =	shalt  }
0x49: {  	_ =	shalt  }
0x4a: {  	_ =	shalt  }
0x4b: {  	_ =	shalt  }
0x4c: {  	_ =	shalt  }
0x4d: {  	_ =	shalt  }
0x4e: {  	_ =	shalt  }
0x4f: {  	_ =	shalt  }
0x50: {  	_ =	shalt  }
0x51: {  	_ =	shalt  }
0x52: {  	_ =	shalt  }
0x53: {  	_ =	shalt  }
0x54: {  	_ =	shalt  }
0x55: {  	_ =	shalt  }
0x56: {  	_ =	shalt  }
0x57: {  	_ =	shalt  }
0x58: {  	_ =	shalt  }
0x59: {  	_ =	shalt  }
0x5a: {  	_ =	shalt  }
0x5b: {  	_ =	shalt  }
0x5c: {  	_ =	shalt  }
0x5d: {  	_ =	shalt  }
0x5e: {  	_ =	shalt  }
0x5f: {  	_ =	shalt  }
0x60: {  	_ =	shalt  }
0x61: {  	_ =	shalt  }
0x62: {  	_ =	shalt  }
0x63: {  	_ =	shalt  }
0x64: {  	_ =	shalt  }
0x65: {  	_ =	shalt  }
0x66: {  	_ =	shalt  }
0x67: {  	_ =	shalt  }
0x68: {  	_ =	shalt  }
0x69: {  	_ =	shalt  }
0x6a: {  	_ =	shalt  }
0x6b: {  	_ =	shalt  }
0x6c: {  	_ =	shalt  }
0x6d: {  	_ =	shalt  }
0x6e: {  	_ =	shalt  }
0x6f: {  	_ =	shalt  }
0x70: {  	_ =	shalt  }
0x71: {  	_ =	shalt  }
0x72: {  	_ =	shalt  }
0x73: {  	_ =	shalt  }
0x74: {  	_ =	shalt  }
0x75: {  	_ =	shalt  }
0x76: {  	_ =	shalt  }
0x77: {  	_ =	shalt  }
0x78: {  	_ =	shalt  }
0x79: {  	_ =	shalt  }
0x7a: {  	_ =	shalt  }
0x7b: {  	_ =	shalt  }
0x7c: {  	_ =	shalt  }
0x7d: {  	_ =	shalt  }
0x7e: {  	_ =	shalt  }
0x7f: {  	_ =	shalt  }
0x80: {  	_ =	shalt  }
0x81: {  	_ =	shalt  }
0x82: {  	_ =	shalt  }
0x83: {  	_ =	shalt  }
0x84: {  	_ =	shalt  }
0x85: {  	_ =	shalt  }
0x86: {  	_ =	shalt  }
0x87: {  	_ =	shalt  }
.Lfunc_end0:
.L_simem_size_0:
called_computation.6_lowered:
.L_overlay_start_0:
0x88: {  	s2 =	sld [smem:$0x3FD9]  }
0x89: {  	s3 =	sld [smem:$0x3FFE];
	_ =	sdelay $0x1  }
0x8a: {  	s1 =	srdreg.scid  }
0x8b: {  	s0 =	sand.u32 $0x1, s1  }
0x8c: {  	s16 =	sshll.u32 s0, $0xA;
	s2 =	sadd.s32 s3, s2  }
0x8d: {  	s2 =	sadd.s32 s2, s16  }
0x8e: {  	[smem:$0x3FB1] =	sst s2  }
0x8f: {  	_ = 	snop  }
0x90: {  	(tm) =	ssettm $0x1  }
0x91: {  	s17 =	sld [smem:$0x3FFB];
	_ =	sdelay $0x3  }
0x92: {  	_ =	strace s17  }
0x93: {  	s2 =	sld [smem:$0x3FFC];
	_ =	sdelay $0x3  }
0x94: {  	_ =	strace s2  }
0x95: {  	s2 =	sld [smem:$0x3FFD];
	_ =	sdelay $0x3  }
0x96: {  	_ =	strace s2  }
0x97: {  	_ =	strace $0x8FFFFFFF  }
0x98: {  	s18 =	sld [smem:$0x3FDB];
	_ =	sdelay $0x1  }
0x99: {  	s19 =	simm.s32 $_scs_section_size  }
0x9a: {  	s4 =	simm.s32 $_size__tile_overlayer_lowered;
	s5 =	simm.s32 $_tile_overlayer_lowered  }
0x9b: {  	s22 =	simm.s32 $0x1BFF;
	s21 =	sshll.u32 s5, $0x1;
	s2 =	sadd.s32 s19, s18  }
0x9c: {  	s6 =	simm.s32 $0x0;
	s20 =	sshll.u32 s4, $0x1;
	s4 =	sadd.s32 s21, s2  }
0x9d: {  	[timem:s6], [sflag:s22] =	dma.local [hbm:s4], s20  }
0x9e: {  	_ =	swait.ge [sflag:s22], s20  }
0x9f: {  	s3 =	ssub.s32 $0x0, s20;
	[sflag:s22] =	ssyncset.done $0x0  }
0xa0: {  	[sflag:s22] =	ssyncadd.s32 s3;
	_ =	sdelay $0x1  }
0xa1: {  	s23 =	simm.s32 $0x1B8B  }
0xa2: {  	_ =	swait.ge [sflag:s23], $0x1  }
0xa3: {  	[sflag:s23] =	ssyncset.done $0x0  }
0xa4: {  	s25 =	simm.s32 $0x1B8E;
	s24 =	sld [smem:$0x3FFE];
	[sflag:s23] =	ssyncadd.s32 $0xFFFFFFFF  }
0xa5: {  	s26 =	simm.s32 $execute0_lowered;
	[smem:$0x3FD2] =	sst s25  }
0xa6: {  	s4 =	sshll.u32 s26, $0x1;
	_ =	strace $0x80000058;
	[dreg:$0x1] =	wrdreg $0xFFFFFFFF  }
0xa7: {  	s28 =	simm.s32 $_size_execute0_lowered;
	s2 =	sadd.s32 s2, s4;
	[dreg:$0x0] =	wrdreg $0x0  }
0xa8: {  	s4 =	sshll.u32 s28, $0x1;
	[dreg:$0x2] =	wrdreg s2  }
0xa9: {  	[dreg:$0x3] =	wrdreg s4  }
0xaa: {  	[dreg:$0x4] =	wrdreg $0xC0  }
0xab: {  	_ =	task [dreg:s6], $0x5FFFF  }
0xac: {  	[dreg:$0x1] =	wrdreg $0xFFFFFFFF  }
0xad: {  	[dreg:$0x0] =	wrdreg $0x60  }
0xae: {  	[dreg:$0x2] =	wrdreg s24  }
0xaf: {  	[dreg:$0x3] =	wrdreg $0x9  }
0xb0: {  	_ =	task.clear_ibuf [dreg:s6], $0x4FFFF;
	_ =	strace $0x90000058  }
0xb1: {  	s29 =	simm.s32 $0x9;
	_ =	strace $0x8000005A  }
0xb2: {  	_ =	swait.ge [sflag:s29], $0x1  }
0xb3: {  	[sflag:s29] =	ssyncadd.s32 $0xFFFFFFFF  }
0xb4: {  	_ =	strace $0x9000005A  }
0xb5: {  	_ =	sfence  }
0xb6: {  	s30 =	sld [smem:$0x0];
	_ =	sdelay $0x2  }
0xb7: {  	s31 =	sshll.u32 s1, $0xD;
	s1 =	sshrl.u32 s1, $0x2  }
0xb8: {  	s3 =	sand.u32 $0x4000, s31;
	s1 =	sadd.s32 s1, s30  }
0xb9: {  	s0 =	sor.u32 s3, s0;
	s1 =	sshll.u32 s1, $0x11  }
0xba: {  	s0 =	sor.u32 s1, s0  }
0xbb: {  	s0 =	sadd.s32 $0x8F2B, s0  }
0xbc: {  	[sflag:s0] =	ssyncadd.remote.s32 $0x1  }
0xbd: {  	_ =	sfence.sel $0xFFFF  }
0xbe: {  	[dreg:$0x0] =	wrdreg $0xFFFFFFFF;
	(pc) =	sbr.abs _section_cstart, $3  }
0xbf: {  	[dreg:$0x1] =	wrdreg $0xFFFFFFFF  }
0xc0: {  	_ =	task.clear_ibuf [dreg:s6], $0x2FFFF;
	_ =	strace $0x9FFFFFFF  }
0xc1: {  	(tm) =	ssettm $0x7FFFFFFF  }
tec
execute0_lowered:
.L_overlay_start_1:
0x0: {  	(tag) =	ssettag $0x1  }
0x1: {  	s0 =	srdreg.scid  }
0x2: {  	s5 =	rddreg [dreg:$0x0];
	s1 =	stileid.u32;
	s2 =	simm.s32 $0x0  }
0x3: {  	v1 =	vimm.f32 $0.0e+00;
	s9 =	simm.s32 $0x80;
	s10 =	simm.s32 $0x4080;
	s11 =	simm.s32 $0x0  }
0x4: {  	vm0 =	vmmov $0x1;
	v2 =	vlaneseq.u32;
	vm1 =	vcmask $0x308;
	s3 =	sand.u32 $0x1, s0;
	s0 =	rddreg [dreg:$0x1];
	s6 =	sshll.u32 s1, $0x1  }
0x5: {  	vm2 =	vcmask $0x70C;
	vm3 =	vcmask $0xB10;
	vm4 =	vcmask $0xF14;
	[smem:$0x7FF] =	sst s2;
	s4 =	smul.u32 $0xFFFFEC00, s3;
	s31 =	sor.u32 s3, s6  }
0x6: {  	vm5 =	vcmask $0x1318;
	vm6 =	vcmask $0x171C;
	vm7 =	vcmask $0x1B20;
	_ =	strace $0x80000059;
	s7 =	ssub.s32 $0x2, s3;
	s6 =	smul.u32 $0x2810, s31  }
0x7: {  	vm8 =	vcmask $0x1F24;
	vm9 =	vcmask $0x2328;
	s3 =	sadd.s32 $0x842400, s5;
	s8 =	sshrl.u32 s7, $0x1;
	v0 =	vmov s4;
	s4 =	sadd.s32 $0x40600, s5  }
0x8: {  	vm10 =	vcmask $0x272C;
	vm11 =	vcmask $0x2B30;
	vm12 =	vcmask $0x2F34;
	s7 =	ssub.s32 s7, s8;
	s8 =	simm.s32 $0x1;
	s6 =	sadd.s32 s6, s5  }
0x9: {  	vm13 =	vcmask $0x3338;
	vm14 =	vcmask $0x373C;
	vm15 =	vmmov $0x7fff;
	s5 =	smul.u32 $0x2800, s1;
	s7 =	smax.u32 s7, $0x1;
	s6 =	sadd.s32 $0xCE200, s6  }
.LBB2_1:
0xa: {  	s12 =	simm.s32 $0x40;
	s13 =	simm.s32 $0x0  }
.LBB2_2:
0xb: {  	p0 =	sne.s32 s12, $0x501C0;
	[tilespmem:s13+$0x4080] =	vst v1;
	s13 =	smov.u32 s12;
	s12 =	sadd.s32 $0x40, s12  }
.Ltmp0:
0xc: {  	(pc) =	sbr.rel @p0 .LBB2_2-.Ltmp0, $2  }
0xd: {  	_ =	sdelay $0x2  }
0xe: {  	s13 =	sshra.s32 s13, $0x2  }
0xf: {  	[tilespmem:s13+$0x4080] =	vst v1;
	s12 =	simm.s32 $0x0;
	s13 =	simm.s32 $0x0  }
.LBB2_4:
0x10: {  	s14 =	sshll.u32 s13, $0x7  }
0x11: {  	s14 =	sadd.s32 s5, s14  }
0x12: {  	s15 =	sshrl.u32 s14, $0x3  }
0x13: {  	s15 =	sadd.s32 s4, s15  }
0x14: {  	[tilespmem:s12], [sflag:$0x1] =	stream.linear.gather [hbm4b:s15+s12], $0x80, $0x38;
	[tilespmem:$0x18100] =	vst v63  }
0x15: {  	_ =	swait.ge [sflag:s8], $0x80  }
0x16: {  	s14 =	sshll.u32 s14, $0x4;
	[sflag:s8] =	ssyncset.done $0x0  }
0x17: {  	s14 =	sadd.s32 s3, s14;
	[sflag:s8] =	ssyncadd.s32 $0xFFFFFF80  }
0x18: {  	[tilespmem:s9], [sflag:$0x1] =	stream.linear.gather [hbm4b:s14+s12], $0x4000, $0x38;
	[tilespmem:$0x18100] =	vst v63  }
0x19: {  	_ =	swait.ge [sflag:s8], $0x4000  }
0x1a: {  	[sflag:s8] =	ssyncset.done $0x0  }
0x1b: {  	s30 =	simm.s32 $0x0;
	[sflag:s8] =	ssyncadd.s32 $0xFFFFC000  }
0x1c: {  	v3 =	vld [tilespmem:s30+$0x0];
	_ =	sdelay $0x4  }
0x1d: {  	v3 =	vadd.s32 v0, v3  }
0x1e: {  	v3 =	vmin.u32 v3, $0x1400  }
0x1f: {  	v4 =	vnsel vm0, $0x0, v3  }
0x20: {  	(xrf0) =	vadd.scan.msk.s32 $0xffff, v4;
	_ =	sdelay $0x2  }
0x21: {  	v4 =	vsel vm1, $0x0, v3;
	_ =	sdelay $0x2  }
0x22: {  	(xrf0) =	vadd.scan.msk.s32 $0xffff, v4;
	v4, _, _ =	vpop (xrf0)  }
0x23: {  	(v2sf) =	vpush v4, $0xF;
	_ =	sdelay $0x1  }
0x24: {  	v4 =	vsel vm2, $0x0, v3;
	_ =	sdelay $0x2  }
0x25: {  	(xrf0) =	vadd.scan.msk.s32 $0xffff, v4;
	v4, _, _ =	vpop (xrf0)  }
0x26: {  	(v2sf) =	vpush v4, $0xF;
	_ =	sdelay $0x1  }
0x27: {  	v4 =	vsel vm3, $0x0, v3;
	_ =	sdelay $0x2  }
0x28: {  	(xrf0) =	vadd.scan.msk.s32 $0xffff, v4;
	v4, _, _ =	vpop (xrf0)  }
0x29: {  	(v2sf) =	vpush v4, $0xF;
	_ =	sdelay $0x1  }
0x2a: {  	v4 =	vsel vm4, $0x0, v3  }
0x2b: {  	s31 =	spop (v2sf)  }
0x2c: {  	s14 =	simm.s32 $0x480;
	s15 =	sshll.u32 s31, $0x4  }
0x2d: {  	v5 =	vld [tilespmem:s14+$0xFFFFFC00];
	(xrf0) =	vadd.scan.msk.s32 $0xffff, v4;
	v4, _, _ =	vpop (xrf0);
	v6 =	vor.u32 s15, v2  }
0x2e: {  	(v2sf) =	vpush v4, $0xF;
	_ =	sdelay $0x1  }
0x2f: {  	v4 =	vsel vm5, $0x0, v3  }
0x30: {  	s16 =	spop (v2sf)  }
0x31: {  	s15 =	sshll.u32 s16, $0x4;
	[tilespmem:v6+s10+$0x0] =	vst.idx.add.f32.msk $0xffff, v5  }
0x32: {  	(xrf0) =	vadd.scan.msk.s32 $0xffff, v4;
	v4, _, _ =	vpop (xrf0);
	v6 =	vor.u32 s15, v2;
	v5 =	vld [tilespmem:s14+$0xFFFFFC80]  }
0x33: {  	(v2sf) =	vpush v4, $0xF;
	_ =	sdelay $0x1  }
0x34: {  	v4 =	vsel vm6, $0x0, v3  }
0x35: {  	s17 =	spop (v2sf)  }
0x36: {  	s15 =	sshll.u32 s17, $0x4;
	[tilespmem:v6+s10+$0x0] =	vst.idx.add.f32.msk $0xffff, v5  }
0x37: {  	(xrf0) =	vadd.scan.msk.s32 $0xffff, v4;
	v4, _, _ =	vpop (xrf0);
	v6 =	vor.u32 s15, v2;
	v5 =	vld [tilespmem:s14+$0xFFFFFD00]  }
0x38: {  	(v2sf) =	vpush v4, $0xF;
	_ =	sdelay $0x1  }
0x39: {  	v4 =	vsel vm7, $0x0, v3  }
0x3a: {  	s18 =	spop (v2sf)  }
0x3b: {  	s15 =	sshll.u32 s18, $0x4;
	[tilespmem:v6+s10+$0x0] =	vst.idx.add.f32.msk $0xffff, v5  }
0x3c: {  	(xrf0) =	vadd.scan.msk.s32 $0xffff, v4;
	v4, _, _ =	vpop (xrf0);
	v6 =	vor.u32 s15, v2;
	v5 =	vld [tilespmem:s14+$0xFFFFFD80]  }
0x3d: {  	(v2sf) =	vpush v4, $0xF;
	_ =	sdelay $0x1  }
0x3e: {  	v4 =	vsel vm8, $0x0, v3  }
0x3f: {  	s19 =	spop (v2sf)  }
0x40: {  	s15 =	sshll.u32 s19, $0x4;
	[tilespmem:v6+s10+$0x0] =	vst.idx.add.f32.msk $0xffff, v5  }
0x41: {  	(xrf0) =	vadd.scan.msk.s32 $0xffff, v4;
	v4, _, _ =	vpop (xrf0);
	v6 =	vor.u32 s15, v2;
	v5 =	vld [tilespmem:s14+$0xFFFFFE00]  }
0x42: {  	(v2sf) =	vpush v4, $0xF;
	_ =	sdelay $0x1  }
0x43: {  	v4 =	vsel vm9, $0x0, v3  }
0x44: {  	s20 =	spop (v2sf)  }
0x45: {  	s15 =	sshll.u32 s20, $0x4;
	[tilespmem:v6+s10+$0x0] =	vst.idx.add.f32.msk $0xffff, v5  }
0x46: {  	(xrf0) =	vadd.scan.msk.s32 $0xffff, v4;
	v4, _, _ =	vpop (xrf0);
	v6 =	vor.u32 s15, v2;
	v5 =	vld [tilespmem:s14+$0xFFFFFE80]  }
0x47: {  	(v2sf) =	vpush v4, $0xF;
	_ =	sdelay $0x1  }
0x48: {  	v4 =	vsel vm10, $0x0, v3  }
0x49: {  	s21 =	spop (v2sf)  }
0x4a: {  	s15 =	sshll.u32 s21, $0x4;
	[tilespmem:v6+s10+$0x0] =	vst.idx.add.f32.msk $0xffff, v5  }
0x4b: {  	(xrf0) =	vadd.scan.msk.s32 $0xffff, v4;
	v4, _, _ =	vpop (xrf0);
	v6 =	vor.u32 s15, v2;
	v5 =	vld [tilespmem:s14+$0xFFFFFF00]  }
0x4c: {  	(v2sf) =	vpush v4, $0xF;
	_ =	sdelay $0x1  }
0x4d: {  	v4 =	vsel vm11, $0x0, v3  }
0x4e: {  	s22 =	spop (v2sf)  }
0x4f: {  	s15 =	sshll.u32 s22, $0x4;
	[tilespmem:v6+s10+$0x0] =	vst.idx.add.f32.msk $0xffff, v5  }
0x50: {  	(xrf0) =	vadd.scan.msk.s32 $0xffff, v4;
	v4, _, _ =	vpop (xrf0);
	v6 =	vor.u32 s15, v2;
	v5 =	vld [tilespmem:s14+$0xFFFFFF80]  }
0x51: {  	(v2sf) =	vpush v4, $0xF;
	_ =	sdelay $0x1  }
0x52: {  	v4 =	vsel vm12, $0x0, v3  }
0x53: {  	s23 =	spop (v2sf)  }
0x54: {  	s15 =	sshll.u32 s23, $0x4;
	[tilespmem:v6+s10+$0x0] =	vst.idx.add.f32.msk $0xffff, v5  }
0x55: {  	(xrf0) =	vadd.scan.msk.s32 $0xffff, v4;
	v4, _, _ =	vpop (xrf0);
	v6 =	vor.u32 s15, v2;
	v5 =	vld [tilespmem:s14+$0x0]  }
0x56: {  	(v2sf) =	vpush v4, $0xF;
	_ =	sdelay $0x1  }
0x57: {  	v4 =	vsel vm13, $0x0, v3  }
0x58: {  	s24 =	spop (v2sf)  }
0x59: {  	s15 =	sshll.u32 s24, $0x4;
	[tilespmem:v6+s10+$0x0] =	vst.idx.add.f32.msk $0xffff, v5  }
0x5a: {  	(xrf0) =	vadd.scan.msk.s32 $0xffff, v4;
	v4, _, _ =	vpop (xrf0);
	v6 =	vor.u32 s15, v2;
	v5 =	vld [tilespmem:s14+$0x80]  }
0x5b: {  	(v2sf) =	vpush v4, $0xF;
	_ =	sdelay $0x1  }
0x5c: {  	v4 =	vsel vm14, $0x0, v3  }
0x5d: {  	s25 =	spop (v2sf)  }
0x5e: {  	s15 =	sshll.u32 s25, $0x4;
	[tilespmem:v6+s10+$0x0] =	vst.idx.add.f32.msk $0xffff, v5  }
0x5f: {  	(xrf0) =	vadd.scan.msk.s32 $0xffff, v4;
	v4, _, _ =	vpop (xrf0);
	v6 =	vor.u32 s15, v2;
	v5 =	vld [tilespmem:s14+$0x100]  }
0x60: {  	(v2sf) =	vpush v4, $0xF;
	_ =	sdelay $0x1  }
0x61: {  	v3 =	vsel vm15, $0x0, v3  }
0x62: {  	s26 =	spop (v2sf)  }
0x63: {  	s15 =	sshll.u32 s26, $0x4;
	[tilespmem:v6+s10+$0x0] =	vst.idx.add.f32.msk $0xffff, v5  }
0x64: {  	(xrf0) =	vadd.scan.msk.s32 $0xffff, v3;
	v3, _, _ =	vpop (xrf0);
	v5 =	vor.u32 s15, v2;
	v4 =	vld [tilespmem:s14+$0x180]  }
0x65: {  	(v2sf) =	vpush v3, $0xF;
	_ =	sdelay $0x2  }
0x66: {  	s28 =	spop (v2sf)  }
0x67: {  	s15 =	sshll.u32 s28, $0x4;
	[tilespmem:v5+s10+$0x0] =	vst.idx.add.f32.msk $0xffff, v4  }
0x68: {  	v3, _, _ =	vpop (xrf0);
	v5 =	vor.u32 s15, v2;
	v4 =	vld [tilespmem:s14+$0x200]  }
0x69: {  	(v2sf) =	vpush v3, $0xF;
	_ =	sdelay $0x2  }
0x6a: {  	s29 =	spop (v2sf)  }
0x6b: {  	s15 =	sshll.u32 s29, $0x4;
	[tilespmem:v5+s10+$0x0] =	vst.idx.add.f32.msk $0xffff, v4  }
0x6c: {  	v4 =	vor.u32 s15, v2;
	v3 =	vld [tilespmem:s14+$0x280];
	_ =	sdelay $0x3  }
0x6d: {  	s30 =	spop (v2sf)  }
0x6e: {  	s15 =	sshll.u32 s30, $0x4;
	[tilespmem:v4+s10+$0x0] =	vst.idx.add.f32.msk $0xffff, v3  }
0x6f: {  	v4 =	vor.u32 s15, v2;
	v3 =	vld [tilespmem:s14+$0x300];
	_ =	sdelay $0x3  }
0x70: {  	s31 =	spop (v2sf)  }
0x71: {  	s16 =	sshll.u32 s31, $0x4;
	[tilespmem:v4+s10+$0x0] =	vst.idx.add.f32.msk $0xffff, v3  }
0x72: {  	s17 =	simm.s32 $0x80;
	s15 =	simm.s32 $0x40;
	v4 =	vor.u32 s16, v2;
	v3 =	vld [tilespmem:s14+$0x380]  }
.LBB2_5:
0x73: {  	_ =	sdelay $0x2  }
0x74: {  	s18 =	sshra.s32 s15, $0x2  }
0x75: {  	s14 =	sadd.s32 $0x800, s14;
	s15 =	smov.u32 s17;
	s16 =	sadd.s32 $0x40, s17;
	[tilespmem:v4+s10+$0x0] =	vst.idx.add.f32.msk $0xffff, v3  }
0x76: {  	p0 =	sne.s32 s17, $0x1C0;
	v3 =	vld [tilespmem:s18+$0x0];
	_ =	sdelay $0x4  }
0x77: {  	v3 =	vadd.s32 v0, v3  }
0x78: {  	v3 =	vmin.u32 v3, $0x1400  }
0x79: {  	v4 =	vnsel vm0, $0x0, v3;
	v5 =	vsel vm1, $0x0, v3;
	v6 =	vsel vm2, $0x0, v3  }
0x7a: {  	v7 =	vsel vm3, $0x0, v3;
	v8 =	vsel vm4, $0x0, v3;
	v9 =	vsel vm5, $0x0, v3;
	(xrf0) =	vadd.scan.msk.s32 $0xffff, v4  }
0x7b: {  	v10 =	vsel vm7, $0x0, v3;
	v11 =	vsel vm8, $0x0, v3;
	v4 =	vsel vm6, $0x0, v3;
	(xrf0) =	vadd.scan.msk.s32 $0xffff, v5  }
0x7c: {  	v12 =	vsel vm10, $0x0, v3;
	v13 =	vsel vm11, $0x0, v3;
	v5 =	vsel vm9, $0x0, v3;
	(xrf0) =	vadd.scan.msk.s32 $0xffff, v6  }
0x7d: {  	v14 =	vsel vm13, $0x0, v3;
	v15 =	vsel vm14, $0x0, v3;
	v6 =	vsel vm12, $0x0, v3;
	(xrf0) =	vadd.scan.msk.s32 $0xffff, v7  }
0x7e: {  	v3 =	vsel vm15, $0x0, v3;
	(xrf0) =	vadd.scan.msk.s32 $0xffff, v8  }
0x7f: {  	(xrf0) =	vadd.scan.msk.s32 $0xffff, v9  }
0x80: {  	v7, _, _ =	vpop (xrf0);
	(xrf0) =	vadd.scan.msk.s32 $0xffff, v4  }
0x81: {  	(v2sf) =	vpush v7, $0xF;
	v4, _, _ =	vpop (xrf0);
	(xrf0) =	vadd.scan.msk.s32 $0xffff, v10  }
0x82: {  	(v2sf) =	vpush v4, $0xF;
	v4, _, _ =	vpop (xrf0);
	(xrf0) =	vadd.scan.msk.s32 $0xffff, v11  }
0x83: {  	(v2sf) =	vpush v4, $0xF;
	v4, _, _ =	vpop (xrf0);
	(xrf0) =	vadd.scan.msk.s32 $0xffff, v5  }
0x84: {  	(v2sf) =	vpush v4, $0xF;
	v4, _, _ =	vpop (xrf0);
	(xrf0) =	vadd.scan.msk.s32 $0xffff, v12  }
0x85: {  	(v2sf) =	vpush v4, $0xF;
	v4, _, _ =	vpop (xrf0);
	(xrf0) =	vadd.scan.msk.s32 $0xffff, v13  }
0x86: {  	(v2sf) =	vpush v4, $0xF;
	v4, _, _ =	vpop (xrf0);
	(xrf0) =	vadd.scan.msk.s32 $0xffff, v6  }
0x87: {  	(v2sf) =	vpush v4, $0xF;
	v4, _, _ =	vpop (xrf0);
	(xrf0) =	vadd.scan.msk.s32 $0xffff, v14  }
0x88: {  	(v2sf) =	vpush v4, $0xF;
	v4, _, _ =	vpop (xrf0);
	(xrf0) =	vadd.scan.msk.s32 $0xffff, v15  }
0x89: {  	(v2sf) =	vpush v4, $0xF;
	v4, _, _ =	vpop (xrf0);
	(xrf0) =	vadd.scan.msk.s32 $0xffff, v3  }
0x8a: {  	(v2sf) =	vpush v4, $0xF;
	v3, _, _ =	vpop (xrf0)  }
0x8b: {  	(v2sf) =	vpush v3, $0xF;
	v3, _, _ =	vpop (xrf0)  }
0x8c: {  	(v2sf) =	vpush v3, $0xF;
	v3, _, _ =	vpop (xrf0)  }
0x8d: {  	(v2sf) =	vpush v3, $0xF;
	v3, _, _ =	vpop (xrf0)  }
0x8e: {  	(v2sf) =	vpush v3, $0xF;
	v3, _, _ =	vpop (xrf0)  }
0x8f: {  	(v2sf) =	vpush v3, $0xF;
	v3, _, _ =	vpop (xrf0)  }
0x90: {  	s17 =	spop (v2sf);
	(v2sf) =	vpush v3, $0xF  }
0x91: {  	s17 =	sshll.u32 s17, $0x4;
	s18 =	spop (v2sf)  }
0x92: {  	v3 =	vld [tilespmem:s14+$0xFFFFFC00];
	v4 =	vor.u32 s17, v2;
	s17 =	sshll.u32 s18, $0x4;
	s18 =	spop (v2sf)  }
0x93: {  	s18 =	sshll.u32 s18, $0x4;
	s19 =	spop (v2sf)  }
0x94: {  	s28 =	sshll.u32 s19, $0x4;
	s19 =	spop (v2sf)  }
0x95: {  	s29 =	sshll.u32 s19, $0x4;
	s19 =	spop (v2sf)  }
0x96: {  	s30 =	sshll.u32 s19, $0x4;
	s19 =	spop (v2sf)  }
0x97: {  	[tilespmem:v4+s10+$0x0] =	vst.idx.add.f32.msk $0xffff, v3;
	s26 =	sshll.u32 s19, $0x4;
	s19 =	spop (v2sf)  }
0x98: {  	v4 =	vor.u32 s17, v2;
	v3 =	vld [tilespmem:s14+$0xFFFFFC80];
	s25 =	sshll.u32 s19, $0x4;
	s17 =	spop (v2sf)  }
0x99: {  	s24 =	sshll.u32 s17, $0x4;
	s17 =	spop (v2sf)  }
0x9a: {  	s23 =	sshll.u32 s17, $0x4;
	s17 =	spop (v2sf)  }
0x9b: {  	s22 =	sshll.u32 s17, $0x4;
	s17 =	spop (v2sf)  }
0x9c: {  	s21 =	sshll.u32 s17, $0x4;
	s17 =	spop (v2sf)  }
0x9d: {  	[tilespmem:v4+s10+$0x0] =	vst.idx.add.f32.msk $0xffff, v3;
	s20 =	sshll.u32 s17, $0x4;
	s17 =	spop (v2sf)  }
0x9e: {  	v4 =	vor.u32 s18, v2;
	v3 =	vld [tilespmem:s14+$0xFFFFFD00];
	s19 =	sshll.u32 s17, $0x4;
	s17 =	spop (v2sf)  }
0x9f: {  	s18 =	sshll.u32 s17, $0x4;
	s17 =	spop (v2sf)  }
0xa0: {  	s17 =	sshll.u32 s17, $0x4;
	_ =	sdelay $0x2  }
0xa1: {  	[tilespmem:v4+s10+$0x0] =	vst.idx.add.f32.msk $0xffff, v3  }
0xa2: {  	v4 =	vor.u32 s28, v2;
	v3 =	vld [tilespmem:s14+$0xFFFFFD80];
	_ =	sdelay $0x4  }
0xa3: {  	[tilespmem:v4+s10+$0x0] =	vst.idx.add.f32.msk $0xffff, v3  }
0xa4: {  	v4 =	vor.u32 s29, v2;
	v3 =	vld [tilespmem:s14+$0xFFFFFE00];
	_ =	sdelay $0x4  }
0xa5: {  	[tilespmem:v4+s10+$0x0] =	vst.idx.add.f32.msk $0xffff, v3  }
0xa6: {  	v4 =	vor.u32 s30, v2;
	v3 =	vld [tilespmem:s14+$0xFFFFFE80];
	_ =	sdelay $0x4  }
0xa7: {  	[tilespmem:v4+s10+$0x0] =	vst.idx.add.f32.msk $0xffff, v3  }
0xa8: {  	v4 =	vor.u32 s26, v2;
	v3 =	vld [tilespmem:s14+$0xFFFFFF00];
	_ =	sdelay $0x4  }
0xa9: {  	[tilespmem:v4+s10+$0x0] =	vst.idx.add.f32.msk $0xffff, v3  }
0xaa: {  	v4 =	vor.u32 s25, v2;
	v3 =	vld [tilespmem:s14+$0xFFFFFF80];
	_ =	sdelay $0x4  }
0xab: {  	[tilespmem:v4+s10+$0x0] =	vst.idx.add.f32.msk $0xffff, v3  }
0xac: {  	v4 =	vor.u32 s24, v2;
	v3 =	vld [tilespmem:s14+$0x0];
	_ =	sdelay $0x4  }
0xad: {  	[tilespmem:v4+s10+$0x0] =	vst.idx.add.f32.msk $0xffff, v3  }
0xae: {  	v4 =	vor.u32 s23, v2;
	v3 =	vld [tilespmem:s14+$0x80];
	_ =	sdelay $0x4  }
0xaf: {  	[tilespmem:v4+s10+$0x0] =	vst.idx.add.f32.msk $0xffff, v3  }
0xb0: {  	v4 =	vor.u32 s22, v2;
	v3 =	vld [tilespmem:s14+$0x100];
	_ =	sdelay $0x4  }
0xb1: {  	[tilespmem:v4+s10+$0x0] =	vst.idx.add.f32.msk $0xffff, v3  }
0xb2: {  	v4 =	vor.u32 s21, v2;
	v3 =	vld [tilespmem:s14+$0x180];
	_ =	sdelay $0x4  }
0xb3: {  	[tilespmem:v4+s10+$0x0] =	vst.idx.add.f32.msk $0xffff, v3  }
0xb4: {  	v4 =	vor.u32 s20, v2;
	v3 =	vld [tilespmem:s14+$0x200];
	_ =	sdelay $0x4  }
0xb5: {  	[tilespmem:v4+s10+$0x0] =	vst.idx.add.f32.msk $0xffff, v3  }
0xb6: {  	v4 =	vor.u32 s19, v2;
	v3 =	vld [tilespmem:s14+$0x280];
	_ =	sdelay $0x4  }
0xb7: {  	[tilespmem:v4+s10+$0x0] =	vst.idx.add.f32.msk $0xffff, v3  }
0xb8: {  	v4 =	vor.u32 s18, v2;
	v3 =	vld [tilespmem:s14+$0x300];
	_ =	sdelay $0x1  }
.Ltmp1:
0xb9: {  	(pc) =	sbr.rel @p0 .LBB2_5-.Ltmp1, $3  }
0xba: {  	_ =	sdelay $0x1  }
0xbb: {  	[tilespmem:v4+s10+$0x0] =	vst.idx.add.f32.msk $0xffff, v3  }
0xbc: {  	v4 =	vor.u32 s17, v2;
	s17 =	smov.u32 s16;
	v3 =	vld [tilespmem:s14+$0x380]  }
0xbd: {  	_ =	sdelay $0x3  }
0xbe: {  	s15 =	sshra.s32 s15, $0x2;
	[tilespmem:v4+s10+$0x0] =	vst.idx.add.f32.msk $0xffff, v3  }
0xbf: {  	v3 =	vld [tilespmem:s15+$0x0];
	_ =	sdelay $0x4  }
0xc0: {  	v3 =	vadd.s32 v0, v3  }
0xc1: {  	v3 =	vmin.u32 v3, $0x1400  }
0xc2: {  	v19 =	vnsel vm0, $0x0, v3  }
0xc3: {  	(xrf0) =	vadd.scan.msk.s32 $0xffff, v19;
	_ =	sdelay $0x4  }
0xc4: {  	v20 =	vsel vm1, $0x0, v3  }
0xc5: {  	(xrf0) =	vadd.scan.msk.s32 $0xffff, v20;
	v21, _, _ =	vpop (xrf0)  }
0xc6: {  	(v2sf) =	vpush v21, $0xF;
	_ =	sdelay $0x3  }
0xc7: {  	v22 =	vsel vm2, $0x0, v3  }
0xc8: {  	(xrf0) =	vadd.scan.msk.s32 $0xffff, v22;
	v23, _, _ =	vpop (xrf0)  }
0xc9: {  	(v2sf) =	vpush v23, $0xF;
	_ =	sdelay $0x3  }
0xca: {  	v24 =	vsel vm3, $0x0, v3  }
0xcb: {  	(xrf0) =	vadd.scan.msk.s32 $0xffff, v24;
	v25, _, _ =	vpop (xrf0)  }
0xcc: {  	(v2sf) =	vpush v25, $0xF;
	_ =	sdelay $0x2  }
0xcd: {  	s31 =	spop (v2sf)  }
0xce: {  	s14 =	sadd.s32 $0x800, s14;
	v26 =	vsel vm4, $0x0, v3;
	s15 =	sshll.u32 s31, $0x4  }
0xcf: {  	v5 =	vld [tilespmem:s14+$0xFFFFFC00];
	(xrf0) =	vadd.scan.msk.s32 $0xffff, v26;
	v27, _, _ =	vpop (xrf0);
	v6 =	vor.u32 s15, v2  }
0xd0: {  	(v2sf) =	vpush v27, $0xF;
	_ =	sdelay $0x2  }
0xd1: {  	s16 =	spop (v2sf)  }
0xd2: {  	v28 =	vsel vm5, $0x0, v3;
	s15 =	sshll.u32 s16, $0x4;
	[tilespmem:v6+s10+$0x0] =	vst.idx.add.f32.msk $0xffff, v5  }
0xd3: {  	(xrf0) =	vadd.scan.msk.s32 $0xffff, v28;
	v29, _, _ =	vpop (xrf0);
	v30 =	vor.u32 s15, v2;
	v5 =	vld [tilespmem:s14+$0xFFFFFC80]  }
0xd4: {  	(v2sf) =	vpush v29, $0xF;
	_ =	sdelay $0x2  }
0xd5: {  	s17 =	spop (v2sf)  }
0xd6: {  	v31 =	vsel vm6, $0x0, v3;
	s15 =	sshll.u32 s17, $0x4;
	[tilespmem:v30+s10+$0x0] =	vst.idx.add.f32.msk $0xffff, v5  }
0xd7: {  	(xrf0) =	vadd.scan.msk.s32 $0xffff, v31;
	v32, _, _ =	vpop (xrf0);
	v33 =	vor.u32 s15, v2;
	v5 =	vld [tilespmem:s14+$0xFFFFFD00]  }
0xd8: {  	(v2sf) =	vpush v32, $0xF;
	_ =	sdelay $0x2  }
0xd9: {  	s18 =	spop (v2sf)  }
0xda: {  	v34 =	vsel vm7, $0x0, v3;
	s15 =	sshll.u32 s18, $0x4;
	[tilespmem:v33+s10+$0x0] =	vst.idx.add.f32.msk $0xffff, v5  }
0xdb: {  	(xrf0) =	vadd.scan.msk.s32 $0xffff, v34;
	v35, _, _ =	vpop (xrf0);
	v36 =	vor.u32 s15, v2;
	v5 =	vld [tilespmem:s14+$0xFFFFFD80]  }
0xdc: {  	(v2sf) =	vpush v35, $0xF;
	_ =	sdelay $0x2  }
0xdd: {  	s19 =	spop (v2sf)  }
0xde: {  	v37 =	vsel vm8, $0x0, v3;
	s15 =	sshll.u32 s19, $0x4;
	[tilespmem:v36+s10+$0x0] =	vst.idx.add.f32.msk $0xffff, v5  }
0xdf: {  	(xrf0) =	vadd.scan.msk.s32 $0xffff, v37;
	v38, _, _ =	vpop (xrf0);
	v39 =	vor.u32 s15, v2;
	v5 =	vld [tilespmem:s14+$0xFFFFFE00]  }
0xe0: {  	(v2sf) =	vpush v38, $0xF;
	_ =	sdelay $0x2  }
0xe1: {  	s20 =	spop (v2sf)  }
0xe2: {  	v40 =	vsel vm9, $0x0, v3;
	s15 =	sshll.u32 s20, $0x4;
	[tilespmem:v39+s10+$0x0] =	vst.idx.add.f32.msk $0xffff, v5  }
0xe3: {  	(xrf0) =	vadd.scan.msk.s32 $0xffff, v40;
	v41, _, _ =	vpop (xrf0);
	v42 =	vor.u32 s15, v2;
	v5 =	vld [tilespmem:s14+$0xFFFFFE80]  }
0xe4: {  	(v2sf) =	vpush v41, $0xF;
	_ =	sdelay $0x2  }
0xe5: {  	s21 =	spop (v2sf)  }
0xe6: {  	v43 =	vsel vm10, $0x0, v3;
	s15 =	sshll.u32 s21, $0x4;
	[tilespmem:v42+s10+$0x0] =	vst.idx.add.f32.msk $0xffff, v5  }
0xe7: {  	(xrf0) =	vadd.scan.msk.s32 $0xffff, v43;
	v44, _, _ =	vpop (xrf0);
	v45 =	vor.u32 s15, v2;
	v5 =	vld [tilespmem:s14+$0xFFFFFF00]  }
0xe8: {  	(v2sf) =	vpush v44, $0xF;
	_ =	sdelay $0x2  }
0xe9: {  	s22 =	spop (v2sf)  }
0xea: {  	v46 =	vsel vm11, $0x0, v3;
	s15 =	sshll.u32 s22, $0x4;
	[tilespmem:v45+s10+$0x0] =	vst.idx.add.f32.msk $0xffff, v5  }
0xeb: {  	(xrf0) =	vadd.scan.msk.s32 $0xffff, v46;
	v47, _, _ =	vpop (xrf0);
	v48 =	vor.u32 s15, v2;
	v5 =	vld [tilespmem:s14+$0xFFFFFF80]  }
0xec: {  	(v2sf) =	vpush v47, $0xF;
	_ =	sdelay $0x2  }
0xed: {  	s23 =	spop (v2sf)  }
0xee: {  	v49 =	vsel vm12, $0x0, v3;
	s15 =	sshll.u32 s23, $0x4;
	[tilespmem:v48+s10+$0x0] =	vst.idx.add.f32.msk $0xffff, v5  }
0xef: {  	(xrf0) =	vadd.scan.msk.s32 $0xffff, v49;
	v50, _, _ =	vpop (xrf0);
	v51 =	vor.u32 s15, v2;
	v5 =	vld [tilespmem:s14+$0x0]  }
0xf0: {  	(v2sf) =	vpush v50, $0xF;
	_ =	sdelay $0x2  }
0xf1: {  	s24 =	spop (v2sf)  }
0xf2: {  	v52 =	vsel vm13, $0x0, v3;
	s15 =	sshll.u32 s24, $0x4;
	[tilespmem:v51+s10+$0x0] =	vst.idx.add.f32.msk $0xffff, v5  }
0xf3: {  	(xrf0) =	vadd.scan.msk.s32 $0xffff, v52;
	v53, _, _ =	vpop (xrf0);
	v54 =	vor.u32 s15, v2;
	v5 =	vld [tilespmem:s14+$0x80]  }
0xf4: {  	(v2sf) =	vpush v53, $0xF;
	_ =	sdelay $0x2  }
0xf5: {  	s25 =	spop (v2sf)  }
0xf6: {  	v55 =	vsel vm14, $0x0, v3;
	s15 =	sshll.u32 s25, $0x4;
	[tilespmem:v54+s10+$0x0] =	vst.idx.add.f32.msk $0xffff, v5  }
0xf7: {  	(xrf0) =	vadd.scan.msk.s32 $0xffff, v55;
	v56, _, _ =	vpop (xrf0);
	v57 =	vor.u32 s15, v2;
	v5 =	vld [tilespmem:s14+$0x100]  }
0xf8: {  	(v2sf) =	vpush v56, $0xF;
	_ =	sdelay $0x1  }
0xf9: {  	v3 =	vsel vm15, $0x0, v3  }
0xfa: {  	s26 =	spop (v2sf)  }
0xfb: {  	s15 =	sshll.u32 s26, $0x4;
	[tilespmem:v57+s10+$0x0] =	vst.idx.add.f32.msk $0xffff, v5  }
0xfc: {  	(xrf0) =	vadd.scan.msk.s32 $0xffff, v3;
	v3, _, _ =	vpop (xrf0);
	v59 =	vor.u32 s15, v2;
	v58 =	vld [tilespmem:s14+$0x180]  }
0xfd: {  	(v2sf) =	vpush v3, $0xF;
	_ =	sdelay $0x2  }
0xfe: {  	s28 =	spop (v2sf)  }
0xff: {  	s15 =	sshll.u32 s28, $0x4;
	[tilespmem:v59+s10+$0x0] =	vst.idx.add.f32.msk $0xffff, v58  }
0x100: {  	v3, _, _ =	vpop (xrf0);
	v60 =	vor.u32 s15, v2;
	v4 =	vld [tilespmem:s14+$0x200]  }
0x101: {  	(v2sf) =	vpush v3, $0xF;
	_ =	sdelay $0x2  }
0x102: {  	s29 =	spop (v2sf)  }
0x103: {  	s15 =	sshll.u32 s29, $0x4;
	[tilespmem:v60+s10+$0x0] =	vst.idx.add.f32.msk $0xffff, v4  }
0x104: {  	v61 =	vor.u32 s15, v2;
	v3 =	vld [tilespmem:s14+$0x280];
	_ =	sdelay $0x3  }
0x105: {  	s30 =	spop (v2sf)  }
0x106: {  	s15 =	sshll.u32 s30, $0x4;
	[tilespmem:v61+s10+$0x0] =	vst.idx.add.f32.msk $0xffff, v3  }
0x107: {  	v62 =	vor.u32 s15, v2;
	v3 =	vld [tilespmem:s14+$0x300];
	_ =	sdelay $0x3  }
0x108: {  	s31 =	spop (v2sf)  }
0x109: {  	s13 =	sadd.s32 $0x1, s13;
	s15 =	sshll.u32 s31, $0x4;
	[tilespmem:v62+s10+$0x0] =	vst.idx.add.f32.msk $0xffff, v3  }
0x10a: {  	p0 =	sne.s32 s13, $0x50;
	v63 =	vor.u32 s15, v2;
	v3 =	vld [tilespmem:s14+$0x380]  }
.Ltmp2:
0x10b: {  	_ = 	snop;
	(pc) =	sbr.rel @p0 .LBB2_4-.Ltmp2, $2  }
0x10c: {  	_ =	sdelay $0x2  }
0x10d: {  	[tilespmem:v63+s10+$0x0] =	vst.idx.add.f32.msk $0xffff, v3  }
0x10e: {  	s11 =	sadd.s32 $0x1, s11  }
0x10f: {  	p0 =	sne.s32 s11, s7  }
.Ltmp3:
0x110: {  	_ = 	snop;
	(pc) =	sbr.rel @p0 .LBB2_1-.Ltmp3, $4  }
0x111: {  	[hbm4b:s6+s2] =	stream.linear.scatter [tilespmem:s10], [sflag:$0x1], $0x14080, $0x38;
	[tilespmem:$0x18100] =	vst v63  }
0x112: {  	_ =	swait.ge [sflag:s8], $0x14080  }
0x113: {  	[sflag:s8] =	ssyncset.done $0x0  }
0x114: {  	[sflag:s8] =	ssyncadd.s32 $0xFFFEBF80  }
0x115: {  	_ =	sfence.sel $0x180000  }
0x116: {  	[bflag:$0x0] =	sbarrier.arrive $0xFFFF  }
0x117: {  	p0 =	sne.s32 s1, $0x0;
	_ =	strace $0x90000059  }
0x118: {  	s0 =	sadd.s32 @!p0 $0x100000, s0;
	[bflag:$0x2] =	sbarrier.arrive $0xFFFF  }
0x119: {  	[sflag:s0] =	ssyncadd.tile.s32 @!p0 $0x1;
	_ =	shalt  }
.Lfunc_end2:
_tile_overlayer_lowered:
.L_overlay_start_2:
0x11a: {  	(tag) =	ssettag $0x2  }
0x11b: {  	s0 =	rddreg [dreg:$0x0];
	s2 =	stileid.u32  }
0x11c: {  	s1 =	rddreg [dreg:$0x1];
	p0 =	sne.s32 s2, $0x0  }
0x11d: {  	s3 =	rddreg [dreg:$0x2];
	[bflag:$0x3] =	sbarrier.arrive $0xFFFF;
	s2 =	simm.s32 @!p0 $0x1C01  }
0x11e: {  	[timem:s3], [sflag:s2] =	dma.local @!p0 [hbm:s0], s1  }
0x11f: {  	s0 =	simm.s32 @!p0 $0x1  }
0x120: {  	_ =	swait.ge @!p0 [sflag:s0], s1  }
0x121: {  	s1 =	ssub.s32 @!p0 $0x0, s1;
	[sflag:s0] =	ssyncset.done @!p0 $0x0  }
0x122: {  	[sflag:s0] =	ssyncadd.s32 @!p0 s1  }
0x123: {  	[bflag:$0x3] =	sbarrier.arrive $0xFFFF  }
0x124: {  	_ =	shalt  }

</sc_bundles>
